<compile_context>
chip_gen: v7x
topology: tpu7x:2x2x1
jax: 0.10.2.dev20260603
libtpu: 0.0.44.dev20260713+nightly
codegen_flags: <defaults>
</compile_context>

<pallas_src>
import dataclasses
import functools

import jax
import jax.numpy as jnp
from jax import lax
from jax.experimental import pallas as pl
from jax.experimental.pallas import tpu as pltpu
from jax.experimental.pallas import tpu_sc as plsc

NC = 2
NS = 16
CH = 128
IB = 8


def _sc_edge_sums(x, emb_rel, src2d, et2d, dst2d, npad):
    n, d = x.shape
    nchunks = src2d.shape[0]
    ntiles = NC * NS
    cpt = nchunks // ntiles
    cpt0 = ((15 * 2 * cpt) // (20 * IB)) * IB
    cpt1 = 2 * cpt - cpt0
    rpt = npad // NS
    zc = rpt // CH
    mesh = plsc.VectorSubcoreMesh(core_axis_name="c", subcore_axis_name="s")

    @functools.partial(
        pl.kernel,
        out_type=jax.ShapeDtypeStruct((NC, npad, d), jnp.float32),
        mesh=mesh,
        scratch_types=[
            pltpu.VMEM((IB, CH), jnp.int32),
            pltpu.VMEM((IB, CH), jnp.int32),
            pltpu.VMEM((IB, CH), jnp.int32),
            pltpu.VMEM((CH, d), jnp.float32),
            pltpu.VMEM((CH, d), jnp.float32),
            pltpu.SemaphoreType.DMA,
            pltpu.SemaphoreType.DMA,
            pltpu.VMEM_SHARED((npad, d), jnp.float32),
        ],
    )
    def sc_rows(x_hbm, rel_hbm, src_hbm, et_hbm, dst_hbm, s_out,
                src_v, et_v, dst_v, xr, rr, gxs, grs, s_sh):
        cid = lax.axis_index("c")
        sid = lax.axis_index("s")
        zero16 = jnp.zeros((16,), jnp.float32)

        @pl.loop(0, CH)
        def _(i):
            for j in range(d // 16):
                xr[i, pl.ds(j * 16, 16)] = zero16

        row0 = sid * rpt
        for j in range(zc):
            pltpu.sync_copy(xr, s_sh.at[pl.ds(row0 + j * CH, CH)])
        rem = rpt - zc * CH
        if rem:
            pltpu.sync_copy(xr.at[pl.ds(0, rem)],
                            s_sh.at[pl.ds(row0 + zc * CH, rem)])
        plsc.subcore_barrier()

        my_cpt = jnp.where(cid == 0, cpt0, cpt1)
        my_base = jnp.where(cid == 0, sid * cpt0, NS * cpt0 + sid * cpt1)

        @pl.loop(0, my_cpt // IB)
        def _(g):
            base = my_base + g * IB
            pltpu.sync_copy(src_hbm.at[pl.ds(base, IB)], src_v)
            pltpu.sync_copy(et_hbm.at[pl.ds(base, IB)], et_v)
            pltpu.sync_copy(dst_hbm.at[pl.ds(base, IB)], dst_v)
            for j in range(IB):
                g1 = pltpu.async_copy(x_hbm.at[src_v.at[j]], xr, gxs)
                g2 = pltpu.async_copy(rel_hbm.at[et_v.at[j]], rr, grs)
                g1.wait()
                g2.wait()

                @pl.loop(0, CH)
                def _(i):
                    for q in range(d // 16):
                        sl = pl.ds(q * 16, 16)
                        xr[i, sl] = xr[i, sl] + rr[i, sl]

                pltpu.sync_copy(xr, s_sh.at[dst_v.at[j]], add=True)

        plsc.subcore_barrier()
        pltpu.sync_copy(s_sh.at[pl.ds(row0, rpt)],
                        s_out.at[cid].at[pl.ds(row0, rpt)])

    cp = pltpu.CompilerParams()
    if "needs_layout_passes" in pltpu.CompilerParams.__dataclass_fields__:
        cp = dataclasses.replace(cp, needs_layout_passes=False)

    @functools.partial(
        pl.kernel,
        out_type=jax.ShapeDtypeStruct((ntiles, npad), jnp.float32),
        mesh=mesh,
        compiler_params=cp,
        scratch_types=[
            pltpu.VMEM((1, CH), jnp.int32),
            pltpu.VMEM((npad,), jnp.float32),
        ],
    )
    def sc_deg(dst_hbm, deg_out, dst_v, deg_local):
        cid = lax.axis_index("c")
        sid = lax.axis_index("s")
        wid = sid * NC + cid
        zero16 = jnp.zeros((16,), jnp.float32)
        one16 = jnp.ones((16,), jnp.float32)

        @pl.loop(0, npad // 16)
        def _(i):
            deg_local[pl.ds(i * 16, 16)] = zero16

        @pl.loop(0, cpt)
        def _(k):
            c = wid * cpt + k
            pltpu.sync_copy(dst_hbm.at[pl.ds(c, 1)], dst_v)
            for q in range(CH // 16):
                idx16 = dst_v[0, pl.ds(q * 16, 16)]
                plsc.addupdate_scatter(deg_local, [idx16], one16)

        pltpu.sync_copy(deg_local, deg_out.at[wid])

    return sc_rows, sc_deg


def _tc_body(s_ref, deg_ref, x_ref, norm_ref, wn_ref, wl_ref, we_ref, o_ref):
    s = s_ref[0] + s_ref[1]
    agg = jnp.dot(s, wn_ref[...], preferred_element_type=jnp.float32)
    xb = x_ref[...]
    lm_loop = jnp.dot(xb, wl_ref[...], preferred_element_type=jnp.float32)
    lm_ev = jnp.dot(xb, we_ref[...], preferred_element_type=jnp.float32)
    deg = jnp.sum(deg_ref[...], axis=1, keepdims=True)
    o_ref[...] = agg * norm_ref[...] + jnp.where(deg > 0.0, lm_loop, lm_ev)


def kernel(x, norm, emb_rel, weight_neighbor, loop_weight, evolve_loop_weight,
           src, dst, etype):
    n, d = x.shape
    e = src.shape[0]
    ntiles = NC * NS
    npad = ((n + 1 + NS * 8 - 1) // (NS * 8)) * (NS * 8)
    group = CH * ntiles * IB
    e_pad = ((e + group - 1) // group) * group
    pad = e_pad - e
    r = emb_rel.shape[0]
    x_aug = jnp.concatenate([x, jnp.zeros((1, d), x.dtype)])
    rel_aug = jnp.concatenate([emb_rel, jnp.zeros((1, d), emb_rel.dtype)])
    dst_deg = dst
    if pad:
        src = jnp.concatenate([src, jnp.full((pad,), n, src.dtype)])
        etype = jnp.concatenate([etype, jnp.full((pad,), r, etype.dtype)])
        dst_deg = jnp.concatenate([dst, jnp.full((pad,), n, dst.dtype)])
        dst = jnp.concatenate(
            [dst, jnp.arange(pad, dtype=dst.dtype) % npad])
    src2d = src.reshape(e_pad // CH, CH)
    et2d = etype.reshape(e_pad // CH, CH)
    dst2d = dst.reshape(e_pad // CH, CH)
    dstdeg2d = dst_deg.reshape(e_pad // CH, CH)

    sc_rows, sc_deg = _sc_edge_sums(x_aug, rel_aug, src2d, et2d, dst2d, npad)
    s_parts = sc_rows(x_aug, rel_aug, src2d, et2d, dst2d)
    deg_parts = sc_deg(dstdeg2d)
    deg_t = deg_parts.T

    bt = 2000
    nblocks = n // bt
    return pl.pallas_call(
        _tc_body,
        grid=(nblocks,),
        in_specs=[
            pl.BlockSpec((NC, bt, d), lambda i: (0, i, 0)),
            pl.BlockSpec((bt, ntiles), lambda i: (i, 0)),
            pl.BlockSpec((bt, d), lambda i: (i, 0)),
            pl.BlockSpec((bt, 1), lambda i: (i, 0)),
            pl.BlockSpec((d, d), lambda i: (0, 0)),
            pl.BlockSpec((d, d), lambda i: (0, 0)),
            pl.BlockSpec((d, d), lambda i: (0, 0)),
        ],
        out_specs=pl.BlockSpec((bt, d), lambda i: (i, 0)),
        out_shape=jax.ShapeDtypeStruct((n, d), jnp.float32),
    )(s_parts, deg_t, x, norm, weight_neighbor, loop_weight,
      evolve_loop_weight)

# --- scband reference (transcript-rebuilt; emitter-appended) ---
"""Pipeline reference for scband-uvrgcnlayer-47777216201145 (READ-ONLY COPY).

The authoritative reference and input builder live on the scoring server;
editing this copy changes nothing except your own understanding.
"""

import jax, jax.numpy as jnp
import numpy as np

N = 10000
E = 320000
D = 128
R = 200


def setup_inputs(seed: int = 0) -> dict:
    key = jax.random.key(seed)
    ks = jax.random.split(key, 8)
    x = jax.random.normal(ks[0], (N, D), dtype=jnp.float32)
    norm = jax.random.uniform(ks[1], (N, 1), dtype=jnp.float32)
    emb_rel = jax.random.normal(ks[2], (R, D), dtype=jnp.float32)
    src = jax.random.randint(ks[3], (E,), 0, N, dtype=jnp.int32)
    dst = jax.random.randint(ks[4], (E,), 0, N, dtype=jnp.int32)
    etype = jax.random.randint(ks[5], (E,), 0, R, dtype=jnp.int32)
    weight_neighbor = jax.random.normal(ks[6], (D, D), dtype=jnp.float32) * 0.05
    wk = jax.random.split(ks[7], 2)
    loop_weight = jax.random.normal(wk[0], (D, D), dtype=jnp.float32) * 0.05
    evolve_loop_weight = jax.random.normal(wk[1], (D, D), dtype=jnp.float32) * 0.05
    return {
        'x': x,
        'norm': norm,
        'emb_rel': emb_rel,
        'weight_neighbor': weight_neighbor,
        'loop_weight': loop_weight,
        'evolve_loop_weight': evolve_loop_weight,
        'src': src,
        'dst': dst,
        'etype': etype,
    }


def reference(x, norm, emb_rel, weight_neighbor, loop_weight, evolve_loop_weight, src, dst, etype):
    # self-loop message: nodes with in_degree > 0 use loop_weight, else evolve_loop_weight
    in_deg = jax.ops.segment_sum(jnp.ones_like(dst, dtype=jnp.float32), dst, num_segments=N)
    loop_message = jnp.where((in_deg > 0)[:, None], x @ loop_weight, x @ evolve_loop_weight)
    # msg_func: msg = (h[src] + rel_emb[etype]) @ weight_neighbor
    msg = (jnp.take(x, src, axis=0) + jnp.take(emb_rel, etype, axis=0)) @ weight_neighbor
    # fn.sum reduce to dst, then apply_func: h * norm
    agg = jax.ops.segment_sum(msg, dst, num_segments=N)
    node_repr = agg * norm
    # self_loop add; skip_connect False, activation None, dropout 0
    node_repr = node_repr + loop_message
    return node_repr

if __name__ == "__main__":
    import jax
    _d = setup_inputs()
    print(jax.jit(kernel)(*tuple(_d.values())))

</pallas_src>

<mosaic_0001>
#map = affine_map<(d0, d1) -> (0, 0)>
module attributes {stable_mosaic.version = 14 : i64} {
  func.func @sc_deg(%arg0: i32, %arg1: i32, %arg2: memref<2560x128xi32, #tpu.memory_space<hbm>>, %arg3: memref<32x10112xf32, #tpu.memory_space<hbm>>, %arg4: memref<1x128xi32, #tpu.memory_space<vmem>>, %arg5: memref<10112xf32, #tpu.memory_space<vmem>>) attributes {dimension_semantics = [#tpu.dimension_semantics<core_parallel>, #tpu.dimension_semantics<subcore_parallel>], iteration_bounds = array<i64: 2, 16>, scalar_prefetch = 0 : i64, scratch_operands = 2 : i64, tpu.core_type = #tpu.core_type<sc_vector_subcore>, window_params = [{transform_indices = #map}, {transform_indices = #map}]} {
    %mul3A = arith.constant 2 : i32
    %mul3A_0 = arith.muli %arg1, %mul3A : i32
    %add3A = arith.addi %mul3A_0, %arg0 : i32
    %broadcast_in_dim3A = arith.constant 0.000000e+00 : f32
    %broadcast_in_dim3A_1 = vector.broadcast %broadcast_in_dim3A : f32 to vector<16xf32>
    %broadcast_in_dim3A_2 = arith.constant 1.000000e+00 : f32
    %broadcast_in_dim3A_3 = vector.broadcast %broadcast_in_dim3A_2 : f32 to vector<16xf32>
    %scan3A = arith.constant 0 : i32
    %scan3A_4 = arith.constant 632 : i32
    %scan3A_5 = arith.addi %scan3A, %scan3A_4 : i32
    %scan3A_6 = arith.constant 1 : i32
    scf.for %scan3A_13 = %scan3A to %scan3A_5 step %scan3A_6  : i32 {
      %mul3A_14 = arith.constant 1 : i32
      %mul3A_15 = arith.muli %scan3A_13, %mul3A_14 : i32
      %add3A_16 = arith.constant 0 : i32
      %add3A_17 = arith.addi %add3A_16, %mul3A_15 : i32
      %mul3A_18 = arith.constant 16 : i32
      %mul3A_19 = arith.muli %add3A_17, %mul3A_18 : i32
      %swap3A = arith.index_cast %mul3A_19 : i32 to index
      %swap3A_20 = tpu.vector_load %arg5[%swap3A] {strides = array<i32>} : memref<10112xf32, #tpu.memory_space<vmem>>, vector<16xf32>,
      tpu.vector_store %arg5[%swap3A], %broadcast_in_dim3A_1 {strides = array<i32>} : memref<10112xf32, #tpu.memory_space<vmem>>, vector<16xf32>,
    }
    %scan3A_7 = arith.constant 632 : i32
    %scan3A_8 = arith.constant 0 : i32
    %scan3A_9 = arith.constant 80 : i32
    %scan3A_10 = arith.addi %scan3A_8, %scan3A_9 : i32
    %scan3A_11 = arith.constant 1 : i32
    scf.for %scan3A_13 = %scan3A_8 to %scan3A_10 step %scan3A_11  : i32 {
      %mul3A_14 = arith.constant 1 : i32
      %mul3A_15 = arith.muli %scan3A_13, %mul3A_14 : i32
      %add3A_16 = arith.constant 0 : i32
      %add3A_17 = arith.addi %add3A_16, %mul3A_15 : i32
      %mul3A_18 = arith.constant 80 : i32
      %mul3A_19 = arith.muli %add3A, %mul3A_18 : i32
      %add3A_20 = arith.addi %mul3A_19, %add3A_17 : i32
      "tpu.region"() ({
        %run_scoped3A = tpu.sem_alloc : memref<!tpu.dma_semaphore, #tpu.memory_space<semaphore_mem>>
        %dma_start3A = arith.constant 0 : i32
        %dma_start3A_52 = tpu.memref_slice %arg2[%add3A_20, %dma_start3A] : memref<2560x128xi32, #tpu.memory_space<hbm>> -> memref<1x128xi32, #tpu.memory_space<hbm>>
        %dma_start3A_53 = arith.constant 0 : i32
        %dma_start3A_54 = tpu.memref_slice %arg2[%add3A_20, %dma_start3A_53] : memref<2560x128xi32, #tpu.memory_space<hbm>> -> memref<1x128xi32, #tpu.memory_space<hbm>>
        tpu.enqueue_dma source(%dma_start3A_54 : memref<1x128xi32, #tpu.memory_space<hbm>>) target(%arg4 : memref<1x128xi32, #tpu.memory_space<vmem>>) target_semaphore(%run_scoped3A : memref<!tpu.dma_semaphore, #tpu.memory_space<semaphore_mem>>)
        %dma_wait3A = arith.constant 0 : i32
        %dma_wait3A_55 = tpu.memref_slice %arg2[%add3A_20, %dma_wait3A] : memref<2560x128xi32, #tpu.memory_space<hbm>> -> memref<1x128xi32, #tpu.memory_space<hbm>>
        %dma_wait3A_56 = arith.constant 0 : i32
        %dma_wait3A_57 = tpu.memref_slice %arg2[%add3A_20, %dma_wait3A_56] : memref<2560x128xi32, #tpu.memory_space<hbm>> -> memref<1x128xi32, #tpu.memory_space<hbm>>
        tpu.wait_dma2 semaphore(%run_scoped3A : memref<!tpu.dma_semaphore, #tpu.memory_space<semaphore_mem>>) src(%dma_wait3A_57 : memref<1x128xi32, #tpu.memory_space<hbm>>) dst(%arg4 : memref<1x128xi32, #tpu.memory_space<vmem>>)
        tpu.yield
      }) : () -> ()
      %get3A = arith.constant 0 : i32
      %get3A_21 = arith.index_cast %get3A : i32 to index
      %get3A_22 = arith.constant 0 : index
      %get3A_23 = tpu.vector_load %arg4[%get3A_21, %get3A_22] {strides = array<i32>} : memref<1x128xi32, #tpu.memory_space<vmem>>, vector<16xi32>,
      tpu.vector_store_idx %arg5[%get3A_23], %broadcast_in_dim3A_3 {add = true} : memref<10112xf32, #tpu.memory_space<vmem>>[vector<16xi32>], vector<16xf32>,
      %get3A_24 = arith.constant 0 : i32
      %get3A_25 = arith.index_cast %get3A_24 : i32 to index
      %get3A_26 = arith.constant 16 : index
      %get3A_27 = tpu.vector_load %arg4[%get3A_25, %get3A_26] {strides = array<i32>} : memref<1x128xi32, #tpu.memory_space<vmem>>, vector<16xi32>,
      tpu.vector_store_idx %arg5[%get3A_27], %broadcast_in_dim3A_3 {add = true} : memref<10112xf32, #tpu.memory_space<vmem>>[vector<16xi32>], vector<16xf32>,
      %get3A_28 = arith.constant 0 : i32
      %get3A_29 = arith.index_cast %get3A_28 : i32 to index
      %get3A_30 = arith.constant 32 : index
      %get3A_31 = tpu.vector_load %arg4[%get3A_29, %get3A_30] {strides = array<i32>} : memref<1x128xi32, #tpu.memory_space<vmem>>, vector<16xi32>,
      tpu.vector_store_idx %arg5[%get3A_31], %broadcast_in_dim3A_3 {add = true} : memref<10112xf32, #tpu.memory_space<vmem>>[vector<16xi32>], vector<16xf32>,
      %get3A_32 = arith.constant 0 : i32
      %get3A_33 = arith.index_cast %get3A_32 : i32 to index
      %get3A_34 = arith.constant 48 : index
      %get3A_35 = tpu.vector_load %arg4[%get3A_33, %get3A_34] {strides = array<i32>} : memref<1x128xi32, #tpu.memory_space<vmem>>, vector<16xi32>,
      tpu.vector_store_idx %arg5[%get3A_35], %broadcast_in_dim3A_3 {add = true} : memref<10112xf32, #tpu.memory_space<vmem>>[vector<16xi32>], vector<16xf32>,
      %get3A_36 = arith.constant 0 : i32
      %get3A_37 = arith.index_cast %get3A_36 : i32 to index
      %get3A_38 = arith.constant 64 : index
      %get3A_39 = tpu.vector_load %arg4[%get3A_37, %get3A_38] {strides = array<i32>} : memref<1x128xi32, #tpu.memory_space<vmem>>, vector<16xi32>,
      tpu.vector_store_idx %arg5[%get3A_39], %broadcast_in_dim3A_3 {add = true} : memref<10112xf32, #tpu.memory_space<vmem>>[vector<16xi32>], vector<16xf32>,
      %get3A_40 = arith.constant 0 : i32
      %get3A_41 = arith.index_cast %get3A_40 : i32 to index
      %get3A_42 = arith.constant 80 : index
      %get3A_43 = tpu.vector_load %arg4[%get3A_41, %get3A_42] {strides = array<i32>} : memref<1x128xi32, #tpu.memory_space<vmem>>, vector<16xi32>,
      tpu.vector_store_idx %arg5[%get3A_43], %broadcast_in_dim3A_3 {add = true} : memref<10112xf32, #tpu.memory_space<vmem>>[vector<16xi32>], vector<16xf32>,
      %get3A_44 = arith.constant 0 : i32
      %get3A_45 = arith.index_cast %get3A_44 : i32 to index
      %get3A_46 = arith.constant 96 : index
      %get3A_47 = tpu.vector_load %arg4[%get3A_45, %get3A_46] {strides = array<i32>} : memref<1x128xi32, #tpu.memory_space<vmem>>, vector<16xi32>,
      tpu.vector_store_idx %arg5[%get3A_47], %broadcast_in_dim3A_3 {add = true} : memref<10112xf32, #tpu.memory_space<vmem>>[vector<16xi32>], vector<16xf32>,
      %get3A_48 = arith.constant 0 : i32
      %get3A_49 = arith.index_cast %get3A_48 : i32 to index
      %get3A_50 = arith.constant 112 : index
      %get3A_51 = tpu.vector_load %arg4[%get3A_49, %get3A_50] {strides = array<i32>} : memref<1x128xi32, #tpu.memory_space<vmem>>, vector<16xi32>,
      tpu.vector_store_idx %arg5[%get3A_51], %broadcast_in_dim3A_3 {add = true} : memref<10112xf32, #tpu.memory_space<vmem>>[vector<16xi32>], vector<16xf32>,
    }
    %scan3A_12 = arith.constant 80 : i32
    "tpu.region"() ({
      %run_scoped3A = tpu.sem_alloc : memref<!tpu.dma_semaphore, #tpu.memory_space<semaphore_mem>>
      %dma_start3A = arith.constant 0 : i32
      %dma_start3A_13 = tpu.memref_slice %arg3[%add3A, %dma_start3A] : memref<32x10112xf32, #tpu.memory_space<hbm>> -> memref<1x10112xf32, #tpu.memory_space<hbm>>
      %dma_start3A_14 = tpu.memref_squeeze %dma_start3A_13 : memref<1x10112xf32, #tpu.memory_space<hbm>> -> memref<10112xf32, #tpu.memory_space<hbm>>
      %dma_start3A_15 = arith.constant 0 : i32
      %dma_start3A_16 = tpu.memref_slice %arg3[%add3A, %dma_start3A_15] : memref<32x10112xf32, #tpu.memory_space<hbm>> -> memref<1x10112xf32, #tpu.memory_space<hbm>>
      %dma_start3A_17 = tpu.memref_squeeze %dma_start3A_16 : memref<1x10112xf32, #tpu.memory_space<hbm>> -> memref<10112xf32, #tpu.memory_space<hbm>>
      tpu.enqueue_dma source(%arg5 : memref<10112xf32, #tpu.memory_space<vmem>>) target(%dma_start3A_17 : memref<10112xf32, #tpu.memory_space<hbm>>) target_semaphore(%run_scoped3A : memref<!tpu.dma_semaphore, #tpu.memory_space<semaphore_mem>>)
      %dma_wait3A = arith.constant 0 : i32
      %dma_wait3A_18 = tpu.memref_slice %arg3[%add3A, %dma_wait3A] : memref<32x10112xf32, #tpu.memory_space<hbm>> -> memref<1x10112xf32, #tpu.memory_space<hbm>>
      %dma_wait3A_19 = tpu.memref_squeeze %dma_wait3A_18 : memref<1x10112xf32, #tpu.memory_space<hbm>> -> memref<10112xf32, #tpu.memory_space<hbm>>
      %dma_wait3A_20 = arith.constant 0 : i32
      %dma_wait3A_21 = tpu.memref_slice %arg3[%add3A, %dma_wait3A_20] : memref<32x10112xf32, #tpu.memory_space<hbm>> -> memref<1x10112xf32, #tpu.memory_space<hbm>>
      %dma_wait3A_22 = tpu.memref_squeeze %dma_wait3A_21 : memref<1x10112xf32, #tpu.memory_space<hbm>> -> memref<10112xf32, #tpu.memory_space<hbm>>
      tpu.wait_dma2 semaphore(%run_scoped3A : memref<!tpu.dma_semaphore, #tpu.memory_space<semaphore_mem>>) src(%arg5 : memref<10112xf32, #tpu.memory_space<vmem>>) dst(%dma_wait3A_22 : memref<10112xf32, #tpu.memory_space<hbm>>)
      tpu.yield
    }) : () -> ()
    return
  }
}

#map = affine_map<(d0, d1) -> (0, 0)>
#map1 = affine_map<(d0, d1) -> (0, 0, 0)>
module attributes {stable_mosaic.version = 14 : i64} {
  func.func @sc_rows(%arg0: i32, %arg1: i32, %arg2: memref<10001x128xf32, #tpu.memory_space<hbm>>, %arg3: memref<201x128xf32, #tpu.memory_space<hbm>>, %arg4: memref<2560x128xi32, #tpu.memory_space<hbm>>, %arg5: memref<2560x128xi32, #tpu.memory_space<hbm>>, %arg6: memref<2560x128xi32, #tpu.memory_space<hbm>>, %arg7: memref<2x10112x128xf32, #tpu.memory_space<hbm>>, %arg8: memref<8x128xi32, #tpu.memory_space<vmem>>, %arg9: memref<8x128xi32, #tpu.memory_space<vmem>>, %arg10: memref<8x128xi32, #tpu.memory_space<vmem>>, %arg11: memref<128x128xf32, #tpu.memory_space<vmem>>, %arg12: memref<128x128xf32, #tpu.memory_space<vmem>>, %arg13: memref<!tpu.dma_semaphore, #tpu.memory_space<semaphore_mem>>, %arg14: memref<!tpu.dma_semaphore, #tpu.memory_space<semaphore_mem>>, %arg15: memref<10112x128xf32, #tpu.memory_space<vmem_shared>>) attributes {dimension_semantics = [#tpu.dimension_semantics<core_parallel>, #tpu.dimension_semantics<subcore_parallel>], iteration_bounds = array<i64: 2, 16>, scalar_prefetch = 0 : i64, scratch_operands = 8 : i64, tpu.core_type = #tpu.core_type<sc_vector_subcore>, window_params = [{transform_indices = #map}, {transform_indices = #map}, {transform_indices = #map}, {transform_indices = #map}, {transform_indices = #map}, {transform_indices = #map1}]} {
    %broadcast_in_dim3A = arith.constant 0.000000e+00 : f32
    %broadcast_in_dim3A_0 = vector.broadcast %broadcast_in_dim3A : f32 to vector<16xf32>
    %scan3A = arith.constant 0 : i32
    %scan3A_1 = arith.constant 128 : i32
    %scan3A_2 = arith.addi %scan3A, %scan3A_1 : i32
    %scan3A_3 = arith.constant 1 : i32
    scf.for %scan3A_63 = %scan3A to %scan3A_2 step %scan3A_3  : i32 {
      %mul3A_64 = arith.constant 1 : i32
      %mul3A_65 = arith.muli %scan3A_63, %mul3A_64 : i32
      %add3A_66 = arith.constant 0 : i32
      %add3A_67 = arith.addi %add3A_66, %mul3A_65 : i32
      %swap3A = arith.index_cast %add3A_67 : i32 to index
      %swap3A_68 = arith.constant 0 : index
      %swap3A_69 = tpu.vector_load %arg11[%swap3A, %swap3A_68] {strides = array<i32>} : memref<128x128xf32, #tpu.memory_space<vmem>>, vector<1x16xf32>,
      %swap3A_70 = vector.shape_cast %swap3A_69 : vector<1x16xf32> to vector<16xf32>
      %swap3A_71 = vector.shape_cast %broadcast_in_dim3A_0 : vector<16xf32> to vector<1x16xf32>
      tpu.vector_store %arg11[%swap3A, %swap3A_68], %swap3A_71 {strides = array<i32>} : memref<128x128xf32, #tpu.memory_space<vmem>>, vector<1x16xf32>,
      %swap3A_72 = arith.index_cast %add3A_67 : i32 to index
      %swap3A_73 = arith.constant 16 : index
      %swap3A_74 = tpu.vector_load %arg11[%swap3A_72, %swap3A_73] {strides = array<i32>} : memref<128x128xf32, #tpu.memory_space<vmem>>, vector<1x16xf32>,
      %swap3A_75 = vector.shape_cast %swap3A_74 : vector<1x16xf32> to vector<16xf32>
      %swap3A_76 = vector.shape_cast %broadcast_in_dim3A_0 : vector<16xf32> to vector<1x16xf32>
      tpu.vector_store %arg11[%swap3A_72, %swap3A_73], %swap3A_76 {strides = array<i32>} : memref<128x128xf32, #tpu.memory_space<vmem>>, vector<1x16xf32>,
      %swap3A_77 = arith.index_cast %add3A_67 : i32 to index
      %swap3A_78 = arith.constant 32 : index
      %swap3A_79 = tpu.vector_load %arg11[%swap3A_77, %swap3A_78] {strides = array<i32>} : memref<128x128xf32, #tpu.memory_space<vmem>>, vector<1x16xf32>,
      %swap3A_80 = vector.shape_cast %swap3A_79 : vector<1x16xf32> to vector<16xf32>
      %swap3A_81 = vector.shape_cast %broadcast_in_dim3A_0 : vector<16xf32> to vector<1x16xf32>
      tpu.vector_store %arg11[%swap3A_77, %swap3A_78], %swap3A_81 {strides = array<i32>} : memref<128x128xf32, #tpu.memory_space<vmem>>, vector<1x16xf32>,
      %swap3A_82 = arith.index_cast %add3A_67 : i32 to index
      %swap3A_83 = arith.constant 48 : index
      %swap3A_84 = tpu.vector_load %arg11[%swap3A_82, %swap3A_83] {strides = array<i32>} : memref<128x128xf32, #tpu.memory_space<vmem>>, vector<1x16xf32>,
      %swap3A_85 = vector.shape_cast %swap3A_84 : vector<1x16xf32> to vector<16xf32>
      %swap3A_86 = vector.shape_cast %broadcast_in_dim3A_0 : vector<16xf32> to vector<1x16xf32>
      tpu.vector_store %arg11[%swap3A_82, %swap3A_83], %swap3A_86 {strides = array<i32>} : memref<128x128xf32, #tpu.memory_space<vmem>>, vector<1x16xf32>,
      %swap3A_87 = arith.index_cast %add3A_67 : i32 to index
      %swap3A_88 = arith.constant 64 : index
      %swap3A_89 = tpu.vector_load %arg11[%swap3A_87, %swap3A_88] {strides = array<i32>} : memref<128x128xf32, #tpu.memory_space<vmem>>, vector<1x16xf32>,
      %swap3A_90 = vector.shape_cast %swap3A_89 : vector<1x16xf32> to vector<16xf32>
      %swap3A_91 = vector.shape_cast %broadcast_in_dim3A_0 : vector<16xf32> to vector<1x16xf32>
      tpu.vector_store %arg11[%swap3A_87, %swap3A_88], %swap3A_91 {strides = array<i32>} : memref<128x128xf32, #tpu.memory_space<vmem>>, vector<1x16xf32>,
      %swap3A_92 = arith.index_cast %add3A_67 : i32 to index
      %swap3A_93 = arith.constant 80 : index
      %swap3A_94 = tpu.vector_load %arg11[%swap3A_92, %swap3A_93] {strides = array<i32>} : memref<128x128xf32, #tpu.memory_space<vmem>>, vector<1x16xf32>,
      %swap3A_95 = vector.shape_cast %swap3A_94 : vector<1x16xf32> to vector<16xf32>
      %swap3A_96 = vector.shape_cast %broadcast_in_dim3A_0 : vector<16xf32> to vector<1x16xf32>
      tpu.vector_store %arg11[%swap3A_92, %swap3A_93], %swap3A_96 {strides = array<i32>} : memref<128x128xf32, #tpu.memory_space<vmem>>, vector<1x16xf32>,
      %swap3A_97 = arith.index_cast %add3A_67 : i32 to index
      %swap3A_98 = arith.constant 96 : index
      %swap3A_99 = tpu.vector_load %arg11[%swap3A_97, %swap3A_98] {strides = array<i32>} : memref<128x128xf32, #tpu.memory_space<vmem>>, vector<1x16xf32>,
      %swap3A_100 = vector.shape_cast %swap3A_99 : vector<1x16xf32> to vector<16xf32>
      %swap3A_101 = vector.shape_cast %broadcast_in_dim3A_0 : vector<16xf32> to vector<1x16xf32>
      tpu.vector_store %arg11[%swap3A_97, %swap3A_98], %swap3A_101 {strides = array<i32>} : memref<128x128xf32, #tpu.memory_space<vmem>>, vector<1x16xf32>,
      %swap3A_102 = arith.index_cast %add3A_67 : i32 to index
      %swap3A_103 = arith.constant 112 : index
      %swap3A_104 = tpu.vector_load %arg11[%swap3A_102, %swap3A_103] {strides = array<i32>} : memref<128x128xf32, #tpu.memory_space<vmem>>, vector<1x16xf32>,
      %swap3A_105 = vector.shape_cast %swap3A_104 : vector<1x16xf32> to vector<16xf32>
      %swap3A_106 = vector.shape_cast %broadcast_in_dim3A_0 : vector<16xf32> to vector<1x16xf32>
      tpu.vector_store %arg11[%swap3A_102, %swap3A_103], %swap3A_106 {strides = array<i32>} : memref<128x128xf32, #tpu.memory_space<vmem>>, vector<1x16xf32>,
    }
    %scan3A_4 = arith.constant 128 : i32
    %mul3A = arith.constant 632 : i32
    %mul3A_5 = arith.muli %arg1, %mul3A : i32
    %add3A = arith.constant 0 : i32
    %add3A_6 = arith.addi %mul3A_5, %add3A : i32
    "tpu.region"() ({
      %run_scoped3A = tpu.sem_alloc : memref<!tpu.dma_semaphore, #tpu.memory_space<semaphore_mem>>
      %dma_start3A = arith.constant 0 : i32
      %dma_start3A_63 = tpu.memref_slice %arg15[%add3A_6, %dma_start3A] : memref<10112x128xf32, #tpu.memory_space<vmem_shared>> -> memref<128x128xf32, #tpu.memory_space<vmem_shared>>
      %dma_start3A_64 = arith.constant 0 : i32
      %dma_start3A_65 = tpu.memref_slice %arg15[%add3A_6, %dma_start3A_64] : memref<10112x128xf32, #tpu.memory_space<vmem_shared>> -> memref<128x128xf32, #tpu.memory_space<vmem_shared>>
      tpu.enqueue_dma source(%arg11 : memref<128x128xf32, #tpu.memory_space<vmem>>) target(%dma_start3A_65 : memref<128x128xf32, #tpu.memory_space<vmem_shared>>) target_semaphore(%run_scoped3A : memref<!tpu.dma_semaphore, #tpu.memory_space<semaphore_mem>>)
      %dma_wait3A = arith.constant 0 : i32
      %dma_wait3A_66 = tpu.memref_slice %arg15[%add3A_6, %dma_wait3A] : memref<10112x128xf32, #tpu.memory_space<vmem_shared>> -> memref<128x128xf32, #tpu.memory_space<vmem_shared>>
      %dma_wait3A_67 = arith.constant 0 : i32
      %dma_wait3A_68 = tpu.memref_slice %arg15[%add3A_6, %dma_wait3A_67] : memref<10112x128xf32, #tpu.memory_space<vmem_shared>> -> memref<128x128xf32, #tpu.memory_space<vmem_shared>>
      tpu.wait_dma2 semaphore(%run_scoped3A : memref<!tpu.dma_semaphore, #tpu.memory_space<semaphore_mem>>) src(%arg11 : memref<128x128xf32, #tpu.memory_space<vmem>>) dst(%dma_wait3A_68 : memref<128x128xf32, #tpu.memory_space<vmem_shared>>)
      tpu.yield
    }) : () -> ()
    %add3A_7 = arith.constant 128 : i32
    %add3A_8 = arith.addi %mul3A_5, %add3A_7 : i32
    "tpu.region"() ({
      %run_scoped3A = tpu.sem_alloc : memref<!tpu.dma_semaphore, #tpu.memory_space<semaphore_mem>>
      %dma_start3A = arith.constant 0 : i32
      %dma_start3A_63 = tpu.memref_slice %arg15[%add3A_8, %dma_start3A] : memref<10112x128xf32, #tpu.memory_space<vmem_shared>> -> memref<128x128xf32, #tpu.memory_space<vmem_shared>>
      %dma_start3A_64 = arith.constant 0 : i32
      %dma_start3A_65 = tpu.memref_slice %arg15[%add3A_8, %dma_start3A_64] : memref<10112x128xf32, #tpu.memory_space<vmem_shared>> -> memref<128x128xf32, #tpu.memory_space<vmem_shared>>
      tpu.enqueue_dma source(%arg11 : memref<128x128xf32, #tpu.memory_space<vmem>>) target(%dma_start3A_65 : memref<128x128xf32, #tpu.memory_space<vmem_shared>>) target_semaphore(%run_scoped3A : memref<!tpu.dma_semaphore, #tpu.memory_space<semaphore_mem>>)
      %dma_wait3A = arith.constant 0 : i32
      %dma_wait3A_66 = tpu.memref_slice %arg15[%add3A_8, %dma_wait3A] : memref<10112x128xf32, #tpu.memory_space<vmem_shared>> -> memref<128x128xf32, #tpu.memory_space<vmem_shared>>
      %dma_wait3A_67 = arith.constant 0 : i32
      %dma_wait3A_68 = tpu.memref_slice %arg15[%add3A_8, %dma_wait3A_67] : memref<10112x128xf32, #tpu.memory_space<vmem_shared>> -> memref<128x128xf32, #tpu.memory_space<vmem_shared>>
      tpu.wait_dma2 semaphore(%run_scoped3A : memref<!tpu.dma_semaphore, #tpu.memory_space<semaphore_mem>>) src(%arg11 : memref<128x128xf32, #tpu.memory_space<vmem>>) dst(%dma_wait3A_68 : memref<128x128xf32, #tpu.memory_space<vmem_shared>>)
      tpu.yield
    }) : () -> ()
    %add3A_9 = arith.constant 256 : i32
    %add3A_10 = arith.addi %mul3A_5, %add3A_9 : i32
    "tpu.region"() ({
      %run_scoped3A = tpu.sem_alloc : memref<!tpu.dma_semaphore, #tpu.memory_space<semaphore_mem>>
      %dma_start3A = arith.constant 0 : i32
      %dma_start3A_63 = tpu.memref_slice %arg15[%add3A_10, %dma_start3A] : memref<10112x128xf32, #tpu.memory_space<vmem_shared>> -> memref<128x128xf32, #tpu.memory_space<vmem_shared>>
      %dma_start3A_64 = arith.constant 0 : i32
      %dma_start3A_65 = tpu.memref_slice %arg15[%add3A_10, %dma_start3A_64] : memref<10112x128xf32, #tpu.memory_space<vmem_shared>> -> memref<128x128xf32, #tpu.memory_space<vmem_shared>>
      tpu.enqueue_dma source(%arg11 : memref<128x128xf32, #tpu.memory_space<vmem>>) target(%dma_start3A_65 : memref<128x128xf32, #tpu.memory_space<vmem_shared>>) target_semaphore(%run_scoped3A : memref<!tpu.dma_semaphore, #tpu.memory_space<semaphore_mem>>)
      %dma_wait3A = arith.constant 0 : i32
      %dma_wait3A_66 = tpu.memref_slice %arg15[%add3A_10, %dma_wait3A] : memref<10112x128xf32, #tpu.memory_space<vmem_shared>> -> memref<128x128xf32, #tpu.memory_space<vmem_shared>>
      %dma_wait3A_67 = arith.constant 0 : i32
      %dma_wait3A_68 = tpu.memref_slice %arg15[%add3A_10, %dma_wait3A_67] : memref<10112x128xf32, #tpu.memory_space<vmem_shared>> -> memref<128x128xf32, #tpu.memory_space<vmem_shared>>
      tpu.wait_dma2 semaphore(%run_scoped3A : memref<!tpu.dma_semaphore, #tpu.memory_space<semaphore_mem>>) src(%arg11 : memref<128x128xf32, #tpu.memory_space<vmem>>) dst(%dma_wait3A_68 : memref<128x128xf32, #tpu.memory_space<vmem_shared>>)
      tpu.yield
    }) : () -> ()
    %add3A_11 = arith.constant 384 : i32
    %add3A_12 = arith.addi %mul3A_5, %add3A_11 : i32
    "tpu.region"() ({
      %run_scoped3A = tpu.sem_alloc : memref<!tpu.dma_semaphore, #tpu.memory_space<semaphore_mem>>
      %dma_start3A = arith.constant 0 : i32
      %dma_start3A_63 = tpu.memref_slice %arg15[%add3A_12, %dma_start3A] : memref<10112x128xf32, #tpu.memory_space<vmem_shared>> -> memref<128x128xf32, #tpu.memory_space<vmem_shared>>
      %dma_start3A_64 = arith.constant 0 : i32
      %dma_start3A_65 = tpu.memref_slice %arg15[%add3A_12, %dma_start3A_64] : memref<10112x128xf32, #tpu.memory_space<vmem_shared>> -> memref<128x128xf32, #tpu.memory_space<vmem_shared>>
      tpu.enqueue_dma source(%arg11 : memref<128x128xf32, #tpu.memory_space<vmem>>) target(%dma_start3A_65 : memref<128x128xf32, #tpu.memory_space<vmem_shared>>) target_semaphore(%run_scoped3A : memref<!tpu.dma_semaphore, #tpu.memory_space<semaphore_mem>>)
      %dma_wait3A = arith.constant 0 : i32
      %dma_wait3A_66 = tpu.memref_slice %arg15[%add3A_12, %dma_wait3A] : memref<10112x128xf32, #tpu.memory_space<vmem_shared>> -> memref<128x128xf32, #tpu.memory_space<vmem_shared>>
      %dma_wait3A_67 = arith.constant 0 : i32
      %dma_wait3A_68 = tpu.memref_slice %arg15[%add3A_12, %dma_wait3A_67] : memref<10112x128xf32, #tpu.memory_space<vmem_shared>> -> memref<128x128xf32, #tpu.memory_space<vmem_shared>>
      tpu.wait_dma2 semaphore(%run_scoped3A : memref<!tpu.dma_semaphore, #tpu.memory_space<semaphore_mem>>) src(%arg11 : memref<128x128xf32, #tpu.memory_space<vmem>>) dst(%dma_wait3A_68 : memref<128x128xf32, #tpu.memory_space<vmem_shared>>)
      tpu.yield
    }) : () -> ()
    %add3A_13 = arith.constant 512 : i32
    %add3A_14 = arith.addi %mul3A_5, %add3A_13 : i32
    "tpu.region"() ({
      %run_scoped3A = tpu.sem_alloc : memref<!tpu.dma_semaphore, #tpu.memory_space<semaphore_mem>>
      %dma_start3A = arith.constant 0 : i32
      %dma_start3A_63 = arith.constant 0 : i32
      %dma_start3A_64 = tpu.memref_slice %arg11[%dma_start3A, %dma_start3A_63] : memref<128x128xf32, #tpu.memory_space<vmem>> -> memref<120x128xf32, #tpu.memory_space<vmem>>
      %dma_start3A_65 = arith.constant 0 : i32
      %dma_start3A_66 = tpu.memref_slice %arg15[%add3A_14, %dma_start3A_65] : memref<10112x128xf32, #tpu.memory_space<vmem_shared>> -> memref<120x128xf32, #tpu.memory_space<vmem_shared>>
      %dma_start3A_67 = arith.constant 0 : i32
      %dma_start3A_68 = tpu.memref_slice %arg15[%add3A_14, %dma_start3A_67] : memref<10112x128xf32, #tpu.memory_space<vmem_shared>> -> memref<120x128xf32, #tpu.memory_space<vmem_shared>>
      %dma_start3A_69 = arith.constant 0 : i32
      %dma_start3A_70 = arith.constant 0 : i32
      %dma_start3A_71 = tpu.memref_slice %arg11[%dma_start3A_69, %dma_start3A_70] : memref<128x128xf32, #tpu.memory_space<vmem>> -> memref<120x128xf32, #tpu.memory_space<vmem>>
      tpu.enqueue_dma source(%dma_start3A_71 : memref<120x128xf32, #tpu.memory_space<vmem>>) target(%dma_start3A_68 : memref<120x128xf32, #tpu.memory_space<vmem_shared>>) target_semaphore(%run_scoped3A : memref<!tpu.dma_semaphore, #tpu.memory_space<semaphore_mem>>)
      %dma_wait3A = arith.constant 0 : i32
      %dma_wait3A_72 = arith.constant 0 : i32
      %dma_wait3A_73 = tpu.memref_slice %arg11[%dma_wait3A, %dma_wait3A_72] : memref<128x128xf32, #tpu.memory_space<vmem>> -> memref<120x128xf32, #tpu.memory_space<vmem>>
      %dma_wait3A_74 = arith.constant 0 : i32
      %dma_wait3A_75 = tpu.memref_slice %arg15[%add3A_14, %dma_wait3A_74] : memref<10112x128xf32, #tpu.memory_space<vmem_shared>> -> memref<120x128xf32, #tpu.memory_space<vmem_shared>>
      %dma_wait3A_76 = arith.constant 0 : i32
      %dma_wait3A_77 = tpu.memref_slice %arg15[%add3A_14, %dma_wait3A_76] : memref<10112x128xf32, #tpu.memory_space<vmem_shared>> -> memref<120x128xf32, #tpu.memory_space<vmem_shared>>
      %dma_wait3A_78 = arith.constant 0 : i32
      %dma_wait3A_79 = arith.constant 0 : i32
      %dma_wait3A_80 = tpu.memref_slice %arg11[%dma_wait3A_78, %dma_wait3A_79] : memref<128x128xf32, #tpu.memory_space<vmem>> -> memref<120x128xf32, #tpu.memory_space<vmem>>
      tpu.wait_dma2 semaphore(%run_scoped3A : memref<!tpu.dma_semaphore, #tpu.memory_space<semaphore_mem>>) src(%dma_wait3A_80 : memref<120x128xf32, #tpu.memory_space<vmem>>) dst(%dma_wait3A_77 : memref<120x128xf32, #tpu.memory_space<vmem_shared>>)
      tpu.yield
    }) : () -> ()
    %barrier3A = arith.constant 0 : index
    tpu.barrier barrier_id(%barrier3A)
    %eq3A = arith.constant 0 : i32
    %eq3A_15 = arith.cmpi eq, %arg0, %eq3A : i32
    %jit3A = arith.constant 120 : i32
    %jit3A_16 = arith.constant 40 : i32
    %select_n3A = arith.select %eq3A_15, %jit3A, %jit3A_16 : i32
    %eq3A_17 = arith.constant 0 : i32
    %eq3A_18 = arith.cmpi eq, %arg0, %eq3A_17 : i32
    %mul3A_19 = arith.constant 120 : i32
    %mul3A_20 = arith.muli %arg1, %mul3A_19 : i32
    %mul3A_21 = arith.constant 40 : i32
    %mul3A_22 = arith.muli %arg1, %mul3A_21 : i32
    %add3A_23 = arith.constant 1920 : i32
    %add3A_24 = arith.addi %add3A_23, %mul3A_22 : i32
    %select_n3A_25 = arith.select %eq3A_18, %mul3A_20, %add3A_24 : i32
    %jit3A_26 = arith.constant 8 : i32
    %div3A = arith.divsi %select_n3A, %jit3A_26 : i32
    %sign3A = arith.constant 0 : i32
    %sign3A_27 = arith.cmpi sgt, %select_n3A, %sign3A : i32
    %sign3A_28 = arith.extui %sign3A_27 : i1 to i32
    %sign3A_29 = arith.constant 0 : i32
    %sign3A_30 = arith.cmpi slt, %select_n3A, %sign3A_29 : i32
    %sign3A_31 = arith.extui %sign3A_30 : i1 to i32
    %sign3A_32 = arith.subi %sign3A_28, %sign3A_31 : i32
    %sign3A_33 = arith.constant 0 : i32
    %sign3A_34 = arith.cmpi sgt, %jit3A_26, %sign3A_33 : i32
    %sign3A_35 = arith.extui %sign3A_34 : i1 to i32
    %sign3A_36 = arith.constant 0 : i32
    %sign3A_37 = arith.cmpi slt, %jit3A_26, %sign3A_36 : i32
    %sign3A_38 = arith.extui %sign3A_37 : i1 to i32
    %sign3A_39 = arith.subi %sign3A_35, %sign3A_38 : i32
    %ne3A = arith.cmpi ne, %sign3A_32, %sign3A_39 : i32
    %rem3A = arith.remsi %select_n3A, %jit3A_26 : i32
    %ne3A_40 = arith.constant 0 : i32
    %ne3A_41 = arith.cmpi ne, %rem3A, %ne3A_40 : i32
    %and3A = arith.andi %ne3A, %ne3A_41 : i1
    %sub3A = arith.constant 1 : i32
    %sub3A_42 = arith.subi %div3A, %sub3A : i32
    %select_n3A_43 = arith.select %and3A, %sub3A_42, %div3A : i32
    %sub3A_44 = arith.constant 0 : i32
    %sub3A_45 = arith.subi %select_n3A_43, %sub3A_44 : i32
    %sub3A_46 = arith.constant 1 : i32
    %sub3A_47 = arith.constant 1 : i32
    %sub3A_48 = arith.subi %sub3A_46, %sub3A_47 : i32
    %add3A_49 = arith.addi %sub3A_45, %sub3A_48 : i32
    %div3A_50 = arith.constant 1 : i32
    %div3A_51 = arith.divsi %add3A_49, %div3A_50 : i32
    %while3A = arith.constant 1 : i32
    %while3A_52 = arith.constant 0 : i32
    %while3A_53 = arith.constant 0 : i32
    %while3A_54 = arith.subi %div3A_51, %while3A_53 : i32
    %while3A_55 = arith.addi %while3A_53, %while3A_54 : i32
    %while3A_56 = arith.constant 1 : i32
    %while3A_57 = arith.divsi %while3A_54, %while3A_56 : i32
    %while3A_58 = arith.muli %while3A_57, %while3A_56 : i32
    %while3A_59 = arith.addi %while3A_53, %while3A_58 : i32
    %while3A_60 = arith.constant 1 : i32
    scf.for %while3A_63 = %while3A_53 to %while3A_59 step %while3A_60  : i32 {
      %mul3A_64 = arith.muli %while3A_63, %while3A : i32
      %add3A_65 = arith.addi %while3A_52, %mul3A_64 : i32
      %mul3A_66 = arith.constant 8 : i32
      %mul3A_67 = arith.muli %add3A_65, %mul3A_66 : i32
      %add3A_68 = arith.addi %select_n3A_25, %mul3A_67 : i32
      "tpu.region"() ({
        %run_scoped3A_338 = tpu.sem_alloc : memref<!tpu.dma_semaphore, #tpu.memory_space<semaphore_mem>>
        %dma_start3A_339 = arith.constant 0 : i32
        %dma_start3A_340 = tpu.memref_slice %arg4[%add3A_68, %dma_start3A_339] : memref<2560x128xi32, #tpu.memory_space<hbm>> -> memref<8x128xi32, #tpu.memory_space<hbm>>
        %dma_start3A_341 = arith.constant 0 : i32
        %dma_start3A_342 = tpu.memref_slice %arg4[%add3A_68, %dma_start3A_341] : memref<2560x128xi32, #tpu.memory_space<hbm>> -> memref<8x128xi32, #tpu.memory_space<hbm>>
        tpu.enqueue_dma source(%dma_start3A_342 : memref<8x128xi32, #tpu.memory_space<hbm>>) target(%arg8 : memref<8x128xi32, #tpu.memory_space<vmem>>) target_semaphore(%run_scoped3A_338 : memref<!tpu.dma_semaphore, #tpu.memory_space<semaphore_mem>>)
        %dma_wait3A_343 = arith.constant 0 : i32
        %dma_wait3A_344 = tpu.memref_slice %arg4[%add3A_68, %dma_wait3A_343] : memref<2560x128xi32, #tpu.memory_space<hbm>> -> memref<8x128xi32, #tpu.memory_space<hbm>>
        %dma_wait3A_345 = arith.constant 0 : i32
        %dma_wait3A_346 = tpu.memref_slice %arg4[%add3A_68, %dma_wait3A_345] : memref<2560x128xi32, #tpu.memory_space<hbm>> -> memref<8x128xi32, #tpu.memory_space<hbm>>
        tpu.wait_dma2 semaphore(%run_scoped3A_338 : memref<!tpu.dma_semaphore, #tpu.memory_space<semaphore_mem>>) src(%dma_wait3A_346 : memref<8x128xi32, #tpu.memory_space<hbm>>) dst(%arg8 : memref<8x128xi32, #tpu.memory_space<vmem>>)
        tpu.yield
      }) : () -> ()
      "tpu.region"() ({
        %run_scoped3A_338 = tpu.sem_alloc : memref<!tpu.dma_semaphore, #tpu.memory_space<semaphore_mem>>
        %dma_start3A_339 = arith.constant 0 : i32
        %dma_start3A_340 = tpu.memref_slice %arg5[%add3A_68, %dma_start3A_339] : memref<2560x128xi32, #tpu.memory_space<hbm>> -> memref<8x128xi32, #tpu.memory_space<hbm>>
        %dma_start3A_341 = arith.constant 0 : i32
        %dma_start3A_342 = tpu.memref_slice %arg5[%add3A_68, %dma_start3A_341] : memref<2560x128xi32, #tpu.memory_space<hbm>> -> memref<8x128xi32, #tpu.memory_space<hbm>>
        tpu.enqueue_dma source(%dma_start3A_342 : memref<8x128xi32, #tpu.memory_space<hbm>>) target(%arg9 : memref<8x128xi32, #tpu.memory_space<vmem>>) target_semaphore(%run_scoped3A_338 : memref<!tpu.dma_semaphore, #tpu.memory_space<semaphore_mem>>)
        %dma_wait3A_343 = arith.constant 0 : i32
        %dma_wait3A_344 = tpu.memref_slice %arg5[%add3A_68, %dma_wait3A_343] : memref<2560x128xi32, #tpu.memory_space<hbm>> -> memref<8x128xi32, #tpu.memory_space<hbm>>
        %dma_wait3A_345 = arith.constant 0 : i32
        %dma_wait3A_346 = tpu.memref_slice %arg5[%add3A_68, %dma_wait3A_345] : memref<2560x128xi32, #tpu.memory_space<hbm>> -> memref<8x128xi32, #tpu.memory_space<hbm>>
        tpu.wait_dma2 semaphore(%run_scoped3A_338 : memref<!tpu.dma_semaphore, #tpu.memory_space<semaphore_mem>>) src(%dma_wait3A_346 : memref<8x128xi32, #tpu.memory_space<hbm>>) dst(%arg9 : memref<8x128xi32, #tpu.memory_space<vmem>>)
        tpu.yield
      }) : () -> ()
      "tpu.region"() ({
        %run_scoped3A_338 = tpu.sem_alloc : memref<!tpu.dma_semaphore, #tpu.memory_space<semaphore_mem>>
        %dma_start3A_339 = arith.constant 0 : i32
        %dma_start3A_340 = tpu.memref_slice %arg6[%add3A_68, %dma_start3A_339] : memref<2560x128xi32, #tpu.memory_space<hbm>> -> memref<8x128xi32, #tpu.memory_space<hbm>>
        %dma_start3A_341 = arith.constant 0 : i32
        %dma_start3A_342 = tpu.memref_slice %arg6[%add3A_68, %dma_start3A_341] : memref<2560x128xi32, #tpu.memory_space<hbm>> -> memref<8x128xi32, #tpu.memory_space<hbm>>
        tpu.enqueue_dma source(%dma_start3A_342 : memref<8x128xi32, #tpu.memory_space<hbm>>) target(%arg10 : memref<8x128xi32, #tpu.memory_space<vmem>>) target_semaphore(%run_scoped3A_338 : memref<!tpu.dma_semaphore, #tpu.memory_space<semaphore_mem>>)
        %dma_wait3A_343 = arith.constant 0 : i32
        %dma_wait3A_344 = tpu.memref_slice %arg6[%add3A_68, %dma_wait3A_343] : memref<2560x128xi32, #tpu.memory_space<hbm>> -> memref<8x128xi32, #tpu.memory_space<hbm>>
        %dma_wait3A_345 = arith.constant 0 : i32
        %dma_wait3A_346 = tpu.memref_slice %arg6[%add3A_68, %dma_wait3A_345] : memref<2560x128xi32, #tpu.memory_space<hbm>> -> memref<8x128xi32, #tpu.memory_space<hbm>>
        tpu.wait_dma2 semaphore(%run_scoped3A_338 : memref<!tpu.dma_semaphore, #tpu.memory_space<semaphore_mem>>) src(%dma_wait3A_346 : memref<8x128xi32, #tpu.memory_space<hbm>>) dst(%arg10 : memref<8x128xi32, #tpu.memory_space<vmem>>)
        tpu.yield
      }) : () -> ()
      %dma_start3A = arith.constant 0 : i32
      %dma_start3A_69 = arith.constant 0 : i32
      %dma_start3A_70 = tpu.memref_slice %arg8[%dma_start3A, %dma_start3A_69] : memref<8x128xi32, #tpu.memory_space<vmem>> -> memref<1x128xi32, #tpu.memory_space<vmem>>
      %dma_start3A_71 = tpu.memref_squeeze %dma_start3A_70 : memref<1x128xi32, #tpu.memory_space<vmem>> -> memref<128xi32, #tpu.memory_space<vmem>>
      %dma_start3A_72 = arith.constant 0 : i32
      %dma_start3A_73 = arith.constant 0 : i32
      %dma_start3A_74 = tpu.memref_slice %arg2[%dma_start3A_72, %dma_start3A_73] : memref<10001x128xf32, #tpu.memory_space<hbm>> -> memref<10001x128xf32, #tpu.memory_space<hbm>>
      tpu.enqueue_indirect_dma source(%dma_start3A_74 : memref<10001x128xf32, #tpu.memory_space<hbm>>) target(%arg11 : memref<128x128xf32, #tpu.memory_space<vmem>>) offsets(%dma_start3A_71 : memref<128xi32, #tpu.memory_space<vmem>>) semaphore(%arg13 : memref<!tpu.dma_semaphore, #tpu.memory_space<semaphore_mem>>)
      %dma_start3A_75 = arith.constant 0 : i32
      %dma_start3A_76 = arith.constant 0 : i32
      %dma_start3A_77 = tpu.memref_slice %arg9[%dma_start3A_75, %dma_start3A_76] : memref<8x128xi32, #tpu.memory_space<vmem>> -> memref<1x128xi32, #tpu.memory_space<vmem>>
      %dma_start3A_78 = tpu.memref_squeeze %dma_start3A_77 : memref<1x128xi32, #tpu.memory_space<vmem>> -> memref<128xi32, #tpu.memory_space<vmem>>
      %dma_start3A_79 = arith.constant 0 : i32
      %dma_start3A_80 = arith.constant 0 : i32
      %dma_start3A_81 = tpu.memref_slice %arg3[%dma_start3A_79, %dma_start3A_80] : memref<201x128xf32, #tpu.memory_space<hbm>> -> memref<201x128xf32, #tpu.memory_space<hbm>>
      tpu.enqueue_indirect_dma source(%dma_start3A_81 : memref<201x128xf32, #tpu.memory_space<hbm>>) target(%arg12 : memref<128x128xf32, #tpu.memory_space<vmem>>) offsets(%dma_start3A_78 : memref<128xi32, #tpu.memory_space<vmem>>) semaphore(%arg14 : memref<!tpu.dma_semaphore, #tpu.memory_space<semaphore_mem>>)
      %dma_wait3A = arith.constant 0 : i32
      %dma_wait3A_82 = arith.constant 0 : i32
      %dma_wait3A_83 = tpu.memref_slice %arg8[%dma_wait3A, %dma_wait3A_82] : memref<8x128xi32, #tpu.memory_space<vmem>> -> memref<1x128xi32, #tpu.memory_space<vmem>>
      %dma_wait3A_84 = tpu.memref_squeeze %dma_wait3A_83 : memref<1x128xi32, #tpu.memory_space<vmem>> -> memref<128xi32, #tpu.memory_space<vmem>>
      %dma_wait3A_85 = arith.constant 0 : i32
      %dma_wait3A_86 = arith.constant 0 : i32
      %dma_wait3A_87 = tpu.memref_slice %arg2[%dma_wait3A_85, %dma_wait3A_86] : memref<10001x128xf32, #tpu.memory_space<hbm>> -> memref<10001x128xf32, #tpu.memory_space<hbm>>
      tpu.wait_indirect_dma semaphore(%arg13 : memref<!tpu.dma_semaphore, #tpu.memory_space<semaphore_mem>>) src(%dma_wait3A_87 : memref<10001x128xf32, #tpu.memory_space<hbm>>) dst(%arg11 : memref<128x128xf32, #tpu.memory_space<vmem>>)
      %dma_wait3A_88 = arith.constant 0 : i32
      %dma_wait3A_89 = arith.constant 0 : i32
      %dma_wait3A_90 = tpu.memref_slice %arg9[%dma_wait3A_88, %dma_wait3A_89] : memref<8x128xi32, #tpu.memory_space<vmem>> -> memref<1x128xi32, #tpu.memory_space<vmem>>
      %dma_wait3A_91 = tpu.memref_squeeze %dma_wait3A_90 : memref<1x128xi32, #tpu.memory_space<vmem>> -> memref<128xi32, #tpu.memory_space<vmem>>
      %dma_wait3A_92 = arith.constant 0 : i32
      %dma_wait3A_93 = arith.constant 0 : i32
      %dma_wait3A_94 = tpu.memref_slice %arg3[%dma_wait3A_92, %dma_wait3A_93] : memref<201x128xf32, #tpu.memory_space<hbm>> -> memref<201x128xf32, #tpu.memory_space<hbm>>
      tpu.wait_indirect_dma semaphore(%arg14 : memref<!tpu.dma_semaphore, #tpu.memory_space<semaphore_mem>>) src(%dma_wait3A_94 : memref<201x128xf32, #tpu.memory_space<hbm>>) dst(%arg12 : memref<128x128xf32, #tpu.memory_space<vmem>>)
      %scan3A_95 = arith.constant 0 : i32
      %scan3A_96 = arith.constant 128 : i32
      %scan3A_97 = arith.addi %scan3A_95, %scan3A_96 : i32
      %scan3A_98 = arith.constant 1 : i32
      scf.for %scan3A_338 = %scan3A_95 to %scan3A_97 step %scan3A_98  : i32 {
        %mul3A_339 = arith.constant 1 : i32
        %mul3A_340 = arith.muli %scan3A_338, %mul3A_339 : i32
        %add3A_341 = arith.constant 0 : i32
        %add3A_342 = arith.addi %add3A_341, %mul3A_340 : i32
        %get3A = arith.index_cast %add3A_342 : i32 to index
        %get3A_343 = arith.constant 0 : index
        %get3A_344 = tpu.vector_load %arg11[%get3A, %get3A_343] {strides = array<i32>} : memref<128x128xf32, #tpu.memory_space<vmem>>, vector<1x16xf32>,
        %get3A_345 = vector.shape_cast %get3A_344 : vector<1x16xf32> to vector<16xf32>
        %get3A_346 = arith.index_cast %add3A_342 : i32 to index
        %get3A_347 = arith.constant 0 : index
        %get3A_348 = tpu.vector_load %arg12[%get3A_346, %get3A_347] {strides = array<i32>} : memref<128x128xf32, #tpu.memory_space<vmem>>, vector<1x16xf32>,
        %get3A_349 = vector.shape_cast %get3A_348 : vector<1x16xf32> to vector<16xf32>
        %add3A_350 = arith.addf %get3A_345, %get3A_349 : vector<16xf32>
        %swap3A = arith.index_cast %add3A_342 : i32 to index
        %swap3A_351 = arith.constant 0 : index
        %swap3A_352 = tpu.vector_load %arg11[%swap3A, %swap3A_351] {strides = array<i32>} : memref<128x128xf32, #tpu.memory_space<vmem>>, vector<1x16xf32>,
        %swap3A_353 = vector.shape_cast %swap3A_352 : vector<1x16xf32> to vector<16xf32>
        %swap3A_354 = vector.shape_cast %add3A_350 : vector<16xf32> to vector<1x16xf32>
        tpu.vector_store %arg11[%swap3A, %swap3A_351], %swap3A_354 {strides = array<i32>} : memref<128x128xf32, #tpu.memory_space<vmem>>, vector<1x16xf32>,
        %get3A_355 = arith.index_cast %add3A_342 : i32 to index
        %get3A_356 = arith.constant 16 : index
        %get3A_357 = tpu.vector_load %arg11[%get3A_355, %get3A_356] {strides = array<i32>} : memref<128x128xf32, #tpu.memory_space<vmem>>, vector<1x16xf32>,
        %get3A_358 = vector.shape_cast %get3A_357 : vector<1x16xf32> to vector<16xf32>
        %get3A_359 = arith.index_cast %add3A_342 : i32 to index
        %get3A_360 = arith.constant 16 : index
        %get3A_361 = tpu.vector_load %arg12[%get3A_359, %get3A_360] {strides = array<i32>} : memref<128x128xf32, #tpu.memory_space<vmem>>, vector<1x16xf32>,
        %get3A_362 = vector.shape_cast %get3A_361 : vector<1x16xf32> to vector<16xf32>
        %add3A_363 = arith.addf %get3A_358, %get3A_362 : vector<16xf32>
        %swap3A_364 = arith.index_cast %add3A_342 : i32 to index
        %swap3A_365 = arith.constant 16 : index
        %swap3A_366 = tpu.vector_load %arg11[%swap3A_364, %swap3A_365] {strides = array<i32>} : memref<128x128xf32, #tpu.memory_space<vmem>>, vector<1x16xf32>,
        %swap3A_367 = vector.shape_cast %swap3A_366 : vector<1x16xf32> to vector<16xf32>
        %swap3A_368 = vector.shape_cast %add3A_363 : vector<16xf32> to vector<1x16xf32>
        tpu.vector_store %arg11[%swap3A_364, %swap3A_365], %swap3A_368 {strides = array<i32>} : memref<128x128xf32, #tpu.memory_space<vmem>>, vector<1x16xf32>,
        %get3A_369 = arith.index_cast %add3A_342 : i32 to index
        %get3A_370 = arith.constant 32 : index
        %get3A_371 = tpu.vector_load %arg11[%get3A_369, %get3A_370] {strides = array<i32>} : memref<128x128xf32, #tpu.memory_space<vmem>>, vector<1x16xf32>,
        %get3A_372 = vector.shape_cast %get3A_371 : vector<1x16xf32> to vector<16xf32>
        %get3A_373 = arith.index_cast %add3A_342 : i32 to index
        %get3A_374 = arith.constant 32 : index
        %get3A_375 = tpu.vector_load %arg12[%get3A_373, %get3A_374] {strides = array<i32>} : memref<128x128xf32, #tpu.memory_space<vmem>>, vector<1x16xf32>,
        %get3A_376 = vector.shape_cast %get3A_375 : vector<1x16xf32> to vector<16xf32>
        %add3A_377 = arith.addf %get3A_372, %get3A_376 : vector<16xf32>
        %swap3A_378 = arith.index_cast %add3A_342 : i32 to index
        %swap3A_379 = arith.constant 32 : index
        %swap3A_380 = tpu.vector_load %arg11[%swap3A_378, %swap3A_379] {strides = array<i32>} : memref<128x128xf32, #tpu.memory_space<vmem>>, vector<1x16xf32>,
        %swap3A_381 = vector.shape_cast %swap3A_380 : vector<1x16xf32> to vector<16xf32>
        %swap3A_382 = vector.shape_cast %add3A_377 : vector<16xf32> to vector<1x16xf32>
        tpu.vector_store %arg11[%swap3A_378, %swap3A_379], %swap3A_382 {strides = array<i32>} : memref<128x128xf32, #tpu.memory_space<vmem>>, vector<1x16xf32>,
        %get3A_383 = arith.index_cast %add3A_342 : i32 to index
        %get3A_384 = arith.constant 48 : index
        %get3A_385 = tpu.vector_load %arg11[%get3A_383, %get3A_384] {strides = array<i32>} : memref<128x128xf32, #tpu.memory_space<vmem>>, vector<1x16xf32>,
        %get3A_386 = vector.shape_cast %get3A_385 : vector<1x16xf32> to vector<16xf32>
        %get3A_387 = arith.index_cast %add3A_342 : i32 to index
        %get3A_388 = arith.constant 48 : index
        %get3A_389 = tpu.vector_load %arg12[%get3A_387, %get3A_388] {strides = array<i32>} : memref<128x128xf32, #tpu.memory_space<vmem>>, vector<1x16xf32>,
        %get3A_390 = vector.shape_cast %get3A_389 : vector<1x16xf32> to vector<16xf32>
        %add3A_391 = arith.addf %get3A_386, %get3A_390 : vector<16xf32>
        %swap3A_392 = arith.index_cast %add3A_342 : i32 to index
        %swap3A_393 = arith.constant 48 : index
        %swap3A_394 = tpu.vector_load %arg11[%swap3A_392, %swap3A_393] {strides = array<i32>} : memref<128x128xf32, #tpu.memory_space<vmem>>, vector<1x16xf32>,
        %swap3A_395 = vector.shape_cast %swap3A_394 : vector<1x16xf32> to vector<16xf32>
        %swap3A_396 = vector.shape_cast %add3A_391 : vector<16xf32> to vector<1x16xf32>
        tpu.vector_store %arg11[%swap3A_392, %swap3A_393], %swap3A_396 {strides = array<i32>} : memref<128x128xf32, #tpu.memory_space<vmem>>, vector<1x16xf32>,
        %get3A_397 = arith.index_cast %add3A_342 : i32 to index
        %get3A_398 = arith.constant 64 : index
        %get3A_399 = tpu.vector_load %arg11[%get3A_397, %get3A_398] {strides = array<i32>} : memref<128x128xf32, #tpu.memory_space<vmem>>, vector<1x16xf32>,
        %get3A_400 = vector.shape_cast %get3A_399 : vector<1x16xf32> to vector<16xf32>
        %get3A_401 = arith.index_cast %add3A_342 : i32 to index
        %get3A_402 = arith.constant 64 : index
        %get3A_403 = tpu.vector_load %arg12[%get3A_401, %get3A_402] {strides = array<i32>} : memref<128x128xf32, #tpu.memory_space<vmem>>, vector<1x16xf32>,
        %get3A_404 = vector.shape_cast %get3A_403 : vector<1x16xf32> to vector<16xf32>
        %add3A_405 = arith.addf %get3A_400, %get3A_404 : vector<16xf32>
        %swap3A_406 = arith.index_cast %add3A_342 : i32 to index
        %swap3A_407 = arith.constant 64 : index
        %swap3A_408 = tpu.vector_load %arg11[%swap3A_406, %swap3A_407] {strides = array<i32>} : memref<128x128xf32, #tpu.memory_space<vmem>>, vector<1x16xf32>,
        %swap3A_409 = vector.shape_cast %swap3A_408 : vector<1x16xf32> to vector<16xf32>
        %swap3A_410 = vector.shape_cast %add3A_405 : vector<16xf32> to vector<1x16xf32>
        tpu.vector_store %arg11[%swap3A_406, %swap3A_407], %swap3A_410 {strides = array<i32>} : memref<128x128xf32, #tpu.memory_space<vmem>>, vector<1x16xf32>,
        %get3A_411 = arith.index_cast %add3A_342 : i32 to index
        %get3A_412 = arith.constant 80 : index
        %get3A_413 = tpu.vector_load %arg11[%get3A_411, %get3A_412] {strides = array<i32>} : memref<128x128xf32, #tpu.memory_space<vmem>>, vector<1x16xf32>,
        %get3A_414 = vector.shape_cast %get3A_413 : vector<1x16xf32> to vector<16xf32>
        %get3A_415 = arith.index_cast %add3A_342 : i32 to index
        %get3A_416 = arith.constant 80 : index
        %get3A_417 = tpu.vector_load %arg12[%get3A_415, %get3A_416] {strides = array<i32>} : memref<128x128xf32, #tpu.memory_space<vmem>>, vector<1x16xf32>,
        %get3A_418 = vector.shape_cast %get3A_417 : vector<1x16xf32> to vector<16xf32>
        %add3A_419 = arith.addf %get3A_414, %get3A_418 : vector<16xf32>
        %swap3A_420 = arith.index_cast %add3A_342 : i32 to index
        %swap3A_421 = arith.constant 80 : index
        %swap3A_422 = tpu.vector_load %arg11[%swap3A_420, %swap3A_421] {strides = array<i32>} : memref<128x128xf32, #tpu.memory_space<vmem>>, vector<1x16xf32>,
        %swap3A_423 = vector.shape_cast %swap3A_422 : vector<1x16xf32> to vector<16xf32>
        %swap3A_424 = vector.shape_cast %add3A_419 : vector<16xf32> to vector<1x16xf32>
        tpu.vector_store %arg11[%swap3A_420, %swap3A_421], %swap3A_424 {strides = array<i32>} : memref<128x128xf32, #tpu.memory_space<vmem>>, vector<1x16xf32>,
        %get3A_425 = arith.index_cast %add3A_342 : i32 to index
        %get3A_426 = arith.constant 96 : index
        %get3A_427 = tpu.vector_load %arg11[%get3A_425, %get3A_426] {strides = array<i32>} : memref<128x128xf32, #tpu.memory_space<vmem>>, vector<1x16xf32>,
        %get3A_428 = vector.shape_cast %get3A_427 : vector<1x16xf32> to vector<16xf32>
        %get3A_429 = arith.index_cast %add3A_342 : i32 to index
        %get3A_430 = arith.constant 96 : index
        %get3A_431 = tpu.vector_load %arg12[%get3A_429, %get3A_430] {strides = array<i32>} : memref<128x128xf32, #tpu.memory_space<vmem>>, vector<1x16xf32>,
        %get3A_432 = vector.shape_cast %get3A_431 : vector<1x16xf32> to vector<16xf32>
        %add3A_433 = arith.addf %get3A_428, %get3A_432 : vector<16xf32>
        %swap3A_434 = arith.index_cast %add3A_342 : i32 to index
        %swap3A_435 = arith.constant 96 : index
        %swap3A_436 = tpu.vector_load %arg11[%swap3A_434, %swap3A_435] {strides = array<i32>} : memref<128x128xf32, #tpu.memory_space<vmem>>, vector<1x16xf32>,
        %swap3A_437 = vector.shape_cast %swap3A_436 : vector<1x16xf32> to vector<16xf32>
        %swap3A_438 = vector.shape_cast %add3A_433 : vector<16xf32> to vector<1x16xf32>
        tpu.vector_store %arg11[%swap3A_434, %swap3A_435], %swap3A_438 {strides = array<i32>} : memref<128x128xf32, #tpu.memory_space<vmem>>, vector<1x16xf32>,
        %get3A_439 = arith.index_cast %add3A_342 : i32 to index
        %get3A_440 = arith.constant 112 : index
        %get3A_441 = tpu.vector_load %arg11[%get3A_439, %get3A_440] {strides = array<i32>} : memref<128x128xf32, #tpu.memory_space<vmem>>, vector<1x16xf32>,
        %get3A_442 = vector.shape_cast %get3A_441 : vector<1x16xf32> to vector<16xf32>
        %get3A_443 = arith.index_cast %add3A_342 : i32 to index
        %get3A_444 = arith.constant 112 : index
        %get3A_445 = tpu.vector_load %arg12[%get3A_443, %get3A_444] {strides = array<i32>} : memref<128x128xf32, #tpu.memory_space<vmem>>, vector<1x16xf32>,
        %get3A_446 = vector.shape_cast %get3A_445 : vector<1x16xf32> to vector<16xf32>
        %add3A_447 = arith.addf %get3A_442, %get3A_446 : vector<16xf32>
        %swap3A_448 = arith.index_cast %add3A_342 : i32 to index
        %swap3A_449 = arith.constant 112 : index
        %swap3A_450 = tpu.vector_load %arg11[%swap3A_448, %swap3A_449] {strides = array<i32>} : memref<128x128xf32, #tpu.memory_space<vmem>>, vector<1x16xf32>,
        %swap3A_451 = vector.shape_cast %swap3A_450 : vector<1x16xf32> to vector<16xf32>
        %swap3A_452 = vector.shape_cast %add3A_447 : vector<16xf32> to vector<1x16xf32>
        tpu.vector_store %arg11[%swap3A_448, %swap3A_449], %swap3A_452 {strides = array<i32>} : memref<128x128xf32, #tpu.memory_space<vmem>>, vector<1x16xf32>,
      }
      %scan3A_99 = arith.constant 128 : i32
      %run_scoped3A = arith.constant 0 : i32
      "tpu.region"() ({
        %run_scoped3A_338 = tpu.sem_alloc : memref<!tpu.dma_semaphore, #tpu.memory_space<semaphore_mem>>
        %dma_start3A_339 = arith.constant 0 : i32
        %dma_start3A_340 = tpu.memref_slice %arg10[%run_scoped3A, %dma_start3A_339] : memref<8x128xi32, #tpu.memory_space<vmem>> -> memref<1x128xi32, #tpu.memory_space<vmem>>
        %dma_start3A_341 = tpu.memref_squeeze %dma_start3A_340 : memref<1x128xi32, #tpu.memory_space<vmem>> -> memref<128xi32, #tpu.memory_space<vmem>>
        %dma_start3A_342 = arith.constant 0 : i32
        %dma_start3A_343 = arith.constant 0 : i32
        %dma_start3A_344 = tpu.memref_slice %arg15[%dma_start3A_342, %dma_start3A_343] : memref<10112x128xf32, #tpu.memory_space<vmem_shared>> -> memref<10112x128xf32, #tpu.memory_space<vmem_shared>>
        tpu.enqueue_indirect_dma source(%arg11 : memref<128x128xf32, #tpu.memory_space<vmem>>) target(%dma_start3A_344 : memref<10112x128xf32, #tpu.memory_space<vmem_shared>>) offsets(%dma_start3A_341 : memref<128xi32, #tpu.memory_space<vmem>>) semaphore(%run_scoped3A_338 : memref<!tpu.dma_semaphore, #tpu.memory_space<semaphore_mem>>) {add = true}
        %dma_wait3A_345 = arith.constant 0 : i32
        %dma_wait3A_346 = tpu.memref_slice %arg10[%run_scoped3A, %dma_wait3A_345] : memref<8x128xi32, #tpu.memory_space<vmem>> -> memref<1x128xi32, #tpu.memory_space<vmem>>
        %dma_wait3A_347 = tpu.memref_squeeze %dma_wait3A_346 : memref<1x128xi32, #tpu.memory_space<vmem>> -> memref<128xi32, #tpu.memory_space<vmem>>
        %dma_wait3A_348 = arith.constant 0 : i32
        %dma_wait3A_349 = arith.constant 0 : i32
        %dma_wait3A_350 = tpu.memref_slice %arg15[%dma_wait3A_348, %dma_wait3A_349] : memref<10112x128xf32, #tpu.memory_space<vmem_shared>> -> memref<10112x128xf32, #tpu.memory_space<vmem_shared>>
        tpu.wait_indirect_dma semaphore(%run_scoped3A_338 : memref<!tpu.dma_semaphore, #tpu.memory_space<semaphore_mem>>) src(%arg11 : memref<128x128xf32, #tpu.memory_space<vmem>>) dst(%dma_wait3A_350 : memref<10112x128xf32, #tpu.memory_space<vmem_shared>>)
        tpu.yield
      }) : () -> ()
      %dma_start3A_100 = arith.constant 1 : i32
      %dma_start3A_101 = arith.constant 0 : i32
      %dma_start3A_102 = tpu.memref_slice %arg8[%dma_start3A_100, %dma_start3A_101] : memref<8x128xi32, #tpu.memory_space<vmem>> -> memref<1x128xi32, #tpu.memory_space<vmem>>
      %dma_start3A_103 = tpu.memref_squeeze %dma_start3A_102 : memref<1x128xi32, #tpu.memory_space<vmem>> -> memref<128xi32, #tpu.memory_space<vmem>>
      %dma_start3A_104 = arith.constant 0 : i32
      %dma_start3A_105 = arith.constant 0 : i32
      %dma_start3A_106 = tpu.memref_slice %arg2[%dma_start3A_104, %dma_start3A_105] : memref<10001x128xf32, #tpu.memory_space<hbm>> -> memref<10001x128xf32, #tpu.memory_space<hbm>>
      tpu.enqueue_indirect_dma source(%dma_start3A_106 : memref<10001x128xf32, #tpu.memory_space<hbm>>) target(%arg11 : memref<128x128xf32, #tpu.memory_space<vmem>>) offsets(%dma_start3A_103 : memref<128xi32, #tpu.memory_space<vmem>>) semaphore(%arg13 : memref<!tpu.dma_semaphore, #tpu.memory_space<semaphore_mem>>)
      %dma_start3A_107 = arith.constant 1 : i32
      %dma_start3A_108 = arith.constant 0 : i32
      %dma_start3A_109 = tpu.memref_slice %arg9[%dma_start3A_107, %dma_start3A_108] : memref<8x128xi32, #tpu.memory_space<vmem>> -> memref<1x128xi32, #tpu.memory_space<vmem>>
      %dma_start3A_110 = tpu.memref_squeeze %dma_start3A_109 : memref<1x128xi32, #tpu.memory_space<vmem>> -> memref<128xi32, #tpu.memory_space<vmem>>
      %dma_start3A_111 = arith.constant 0 : i32
      %dma_start3A_112 = arith.constant 0 : i32
      %dma_start3A_113 = tpu.memref_slice %arg3[%dma_start3A_111, %dma_start3A_112] : memref<201x128xf32, #tpu.memory_space<hbm>> -> memref<201x128xf32, #tpu.memory_space<hbm>>
      tpu.enqueue_indirect_dma source(%dma_start3A_113 : memref<201x128xf32, #tpu.memory_space<hbm>>) target(%arg12 : memref<128x128xf32, #tpu.memory_space<vmem>>) offsets(%dma_start3A_110 : memref<128xi32, #tpu.memory_space<vmem>>) semaphore(%arg14 : memref<!tpu.dma_semaphore, #tpu.memory_space<semaphore_mem>>)
      %dma_wait3A_114 = arith.constant 1 : i32
      %dma_wait3A_115 = arith.constant 0 : i32
      %dma_wait3A_116 = tpu.memref_slice %arg8[%dma_wait3A_114, %dma_wait3A_115] : memref<8x128xi32, #tpu.memory_space<vmem>> -> memref<1x128xi32, #tpu.memory_space<vmem>>
      %dma_wait3A_117 = tpu.memref_squeeze %dma_wait3A_116 : memref<1x128xi32, #tpu.memory_space<vmem>> -> memref<128xi32, #tpu.memory_space<vmem>>
      %dma_wait3A_118 = arith.constant 0 : i32
      %dma_wait3A_119 = arith.constant 0 : i32
      %dma_wait3A_120 = tpu.memref_slice %arg2[%dma_wait3A_118, %dma_wait3A_119] : memref<10001x128xf32, #tpu.memory_space<hbm>> -> memref<10001x128xf32, #tpu.memory_space<hbm>>
      tpu.wait_indirect_dma semaphore(%arg13 : memref<!tpu.dma_semaphore, #tpu.memory_space<semaphore_mem>>) src(%dma_wait3A_120 : memref<10001x128xf32, #tpu.memory_space<hbm>>) dst(%arg11 : memref<128x128xf32, #tpu.memory_space<vmem>>)
      %dma_wait3A_121 = arith.constant 1 : i32
      %dma_wait3A_122 = arith.constant 0 : i32
      %dma_wait3A_123 = tpu.memref_slice %arg9[%dma_wait3A_121, %dma_wait3A_122] : memref<8x128xi32, #tpu.memory_space<vmem>> -> memref<1x128xi32, #tpu.memory_space<vmem>>
      %dma_wait3A_124 = tpu.memref_squeeze %dma_wait3A_123 : memref<1x128xi32, #tpu.memory_space<vmem>> -> memref<128xi32, #tpu.memory_space<vmem>>
      %dma_wait3A_125 = arith.constant 0 : i32
      %dma_wait3A_126 = arith.constant 0 : i32
      %dma_wait3A_127 = tpu.memref_slice %arg3[%dma_wait3A_125, %dma_wait3A_126] : memref<201x128xf32, #tpu.memory_space<hbm>> -> memref<201x128xf32, #tpu.memory_space<hbm>>
      tpu.wait_indirect_dma semaphore(%arg14 : memref<!tpu.dma_semaphore, #tpu.memory_space<semaphore_mem>>) src(%dma_wait3A_127 : memref<201x128xf32, #tpu.memory_space<hbm>>) dst(%arg12 : memref<128x128xf32, #tpu.memory_space<vmem>>)
      %scan3A_128 = arith.constant 0 : i32
      %scan3A_129 = arith.constant 128 : i32
      %scan3A_130 = arith.addi %scan3A_128, %scan3A_129 : i32
      %scan3A_131 = arith.constant 1 : i32
      scf.for %scan3A_338 = %scan3A_128 to %scan3A_130 step %scan3A_131  : i32 {
        %mul3A_339 = arith.constant 1 : i32
        %mul3A_340 = arith.muli %scan3A_338, %mul3A_339 : i32
        %add3A_341 = arith.constant 0 : i32
        %add3A_342 = arith.addi %add3A_341, %mul3A_340 : i32
        %get3A = arith.index_cast %add3A_342 : i32 to index
        %get3A_343 = arith.constant 0 : index
        %get3A_344 = tpu.vector_load %arg11[%get3A, %get3A_343] {strides = array<i32>} : memref<128x128xf32, #tpu.memory_space<vmem>>, vector<1x16xf32>,
        %get3A_345 = vector.shape_cast %get3A_344 : vector<1x16xf32> to vector<16xf32>
        %get3A_346 = arith.index_cast %add3A_342 : i32 to index
        %get3A_347 = arith.constant 0 : index
        %get3A_348 = tpu.vector_load %arg12[%get3A_346, %get3A_347] {strides = array<i32>} : memref<128x128xf32, #tpu.memory_space<vmem>>, vector<1x16xf32>,
        %get3A_349 = vector.shape_cast %get3A_348 : vector<1x16xf32> to vector<16xf32>
        %add3A_350 = arith.addf %get3A_345, %get3A_349 : vector<16xf32>
        %swap3A = arith.index_cast %add3A_342 : i32 to index
        %swap3A_351 = arith.constant 0 : index
        %swap3A_352 = tpu.vector_load %arg11[%swap3A, %swap3A_351] {strides = array<i32>} : memref<128x128xf32, #tpu.memory_space<vmem>>, vector<1x16xf32>,
        %swap3A_353 = vector.shape_cast %swap3A_352 : vector<1x16xf32> to vector<16xf32>
        %swap3A_354 = vector.shape_cast %add3A_350 : vector<16xf32> to vector<1x16xf32>
        tpu.vector_store %arg11[%swap3A, %swap3A_351], %swap3A_354 {strides = array<i32>} : memref<128x128xf32, #tpu.memory_space<vmem>>, vector<1x16xf32>,
        %get3A_355 = arith.index_cast %add3A_342 : i32 to index
        %get3A_356 = arith.constant 16 : index
        %get3A_357 = tpu.vector_load %arg11[%get3A_355, %get3A_356] {strides = array<i32>} : memref<128x128xf32, #tpu.memory_space<vmem>>, vector<1x16xf32>,
        %get3A_358 = vector.shape_cast %get3A_357 : vector<1x16xf32> to vector<16xf32>
        %get3A_359 = arith.index_cast %add3A_342 : i32 to index
        %get3A_360 = arith.constant 16 : index
        %get3A_361 = tpu.vector_load %arg12[%get3A_359, %get3A_360] {strides = array<i32>} : memref<128x128xf32, #tpu.memory_space<vmem>>, vector<1x16xf32>,
        %get3A_362 = vector.shape_cast %get3A_361 : vector<1x16xf32> to vector<16xf32>
        %add3A_363 = arith.addf %get3A_358, %get3A_362 : vector<16xf32>
        %swap3A_364 = arith.index_cast %add3A_342 : i32 to index
        %swap3A_365 = arith.constant 16 : index
        %swap3A_366 = tpu.vector_load %arg11[%swap3A_364, %swap3A_365] {strides = array<i32>} : memref<128x128xf32, #tpu.memory_space<vmem>>, vector<1x16xf32>,
        %swap3A_367 = vector.shape_cast %swap3A_366 : vector<1x16xf32> to vector<16xf32>
        %swap3A_368 = vector.shape_cast %add3A_363 : vector<16xf32> to vector<1x16xf32>
        tpu.vector_store %arg11[%swap3A_364, %swap3A_365], %swap3A_368 {strides = array<i32>} : memref<128x128xf32, #tpu.memory_space<vmem>>, vector<1x16xf32>,
        %get3A_369 = arith.index_cast %add3A_342 : i32 to index
        %get3A_370 = arith.constant 32 : index
        %get3A_371 = tpu.vector_load %arg11[%get3A_369, %get3A_370] {strides = array<i32>} : memref<128x128xf32, #tpu.memory_space<vmem>>, vector<1x16xf32>,
        %get3A_372 = vector.shape_cast %get3A_371 : vector<1x16xf32> to vector<16xf32>
        %get3A_373 = arith.index_cast %add3A_342 : i32 to index
        %get3A_374 = arith.constant 32 : index
        %get3A_375 = tpu.vector_load %arg12[%get3A_373, %get3A_374] {strides = array<i32>} : memref<128x128xf32, #tpu.memory_space<vmem>>, vector<1x16xf32>,
        %get3A_376 = vector.shape_cast %get3A_375 : vector<1x16xf32> to vector<16xf32>
        %add3A_377 = arith.addf %get3A_372, %get3A_376 : vector<16xf32>
        %swap3A_378 = arith.index_cast %add3A_342 : i32 to index
        %swap3A_379 = arith.constant 32 : index
        %swap3A_380 = tpu.vector_load %arg11[%swap3A_378, %swap3A_379] {strides = array<i32>} : memref<128x128xf32, #tpu.memory_space<vmem>>, vector<1x16xf32>,
        %swap3A_381 = vector.shape_cast %swap3A_380 : vector<1x16xf32> to vector<16xf32>
        %swap3A_382 = vector.shape_cast %add3A_377 : vector<16xf32> to vector<1x16xf32>
        tpu.vector_store %arg11[%swap3A_378, %swap3A_379], %swap3A_382 {strides = array<i32>} : memref<128x128xf32, #tpu.memory_space<vmem>>, vector<1x16xf32>,
        %get3A_383 = arith.index_cast %add3A_342 : i32 to index
        %get3A_384 = arith.constant 48 : index
        %get3A_385 = tpu.vector_load %arg11[%get3A_383, %get3A_384] {strides = array<i32>} : memref<128x128xf32, #tpu.memory_space<vmem>>, vector<1x16xf32>,
        %get3A_386 = vector.shape_cast %get3A_385 : vector<1x16xf32> to vector<16xf32>
        %get3A_387 = arith.index_cast %add3A_342 : i32 to index
        %get3A_388 = arith.constant 48 : index
        %get3A_389 = tpu.vector_load %arg12[%get3A_387, %get3A_388] {strides = array<i32>} : memref<128x128xf32, #tpu.memory_space<vmem>>, vector<1x16xf32>,
        %get3A_390 = vector.shape_cast %get3A_389 : vector<1x16xf32> to vector<16xf32>
        %add3A_391 = arith.addf %get3A_386, %get3A_390 : vector<16xf32>
        %swap3A_392 = arith.index_cast %add3A_342 : i32 to index
        %swap3A_393 = arith.constant 48 : index
        %swap3A_394 = tpu.vector_load %arg11[%swap3A_392, %swap3A_393] {strides = array<i32>} : memref<128x128xf32, #tpu.memory_space<vmem>>, vector<1x16xf32>,
        %swap3A_395 = vector.shape_cast %swap3A_394 : vector<1x16xf32> to vector<16xf32>
        %swap3A_396 = vector.shape_cast %add3A_391 : vector<16xf32> to vector<1x16xf32>
        tpu.vector_store %arg11[%swap3A_392, %swap3A_393], %swap3A_396 {strides = array<i32>} : memref<128x128xf32, #tpu.memory_space<vmem>>, vector<1x16xf32>,
        %get3A_397 = arith.index_cast %add3A_342 : i32 to index
        %get3A_398 = arith.constant 64 : index
        %get3A_399 = tpu.vector_load %arg11[%get3A_397, %get3A_398] {strides = array<i32>} : memref<128x128xf32, #tpu.memory_space<vmem>>, vector<1x16xf32>,
        %get3A_400 = vector.shape_cast %get3A_399 : vector<1x16xf32> to vector<16xf32>
        %get3A_401 = arith.index_cast %add3A_342 : i32 to index
        %get3A_402 = arith.constant 64 : index
        %get3A_403 = tpu.vector_load %arg12[%get3A_401, %get3A_402] {strides = array<i32>} : memref<128x128xf32, #tpu.memory_space<vmem>>, vector<1x16xf32>,
        %get3A_404 = vector.shape_cast %get3A_403 : vector<1x16xf32> to vector<16xf32>
        %add3A_405 = arith.addf %get3A_400, %get3A_404 : vector<16xf32>
        %swap3A_406 = arith.index_cast %add3A_342 : i32 to index
        %swap3A_407 = arith.constant 64 : index
        %swap3A_408 = tpu.vector_load %arg11[%swap3A_406, %swap3A_407] {strides = array<i32>} : memref<128x128xf32, #tpu.memory_space<vmem>>, vector<1x16xf32>,
        %swap3A_409 = vector.shape_cast %swap3A_408 : vector<1x16xf32> to vector<16xf32>
        %swap3A_410 = vector.shape_cast %add3A_405 : vector<16xf32> to vector<1x16xf32>
        tpu.vector_store %arg11[%swap3A_406, %swap3A_407], %swap3A_410 {strides = array<i32>} : memref<128x128xf32, #tpu.memory_space<vmem>>, vector<1x16xf32>,
        %get3A_411 = arith.index_cast %add3A_342 : i32 to index
        %get3A_412 = arith.constant 80 : index
        %get3A_413 = tpu.vector_load %arg11[%get3A_411, %get3A_412] {strides = array<i32>} : memref<128x128xf32, #tpu.memory_space<vmem>>, vector<1x16xf32>,
        %get3A_414 = vector.shape_cast %get3A_413 : vector<1x16xf32> to vector<16xf32>
        %get3A_415 = arith.index_cast %add3A_342 : i32 to index
        %get3A_416 = arith.constant 80 : index
        %get3A_417 = tpu.vector_load %arg12[%get3A_415, %get3A_416] {strides = array<i32>} : memref<128x128xf32, #tpu.memory_space<vmem>>, vector<1x16xf32>,
        %get3A_418 = vector.shape_cast %get3A_417 : vector<1x16xf32> to vector<16xf32>
        %add3A_419 = arith.addf %get3A_414, %get3A_418 : vector<16xf32>
        %swap3A_420 = arith.index_cast %add3A_342 : i32 to index
        %swap3A_421 = arith.constant 80 : index
        %swap3A_422 = tpu.vector_load %arg11[%swap3A_420, %swap3A_421] {strides = array<i32>} : memref<128x128xf32, #tpu.memory_space<vmem>>, vector<1x16xf32>,
        %swap3A_423 = vector.shape_cast %swap3A_422 : vector<1x16xf32> to vector<16xf32>
        %swap3A_424 = vector.shape_cast %add3A_419 : vector<16xf32> to vector<1x16xf32>
        tpu.vector_store %arg11[%swap3A_420, %swap3A_421], %swap3A_424 {strides = array<i32>} : memref<128x128xf32, #tpu.memory_space<vmem>>, vector<1x16xf32>,
        %get3A_425 = arith.index_cast %add3A_342 : i32 to index
        %get3A_426 = arith.constant 96 : index
        %get3A_427 = tpu.vector_load %arg11[%get3A_425, %get3A_426] {strides = array<i32>} : memref<128x128xf32, #tpu.memory_space<vmem>>, vector<1x16xf32>,
        %get3A_428 = vector.shape_cast %get3A_427 : vector<1x16xf32> to vector<16xf32>
        %get3A_429 = arith.index_cast %add3A_342 : i32 to index
        %get3A_430 = arith.constant 96 : index
        %get3A_431 = tpu.vector_load %arg12[%get3A_429, %get3A_430] {strides = array<i32>} : memref<128x128xf32, #tpu.memory_space<vmem>>, vector<1x16xf32>,
        %get3A_432 = vector.shape_cast %get3A_431 : vector<1x16xf32> to vector<16xf32>
        %add3A_433 = arith.addf %get3A_428, %get3A_432 : vector<16xf32>
        %swap3A_434 = arith.index_cast %add3A_342 : i32 to index
        %swap3A_435 = arith.constant 96 : index
        %swap3A_436 = tpu.vector_load %arg11[%swap3A_434, %swap3A_435] {strides = array<i32>} : memref<128x128xf32, #tpu.memory_space<vmem>>, vector<1x16xf32>,
        %swap3A_437 = vector.shape_cast %swap3A_436 : vector<1x16xf32> to vector<16xf32>
        %swap3A_438 = vector.shape_cast %add3A_433 : vector<16xf32> to vector<1x16xf32>
        tpu.vector_store %arg11[%swap3A_434, %swap3A_435], %swap3A_438 {strides = array<i32>} : memref<128x128xf32, #tpu.memory_space<vmem>>, vector<1x16xf32>,
        %get3A_439 = arith.index_cast %add3A_342 : i32 to index
        %get3A_440 = arith.constant 112 : index
        %get3A_441 = tpu.vector_load %arg11[%get3A_439, %get3A_440] {strides = array<i32>} : memref<128x128xf32, #tpu.memory_space<vmem>>, vector<1x16xf32>,
        %get3A_442 = vector.shape_cast %get3A_441 : vector<1x16xf32> to vector<16xf32>
        %get3A_443 = arith.index_cast %add3A_342 : i32 to index
        %get3A_444 = arith.constant 112 : index
        %get3A_445 = tpu.vector_load %arg12[%get3A_443, %get3A_444] {strides = array<i32>} : memref<128x128xf32, #tpu.memory_space<vmem>>, vector<1x16xf32>,
        %get3A_446 = vector.shape_cast %get3A_445 : vector<1x16xf32> to vector<16xf32>
        %add3A_447 = arith.addf %get3A_442, %get3A_446 : vector<16xf32>
        %swap3A_448 = arith.index_cast %add3A_342 : i32 to index
        %swap3A_449 = arith.constant 112 : index
        %swap3A_450 = tpu.vector_load %arg11[%swap3A_448, %swap3A_449] {strides = array<i32>} : memref<128x128xf32, #tpu.memory_space<vmem>>, vector<1x16xf32>,
        %swap3A_451 = vector.shape_cast %swap3A_450 : vector<1x16xf32> to vector<16xf32>
        %swap3A_452 = vector.shape_cast %add3A_447 : vector<16xf32> to vector<1x16xf32>
        tpu.vector_store %arg11[%swap3A_448, %swap3A_449], %swap3A_452 {strides = array<i32>} : memref<128x128xf32, #tpu.memory_space<vmem>>, vector<1x16xf32>,
      }
      %scan3A_132 = arith.constant 128 : i32
      %run_scoped3A_133 = arith.constant 1 : i32
      "tpu.region"() ({
        %run_scoped3A_338 = tpu.sem_alloc : memref<!tpu.dma_semaphore, #tpu.memory_space<semaphore_mem>>
        %dma_start3A_339 = arith.constant 0 : i32
        %dma_start3A_340 = tpu.memref_slice %arg10[%run_scoped3A_133, %dma_start3A_339] : memref<8x128xi32, #tpu.memory_space<vmem>> -> memref<1x128xi32, #tpu.memory_space<vmem>>
        %dma_start3A_341 = tpu.memref_squeeze %dma_start3A_340 : memref<1x128xi32, #tpu.memory_space<vmem>> -> memref<128xi32, #tpu.memory_space<vmem>>
        %dma_start3A_342 = arith.constant 0 : i32
        %dma_start3A_343 = arith.constant 0 : i32
        %dma_start3A_344 = tpu.memref_slice %arg15[%dma_start3A_342, %dma_start3A_343] : memref<10112x128xf32, #tpu.memory_space<vmem_shared>> -> memref<10112x128xf32, #tpu.memory_space<vmem_shared>>
        tpu.enqueue_indirect_dma source(%arg11 : memref<128x128xf32, #tpu.memory_space<vmem>>) target(%dma_start3A_344 : memref<10112x128xf32, #tpu.memory_space<vmem_shared>>) offsets(%dma_start3A_341 : memref<128xi32, #tpu.memory_space<vmem>>) semaphore(%run_scoped3A_338 : memref<!tpu.dma_semaphore, #tpu.memory_space<semaphore_mem>>) {add = true}
        %dma_wait3A_345 = arith.constant 0 : i32
        %dma_wait3A_346 = tpu.memref_slice %arg10[%run_scoped3A_133, %dma_wait3A_345] : memref<8x128xi32, #tpu.memory_space<vmem>> -> memref<1x128xi32, #tpu.memory_space<vmem>>
        %dma_wait3A_347 = tpu.memref_squeeze %dma_wait3A_346 : memref<1x128xi32, #tpu.memory_space<vmem>> -> memref<128xi32, #tpu.memory_space<vmem>>
        %dma_wait3A_348 = arith.constant 0 : i32
        %dma_wait3A_349 = arith.constant 0 : i32
        %dma_wait3A_350 = tpu.memref_slice %arg15[%dma_wait3A_348, %dma_wait3A_349] : memref<10112x128xf32, #tpu.memory_space<vmem_shared>> -> memref<10112x128xf32, #tpu.memory_space<vmem_shared>>
        tpu.wait_indirect_dma semaphore(%run_scoped3A_338 : memref<!tpu.dma_semaphore, #tpu.memory_space<semaphore_mem>>) src(%arg11 : memref<128x128xf32, #tpu.memory_space<vmem>>) dst(%dma_wait3A_350 : memref<10112x128xf32, #tpu.memory_space<vmem_shared>>)
        tpu.yield
      }) : () -> ()
      %dma_start3A_134 = arith.constant 2 : i32
      %dma_start3A_135 = arith.constant 0 : i32
      %dma_start3A_136 = tpu.memref_slice %arg8[%dma_start3A_134, %dma_start3A_135] : memref<8x128xi32, #tpu.memory_space<vmem>> -> memref<1x128xi32, #tpu.memory_space<vmem>>
      %dma_start3A_137 = tpu.memref_squeeze %dma_start3A_136 : memref<1x128xi32, #tpu.memory_space<vmem>> -> memref<128xi32, #tpu.memory_space<vmem>>
      %dma_start3A_138 = arith.constant 0 : i32
      %dma_start3A_139 = arith.constant 0 : i32
      %dma_start3A_140 = tpu.memref_slice %arg2[%dma_start3A_138, %dma_start3A_139] : memref<10001x128xf32, #tpu.memory_space<hbm>> -> memref<10001x128xf32, #tpu.memory_space<hbm>>
      tpu.enqueue_indirect_dma source(%dma_start3A_140 : memref<10001x128xf32, #tpu.memory_space<hbm>>) target(%arg11 : memref<128x128xf32, #tpu.memory_space<vmem>>) offsets(%dma_start3A_137 : memref<128xi32, #tpu.memory_space<vmem>>) semaphore(%arg13 : memref<!tpu.dma_semaphore, #tpu.memory_space<semaphore_mem>>)
      %dma_start3A_141 = arith.constant 2 : i32
      %dma_start3A_142 = arith.constant 0 : i32
      %dma_start3A_143 = tpu.memref_slice %arg9[%dma_start3A_141, %dma_start3A_142] : memref<8x128xi32, #tpu.memory_space<vmem>> -> memref<1x128xi32, #tpu.memory_space<vmem>>
      %dma_start3A_144 = tpu.memref_squeeze %dma_start3A_143 : memref<1x128xi32, #tpu.memory_space<vmem>> -> memref<128xi32, #tpu.memory_space<vmem>>
      %dma_start3A_145 = arith.constant 0 : i32
      %dma_start3A_146 = arith.constant 0 : i32
      %dma_start3A_147 = tpu.memref_slice %arg3[%dma_start3A_145, %dma_start3A_146] : memref<201x128xf32, #tpu.memory_space<hbm>> -> memref<201x128xf32, #tpu.memory_space<hbm>>
      tpu.enqueue_indirect_dma source(%dma_start3A_147 : memref<201x128xf32, #tpu.memory_space<hbm>>) target(%arg12 : memref<128x128xf32, #tpu.memory_space<vmem>>) offsets(%dma_start3A_144 : memref<128xi32, #tpu.memory_space<vmem>>) semaphore(%arg14 : memref<!tpu.dma_semaphore, #tpu.memory_space<semaphore_mem>>)
      %dma_wait3A_148 = arith.constant 2 : i32
      %dma_wait3A_149 = arith.constant 0 : i32
      %dma_wait3A_150 = tpu.memref_slice %arg8[%dma_wait3A_148, %dma_wait3A_149] : memref<8x128xi32, #tpu.memory_space<vmem>> -> memref<1x128xi32, #tpu.memory_space<vmem>>
      %dma_wait3A_151 = tpu.memref_squeeze %dma_wait3A_150 : memref<1x128xi32, #tpu.memory_space<vmem>> -> memref<128xi32, #tpu.memory_space<vmem>>
      %dma_wait3A_152 = arith.constant 0 : i32
      %dma_wait3A_153 = arith.constant 0 : i32
      %dma_wait3A_154 = tpu.memref_slice %arg2[%dma_wait3A_152, %dma_wait3A_153] : memref<10001x128xf32, #tpu.memory_space<hbm>> -> memref<10001x128xf32, #tpu.memory_space<hbm>>
      tpu.wait_indirect_dma semaphore(%arg13 : memref<!tpu.dma_semaphore, #tpu.memory_space<semaphore_mem>>) src(%dma_wait3A_154 : memref<10001x128xf32, #tpu.memory_space<hbm>>) dst(%arg11 : memref<128x128xf32, #tpu.memory_space<vmem>>)
      %dma_wait3A_155 = arith.constant 2 : i32
      %dma_wait3A_156 = arith.constant 0 : i32
      %dma_wait3A_157 = tpu.memref_slice %arg9[%dma_wait3A_155, %dma_wait3A_156] : memref<8x128xi32, #tpu.memory_space<vmem>> -> memref<1x128xi32, #tpu.memory_space<vmem>>
      %dma_wait3A_158 = tpu.memref_squeeze %dma_wait3A_157 : memref<1x128xi32, #tpu.memory_space<vmem>> -> memref<128xi32, #tpu.memory_space<vmem>>
      %dma_wait3A_159 = arith.constant 0 : i32
      %dma_wait3A_160 = arith.constant 0 : i32
      %dma_wait3A_161 = tpu.memref_slice %arg3[%dma_wait3A_159, %dma_wait3A_160] : memref<201x128xf32, #tpu.memory_space<hbm>> -> memref<201x128xf32, #tpu.memory_space<hbm>>
      tpu.wait_indirect_dma semaphore(%arg14 : memref<!tpu.dma_semaphore, #tpu.memory_space<semaphore_mem>>) src(%dma_wait3A_161 : memref<201x128xf32, #tpu.memory_space<hbm>>) dst(%arg12 : memref<128x128xf32, #tpu.memory_space<vmem>>)
      %scan3A_162 = arith.constant 0 : i32
      %scan3A_163 = arith.constant 128 : i32
      %scan3A_164 = arith.addi %scan3A_162, %scan3A_163 : i32
      %scan3A_165 = arith.constant 1 : i32
      scf.for %scan3A_338 = %scan3A_162 to %scan3A_164 step %scan3A_165  : i32 {
        %mul3A_339 = arith.constant 1 : i32
        %mul3A_340 = arith.muli %scan3A_338, %mul3A_339 : i32
        %add3A_341 = arith.constant 0 : i32
        %add3A_342 = arith.addi %add3A_341, %mul3A_340 : i32
        %get3A = arith.index_cast %add3A_342 : i32 to index
        %get3A_343 = arith.constant 0 : index
        %get3A_344 = tpu.vector_load %arg11[%get3A, %get3A_343] {strides = array<i32>} : memref<128x128xf32, #tpu.memory_space<vmem>>, vector<1x16xf32>,
        %get3A_345 = vector.shape_cast %get3A_344 : vector<1x16xf32> to vector<16xf32>
        %get3A_346 = arith.index_cast %add3A_342 : i32 to index
        %get3A_347 = arith.constant 0 : index
        %get3A_348 = tpu.vector_load %arg12[%get3A_346, %get3A_347] {strides = array<i32>} : memref<128x128xf32, #tpu.memory_space<vmem>>, vector<1x16xf32>,
        %get3A_349 = vector.shape_cast %get3A_348 : vector<1x16xf32> to vector<16xf32>
        %add3A_350 = arith.addf %get3A_345, %get3A_349 : vector<16xf32>
        %swap3A = arith.index_cast %add3A_342 : i32 to index
        %swap3A_351 = arith.constant 0 : index
        %swap3A_352 = tpu.vector_load %arg11[%swap3A, %swap3A_351] {strides = array<i32>} : memref<128x128xf32, #tpu.memory_space<vmem>>, vector<1x16xf32>,
        %swap3A_353 = vector.shape_cast %swap3A_352 : vector<1x16xf32> to vector<16xf32>
        %swap3A_354 = vector.shape_cast %add3A_350 : vector<16xf32> to vector<1x16xf32>
        tpu.vector_store %arg11[%swap3A, %swap3A_351], %swap3A_354 {strides = array<i32>} : memref<128x128xf32, #tpu.memory_space<vmem>>, vector<1x16xf32>,
        %get3A_355 = arith.index_cast %add3A_342 : i32 to index
        %get3A_356 = arith.constant 16 : index
        %get3A_357 = tpu.vector_load %arg11[%get3A_355, %get3A_356] {strides = array<i32>} : memref<128x128xf32, #tpu.memory_space<vmem>>, vector<1x16xf32>,
        %get3A_358 = vector.shape_cast %get3A_357 : vector<1x16xf32> to vector<16xf32>
        %get3A_359 = arith.index_cast %add3A_342 : i32 to index
        %get3A_360 = arith.constant 16 : index
        %get3A_361 = tpu.vector_load %arg12[%get3A_359, %get3A_360] {strides = array<i32>} : memref<128x128xf32, #tpu.memory_space<vmem>>, vector<1x16xf32>,
        %get3A_362 = vector.shape_cast %get3A_361 : vector<1x16xf32> to vector<16xf32>
        %add3A_363 = arith.addf %get3A_358, %get3A_362 : vector<16xf32>
        %swap3A_364 = arith.index_cast %add3A_342 : i32 to index
        %swap3A_365 = arith.constant 16 : index
        %swap3A_366 = tpu.vector_load %arg11[%swap3A_364, %swap3A_365] {strides = array<i32>} : memref<128x128xf32, #tpu.memory_space<vmem>>, vector<1x16xf32>,
        %swap3A_367 = vector.shape_cast %swap3A_366 : vector<1x16xf32> to vector<16xf32>
        %swap3A_368 = vector.shape_cast %add3A_363 : vector<16xf32> to vector<1x16xf32>
        tpu.vector_store %arg11[%swap3A_364, %swap3A_365], %swap3A_368 {strides = array<i32>} : memref<128x128xf32, #tpu.memory_space<vmem>>, vector<1x16xf32>,
        %get3A_369 = arith.index_cast %add3A_342 : i32 to index
        %get3A_370 = arith.constant 32 : index
        %get3A_371 = tpu.vector_load %arg11[%get3A_369, %get3A_370] {strides = array<i32>} : memref<128x128xf32, #tpu.memory_space<vmem>>, vector<1x16xf32>,
        %get3A_372 = vector.shape_cast %get3A_371 : vector<1x16xf32> to vector<16xf32>
        %get3A_373 = arith.index_cast %add3A_342 : i32 to index
        %get3A_374 = arith.constant 32 : index
        %get3A_375 = tpu.vector_load %arg12[%get3A_373, %get3A_374] {strides = array<i32>} : memref<128x128xf32, #tpu.memory_space<vmem>>, vector<1x16xf32>,
        %get3A_376 = vector.shape_cast %get3A_375 : vector<1x16xf32> to vector<16xf32>
        %add3A_377 = arith.addf %get3A_372, %get3A_376 : vector<16xf32>
        %swap3A_378 = arith.index_cast %add3A_342 : i32 to index
        %swap3A_379 = arith.constant 32 : index
        %swap3A_380 = tpu.vector_load %arg11[%swap3A_378, %swap3A_379] {strides = array<i32>} : memref<128x128xf32, #tpu.memory_space<vmem>>, vector<1x16xf32>,
        %swap3A_381 = vector.shape_cast %swap3A_380 : vector<1x16xf32> to vector<16xf32>
        %swap3A_382 = vector.shape_cast %add3A_377 : vector<16xf32> to vector<1x16xf32>
        tpu.vector_store %arg11[%swap3A_378, %swap3A_379], %swap3A_382 {strides = array<i32>} : memref<128x128xf32, #tpu.memory_space<vmem>>, vector<1x16xf32>,
        %get3A_383 = arith.index_cast %add3A_342 : i32 to index
        %get3A_384 = arith.constant 48 : index
        %get3A_385 = tpu.vector_load %arg11[%get3A_383, %get3A_384] {strides = array<i32>} : memref<128x128xf32, #tpu.memory_space<vmem>>, vector<1x16xf32>,
        %get3A_386 = vector.shape_cast %get3A_385 : vector<1x16xf32> to vector<16xf32>
        %get3A_387 = arith.index_cast %add3A_342 : i32 to index
        %get3A_388 = arith.constant 48 : index
        %get3A_389 = tpu.vector_load %arg12[%get3A_387, %get3A_388] {strides = array<i32>} : memref<128x128xf32, #tpu.memory_space<vmem>>, vector<1x16xf32>,
        %get3A_390 = vector.shape_cast %get3A_389 : vector<1x16xf32> to vector<16xf32>
        %add3A_391 = arith.addf %get3A_386, %get3A_390 : vector<16xf32>
        %swap3A_392 = arith.index_cast %add3A_342 : i32 to index
        %swap3A_393 = arith.constant 48 : index
        %swap3A_394 = tpu.vector_load %arg11[%swap3A_392, %swap3A_393] {strides = array<i32>} : memref<128x128xf32, #tpu.memory_space<vmem>>, vector<1x16xf32>,
        %swap3A_395 = vector.shape_cast %swap3A_394 : vector<1x16xf32> to vector<16xf32>
        %swap3A_396 = vector.shape_cast %add3A_391 : vector<16xf32> to vector<1x16xf32>
        tpu.vector_store %arg11[%swap3A_392, %swap3A_393], %swap3A_396 {strides = array<i32>} : memref<128x128xf32, #tpu.memory_space<vmem>>, vector<1x16xf32>,
        %get3A_397 = arith.index_cast %add3A_342 : i32 to index
        %get3A_398 = arith.constant 64 : index
        %get3A_399 = tpu.vector_load %arg11[%get3A_397, %get3A_398] {strides = array<i32>} : memref<128x128xf32, #tpu.memory_space<vmem>>, vector<1x16xf32>,
        %get3A_400 = vector.shape_cast %get3A_399 : vector<1x16xf32> to vector<16xf32>
        %get3A_401 = arith.index_cast %add3A_342 : i32 to index
        %get3A_402 = arith.constant 64 : index
        %get3A_403 = tpu.vector_load %arg12[%get3A_401, %get3A_402] {strides = array<i32>} : memref<128x128xf32, #tpu.memory_space<vmem>>, vector<1x16xf32>,
        %get3A_404 = vector.shape_cast %get3A_403 : vector<1x16xf32> to vector<16xf32>
        %add3A_405 = arith.addf %get3A_400, %get3A_404 : vector<16xf32>
        %swap3A_406 = arith.index_cast %add3A_342 : i32 to index
        %swap3A_407 = arith.constant 64 : index
        %swap3A_408 = tpu.vector_load %arg11[%swap3A_406, %swap3A_407] {strides = array<i32>} : memref<128x128xf32, #tpu.memory_space<vmem>>, vector<1x16xf32>,
        %swap3A_409 = vector.shape_cast %swap3A_408 : vector<1x16xf32> to vector<16xf32>
        %swap3A_410 = vector.shape_cast %add3A_405 : vector<16xf32> to vector<1x16xf32>
        tpu.vector_store %arg11[%swap3A_406, %swap3A_407], %swap3A_410 {strides = array<i32>} : memref<128x128xf32, #tpu.memory_space<vmem>>, vector<1x16xf32>,
        %get3A_411 = arith.index_cast %add3A_342 : i32 to index
        %get3A_412 = arith.constant 80 : index
        %get3A_413 = tpu.vector_load %arg11[%get3A_411, %get3A_412] {strides = array<i32>} : memref<128x128xf32, #tpu.memory_space<vmem>>, vector<1x16xf32>,
        %get3A_414 = vector.shape_cast %get3A_413 : vector<1x16xf32> to vector<16xf32>
        %get3A_415 = arith.index_cast %add3A_342 : i32 to index
        %get3A_416 = arith.constant 80 : index
        %get3A_417 = tpu.vector_load %arg12[%get3A_415, %get3A_416] {strides = array<i32>} : memref<128x128xf32, #tpu.memory_space<vmem>>, vector<1x16xf32>,
        %get3A_418 = vector.shape_cast %get3A_417 : vector<1x16xf32> to vector<16xf32>
        %add3A_419 = arith.addf %get3A_414, %get3A_418 : vector<16xf32>
        %swap3A_420 = arith.index_cast %add3A_342 : i32 to index
        %swap3A_421 = arith.constant 80 : index
        %swap3A_422 = tpu.vector_load %arg11[%swap3A_420, %swap3A_421] {strides = array<i32>} : memref<128x128xf32, #tpu.memory_space<vmem>>, vector<1x16xf32>,
        %swap3A_423 = vector.shape_cast %swap3A_422 : vector<1x16xf32> to vector<16xf32>
        %swap3A_424 = vector.shape_cast %add3A_419 : vector<16xf32> to vector<1x16xf32>
        tpu.vector_store %arg11[%swap3A_420, %swap3A_421], %swap3A_424 {strides = array<i32>} : memref<128x128xf32, #tpu.memory_space<vmem>>, vector<1x16xf32>,
        %get3A_425 = arith.index_cast %add3A_342 : i32 to index
        %get3A_426 = arith.constant 96 : index
        %get3A_427 = tpu.vector_load %arg11[%get3A_425, %get3A_426] {strides = array<i32>} : memref<128x128xf32, #tpu.memory_space<vmem>>, vector<1x16xf32>,
        %get3A_428 = vector.shape_cast %get3A_427 : vector<1x16xf32> to vector<16xf32>
        %get3A_429 = arith.index_cast %add3A_342 : i32 to index
        %get3A_430 = arith.constant 96 : index
        %get3A_431 = tpu.vector_load %arg12[%get3A_429, %get3A_430] {strides = array<i32>} : memref<128x128xf32, #tpu.memory_space<vmem>>, vector<1x16xf32>,
        %get3A_432 = vector.shape_cast %get3A_431 : vector<1x16xf32> to vector<16xf32>
        %add3A_433 = arith.addf %get3A_428, %get3A_432 : vector<16xf32>
        %swap3A_434 = arith.index_cast %add3A_342 : i32 to index
        %swap3A_435 = arith.constant 96 : index
        %swap3A_436 = tpu.vector_load %arg11[%swap3A_434, %swap3A_435] {strides = array<i32>} : memref<128x128xf32, #tpu.memory_space<vmem>>, vector<1x16xf32>,
        %swap3A_437 = vector.shape_cast %swap3A_436 : vector<1x16xf32> to vector<16xf32>
        %swap3A_438 = vector.shape_cast %add3A_433 : vector<16xf32> to vector<1x16xf32>
        tpu.vector_store %arg11[%swap3A_434, %swap3A_435], %swap3A_438 {strides = array<i32>} : memref<128x128xf32, #tpu.memory_space<vmem>>, vector<1x16xf32>,
        %get3A_439 = arith.index_cast %add3A_342 : i32 to index
        %get3A_440 = arith.constant 112 : index
        %get3A_441 = tpu.vector_load %arg11[%get3A_439, %get3A_440] {strides = array<i32>} : memref<128x128xf32, #tpu.memory_space<vmem>>, vector<1x16xf32>,
        %get3A_442 = vector.shape_cast %get3A_441 : vector<1x16xf32> to vector<16xf32>
        %get3A_443 = arith.index_cast %add3A_342 : i32 to index
        %get3A_444 = arith.constant 112 : index
        %get3A_445 = tpu.vector_load %arg12[%get3A_443, %get3A_444] {strides = array<i32>} : memref<128x128xf32, #tpu.memory_space<vmem>>, vector<1x16xf32>,
        %get3A_446 = vector.shape_cast %get3A_445 : vector<1x16xf32> to vector<16xf32>
        %add3A_447 = arith.addf %get3A_442, %get3A_446 : vector<16xf32>
        %swap3A_448 = arith.index_cast %add3A_342 : i32 to index
        %swap3A_449 = arith.constant 112 : index
        %swap3A_450 = tpu.vector_load %arg11[%swap3A_448, %swap3A_449] {strides = array<i32>} : memref<128x128xf32, #tpu.memory_space<vmem>>, vector<1x16xf32>,
        %swap3A_451 = vector.shape_cast %swap3A_450 : vector<1x16xf32> to vector<16xf32>
        %swap3A_452 = vector.shape_cast %add3A_447 : vector<16xf32> to vector<1x16xf32>
        tpu.vector_store %arg11[%swap3A_448, %swap3A_449], %swap3A_452 {strides = array<i32>} : memref<128x128xf32, #tpu.memory_space<vmem>>, vector<1x16xf32>,
      }
      %scan3A_166 = arith.constant 128 : i32
      %run_scoped3A_167 = arith.constant 2 : i32
      "tpu.region"() ({
        %run_scoped3A_338 = tpu.sem_alloc : memref<!tpu.dma_semaphore, #tpu.memory_space<semaphore_mem>>
        %dma_start3A_339 = arith.constant 0 : i32
        %dma_start3A_340 = tpu.memref_slice %arg10[%run_scoped3A_167, %dma_start3A_339] : memref<8x128xi32, #tpu.memory_space<vmem>> -> memref<1x128xi32, #tpu.memory_space<vmem>>
        %dma_start3A_341 = tpu.memref_squeeze %dma_start3A_340 : memref<1x128xi32, #tpu.memory_space<vmem>> -> memref<128xi32, #tpu.memory_space<vmem>>
        %dma_start3A_342 = arith.constant 0 : i32
        %dma_start3A_343 = arith.constant 0 : i32
        %dma_start3A_344 = tpu.memref_slice %arg15[%dma_start3A_342, %dma_start3A_343] : memref<10112x128xf32, #tpu.memory_space<vmem_shared>> -> memref<10112x128xf32, #tpu.memory_space<vmem_shared>>
        tpu.enqueue_indirect_dma source(%arg11 : memref<128x128xf32, #tpu.memory_space<vmem>>) target(%dma_start3A_344 : memref<10112x128xf32, #tpu.memory_space<vmem_shared>>) offsets(%dma_start3A_341 : memref<128xi32, #tpu.memory_space<vmem>>) semaphore(%run_scoped3A_338 : memref<!tpu.dma_semaphore, #tpu.memory_space<semaphore_mem>>) {add = true}
        %dma_wait3A_345 = arith.constant 0 : i32
        %dma_wait3A_346 = tpu.memref_slice %arg10[%run_scoped3A_167, %dma_wait3A_345] : memref<8x128xi32, #tpu.memory_space<vmem>> -> memref<1x128xi32, #tpu.memory_space<vmem>>
        %dma_wait3A_347 = tpu.memref_squeeze %dma_wait3A_346 : memref<1x128xi32, #tpu.memory_space<vmem>> -> memref<128xi32, #tpu.memory_space<vmem>>
        %dma_wait3A_348 = arith.constant 0 : i32
        %dma_wait3A_349 = arith.constant 0 : i32
        %dma_wait3A_350 = tpu.memref_slice %arg15[%dma_wait3A_348, %dma_wait3A_349] : memref<10112x128xf32, #tpu.memory_space<vmem_shared>> -> memref<10112x128xf32, #tpu.memory_space<vmem_shared>>
        tpu.wait_indirect_dma semaphore(%run_scoped3A_338 : memref<!tpu.dma_semaphore, #tpu.memory_space<semaphore_mem>>) src(%arg11 : memref<128x128xf32, #tpu.memory_space<vmem>>) dst(%dma_wait3A_350 : memref<10112x128xf32, #tpu.memory_space<vmem_shared>>)
        tpu.yield
      }) : () -> ()
      %dma_start3A_168 = arith.constant 3 : i32
      %dma_start3A_169 = arith.constant 0 : i32
      %dma_start3A_170 = tpu.memref_slice %arg8[%dma_start3A_168, %dma_start3A_169] : memref<8x128xi32, #tpu.memory_space<vmem>> -> memref<1x128xi32, #tpu.memory_space<vmem>>
      %dma_start3A_171 = tpu.memref_squeeze %dma_start3A_170 : memref<1x128xi32, #tpu.memory_space<vmem>> -> memref<128xi32, #tpu.memory_space<vmem>>
      %dma_start3A_172 = arith.constant 0 : i32
      %dma_start3A_173 = arith.constant 0 : i32
      %dma_start3A_174 = tpu.memref_slice %arg2[%dma_start3A_172, %dma_start3A_173] : memref<10001x128xf32, #tpu.memory_space<hbm>> -> memref<10001x128xf32, #tpu.memory_space<hbm>>
      tpu.enqueue_indirect_dma source(%dma_start3A_174 : memref<10001x128xf32, #tpu.memory_space<hbm>>) target(%arg11 : memref<128x128xf32, #tpu.memory_space<vmem>>) offsets(%dma_start3A_171 : memref<128xi32, #tpu.memory_space<vmem>>) semaphore(%arg13 : memref<!tpu.dma_semaphore, #tpu.memory_space<semaphore_mem>>)
      %dma_start3A_175 = arith.constant 3 : i32
      %dma_start3A_176 = arith.constant 0 : i32
      %dma_start3A_177 = tpu.memref_slice %arg9[%dma_start3A_175, %dma_start3A_176] : memref<8x128xi32, #tpu.memory_space<vmem>> -> memref<1x128xi32, #tpu.memory_space<vmem>>
      %dma_start3A_178 = tpu.memref_squeeze %dma_start3A_177 : memref<1x128xi32, #tpu.memory_space<vmem>> -> memref<128xi32, #tpu.memory_space<vmem>>
      %dma_start3A_179 = arith.constant 0 : i32
      %dma_start3A_180 = arith.constant 0 : i32
      %dma_start3A_181 = tpu.memref_slice %arg3[%dma_start3A_179, %dma_start3A_180] : memref<201x128xf32, #tpu.memory_space<hbm>> -> memref<201x128xf32, #tpu.memory_space<hbm>>
      tpu.enqueue_indirect_dma source(%dma_start3A_181 : memref<201x128xf32, #tpu.memory_space<hbm>>) target(%arg12 : memref<128x128xf32, #tpu.memory_space<vmem>>) offsets(%dma_start3A_178 : memref<128xi32, #tpu.memory_space<vmem>>) semaphore(%arg14 : memref<!tpu.dma_semaphore, #tpu.memory_space<semaphore_mem>>)
      %dma_wait3A_182 = arith.constant 3 : i32
      %dma_wait3A_183 = arith.constant 0 : i32
      %dma_wait3A_184 = tpu.memref_slice %arg8[%dma_wait3A_182, %dma_wait3A_183] : memref<8x128xi32, #tpu.memory_space<vmem>> -> memref<1x128xi32, #tpu.memory_space<vmem>>
      %dma_wait3A_185 = tpu.memref_squeeze %dma_wait3A_184 : memref<1x128xi32, #tpu.memory_space<vmem>> -> memref<128xi32, #tpu.memory_space<vmem>>
      %dma_wait3A_186 = arith.constant 0 : i32
      %dma_wait3A_187 = arith.constant 0 : i32
      %dma_wait3A_188 = tpu.memref_slice %arg2[%dma_wait3A_186, %dma_wait3A_187] : memref<10001x128xf32, #tpu.memory_space<hbm>> -> memref<10001x128xf32, #tpu.memory_space<hbm>>
      tpu.wait_indirect_dma semaphore(%arg13 : memref<!tpu.dma_semaphore, #tpu.memory_space<semaphore_mem>>) src(%dma_wait3A_188 : memref<10001x128xf32, #tpu.memory_space<hbm>>) dst(%arg11 : memref<128x128xf32, #tpu.memory_space<vmem>>)
      %dma_wait3A_189 = arith.constant 3 : i32
      %dma_wait3A_190 = arith.constant 0 : i32
      %dma_wait3A_191 = tpu.memref_slice %arg9[%dma_wait3A_189, %dma_wait3A_190] : memref<8x128xi32, #tpu.memory_space<vmem>> -> memref<1x128xi32, #tpu.memory_space<vmem>>
      %dma_wait3A_192 = tpu.memref_squeeze %dma_wait3A_191 : memref<1x128xi32, #tpu.memory_space<vmem>> -> memref<128xi32, #tpu.memory_space<vmem>>
      %dma_wait3A_193 = arith.constant 0 : i32
      %dma_wait3A_194 = arith.constant 0 : i32
      %dma_wait3A_195 = tpu.memref_slice %arg3[%dma_wait3A_193, %dma_wait3A_194] : memref<201x128xf32, #tpu.memory_space<hbm>> -> memref<201x128xf32, #tpu.memory_space<hbm>>
      tpu.wait_indirect_dma semaphore(%arg14 : memref<!tpu.dma_semaphore, #tpu.memory_space<semaphore_mem>>) src(%dma_wait3A_195 : memref<201x128xf32, #tpu.memory_space<hbm>>) dst(%arg12 : memref<128x128xf32, #tpu.memory_space<vmem>>)
      %scan3A_196 = arith.constant 0 : i32
      %scan3A_197 = arith.constant 128 : i32
      %scan3A_198 = arith.addi %scan3A_196, %scan3A_197 : i32
      %scan3A_199 = arith.constant 1 : i32
      scf.for %scan3A_338 = %scan3A_196 to %scan3A_198 step %scan3A_199  : i32 {
        %mul3A_339 = arith.constant 1 : i32
        %mul3A_340 = arith.muli %scan3A_338, %mul3A_339 : i32
        %add3A_341 = arith.constant 0 : i32
        %add3A_342 = arith.addi %add3A_341, %mul3A_340 : i32
        %get3A = arith.index_cast %add3A_342 : i32 to index
        %get3A_343 = arith.constant 0 : index
        %get3A_344 = tpu.vector_load %arg11[%get3A, %get3A_343] {strides = array<i32>} : memref<128x128xf32, #tpu.memory_space<vmem>>, vector<1x16xf32>,
        %get3A_345 = vector.shape_cast %get3A_344 : vector<1x16xf32> to vector<16xf32>
        %get3A_346 = arith.index_cast %add3A_342 : i32 to index
        %get3A_347 = arith.constant 0 : index
        %get3A_348 = tpu.vector_load %arg12[%get3A_346, %get3A_347] {strides = array<i32>} : memref<128x128xf32, #tpu.memory_space<vmem>>, vector<1x16xf32>,
        %get3A_349 = vector.shape_cast %get3A_348 : vector<1x16xf32> to vector<16xf32>
        %add3A_350 = arith.addf %get3A_345, %get3A_349 : vector<16xf32>
        %swap3A = arith.index_cast %add3A_342 : i32 to index
        %swap3A_351 = arith.constant 0 : index
        %swap3A_352 = tpu.vector_load %arg11[%swap3A, %swap3A_351] {strides = array<i32>} : memref<128x128xf32, #tpu.memory_space<vmem>>, vector<1x16xf32>,
        %swap3A_353 = vector.shape_cast %swap3A_352 : vector<1x16xf32> to vector<16xf32>
        %swap3A_354 = vector.shape_cast %add3A_350 : vector<16xf32> to vector<1x16xf32>
        tpu.vector_store %arg11[%swap3A, %swap3A_351], %swap3A_354 {strides = array<i32>} : memref<128x128xf32, #tpu.memory_space<vmem>>, vector<1x16xf32>,
        %get3A_355 = arith.index_cast %add3A_342 : i32 to index
        %get3A_356 = arith.constant 16 : index
        %get3A_357 = tpu.vector_load %arg11[%get3A_355, %get3A_356] {strides = array<i32>} : memref<128x128xf32, #tpu.memory_space<vmem>>, vector<1x16xf32>,
        %get3A_358 = vector.shape_cast %get3A_357 : vector<1x16xf32> to vector<16xf32>
        %get3A_359 = arith.index_cast %add3A_342 : i32 to index
        %get3A_360 = arith.constant 16 : index
        %get3A_361 = tpu.vector_load %arg12[%get3A_359, %get3A_360] {strides = array<i32>} : memref<128x128xf32, #tpu.memory_space<vmem>>, vector<1x16xf32>,
        %get3A_362 = vector.shape_cast %get3A_361 : vector<1x16xf32> to vector<16xf32>
        %add3A_363 = arith.addf %get3A_358, %get3A_362 : vector<16xf32>
        %swap3A_364 = arith.index_cast %add3A_342 : i32 to index
        %swap3A_365 = arith.constant 16 : index
        %swap3A_366 = tpu.vector_load %arg11[%swap3A_364, %swap3A_365] {strides = array<i32>} : memref<128x128xf32, #tpu.memory_space<vmem>>, vector<1x16xf32>,
        %swap3A_367 = vector.shape_cast %swap3A_366 : vector<1x16xf32> to vector<16xf32>
        %swap3A_368 = vector.shape_cast %add3A_363 : vector<16xf32> to vector<1x16xf32>
        tpu.vector_store %arg11[%swap3A_364, %swap3A_365], %swap3A_368 {strides = array<i32>} : memref<128x128xf32, #tpu.memory_space<vmem>>, vector<1x16xf32>,
        %get3A_369 = arith.index_cast %add3A_342 : i32 to index
        %get3A_370 = arith.constant 32 : index
        %get3A_371 = tpu.vector_load %arg11[%get3A_369, %get3A_370] {strides = array<i32>} : memref<128x128xf32, #tpu.memory_space<vmem>>, vector<1x16xf32>,
        %get3A_372 = vector.shape_cast %get3A_371 : vector<1x16xf32> to vector<16xf32>
        %get3A_373 = arith.index_cast %add3A_342 : i32 to index
        %get3A_374 = arith.constant 32 : index
        %get3A_375 = tpu.vector_load %arg12[%get3A_373, %get3A_374] {strides = array<i32>} : memref<128x128xf32, #tpu.memory_space<vmem>>, vector<1x16xf32>,
        %get3A_376 = vector.shape_cast %get3A_375 : vector<1x16xf32> to vector<16xf32>
        %add3A_377 = arith.addf %get3A_372, %get3A_376 : vector<16xf32>
        %swap3A_378 = arith.index_cast %add3A_342 : i32 to index
        %swap3A_379 = arith.constant 32 : index
        %swap3A_380 = tpu.vector_load %arg11[%swap3A_378, %swap3A_379] {strides = array<i32>} : memref<128x128xf32, #tpu.memory_space<vmem>>, vector<1x16xf32>,
        %swap3A_381 = vector.shape_cast %swap3A_380 : vector<1x16xf32> to vector<16xf32>
        %swap3A_382 = vector.shape_cast %add3A_377 : vector<16xf32> to vector<1x16xf32>
        tpu.vector_store %arg11[%swap3A_378, %swap3A_379], %swap3A_382 {strides = array<i32>} : memref<128x128xf32, #tpu.memory_space<vmem>>, vector<1x16xf32>,
        %get3A_383 = arith.index_cast %add3A_342 : i32 to index
        %get3A_384 = arith.constant 48 : index
        %get3A_385 = tpu.vector_load %arg11[%get3A_383, %get3A_384] {strides = array<i32>} : memref<128x128xf32, #tpu.memory_space<vmem>>, vector<1x16xf32>,
        %get3A_386 = vector.shape_cast %get3A_385 : vector<1x16xf32> to vector<16xf32>
        %get3A_387 = arith.index_cast %add3A_342 : i32 to index
        %get3A_388 = arith.constant 48 : index
        %get3A_389 = tpu.vector_load %arg12[%get3A_387, %get3A_388] {strides = array<i32>} : memref<128x128xf32, #tpu.memory_space<vmem>>, vector<1x16xf32>,
        %get3A_390 = vector.shape_cast %get3A_389 : vector<1x16xf32> to vector<16xf32>
        %add3A_391 = arith.addf %get3A_386, %get3A_390 : vector<16xf32>
        %swap3A_392 = arith.index_cast %add3A_342 : i32 to index
        %swap3A_393 = arith.constant 48 : index
        %swap3A_394 = tpu.vector_load %arg11[%swap3A_392, %swap3A_393] {strides = array<i32>} : memref<128x128xf32, #tpu.memory_space<vmem>>, vector<1x16xf32>,
        %swap3A_395 = vector.shape_cast %swap3A_394 : vector<1x16xf32> to vector<16xf32>
        %swap3A_396 = vector.shape_cast %add3A_391 : vector<16xf32> to vector<1x16xf32>
        tpu.vector_store %arg11[%swap3A_392, %swap3A_393], %swap3A_396 {strides = array<i32>} : memref<128x128xf32, #tpu.memory_space<vmem>>, vector<1x16xf32>,
        %get3A_397 = arith.index_cast %add3A_342 : i32 to index
        %get3A_398 = arith.constant 64 : index
        %get3A_399 = tpu.vector_load %arg11[%get3A_397, %get3A_398] {strides = array<i32>} : memref<128x128xf32, #tpu.memory_space<vmem>>, vector<1x16xf32>,
        %get3A_400 = vector.shape_cast %get3A_399 : vector<1x16xf32> to vector<16xf32>
        %get3A_401 = arith.index_cast %add3A_342 : i32 to index
        %get3A_402 = arith.constant 64 : index
        %get3A_403 = tpu.vector_load %arg12[%get3A_401, %get3A_402] {strides = array<i32>} : memref<128x128xf32, #tpu.memory_space<vmem>>, vector<1x16xf32>,
        %get3A_404 = vector.shape_cast %get3A_403 : vector<1x16xf32> to vector<16xf32>
        %add3A_405 = arith.addf %get3A_400, %get3A_404 : vector<16xf32>
        %swap3A_406 = arith.index_cast %add3A_342 : i32 to index
        %swap3A_407 = arith.constant 64 : index
        %swap3A_408 = tpu.vector_load %arg11[%swap3A_406, %swap3A_407] {strides = array<i32>} : memref<128x128xf32, #tpu.memory_space<vmem>>, vector<1x16xf32>,
        %swap3A_409 = vector.shape_cast %swap3A_408 : vector<1x16xf32> to vector<16xf32>
        %swap3A_410 = vector.shape_cast %add3A_405 : vector<16xf32> to vector<1x16xf32>
        tpu.vector_store %arg11[%swap3A_406, %swap3A_407], %swap3A_410 {strides = array<i32>} : memref<128x128xf32, #tpu.memory_space<vmem>>, vector<1x16xf32>,
        %get3A_411 = arith.index_cast %add3A_342 : i32 to index
        %get3A_412 = arith.constant 80 : index
        %get3A_413 = tpu.vector_load %arg11[%get3A_411, %get3A_412] {strides = array<i32>} : memref<128x128xf32, #tpu.memory_space<vmem>>, vector<1x16xf32>,
        %get3A_414 = vector.shape_cast %get3A_413 : vector<1x16xf32> to vector<16xf32>
        %get3A_415 = arith.index_cast %add3A_342 : i32 to index
        %get3A_416 = arith.constant 80 : index
        %get3A_417 = tpu.vector_load %arg12[%get3A_415, %get3A_416] {strides = array<i32>} : memref<128x128xf32, #tpu.memory_space<vmem>>, vector<1x16xf32>,
        %get3A_418 = vector.shape_cast %get3A_417 : vector<1x16xf32> to vector<16xf32>
        %add3A_419 = arith.addf %get3A_414, %get3A_418 : vector<16xf32>
        %swap3A_420 = arith.index_cast %add3A_342 : i32 to index
        %swap3A_421 = arith.constant 80 : index
        %swap3A_422 = tpu.vector_load %arg11[%swap3A_420, %swap3A_421] {strides = array<i32>} : memref<128x128xf32, #tpu.memory_space<vmem>>, vector<1x16xf32>,
        %swap3A_423 = vector.shape_cast %swap3A_422 : vector<1x16xf32> to vector<16xf32>
        %swap3A_424 = vector.shape_cast %add3A_419 : vector<16xf32> to vector<1x16xf32>
        tpu.vector_store %arg11[%swap3A_420, %swap3A_421], %swap3A_424 {strides = array<i32>} : memref<128x128xf32, #tpu.memory_space<vmem>>, vector<1x16xf32>,
        %get3A_425 = arith.index_cast %add3A_342 : i32 to index
        %get3A_426 = arith.constant 96 : index
        %get3A_427 = tpu.vector_load %arg11[%get3A_425, %get3A_426] {strides = array<i32>} : memref<128x128xf32, #tpu.memory_space<vmem>>, vector<1x16xf32>,
        %get3A_428 = vector.shape_cast %get3A_427 : vector<1x16xf32> to vector<16xf32>
        %get3A_429 = arith.index_cast %add3A_342 : i32 to index
        %get3A_430 = arith.constant 96 : index
        %get3A_431 = tpu.vector_load %arg12[%get3A_429, %get3A_430] {strides = array<i32>} : memref<128x128xf32, #tpu.memory_space<vmem>>, vector<1x16xf32>,
        %get3A_432 = vector.shape_cast %get3A_431 : vector<1x16xf32> to vector<16xf32>
        %add3A_433 = arith.addf %get3A_428, %get3A_432 : vector<16xf32>
        %swap3A_434 = arith.index_cast %add3A_342 : i32 to index
        %swap3A_435 = arith.constant 96 : index
        %swap3A_436 = tpu.vector_load %arg11[%swap3A_434, %swap3A_435] {strides = array<i32>} : memref<128x128xf32, #tpu.memory_space<vmem>>, vector<1x16xf32>,
        %swap3A_437 = vector.shape_cast %swap3A_436 : vector<1x16xf32> to vector<16xf32>
        %swap3A_438 = vector.shape_cast %add3A_433 : vector<16xf32> to vector<1x16xf32>
        tpu.vector_store %arg11[%swap3A_434, %swap3A_435], %swap3A_438 {strides = array<i32>} : memref<128x128xf32, #tpu.memory_space<vmem>>, vector<1x16xf32>,
        %get3A_439 = arith.index_cast %add3A_342 : i32 to index
        %get3A_440 = arith.constant 112 : index
        %get3A_441 = tpu.vector_load %arg11[%get3A_439, %get3A_440] {strides = array<i32>} : memref<128x128xf32, #tpu.memory_space<vmem>>, vector<1x16xf32>,
        %get3A_442 = vector.shape_cast %get3A_441 : vector<1x16xf32> to vector<16xf32>
        %get3A_443 = arith.index_cast %add3A_342 : i32 to index
        %get3A_444 = arith.constant 112 : index
        %get3A_445 = tpu.vector_load %arg12[%get3A_443, %get3A_444] {strides = array<i32>} : memref<128x128xf32, #tpu.memory_space<vmem>>, vector<1x16xf32>,
        %get3A_446 = vector.shape_cast %get3A_445 : vector<1x16xf32> to vector<16xf32>
        %add3A_447 = arith.addf %get3A_442, %get3A_446 : vector<16xf32>
        %swap3A_448 = arith.index_cast %add3A_342 : i32 to index
        %swap3A_449 = arith.constant 112 : index
        %swap3A_450 = tpu.vector_load %arg11[%swap3A_448, %swap3A_449] {strides = array<i32>} : memref<128x128xf32, #tpu.memory_space<vmem>>, vector<1x16xf32>,
        %swap3A_451 = vector.shape_cast %swap3A_450 : vector<1x16xf32> to vector<16xf32>
        %swap3A_452 = vector.shape_cast %add3A_447 : vector<16xf32> to vector<1x16xf32>
        tpu.vector_store %arg11[%swap3A_448, %swap3A_449], %swap3A_452 {strides = array<i32>} : memref<128x128xf32, #tpu.memory_space<vmem>>, vector<1x16xf32>,
      }
      %scan3A_200 = arith.constant 128 : i32
      %run_scoped3A_201 = arith.constant 3 : i32
      "tpu.region"() ({
        %run_scoped3A_338 = tpu.sem_alloc : memref<!tpu.dma_semaphore, #tpu.memory_space<semaphore_mem>>
        %dma_start3A_339 = arith.constant 0 : i32
        %dma_start3A_340 = tpu.memref_slice %arg10[%run_scoped3A_201, %dma_start3A_339] : memref<8x128xi32, #tpu.memory_space<vmem>> -> memref<1x128xi32, #tpu.memory_space<vmem>>
        %dma_start3A_341 = tpu.memref_squeeze %dma_start3A_340 : memref<1x128xi32, #tpu.memory_space<vmem>> -> memref<128xi32, #tpu.memory_space<vmem>>
        %dma_start3A_342 = arith.constant 0 : i32
        %dma_start3A_343 = arith.constant 0 : i32
        %dma_start3A_344 = tpu.memref_slice %arg15[%dma_start3A_342, %dma_start3A_343] : memref<10112x128xf32, #tpu.memory_space<vmem_shared>> -> memref<10112x128xf32, #tpu.memory_space<vmem_shared>>
        tpu.enqueue_indirect_dma source(%arg11 : memref<128x128xf32, #tpu.memory_space<vmem>>) target(%dma_start3A_344 : memref<10112x128xf32, #tpu.memory_space<vmem_shared>>) offsets(%dma_start3A_341 : memref<128xi32, #tpu.memory_space<vmem>>) semaphore(%run_scoped3A_338 : memref<!tpu.dma_semaphore, #tpu.memory_space<semaphore_mem>>) {add = true}
        %dma_wait3A_345 = arith.constant 0 : i32
        %dma_wait3A_346 = tpu.memref_slice %arg10[%run_scoped3A_201, %dma_wait3A_345] : memref<8x128xi32, #tpu.memory_space<vmem>> -> memref<1x128xi32, #tpu.memory_space<vmem>>
        %dma_wait3A_347 = tpu.memref_squeeze %dma_wait3A_346 : memref<1x128xi32, #tpu.memory_space<vmem>> -> memref<128xi32, #tpu.memory_space<vmem>>
        %dma_wait3A_348 = arith.constant 0 : i32
        %dma_wait3A_349 = arith.constant 0 : i32
        %dma_wait3A_350 = tpu.memref_slice %arg15[%dma_wait3A_348, %dma_wait3A_349] : memref<10112x128xf32, #tpu.memory_space<vmem_shared>> -> memref<10112x128xf32, #tpu.memory_space<vmem_shared>>
        tpu.wait_indirect_dma semaphore(%run_scoped3A_338 : memref<!tpu.dma_semaphore, #tpu.memory_space<semaphore_mem>>) src(%arg11 : memref<128x128xf32, #tpu.memory_space<vmem>>) dst(%dma_wait3A_350 : memref<10112x128xf32, #tpu.memory_space<vmem_shared>>)
        tpu.yield
      }) : () -> ()
      %dma_start3A_202 = arith.constant 4 : i32
      %dma_start3A_203 = arith.constant 0 : i32
      %dma_start3A_204 = tpu.memref_slice %arg8[%dma_start3A_202, %dma_start3A_203] : memref<8x128xi32, #tpu.memory_space<vmem>> -> memref<1x128xi32, #tpu.memory_space<vmem>>
      %dma_start3A_205 = tpu.memref_squeeze %dma_start3A_204 : memref<1x128xi32, #tpu.memory_space<vmem>> -> memref<128xi32, #tpu.memory_space<vmem>>
      %dma_start3A_206 = arith.constant 0 : i32
      %dma_start3A_207 = arith.constant 0 : i32
      %dma_start3A_208 = tpu.memref_slice %arg2[%dma_start3A_206, %dma_start3A_207] : memref<10001x128xf32, #tpu.memory_space<hbm>> -> memref<10001x128xf32, #tpu.memory_space<hbm>>
      tpu.enqueue_indirect_dma source(%dma_start3A_208 : memref<10001x128xf32, #tpu.memory_space<hbm>>) target(%arg11 : memref<128x128xf32, #tpu.memory_space<vmem>>) offsets(%dma_start3A_205 : memref<128xi32, #tpu.memory_space<vmem>>) semaphore(%arg13 : memref<!tpu.dma_semaphore, #tpu.memory_space<semaphore_mem>>)
      %dma_start3A_209 = arith.constant 4 : i32
      %dma_start3A_210 = arith.constant 0 : i32
      %dma_start3A_211 = tpu.memref_slice %arg9[%dma_start3A_209, %dma_start3A_210] : memref<8x128xi32, #tpu.memory_space<vmem>> -> memref<1x128xi32, #tpu.memory_space<vmem>>
      %dma_start3A_212 = tpu.memref_squeeze %dma_start3A_211 : memref<1x128xi32, #tpu.memory_space<vmem>> -> memref<128xi32, #tpu.memory_space<vmem>>
      %dma_start3A_213 = arith.constant 0 : i32
      %dma_start3A_214 = arith.constant 0 : i32
      %dma_start3A_215 = tpu.memref_slice %arg3[%dma_start3A_213, %dma_start3A_214] : memref<201x128xf32, #tpu.memory_space<hbm>> -> memref<201x128xf32, #tpu.memory_space<hbm>>
      tpu.enqueue_indirect_dma source(%dma_start3A_215 : memref<201x128xf32, #tpu.memory_space<hbm>>) target(%arg12 : memref<128x128xf32, #tpu.memory_space<vmem>>) offsets(%dma_start3A_212 : memref<128xi32, #tpu.memory_space<vmem>>) semaphore(%arg14 : memref<!tpu.dma_semaphore, #tpu.memory_space<semaphore_mem>>)
      %dma_wait3A_216 = arith.constant 4 : i32
      %dma_wait3A_217 = arith.constant 0 : i32
      %dma_wait3A_218 = tpu.memref_slice %arg8[%dma_wait3A_216, %dma_wait3A_217] : memref<8x128xi32, #tpu.memory_space<vmem>> -> memref<1x128xi32, #tpu.memory_space<vmem>>
      %dma_wait3A_219 = tpu.memref_squeeze %dma_wait3A_218 : memref<1x128xi32, #tpu.memory_space<vmem>> -> memref<128xi32, #tpu.memory_space<vmem>>
      %dma_wait3A_220 = arith.constant 0 : i32
      %dma_wait3A_221 = arith.constant 0 : i32
      %dma_wait3A_222 = tpu.memref_slice %arg2[%dma_wait3A_220, %dma_wait3A_221] : memref<10001x128xf32, #tpu.memory_space<hbm>> -> memref<10001x128xf32, #tpu.memory_space<hbm>>
      tpu.wait_indirect_dma semaphore(%arg13 : memref<!tpu.dma_semaphore, #tpu.memory_space<semaphore_mem>>) src(%dma_wait3A_222 : memref<10001x128xf32, #tpu.memory_space<hbm>>) dst(%arg11 : memref<128x128xf32, #tpu.memory_space<vmem>>)
      %dma_wait3A_223 = arith.constant 4 : i32
      %dma_wait3A_224 = arith.constant 0 : i32
      %dma_wait3A_225 = tpu.memref_slice %arg9[%dma_wait3A_223, %dma_wait3A_224] : memref<8x128xi32, #tpu.memory_space<vmem>> -> memref<1x128xi32, #tpu.memory_space<vmem>>
      %dma_wait3A_226 = tpu.memref_squeeze %dma_wait3A_225 : memref<1x128xi32, #tpu.memory_space<vmem>> -> memref<128xi32, #tpu.memory_space<vmem>>
      %dma_wait3A_227 = arith.constant 0 : i32
      %dma_wait3A_228 = arith.constant 0 : i32
      %dma_wait3A_229 = tpu.memref_slice %arg3[%dma_wait3A_227, %dma_wait3A_228] : memref<201x128xf32, #tpu.memory_space<hbm>> -> memref<201x128xf32, #tpu.memory_space<hbm>>
      tpu.wait_indirect_dma semaphore(%arg14 : memref<!tpu.dma_semaphore, #tpu.memory_space<semaphore_mem>>) src(%dma_wait3A_229 : memref<201x128xf32, #tpu.memory_space<hbm>>) dst(%arg12 : memref<128x128xf32, #tpu.memory_space<vmem>>)
      %scan3A_230 = arith.constant 0 : i32
      %scan3A_231 = arith.constant 128 : i32
      %scan3A_232 = arith.addi %scan3A_230, %scan3A_231 : i32
      %scan3A_233 = arith.constant 1 : i32
      scf.for %scan3A_338 = %scan3A_230 to %scan3A_232 step %scan3A_233  : i32 {
        %mul3A_339 = arith.constant 1 : i32
        %mul3A_340 = arith.muli %scan3A_338, %mul3A_339 : i32
        %add3A_341 = arith.constant 0 : i32
        %add3A_342 = arith.addi %add3A_341, %mul3A_340 : i32
        %get3A = arith.index_cast %add3A_342 : i32 to index
        %get3A_343 = arith.constant 0 : index
        %get3A_344 = tpu.vector_load %arg11[%get3A, %get3A_343] {strides = array<i32>} : memref<128x128xf32, #tpu.memory_space<vmem>>, vector<1x16xf32>,
        %get3A_345 = vector.shape_cast %get3A_344 : vector<1x16xf32> to vector<16xf32>
        %get3A_346 = arith.index_cast %add3A_342 : i32 to index
        %get3A_347 = arith.constant 0 : index
        %get3A_348 = tpu.vector_load %arg12[%get3A_346, %get3A_347] {strides = array<i32>} : memref<128x128xf32, #tpu.memory_space<vmem>>, vector<1x16xf32>,
        %get3A_349 = vector.shape_cast %get3A_348 : vector<1x16xf32> to vector<16xf32>
        %add3A_350 = arith.addf %get3A_345, %get3A_349 : vector<16xf32>
        %swap3A = arith.index_cast %add3A_342 : i32 to index
        %swap3A_351 = arith.constant 0 : index
        %swap3A_352 = tpu.vector_load %arg11[%swap3A, %swap3A_351] {strides = array<i32>} : memref<128x128xf32, #tpu.memory_space<vmem>>, vector<1x16xf32>,
        %swap3A_353 = vector.shape_cast %swap3A_352 : vector<1x16xf32> to vector<16xf32>
        %swap3A_354 = vector.shape_cast %add3A_350 : vector<16xf32> to vector<1x16xf32>
        tpu.vector_store %arg11[%swap3A, %swap3A_351], %swap3A_354 {strides = array<i32>} : memref<128x128xf32, #tpu.memory_space<vmem>>, vector<1x16xf32>,
        %get3A_355 = arith.index_cast %add3A_342 : i32 to index
        %get3A_356 = arith.constant 16 : index
        %get3A_357 = tpu.vector_load %arg11[%get3A_355, %get3A_356] {strides = array<i32>} : memref<128x128xf32, #tpu.memory_space<vmem>>, vector<1x16xf32>,
        %get3A_358 = vector.shape_cast %get3A_357 : vector<1x16xf32> to vector<16xf32>
        %get3A_359 = arith.index_cast %add3A_342 : i32 to index
        %get3A_360 = arith.constant 16 : index
        %get3A_361 = tpu.vector_load %arg12[%get3A_359, %get3A_360] {strides = array<i32>} : memref<128x128xf32, #tpu.memory_space<vmem>>, vector<1x16xf32>,
        %get3A_362 = vector.shape_cast %get3A_361 : vector<1x16xf32> to vector<16xf32>
        %add3A_363 = arith.addf %get3A_358, %get3A_362 : vector<16xf32>
        %swap3A_364 = arith.index_cast %add3A_342 : i32 to index
        %swap3A_365 = arith.constant 16 : index
        %swap3A_366 = tpu.vector_load %arg11[%swap3A_364, %swap3A_365] {strides = array<i32>} : memref<128x128xf32, #tpu.memory_space<vmem>>, vector<1x16xf32>,
        %swap3A_367 = vector.shape_cast %swap3A_366 : vector<1x16xf32> to vector<16xf32>
        %swap3A_368 = vector.shape_cast %add3A_363 : vector<16xf32> to vector<1x16xf32>
        tpu.vector_store %arg11[%swap3A_364, %swap3A_365], %swap3A_368 {strides = array<i32>} : memref<128x128xf32, #tpu.memory_space<vmem>>, vector<1x16xf32>,
        %get3A_369 = arith.index_cast %add3A_342 : i32 to index
        %get3A_370 = arith.constant 32 : index
        %get3A_371 = tpu.vector_load %arg11[%get3A_369, %get3A_370] {strides = array<i32>} : memref<128x128xf32, #tpu.memory_space<vmem>>, vector<1x16xf32>,
        %get3A_372 = vector.shape_cast %get3A_371 : vector<1x16xf32> to vector<16xf32>
        %get3A_373 = arith.index_cast %add3A_342 : i32 to index
        %get3A_374 = arith.constant 32 : index
        %get3A_375 = tpu.vector_load %arg12[%get3A_373, %get3A_374] {strides = array<i32>} : memref<128x128xf32, #tpu.memory_space<vmem>>, vector<1x16xf32>,
        %get3A_376 = vector.shape_cast %get3A_375 : vector<1x16xf32> to vector<16xf32>
        %add3A_377 = arith.addf %get3A_372, %get3A_376 : vector<16xf32>
        %swap3A_378 = arith.index_cast %add3A_342 : i32 to index
        %swap3A_379 = arith.constant 32 : index
        %swap3A_380 = tpu.vector_load %arg11[%swap3A_378, %swap3A_379] {strides = array<i32>} : memref<128x128xf32, #tpu.memory_space<vmem>>, vector<1x16xf32>,
        %swap3A_381 = vector.shape_cast %swap3A_380 : vector<1x16xf32> to vector<16xf32>
        %swap3A_382 = vector.shape_cast %add3A_377 : vector<16xf32> to vector<1x16xf32>
        tpu.vector_store %arg11[%swap3A_378, %swap3A_379], %swap3A_382 {strides = array<i32>} : memref<128x128xf32, #tpu.memory_space<vmem>>, vector<1x16xf32>,
        %get3A_383 = arith.index_cast %add3A_342 : i32 to index
        %get3A_384 = arith.constant 48 : index
        %get3A_385 = tpu.vector_load %arg11[%get3A_383, %get3A_384] {strides = array<i32>} : memref<128x128xf32, #tpu.memory_space<vmem>>, vector<1x16xf32>,
        %get3A_386 = vector.shape_cast %get3A_385 : vector<1x16xf32> to vector<16xf32>
        %get3A_387 = arith.index_cast %add3A_342 : i32 to index
        %get3A_388 = arith.constant 48 : index
        %get3A_389 = tpu.vector_load %arg12[%get3A_387, %get3A_388] {strides = array<i32>} : memref<128x128xf32, #tpu.memory_space<vmem>>, vector<1x16xf32>,
        %get3A_390 = vector.shape_cast %get3A_389 : vector<1x16xf32> to vector<16xf32>
        %add3A_391 = arith.addf %get3A_386, %get3A_390 : vector<16xf32>
        %swap3A_392 = arith.index_cast %add3A_342 : i32 to index
        %swap3A_393 = arith.constant 48 : index
        %swap3A_394 = tpu.vector_load %arg11[%swap3A_392, %swap3A_393] {strides = array<i32>} : memref<128x128xf32, #tpu.memory_space<vmem>>, vector<1x16xf32>,
        %swap3A_395 = vector.shape_cast %swap3A_394 : vector<1x16xf32> to vector<16xf32>
        %swap3A_396 = vector.shape_cast %add3A_391 : vector<16xf32> to vector<1x16xf32>
        tpu.vector_store %arg11[%swap3A_392, %swap3A_393], %swap3A_396 {strides = array<i32>} : memref<128x128xf32, #tpu.memory_space<vmem>>, vector<1x16xf32>,
        %get3A_397 = arith.index_cast %add3A_342 : i32 to index
        %get3A_398 = arith.constant 64 : index
        %get3A_399 = tpu.vector_load %arg11[%get3A_397, %get3A_398] {strides = array<i32>} : memref<128x128xf32, #tpu.memory_space<vmem>>, vector<1x16xf32>,
        %get3A_400 = vector.shape_cast %get3A_399 : vector<1x16xf32> to vector<16xf32>
        %get3A_401 = arith.index_cast %add3A_342 : i32 to index
        %get3A_402 = arith.constant 64 : index
        %get3A_403 = tpu.vector_load %arg12[%get3A_401, %get3A_402] {strides = array<i32>} : memref<128x128xf32, #tpu.memory_space<vmem>>, vector<1x16xf32>,
        %get3A_404 = vector.shape_cast %get3A_403 : vector<1x16xf32> to vector<16xf32>
        %add3A_405 = arith.addf %get3A_400, %get3A_404 : vector<16xf32>
        %swap3A_406 = arith.index_cast %add3A_342 : i32 to index
        %swap3A_407 = arith.constant 64 : index
        %swap3A_408 = tpu.vector_load %arg11[%swap3A_406, %swap3A_407] {strides = array<i32>} : memref<128x128xf32, #tpu.memory_space<vmem>>, vector<1x16xf32>,
        %swap3A_409 = vector.shape_cast %swap3A_408 : vector<1x16xf32> to vector<16xf32>
        %swap3A_410 = vector.shape_cast %add3A_405 : vector<16xf32> to vector<1x16xf32>
        tpu.vector_store %arg11[%swap3A_406, %swap3A_407], %swap3A_410 {strides = array<i32>} : memref<128x128xf32, #tpu.memory_space<vmem>>, vector<1x16xf32>,
        %get3A_411 = arith.index_cast %add3A_342 : i32 to index
        %get3A_412 = arith.constant 80 : index
        %get3A_413 = tpu.vector_load %arg11[%get3A_411, %get3A_412] {strides = array<i32>} : memref<128x128xf32, #tpu.memory_space<vmem>>, vector<1x16xf32>,
        %get3A_414 = vector.shape_cast %get3A_413 : vector<1x16xf32> to vector<16xf32>
        %get3A_415 = arith.index_cast %add3A_342 : i32 to index
        %get3A_416 = arith.constant 80 : index
        %get3A_417 = tpu.vector_load %arg12[%get3A_415, %get3A_416] {strides = array<i32>} : memref<128x128xf32, #tpu.memory_space<vmem>>, vector<1x16xf32>,
        %get3A_418 = vector.shape_cast %get3A_417 : vector<1x16xf32> to vector<16xf32>
        %add3A_419 = arith.addf %get3A_414, %get3A_418 : vector<16xf32>
        %swap3A_420 = arith.index_cast %add3A_342 : i32 to index
        %swap3A_421 = arith.constant 80 : index
        %swap3A_422 = tpu.vector_load %arg11[%swap3A_420, %swap3A_421] {strides = array<i32>} : memref<128x128xf32, #tpu.memory_space<vmem>>, vector<1x16xf32>,
        %swap3A_423 = vector.shape_cast %swap3A_422 : vector<1x16xf32> to vector<16xf32>
        %swap3A_424 = vector.shape_cast %add3A_419 : vector<16xf32> to vector<1x16xf32>
        tpu.vector_store %arg11[%swap3A_420, %swap3A_421], %swap3A_424 {strides = array<i32>} : memref<128x128xf32, #tpu.memory_space<vmem>>, vector<1x16xf32>,
        %get3A_425 = arith.index_cast %add3A_342 : i32 to index
        %get3A_426 = arith.constant 96 : index
        %get3A_427 = tpu.vector_load %arg11[%get3A_425, %get3A_426] {strides = array<i32>} : memref<128x128xf32, #tpu.memory_space<vmem>>, vector<1x16xf32>,
        %get3A_428 = vector.shape_cast %get3A_427 : vector<1x16xf32> to vector<16xf32>
        %get3A_429 = arith.index_cast %add3A_342 : i32 to index
        %get3A_430 = arith.constant 96 : index
        %get3A_431 = tpu.vector_load %arg12[%get3A_429, %get3A_430] {strides = array<i32>} : memref<128x128xf32, #tpu.memory_space<vmem>>, vector<1x16xf32>,
        %get3A_432 = vector.shape_cast %get3A_431 : vector<1x16xf32> to vector<16xf32>
        %add3A_433 = arith.addf %get3A_428, %get3A_432 : vector<16xf32>
        %swap3A_434 = arith.index_cast %add3A_342 : i32 to index
        %swap3A_435 = arith.constant 96 : index
        %swap3A_436 = tpu.vector_load %arg11[%swap3A_434, %swap3A_435] {strides = array<i32>} : memref<128x128xf32, #tpu.memory_space<vmem>>, vector<1x16xf32>,
        %swap3A_437 = vector.shape_cast %swap3A_436 : vector<1x16xf32> to vector<16xf32>
        %swap3A_438 = vector.shape_cast %add3A_433 : vector<16xf32> to vector<1x16xf32>
        tpu.vector_store %arg11[%swap3A_434, %swap3A_435], %swap3A_438 {strides = array<i32>} : memref<128x128xf32, #tpu.memory_space<vmem>>, vector<1x16xf32>,
        %get3A_439 = arith.index_cast %add3A_342 : i32 to index
        %get3A_440 = arith.constant 112 : index
        %get3A_441 = tpu.vector_load %arg11[%get3A_439, %get3A_440] {strides = array<i32>} : memref<128x128xf32, #tpu.memory_space<vmem>>, vector<1x16xf32>,
        %get3A_442 = vector.shape_cast %get3A_441 : vector<1x16xf32> to vector<16xf32>
        %get3A_443 = arith.index_cast %add3A_342 : i32 to index
        %get3A_444 = arith.constant 112 : index
        %get3A_445 = tpu.vector_load %arg12[%get3A_443, %get3A_444] {strides = array<i32>} : memref<128x128xf32, #tpu.memory_space<vmem>>, vector<1x16xf32>,
        %get3A_446 = vector.shape_cast %get3A_445 : vector<1x16xf32> to vector<16xf32>
        %add3A_447 = arith.addf %get3A_442, %get3A_446 : vector<16xf32>
        %swap3A_448 = arith.index_cast %add3A_342 : i32 to index
        %swap3A_449 = arith.constant 112 : index
        %swap3A_450 = tpu.vector_load %arg11[%swap3A_448, %swap3A_449] {strides = array<i32>} : memref<128x128xf32, #tpu.memory_space<vmem>>, vector<1x16xf32>,
        %swap3A_451 = vector.shape_cast %swap3A_450 : vector<1x16xf32> to vector<16xf32>
        %swap3A_452 = vector.shape_cast %add3A_447 : vector<16xf32> to vector<1x16xf32>
        tpu.vector_store %arg11[%swap3A_448, %swap3A_449], %swap3A_452 {strides = array<i32>} : memref<128x128xf32, #tpu.memory_space<vmem>>, vector<1x16xf32>,
      }
      %scan3A_234 = arith.constant 128 : i32
      %run_scoped3A_235 = arith.constant 4 : i32
      "tpu.region"() ({
        %run_scoped3A_338 = tpu.sem_alloc : memref<!tpu.dma_semaphore, #tpu.memory_space<semaphore_mem>>
        %dma_start3A_339 = arith.constant 0 : i32
        %dma_start3A_340 = tpu.memref_slice %arg10[%run_scoped3A_235, %dma_start3A_339] : memref<8x128xi32, #tpu.memory_space<vmem>> -> memref<1x128xi32, #tpu.memory_space<vmem>>
        %dma_start3A_341 = tpu.memref_squeeze %dma_start3A_340 : memref<1x128xi32, #tpu.memory_space<vmem>> -> memref<128xi32, #tpu.memory_space<vmem>>
        %dma_start3A_342 = arith.constant 0 : i32
        %dma_start3A_343 = arith.constant 0 : i32
        %dma_start3A_344 = tpu.memref_slice %arg15[%dma_start3A_342, %dma_start3A_343] : memref<10112x128xf32, #tpu.memory_space<vmem_shared>> -> memref<10112x128xf32, #tpu.memory_space<vmem_shared>>
        tpu.enqueue_indirect_dma source(%arg11 : memref<128x128xf32, #tpu.memory_space<vmem>>) target(%dma_start3A_344 : memref<10112x128xf32, #tpu.memory_space<vmem_shared>>) offsets(%dma_start3A_341 : memref<128xi32, #tpu.memory_space<vmem>>) semaphore(%run_scoped3A_338 : memref<!tpu.dma_semaphore, #tpu.memory_space<semaphore_mem>>) {add = true}
        %dma_wait3A_345 = arith.constant 0 : i32
        %dma_wait3A_346 = tpu.memref_slice %arg10[%run_scoped3A_235, %dma_wait3A_345] : memref<8x128xi32, #tpu.memory_space<vmem>> -> memref<1x128xi32, #tpu.memory_space<vmem>>
        %dma_wait3A_347 = tpu.memref_squeeze %dma_wait3A_346 : memref<1x128xi32, #tpu.memory_space<vmem>> -> memref<128xi32, #tpu.memory_space<vmem>>
        %dma_wait3A_348 = arith.constant 0 : i32
        %dma_wait3A_349 = arith.constant 0 : i32
        %dma_wait3A_350 = tpu.memref_slice %arg15[%dma_wait3A_348, %dma_wait3A_349] : memref<10112x128xf32, #tpu.memory_space<vmem_shared>> -> memref<10112x128xf32, #tpu.memory_space<vmem_shared>>
        tpu.wait_indirect_dma semaphore(%run_scoped3A_338 : memref<!tpu.dma_semaphore, #tpu.memory_space<semaphore_mem>>) src(%arg11 : memref<128x128xf32, #tpu.memory_space<vmem>>) dst(%dma_wait3A_350 : memref<10112x128xf32, #tpu.memory_space<vmem_shared>>)
        tpu.yield
      }) : () -> ()
      %dma_start3A_236 = arith.constant 5 : i32
      %dma_start3A_237 = arith.constant 0 : i32
      %dma_start3A_238 = tpu.memref_slice %arg8[%dma_start3A_236, %dma_start3A_237] : memref<8x128xi32, #tpu.memory_space<vmem>> -> memref<1x128xi32, #tpu.memory_space<vmem>>
      %dma_start3A_239 = tpu.memref_squeeze %dma_start3A_238 : memref<1x128xi32, #tpu.memory_space<vmem>> -> memref<128xi32, #tpu.memory_space<vmem>>
      %dma_start3A_240 = arith.constant 0 : i32
      %dma_start3A_241 = arith.constant 0 : i32
      %dma_start3A_242 = tpu.memref_slice %arg2[%dma_start3A_240, %dma_start3A_241] : memref<10001x128xf32, #tpu.memory_space<hbm>> -> memref<10001x128xf32, #tpu.memory_space<hbm>>
      tpu.enqueue_indirect_dma source(%dma_start3A_242 : memref<10001x128xf32, #tpu.memory_space<hbm>>) target(%arg11 : memref<128x128xf32, #tpu.memory_space<vmem>>) offsets(%dma_start3A_239 : memref<128xi32, #tpu.memory_space<vmem>>) semaphore(%arg13 : memref<!tpu.dma_semaphore, #tpu.memory_space<semaphore_mem>>)
      %dma_start3A_243 = arith.constant 5 : i32
      %dma_start3A_244 = arith.constant 0 : i32
      %dma_start3A_245 = tpu.memref_slice %arg9[%dma_start3A_243, %dma_start3A_244] : memref<8x128xi32, #tpu.memory_space<vmem>> -> memref<1x128xi32, #tpu.memory_space<vmem>>
      %dma_start3A_246 = tpu.memref_squeeze %dma_start3A_245 : memref<1x128xi32, #tpu.memory_space<vmem>> -> memref<128xi32, #tpu.memory_space<vmem>>
      %dma_start3A_247 = arith.constant 0 : i32
      %dma_start3A_248 = arith.constant 0 : i32
      %dma_start3A_249 = tpu.memref_slice %arg3[%dma_start3A_247, %dma_start3A_248] : memref<201x128xf32, #tpu.memory_space<hbm>> -> memref<201x128xf32, #tpu.memory_space<hbm>>
      tpu.enqueue_indirect_dma source(%dma_start3A_249 : memref<201x128xf32, #tpu.memory_space<hbm>>) target(%arg12 : memref<128x128xf32, #tpu.memory_space<vmem>>) offsets(%dma_start3A_246 : memref<128xi32, #tpu.memory_space<vmem>>) semaphore(%arg14 : memref<!tpu.dma_semaphore, #tpu.memory_space<semaphore_mem>>)
      %dma_wait3A_250 = arith.constant 5 : i32
      %dma_wait3A_251 = arith.constant 0 : i32
      %dma_wait3A_252 = tpu.memref_slice %arg8[%dma_wait3A_250, %dma_wait3A_251] : memref<8x128xi32, #tpu.memory_space<vmem>> -> memref<1x128xi32, #tpu.memory_space<vmem>>
      %dma_wait3A_253 = tpu.memref_squeeze %dma_wait3A_252 : memref<1x128xi32, #tpu.memory_space<vmem>> -> memref<128xi32, #tpu.memory_space<vmem>>
      %dma_wait3A_254 = arith.constant 0 : i32
      %dma_wait3A_255 = arith.constant 0 : i32
      %dma_wait3A_256 = tpu.memref_slice %arg2[%dma_wait3A_254, %dma_wait3A_255] : memref<10001x128xf32, #tpu.memory_space<hbm>> -> memref<10001x128xf32, #tpu.memory_space<hbm>>
      tpu.wait_indirect_dma semaphore(%arg13 : memref<!tpu.dma_semaphore, #tpu.memory_space<semaphore_mem>>) src(%dma_wait3A_256 : memref<10001x128xf32, #tpu.memory_space<hbm>>) dst(%arg11 : memref<128x128xf32, #tpu.memory_space<vmem>>)
      %dma_wait3A_257 = arith.constant 5 : i32
      %dma_wait3A_258 = arith.constant 0 : i32
      %dma_wait3A_259 = tpu.memref_slice %arg9[%dma_wait3A_257, %dma_wait3A_258] : memref<8x128xi32, #tpu.memory_space<vmem>> -> memref<1x128xi32, #tpu.memory_space<vmem>>
      %dma_wait3A_260 = tpu.memref_squeeze %dma_wait3A_259 : memref<1x128xi32, #tpu.memory_space<vmem>> -> memref<128xi32, #tpu.memory_space<vmem>>
      %dma_wait3A_261 = arith.constant 0 : i32
      %dma_wait3A_262 = arith.constant 0 : i32
      %dma_wait3A_263 = tpu.memref_slice %arg3[%dma_wait3A_261, %dma_wait3A_262] : memref<201x128xf32, #tpu.memory_space<hbm>> -> memref<201x128xf32, #tpu.memory_space<hbm>>
      tpu.wait_indirect_dma semaphore(%arg14 : memref<!tpu.dma_semaphore, #tpu.memory_space<semaphore_mem>>) src(%dma_wait3A_263 : memref<201x128xf32, #tpu.memory_space<hbm>>) dst(%arg12 : memref<128x128xf32, #tpu.memory_space<vmem>>)
      %scan3A_264 = arith.constant 0 : i32
      %scan3A_265 = arith.constant 128 : i32
      %scan3A_266 = arith.addi %scan3A_264, %scan3A_265 : i32
      %scan3A_267 = arith.constant 1 : i32
      scf.for %scan3A_338 = %scan3A_264 to %scan3A_266 step %scan3A_267  : i32 {
        %mul3A_339 = arith.constant 1 : i32
        %mul3A_340 = arith.muli %scan3A_338, %mul3A_339 : i32
        %add3A_341 = arith.constant 0 : i32
        %add3A_342 = arith.addi %add3A_341, %mul3A_340 : i32
        %get3A = arith.index_cast %add3A_342 : i32 to index
        %get3A_343 = arith.constant 0 : index
        %get3A_344 = tpu.vector_load %arg11[%get3A, %get3A_343] {strides = array<i32>} : memref<128x128xf32, #tpu.memory_space<vmem>>, vector<1x16xf32>,
        %get3A_345 = vector.shape_cast %get3A_344 : vector<1x16xf32> to vector<16xf32>
        %get3A_346 = arith.index_cast %add3A_342 : i32 to index
        %get3A_347 = arith.constant 0 : index
        %get3A_348 = tpu.vector_load %arg12[%get3A_346, %get3A_347] {strides = array<i32>} : memref<128x128xf32, #tpu.memory_space<vmem>>, vector<1x16xf32>,
        %get3A_349 = vector.shape_cast %get3A_348 : vector<1x16xf32> to vector<16xf32>
        %add3A_350 = arith.addf %get3A_345, %get3A_349 : vector<16xf32>
        %swap3A = arith.index_cast %add3A_342 : i32 to index
        %swap3A_351 = arith.constant 0 : index
        %swap3A_352 = tpu.vector_load %arg11[%swap3A, %swap3A_351] {strides = array<i32>} : memref<128x128xf32, #tpu.memory_space<vmem>>, vector<1x16xf32>,
        %swap3A_353 = vector.shape_cast %swap3A_352 : vector<1x16xf32> to vector<16xf32>
        %swap3A_354 = vector.shape_cast %add3A_350 : vector<16xf32> to vector<1x16xf32>
        tpu.vector_store %arg11[%swap3A, %swap3A_351], %swap3A_354 {strides = array<i32>} : memref<128x128xf32, #tpu.memory_space<vmem>>, vector<1x16xf32>,
        %get3A_355 = arith.index_cast %add3A_342 : i32 to index
        %get3A_356 = arith.constant 16 : index
        %get3A_357 = tpu.vector_load %arg11[%get3A_355, %get3A_356] {strides = array<i32>} : memref<128x128xf32, #tpu.memory_space<vmem>>, vector<1x16xf32>,
        %get3A_358 = vector.shape_cast %get3A_357 : vector<1x16xf32> to vector<16xf32>
        %get3A_359 = arith.index_cast %add3A_342 : i32 to index
        %get3A_360 = arith.constant 16 : index
        %get3A_361 = tpu.vector_load %arg12[%get3A_359, %get3A_360] {strides = array<i32>} : memref<128x128xf32, #tpu.memory_space<vmem>>, vector<1x16xf32>,
        %get3A_362 = vector.shape_cast %get3A_361 : vector<1x16xf32> to vector<16xf32>
        %add3A_363 = arith.addf %get3A_358, %get3A_362 : vector<16xf32>
        %swap3A_364 = arith.index_cast %add3A_342 : i32 to index
        %swap3A_365 = arith.constant 16 : index
        %swap3A_366 = tpu.vector_load %arg11[%swap3A_364, %swap3A_365] {strides = array<i32>} : memref<128x128xf32, #tpu.memory_space<vmem>>, vector<1x16xf32>,
        %swap3A_367 = vector.shape_cast %swap3A_366 : vector<1x16xf32> to vector<16xf32>
        %swap3A_368 = vector.shape_cast %add3A_363 : vector<16xf32> to vector<1x16xf32>
        tpu.vector_store %arg11[%swap3A_364, %swap3A_365], %swap3A_368 {strides = array<i32>} : memref<128x128xf32, #tpu.memory_space<vmem>>, vector<1x16xf32>,
        %get3A_369 = arith.index_cast %add3A_342 : i32 to index
        %get3A_370 = arith.constant 32 : index
        %get3A_371 = tpu.vector_load %arg11[%get3A_369, %get3A_370] {strides = array<i32>} : memref<128x128xf32, #tpu.memory_space<vmem>>, vector<1x16xf32>,
        %get3A_372 = vector.shape_cast %get3A_371 : vector<1x16xf32> to vector<16xf32>
        %get3A_373 = arith.index_cast %add3A_342 : i32 to index
        %get3A_374 = arith.constant 32 : index
        %get3A_375 = tpu.vector_load %arg12[%get3A_373, %get3A_374] {strides = array<i32>} : memref<128x128xf32, #tpu.memory_space<vmem>>, vector<1x16xf32>,
        %get3A_376 = vector.shape_cast %get3A_375 : vector<1x16xf32> to vector<16xf32>
        %add3A_377 = arith.addf %get3A_372, %get3A_376 : vector<16xf32>
        %swap3A_378 = arith.index_cast %add3A_342 : i32 to index
        %swap3A_379 = arith.constant 32 : index
        %swap3A_380 = tpu.vector_load %arg11[%swap3A_378, %swap3A_379] {strides = array<i32>} : memref<128x128xf32, #tpu.memory_space<vmem>>, vector<1x16xf32>,
        %swap3A_381 = vector.shape_cast %swap3A_380 : vector<1x16xf32> to vector<16xf32>
        %swap3A_382 = vector.shape_cast %add3A_377 : vector<16xf32> to vector<1x16xf32>
        tpu.vector_store %arg11[%swap3A_378, %swap3A_379], %swap3A_382 {strides = array<i32>} : memref<128x128xf32, #tpu.memory_space<vmem>>, vector<1x16xf32>,
        %get3A_383 = arith.index_cast %add3A_342 : i32 to index
        %get3A_384 = arith.constant 48 : index
        %get3A_385 = tpu.vector_load %arg11[%get3A_383, %get3A_384] {strides = array<i32>} : memref<128x128xf32, #tpu.memory_space<vmem>>, vector<1x16xf32>,
        %get3A_386 = vector.shape_cast %get3A_385 : vector<1x16xf32> to vector<16xf32>
        %get3A_387 = arith.index_cast %add3A_342 : i32 to index
        %get3A_388 = arith.constant 48 : index
        %get3A_389 = tpu.vector_load %arg12[%get3A_387, %get3A_388] {strides = array<i32>} : memref<128x128xf32, #tpu.memory_space<vmem>>, vector<1x16xf32>,
        %get3A_390 = vector.shape_cast %get3A_389 : vector<1x16xf32> to vector<16xf32>
        %add3A_391 = arith.addf %get3A_386, %get3A_390 : vector<16xf32>
        %swap3A_392 = arith.index_cast %add3A_342 : i32 to index
        %swap3A_393 = arith.constant 48 : index
        %swap3A_394 = tpu.vector_load %arg11[%swap3A_392, %swap3A_393] {strides = array<i32>} : memref<128x128xf32, #tpu.memory_space<vmem>>, vector<1x16xf32>,
        %swap3A_395 = vector.shape_cast %swap3A_394 : vector<1x16xf32> to vector<16xf32>
        %swap3A_396 = vector.shape_cast %add3A_391 : vector<16xf32> to vector<1x16xf32>
        tpu.vector_store %arg11[%swap3A_392, %swap3A_393], %swap3A_396 {strides = array<i32>} : memref<128x128xf32, #tpu.memory_space<vmem>>, vector<1x16xf32>,
        %get3A_397 = arith.index_cast %add3A_342 : i32 to index
        %get3A_398 = arith.constant 64 : index
        %get3A_399 = tpu.vector_load %arg11[%get3A_397, %get3A_398] {strides = array<i32>} : memref<128x128xf32, #tpu.memory_space<vmem>>, vector<1x16xf32>,
        %get3A_400 = vector.shape_cast %get3A_399 : vector<1x16xf32> to vector<16xf32>
        %get3A_401 = arith.index_cast %add3A_342 : i32 to index
        %get3A_402 = arith.constant 64 : index
        %get3A_403 = tpu.vector_load %arg12[%get3A_401, %get3A_402] {strides = array<i32>} : memref<128x128xf32, #tpu.memory_space<vmem>>, vector<1x16xf32>,
        %get3A_404 = vector.shape_cast %get3A_403 : vector<1x16xf32> to vector<16xf32>
        %add3A_405 = arith.addf %get3A_400, %get3A_404 : vector<16xf32>
        %swap3A_406 = arith.index_cast %add3A_342 : i32 to index
        %swap3A_407 = arith.constant 64 : index
        %swap3A_408 = tpu.vector_load %arg11[%swap3A_406, %swap3A_407] {strides = array<i32>} : memref<128x128xf32, #tpu.memory_space<vmem>>, vector<1x16xf32>,
        %swap3A_409 = vector.shape_cast %swap3A_408 : vector<1x16xf32> to vector<16xf32>
        %swap3A_410 = vector.shape_cast %add3A_405 : vector<16xf32> to vector<1x16xf32>
        tpu.vector_store %arg11[%swap3A_406, %swap3A_407], %swap3A_410 {strides = array<i32>} : memref<128x128xf32, #tpu.memory_space<vmem>>, vector<1x16xf32>,
        %get3A_411 = arith.index_cast %add3A_342 : i32 to index
        %get3A_412 = arith.constant 80 : index
        %get3A_413 = tpu.vector_load %arg11[%get3A_411, %get3A_412] {strides = array<i32>} : memref<128x128xf32, #tpu.memory_space<vmem>>, vector<1x16xf32>,
        %get3A_414 = vector.shape_cast %get3A_413 : vector<1x16xf32> to vector<16xf32>
        %get3A_415 = arith.index_cast %add3A_342 : i32 to index
        %get3A_416 = arith.constant 80 : index
        %get3A_417 = tpu.vector_load %arg12[%get3A_415, %get3A_416] {strides = array<i32>} : memref<128x128xf32, #tpu.memory_space<vmem>>, vector<1x16xf32>,
        %get3A_418 = vector.shape_cast %get3A_417 : vector<1x16xf32> to vector<16xf32>
        %add3A_419 = arith.addf %get3A_414, %get3A_418 : vector<16xf32>
        %swap3A_420 = arith.index_cast %add3A_342 : i32 to index
        %swap3A_421 = arith.constant 80 : index
        %swap3A_422 = tpu.vector_load %arg11[%swap3A_420, %swap3A_421] {strides = array<i32>} : memref<128x128xf32, #tpu.memory_space<vmem>>, vector<1x16xf32>,
        %swap3A_423 = vector.shape_cast %swap3A_422 : vector<1x16xf32> to vector<16xf32>
        %swap3A_424 = vector.shape_cast %add3A_419 : vector<16xf32> to vector<1x16xf32>
        tpu.vector_store %arg11[%swap3A_420, %swap3A_421], %swap3A_424 {strides = array<i32>} : memref<128x128xf32, #tpu.memory_space<vmem>>, vector<1x16xf32>,
        %get3A_425 = arith.index_cast %add3A_342 : i32 to index
        %get3A_426 = arith.constant 96 : index
        %get3A_427 = tpu.vector_load %arg11[%get3A_425, %get3A_426] {strides = array<i32>} : memref<128x128xf32, #tpu.memory_space<vmem>>, vector<1x16xf32>,
        %get3A_428 = vector.shape_cast %get3A_427 : vector<1x16xf32> to vector<16xf32>
        %get3A_429 = arith.index_cast %add3A_342 : i32 to index
        %get3A_430 = arith.constant 96 : index
        %get3A_431 = tpu.vector_load %arg12[%get3A_429, %get3A_430] {strides = array<i32>} : memref<128x128xf32, #tpu.memory_space<vmem>>, vector<1x16xf32>,
        %get3A_432 = vector.shape_cast %get3A_431 : vector<1x16xf32> to vector<16xf32>
        %add3A_433 = arith.addf %get3A_428, %get3A_432 : vector<16xf32>
        %swap3A_434 = arith.index_cast %add3A_342 : i32 to index
        %swap3A_435 = arith.constant 96 : index
        %swap3A_436 = tpu.vector_load %arg11[%swap3A_434, %swap3A_435] {strides = array<i32>} : memref<128x128xf32, #tpu.memory_space<vmem>>, vector<1x16xf32>,
        %swap3A_437 = vector.shape_cast %swap3A_436 : vector<1x16xf32> to vector<16xf32>
        %swap3A_438 = vector.shape_cast %add3A_433 : vector<16xf32> to vector<1x16xf32>
        tpu.vector_store %arg11[%swap3A_434, %swap3A_435], %swap3A_438 {strides = array<i32>} : memref<128x128xf32, #tpu.memory_space<vmem>>, vector<1x16xf32>,
        %get3A_439 = arith.index_cast %add3A_342 : i32 to index
        %get3A_440 = arith.constant 112 : index
        %get3A_441 = tpu.vector_load %arg11[%get3A_439, %get3A_440] {strides = array<i32>} : memref<128x128xf32, #tpu.memory_space<vmem>>, vector<1x16xf32>,
        %get3A_442 = vector.shape_cast %get3A_441 : vector<1x16xf32> to vector<16xf32>
        %get3A_443 = arith.index_cast %add3A_342 : i32 to index
        %get3A_444 = arith.constant 112 : index
        %get3A_445 = tpu.vector_load %arg12[%get3A_443, %get3A_444] {strides = array<i32>} : memref<128x128xf32, #tpu.memory_space<vmem>>, vector<1x16xf32>,
        %get3A_446 = vector.shape_cast %get3A_445 : vector<1x16xf32> to vector<16xf32>
        %add3A_447 = arith.addf %get3A_442, %get3A_446 : vector<16xf32>
        %swap3A_448 = arith.index_cast %add3A_342 : i32 to index
        %swap3A_449 = arith.constant 112 : index
        %swap3A_450 = tpu.vector_load %arg11[%swap3A_448, %swap3A_449] {strides = array<i32>} : memref<128x128xf32, #tpu.memory_space<vmem>>, vector<1x16xf32>,
        %swap3A_451 = vector.shape_cast %swap3A_450 : vector<1x16xf32> to vector<16xf32>
        %swap3A_452 = vector.shape_cast %add3A_447 : vector<16xf32> to vector<1x16xf32>
        tpu.vector_store %arg11[%swap3A_448, %swap3A_449], %swap3A_452 {strides = array<i32>} : memref<128x128xf32, #tpu.memory_space<vmem>>, vector<1x16xf32>,
      }
      %scan3A_268 = arith.constant 128 : i32
      %run_scoped3A_269 = arith.constant 5 : i32
      "tpu.region"() ({
        %run_scoped3A_338 = tpu.sem_alloc : memref<!tpu.dma_semaphore, #tpu.memory_space<semaphore_mem>>
        %dma_start3A_339 = arith.constant 0 : i32
        %dma_start3A_340 = tpu.memref_slice %arg10[%run_scoped3A_269, %dma_start3A_339] : memref<8x128xi32, #tpu.memory_space<vmem>> -> memref<1x128xi32, #tpu.memory_space<vmem>>
        %dma_start3A_341 = tpu.memref_squeeze %dma_start3A_340 : memref<1x128xi32, #tpu.memory_space<vmem>> -> memref<128xi32, #tpu.memory_space<vmem>>
        %dma_start3A_342 = arith.constant 0 : i32
        %dma_start3A_343 = arith.constant 0 : i32
        %dma_start3A_344 = tpu.memref_slice %arg15[%dma_start3A_342, %dma_start3A_343] : memref<10112x128xf32, #tpu.memory_space<vmem_shared>> -> memref<10112x128xf32, #tpu.memory_space<vmem_shared>>
        tpu.enqueue_indirect_dma source(%arg11 : memref<128x128xf32, #tpu.memory_space<vmem>>) target(%dma_start3A_344 : memref<10112x128xf32, #tpu.memory_space<vmem_shared>>) offsets(%dma_start3A_341 : memref<128xi32, #tpu.memory_space<vmem>>) semaphore(%run_scoped3A_338 : memref<!tpu.dma_semaphore, #tpu.memory_space<semaphore_mem>>) {add = true}
        %dma_wait3A_345 = arith.constant 0 : i32
        %dma_wait3A_346 = tpu.memref_slice %arg10[%run_scoped3A_269, %dma_wait3A_345] : memref<8x128xi32, #tpu.memory_space<vmem>> -> memref<1x128xi32, #tpu.memory_space<vmem>>
        %dma_wait3A_347 = tpu.memref_squeeze %dma_wait3A_346 : memref<1x128xi32, #tpu.memory_space<vmem>> -> memref<128xi32, #tpu.memory_space<vmem>>
        %dma_wait3A_348 = arith.constant 0 : i32
        %dma_wait3A_349 = arith.constant 0 : i32
        %dma_wait3A_350 = tpu.memref_slice %arg15[%dma_wait3A_348, %dma_wait3A_349] : memref<10112x128xf32, #tpu.memory_space<vmem_shared>> -> memref<10112x128xf32, #tpu.memory_space<vmem_shared>>
        tpu.wait_indirect_dma semaphore(%run_scoped3A_338 : memref<!tpu.dma_semaphore, #tpu.memory_space<semaphore_mem>>) src(%arg11 : memref<128x128xf32, #tpu.memory_space<vmem>>) dst(%dma_wait3A_350 : memref<10112x128xf32, #tpu.memory_space<vmem_shared>>)
        tpu.yield
      }) : () -> ()
      %dma_start3A_270 = arith.constant 6 : i32
      %dma_start3A_271 = arith.constant 0 : i32
      %dma_start3A_272 = tpu.memref_slice %arg8[%dma_start3A_270, %dma_start3A_271] : memref<8x128xi32, #tpu.memory_space<vmem>> -> memref<1x128xi32, #tpu.memory_space<vmem>>
      %dma_start3A_273 = tpu.memref_squeeze %dma_start3A_272 : memref<1x128xi32, #tpu.memory_space<vmem>> -> memref<128xi32, #tpu.memory_space<vmem>>
      %dma_start3A_274 = arith.constant 0 : i32
      %dma_start3A_275 = arith.constant 0 : i32
      %dma_start3A_276 = tpu.memref_slice %arg2[%dma_start3A_274, %dma_start3A_275] : memref<10001x128xf32, #tpu.memory_space<hbm>> -> memref<10001x128xf32, #tpu.memory_space<hbm>>
      tpu.enqueue_indirect_dma source(%dma_start3A_276 : memref<10001x128xf32, #tpu.memory_space<hbm>>) target(%arg11 : memref<128x128xf32, #tpu.memory_space<vmem>>) offsets(%dma_start3A_273 : memref<128xi32, #tpu.memory_space<vmem>>) semaphore(%arg13 : memref<!tpu.dma_semaphore, #tpu.memory_space<semaphore_mem>>)
      %dma_start3A_277 = arith.constant 6 : i32
      %dma_start3A_278 = arith.constant 0 : i32
      %dma_start3A_279 = tpu.memref_slice %arg9[%dma_start3A_277, %dma_start3A_278] : memref<8x128xi32, #tpu.memory_space<vmem>> -> memref<1x128xi32, #tpu.memory_space<vmem>>
      %dma_start3A_280 = tpu.memref_squeeze %dma_start3A_279 : memref<1x128xi32, #tpu.memory_space<vmem>> -> memref<128xi32, #tpu.memory_space<vmem>>
      %dma_start3A_281 = arith.constant 0 : i32
      %dma_start3A_282 = arith.constant 0 : i32
      %dma_start3A_283 = tpu.memref_slice %arg3[%dma_start3A_281, %dma_start3A_282] : memref<201x128xf32, #tpu.memory_space<hbm>> -> memref<201x128xf32, #tpu.memory_space<hbm>>
      tpu.enqueue_indirect_dma source(%dma_start3A_283 : memref<201x128xf32, #tpu.memory_space<hbm>>) target(%arg12 : memref<128x128xf32, #tpu.memory_space<vmem>>) offsets(%dma_start3A_280 : memref<128xi32, #tpu.memory_space<vmem>>) semaphore(%arg14 : memref<!tpu.dma_semaphore, #tpu.memory_space<semaphore_mem>>)
      %dma_wait3A_284 = arith.constant 6 : i32
      %dma_wait3A_285 = arith.constant 0 : i32
      %dma_wait3A_286 = tpu.memref_slice %arg8[%dma_wait3A_284, %dma_wait3A_285] : memref<8x128xi32, #tpu.memory_space<vmem>> -> memref<1x128xi32, #tpu.memory_space<vmem>>
      %dma_wait3A_287 = tpu.memref_squeeze %dma_wait3A_286 : memref<1x128xi32, #tpu.memory_space<vmem>> -> memref<128xi32, #tpu.memory_space<vmem>>
      %dma_wait3A_288 = arith.constant 0 : i32
      %dma_wait3A_289 = arith.constant 0 : i32
      %dma_wait3A_290 = tpu.memref_slice %arg2[%dma_wait3A_288, %dma_wait3A_289] : memref<10001x128xf32, #tpu.memory_space<hbm>> -> memref<10001x128xf32, #tpu.memory_space<hbm>>
      tpu.wait_indirect_dma semaphore(%arg13 : memref<!tpu.dma_semaphore, #tpu.memory_space<semaphore_mem>>) src(%dma_wait3A_290 : memref<10001x128xf32, #tpu.memory_space<hbm>>) dst(%arg11 : memref<128x128xf32, #tpu.memory_space<vmem>>)
      %dma_wait3A_291 = arith.constant 6 : i32
      %dma_wait3A_292 = arith.constant 0 : i32
      %dma_wait3A_293 = tpu.memref_slice %arg9[%dma_wait3A_291, %dma_wait3A_292] : memref<8x128xi32, #tpu.memory_space<vmem>> -> memref<1x128xi32, #tpu.memory_space<vmem>>
      %dma_wait3A_294 = tpu.memref_squeeze %dma_wait3A_293 : memref<1x128xi32, #tpu.memory_space<vmem>> -> memref<128xi32, #tpu.memory_space<vmem>>
      %dma_wait3A_295 = arith.constant 0 : i32
      %dma_wait3A_296 = arith.constant 0 : i32
      %dma_wait3A_297 = tpu.memref_slice %arg3[%dma_wait3A_295, %dma_wait3A_296] : memref<201x128xf32, #tpu.memory_space<hbm>> -> memref<201x128xf32, #tpu.memory_space<hbm>>
      tpu.wait_indirect_dma semaphore(%arg14 : memref<!tpu.dma_semaphore, #tpu.memory_space<semaphore_mem>>) src(%dma_wait3A_297 : memref<201x128xf32, #tpu.memory_space<hbm>>) dst(%arg12 : memref<128x128xf32, #tpu.memory_space<vmem>>)
      %scan3A_298 = arith.constant 0 : i32
      %scan3A_299 = arith.constant 128 : i32
      %scan3A_300 = arith.addi %scan3A_298, %scan3A_299 : i32
      %scan3A_301 = arith.constant 1 : i32
      scf.for %scan3A_338 = %scan3A_298 to %scan3A_300 step %scan3A_301  : i32 {
        %mul3A_339 = arith.constant 1 : i32
        %mul3A_340 = arith.muli %scan3A_338, %mul3A_339 : i32
        %add3A_341 = arith.constant 0 : i32
        %add3A_342 = arith.addi %add3A_341, %mul3A_340 : i32
        %get3A = arith.index_cast %add3A_342 : i32 to index
        %get3A_343 = arith.constant 0 : index
        %get3A_344 = tpu.vector_load %arg11[%get3A, %get3A_343] {strides = array<i32>} : memref<128x128xf32, #tpu.memory_space<vmem>>, vector<1x16xf32>,
        %get3A_345 = vector.shape_cast %get3A_344 : vector<1x16xf32> to vector<16xf32>
        %get3A_346 = arith.index_cast %add3A_342 : i32 to index
        %get3A_347 = arith.constant 0 : index
        %get3A_348 = tpu.vector_load %arg12[%get3A_346, %get3A_347] {strides = array<i32>} : memref<128x128xf32, #tpu.memory_space<vmem>>, vector<1x16xf32>,
        %get3A_349 = vector.shape_cast %get3A_348 : vector<1x16xf32> to vector<16xf32>
        %add3A_350 = arith.addf %get3A_345, %get3A_349 : vector<16xf32>
        %swap3A = arith.index_cast %add3A_342 : i32 to index
        %swap3A_351 = arith.constant 0 : index
        %swap3A_352 = tpu.vector_load %arg11[%swap3A, %swap3A_351] {strides = array<i32>} : memref<128x128xf32, #tpu.memory_space<vmem>>, vector<1x16xf32>,
        %swap3A_353 = vector.shape_cast %swap3A_352 : vector<1x16xf32> to vector<16xf32>
        %swap3A_354 = vector.shape_cast %add3A_350 : vector<16xf32> to vector<1x16xf32>
        tpu.vector_store %arg11[%swap3A, %swap3A_351], %swap3A_354 {strides = array<i32>} : memref<128x128xf32, #tpu.memory_space<vmem>>, vector<1x16xf32>,
        %get3A_355 = arith.index_cast %add3A_342 : i32 to index
        %get3A_356 = arith.constant 16 : index
        %get3A_357 = tpu.vector_load %arg11[%get3A_355, %get3A_356] {strides = array<i32>} : memref<128x128xf32, #tpu.memory_space<vmem>>, vector<1x16xf32>,
        %get3A_358 = vector.shape_cast %get3A_357 : vector<1x16xf32> to vector<16xf32>
        %get3A_359 = arith.index_cast %add3A_342 : i32 to index
        %get3A_360 = arith.constant 16 : index
        %get3A_361 = tpu.vector_load %arg12[%get3A_359, %get3A_360] {strides = array<i32>} : memref<128x128xf32, #tpu.memory_space<vmem>>, vector<1x16xf32>,
        %get3A_362 = vector.shape_cast %get3A_361 : vector<1x16xf32> to vector<16xf32>
        %add3A_363 = arith.addf %get3A_358, %get3A_362 : vector<16xf32>
        %swap3A_364 = arith.index_cast %add3A_342 : i32 to index
        %swap3A_365 = arith.constant 16 : index
        %swap3A_366 = tpu.vector_load %arg11[%swap3A_364, %swap3A_365] {strides = array<i32>} : memref<128x128xf32, #tpu.memory_space<vmem>>, vector<1x16xf32>,
        %swap3A_367 = vector.shape_cast %swap3A_366 : vector<1x16xf32> to vector<16xf32>
        %swap3A_368 = vector.shape_cast %add3A_363 : vector<16xf32> to vector<1x16xf32>
        tpu.vector_store %arg11[%swap3A_364, %swap3A_365], %swap3A_368 {strides = array<i32>} : memref<128x128xf32, #tpu.memory_space<vmem>>, vector<1x16xf32>,
        %get3A_369 = arith.index_cast %add3A_342 : i32 to index
        %get3A_370 = arith.constant 32 : index
        %get3A_371 = tpu.vector_load %arg11[%get3A_369, %get3A_370] {strides = array<i32>} : memref<128x128xf32, #tpu.memory_space<vmem>>, vector<1x16xf32>,
        %get3A_372 = vector.shape_cast %get3A_371 : vector<1x16xf32> to vector<16xf32>
        %get3A_373 = arith.index_cast %add3A_342 : i32 to index
        %get3A_374 = arith.constant 32 : index
        %get3A_375 = tpu.vector_load %arg12[%get3A_373, %get3A_374] {strides = array<i32>} : memref<128x128xf32, #tpu.memory_space<vmem>>, vector<1x16xf32>,
        %get3A_376 = vector.shape_cast %get3A_375 : vector<1x16xf32> to vector<16xf32>
        %add3A_377 = arith.addf %get3A_372, %get3A_376 : vector<16xf32>
        %swap3A_378 = arith.index_cast %add3A_342 : i32 to index
        %swap3A_379 = arith.constant 32 : index
        %swap3A_380 = tpu.vector_load %arg11[%swap3A_378, %swap3A_379] {strides = array<i32>} : memref<128x128xf32, #tpu.memory_space<vmem>>, vector<1x16xf32>,
        %swap3A_381 = vector.shape_cast %swap3A_380 : vector<1x16xf32> to vector<16xf32>
        %swap3A_382 = vector.shape_cast %add3A_377 : vector<16xf32> to vector<1x16xf32>
        tpu.vector_store %arg11[%swap3A_378, %swap3A_379], %swap3A_382 {strides = array<i32>} : memref<128x128xf32, #tpu.memory_space<vmem>>, vector<1x16xf32>,
        %get3A_383 = arith.index_cast %add3A_342 : i32 to index
        %get3A_384 = arith.constant 48 : index
        %get3A_385 = tpu.vector_load %arg11[%get3A_383, %get3A_384] {strides = array<i32>} : memref<128x128xf32, #tpu.memory_space<vmem>>, vector<1x16xf32>,
        %get3A_386 = vector.shape_cast %get3A_385 : vector<1x16xf32> to vector<16xf32>
        %get3A_387 = arith.index_cast %add3A_342 : i32 to index
        %get3A_388 = arith.constant 48 : index
        %get3A_389 = tpu.vector_load %arg12[%get3A_387, %get3A_388] {strides = array<i32>} : memref<128x128xf32, #tpu.memory_space<vmem>>, vector<1x16xf32>,
        %get3A_390 = vector.shape_cast %get3A_389 : vector<1x16xf32> to vector<16xf32>
        %add3A_391 = arith.addf %get3A_386, %get3A_390 : vector<16xf32>
        %swap3A_392 = arith.index_cast %add3A_342 : i32 to index
        %swap3A_393 = arith.constant 48 : index
        %swap3A_394 = tpu.vector_load %arg11[%swap3A_392, %swap3A_393] {strides = array<i32>} : memref<128x128xf32, #tpu.memory_space<vmem>>, vector<1x16xf32>,
        %swap3A_395 = vector.shape_cast %swap3A_394 : vector<1x16xf32> to vector<16xf32>
        %swap3A_396 = vector.shape_cast %add3A_391 : vector<16xf32> to vector<1x16xf32>
        tpu.vector_store %arg11[%swap3A_392, %swap3A_393], %swap3A_396 {strides = array<i32>} : memref<128x128xf32, #tpu.memory_space<vmem>>, vector<1x16xf32>,
        %get3A_397 = arith.index_cast %add3A_342 : i32 to index
        %get3A_398 = arith.constant 64 : index
        %get3A_399 = tpu.vector_load %arg11[%get3A_397, %get3A_398] {strides = array<i32>} : memref<128x128xf32, #tpu.memory_space<vmem>>, vector<1x16xf32>,
        %get3A_400 = vector.shape_cast %get3A_399 : vector<1x16xf32> to vector<16xf32>
        %get3A_401 = arith.index_cast %add3A_342 : i32 to index
        %get3A_402 = arith.constant 64 : index
        %get3A_403 = tpu.vector_load %arg12[%get3A_401, %get3A_402] {strides = array<i32>} : memref<128x128xf32, #tpu.memory_space<vmem>>, vector<1x16xf32>,
        %get3A_404 = vector.shape_cast %get3A_403 : vector<1x16xf32> to vector<16xf32>
        %add3A_405 = arith.addf %get3A_400, %get3A_404 : vector<16xf32>
        %swap3A_406 = arith.index_cast %add3A_342 : i32 to index
        %swap3A_407 = arith.constant 64 : index
        %swap3A_408 = tpu.vector_load %arg11[%swap3A_406, %swap3A_407] {strides = array<i32>} : memref<128x128xf32, #tpu.memory_space<vmem>>, vector<1x16xf32>,
        %swap3A_409 = vector.shape_cast %swap3A_408 : vector<1x16xf32> to vector<16xf32>
        %swap3A_410 = vector.shape_cast %add3A_405 : vector<16xf32> to vector<1x16xf32>
        tpu.vector_store %arg11[%swap3A_406, %swap3A_407], %swap3A_410 {strides = array<i32>} : memref<128x128xf32, #tpu.memory_space<vmem>>, vector<1x16xf32>,
        %get3A_411 = arith.index_cast %add3A_342 : i32 to index
        %get3A_412 = arith.constant 80 : index
        %get3A_413 = tpu.vector_load %arg11[%get3A_411, %get3A_412] {strides = array<i32>} : memref<128x128xf32, #tpu.memory_space<vmem>>, vector<1x16xf32>,
        %get3A_414 = vector.shape_cast %get3A_413 : vector<1x16xf32> to vector<16xf32>
        %get3A_415 = arith.index_cast %add3A_342 : i32 to index
        %get3A_416 = arith.constant 80 : index
        %get3A_417 = tpu.vector_load %arg12[%get3A_415, %get3A_416] {strides = array<i32>} : memref<128x128xf32, #tpu.memory_space<vmem>>, vector<1x16xf32>,
        %get3A_418 = vector.shape_cast %get3A_417 : vector<1x16xf32> to vector<16xf32>
        %add3A_419 = arith.addf %get3A_414, %get3A_418 : vector<16xf32>
        %swap3A_420 = arith.index_cast %add3A_342 : i32 to index
        %swap3A_421 = arith.constant 80 : index
        %swap3A_422 = tpu.vector_load %arg11[%swap3A_420, %swap3A_421] {strides = array<i32>} : memref<128x128xf32, #tpu.memory_space<vmem>>, vector<1x16xf32>,
        %swap3A_423 = vector.shape_cast %swap3A_422 : vector<1x16xf32> to vector<16xf32>
        %swap3A_424 = vector.shape_cast %add3A_419 : vector<16xf32> to vector<1x16xf32>
        tpu.vector_store %arg11[%swap3A_420, %swap3A_421], %swap3A_424 {strides = array<i32>} : memref<128x128xf32, #tpu.memory_space<vmem>>, vector<1x16xf32>,
        %get3A_425 = arith.index_cast %add3A_342 : i32 to index
        %get3A_426 = arith.constant 96 : index
        %get3A_427 = tpu.vector_load %arg11[%get3A_425, %get3A_426] {strides = array<i32>} : memref<128x128xf32, #tpu.memory_space<vmem>>, vector<1x16xf32>,
        %get3A_428 = vector.shape_cast %get3A_427 : vector<1x16xf32> to vector<16xf32>
        %get3A_429 = arith.index_cast %add3A_342 : i32 to index
        %get3A_430 = arith.constant 96 : index
        %get3A_431 = tpu.vector_load %arg12[%get3A_429, %get3A_430] {strides = array<i32>} : memref<128x128xf32, #tpu.memory_space<vmem>>, vector<1x16xf32>,
        %get3A_432 = vector.shape_cast %get3A_431 : vector<1x16xf32> to vector<16xf32>
        %add3A_433 = arith.addf %get3A_428, %get3A_432 : vector<16xf32>
        %swap3A_434 = arith.index_cast %add3A_342 : i32 to index
        %swap3A_435 = arith.constant 96 : index
        %swap3A_436 = tpu.vector_load %arg11[%swap3A_434, %swap3A_435] {strides = array<i32>} : memref<128x128xf32, #tpu.memory_space<vmem>>, vector<1x16xf32>,
        %swap3A_437 = vector.shape_cast %swap3A_436 : vector<1x16xf32> to vector<16xf32>
        %swap3A_438 = vector.shape_cast %add3A_433 : vector<16xf32> to vector<1x16xf32>
        tpu.vector_store %arg11[%swap3A_434, %swap3A_435], %swap3A_438 {strides = array<i32>} : memref<128x128xf32, #tpu.memory_space<vmem>>, vector<1x16xf32>,
        %get3A_439 = arith.index_cast %add3A_342 : i32 to index
        %get3A_440 = arith.constant 112 : index
        %get3A_441 = tpu.vector_load %arg11[%get3A_439, %get3A_440] {strides = array<i32>} : memref<128x128xf32, #tpu.memory_space<vmem>>, vector<1x16xf32>,
        %get3A_442 = vector.shape_cast %get3A_441 : vector<1x16xf32> to vector<16xf32>
        %get3A_443 = arith.index_cast %add3A_342 : i32 to index
        %get3A_444 = arith.constant 112 : index
        %get3A_445 = tpu.vector_load %arg12[%get3A_443, %get3A_444] {strides = array<i32>} : memref<128x128xf32, #tpu.memory_space<vmem>>, vector<1x16xf32>,
        %get3A_446 = vector.shape_cast %get3A_445 : vector<1x16xf32> to vector<16xf32>
        %add3A_447 = arith.addf %get3A_442, %get3A_446 : vector<16xf32>
        %swap3A_448 = arith.index_cast %add3A_342 : i32 to index
        %swap3A_449 = arith.constant 112 : index
        %swap3A_450 = tpu.vector_load %arg11[%swap3A_448, %swap3A_449] {strides = array<i32>} : memref<128x128xf32, #tpu.memory_space<vmem>>, vector<1x16xf32>,
        %swap3A_451 = vector.shape_cast %swap3A_450 : vector<1x16xf32> to vector<16xf32>
        %swap3A_452 = vector.shape_cast %add3A_447 : vector<16xf32> to vector<1x16xf32>
        tpu.vector_store %arg11[%swap3A_448, %swap3A_449], %swap3A_452 {strides = array<i32>} : memref<128x128xf32, #tpu.memory_space<vmem>>, vector<1x16xf32>,
      }
      %scan3A_302 = arith.constant 128 : i32
      %run_scoped3A_303 = arith.constant 6 : i32
      "tpu.region"() ({
        %run_scoped3A_338 = tpu.sem_alloc : memref<!tpu.dma_semaphore, #tpu.memory_space<semaphore_mem>>
        %dma_start3A_339 = arith.constant 0 : i32
        %dma_start3A_340 = tpu.memref_slice %arg10[%run_scoped3A_303, %dma_start3A_339] : memref<8x128xi32, #tpu.memory_space<vmem>> -> memref<1x128xi32, #tpu.memory_space<vmem>>
        %dma_start3A_341 = tpu.memref_squeeze %dma_start3A_340 : memref<1x128xi32, #tpu.memory_space<vmem>> -> memref<128xi32, #tpu.memory_space<vmem>>
        %dma_start3A_342 = arith.constant 0 : i32
        %dma_start3A_343 = arith.constant 0 : i32
        %dma_start3A_344 = tpu.memref_slice %arg15[%dma_start3A_342, %dma_start3A_343] : memref<10112x128xf32, #tpu.memory_space<vmem_shared>> -> memref<10112x128xf32, #tpu.memory_space<vmem_shared>>
        tpu.enqueue_indirect_dma source(%arg11 : memref<128x128xf32, #tpu.memory_space<vmem>>) target(%dma_start3A_344 : memref<10112x128xf32, #tpu.memory_space<vmem_shared>>) offsets(%dma_start3A_341 : memref<128xi32, #tpu.memory_space<vmem>>) semaphore(%run_scoped3A_338 : memref<!tpu.dma_semaphore, #tpu.memory_space<semaphore_mem>>) {add = true}
        %dma_wait3A_345 = arith.constant 0 : i32
        %dma_wait3A_346 = tpu.memref_slice %arg10[%run_scoped3A_303, %dma_wait3A_345] : memref<8x128xi32, #tpu.memory_space<vmem>> -> memref<1x128xi32, #tpu.memory_space<vmem>>
        %dma_wait3A_347 = tpu.memref_squeeze %dma_wait3A_346 : memref<1x128xi32, #tpu.memory_space<vmem>> -> memref<128xi32, #tpu.memory_space<vmem>>
        %dma_wait3A_348 = arith.constant 0 : i32
        %dma_wait3A_349 = arith.constant 0 : i32
        %dma_wait3A_350 = tpu.memref_slice %arg15[%dma_wait3A_348, %dma_wait3A_349] : memref<10112x128xf32, #tpu.memory_space<vmem_shared>> -> memref<10112x128xf32, #tpu.memory_space<vmem_shared>>
        tpu.wait_indirect_dma semaphore(%run_scoped3A_338 : memref<!tpu.dma_semaphore, #tpu.memory_space<semaphore_mem>>) src(%arg11 : memref<128x128xf32, #tpu.memory_space<vmem>>) dst(%dma_wait3A_350 : memref<10112x128xf32, #tpu.memory_space<vmem_shared>>)
        tpu.yield
      }) : () -> ()
      %dma_start3A_304 = arith.constant 7 : i32
      %dma_start3A_305 = arith.constant 0 : i32
      %dma_start3A_306 = tpu.memref_slice %arg8[%dma_start3A_304, %dma_start3A_305] : memref<8x128xi32, #tpu.memory_space<vmem>> -> memref<1x128xi32, #tpu.memory_space<vmem>>
      %dma_start3A_307 = tpu.memref_squeeze %dma_start3A_306 : memref<1x128xi32, #tpu.memory_space<vmem>> -> memref<128xi32, #tpu.memory_space<vmem>>
      %dma_start3A_308 = arith.constant 0 : i32
      %dma_start3A_309 = arith.constant 0 : i32
      %dma_start3A_310 = tpu.memref_slice %arg2[%dma_start3A_308, %dma_start3A_309] : memref<10001x128xf32, #tpu.memory_space<hbm>> -> memref<10001x128xf32, #tpu.memory_space<hbm>>
      tpu.enqueue_indirect_dma source(%dma_start3A_310 : memref<10001x128xf32, #tpu.memory_space<hbm>>) target(%arg11 : memref<128x128xf32, #tpu.memory_space<vmem>>) offsets(%dma_start3A_307 : memref<128xi32, #tpu.memory_space<vmem>>) semaphore(%arg13 : memref<!tpu.dma_semaphore, #tpu.memory_space<semaphore_mem>>)
      %dma_start3A_311 = arith.constant 7 : i32
      %dma_start3A_312 = arith.constant 0 : i32
      %dma_start3A_313 = tpu.memref_slice %arg9[%dma_start3A_311, %dma_start3A_312] : memref<8x128xi32, #tpu.memory_space<vmem>> -> memref<1x128xi32, #tpu.memory_space<vmem>>
      %dma_start3A_314 = tpu.memref_squeeze %dma_start3A_313 : memref<1x128xi32, #tpu.memory_space<vmem>> -> memref<128xi32, #tpu.memory_space<vmem>>
      %dma_start3A_315 = arith.constant 0 : i32
      %dma_start3A_316 = arith.constant 0 : i32
      %dma_start3A_317 = tpu.memref_slice %arg3[%dma_start3A_315, %dma_start3A_316] : memref<201x128xf32, #tpu.memory_space<hbm>> -> memref<201x128xf32, #tpu.memory_space<hbm>>
      tpu.enqueue_indirect_dma source(%dma_start3A_317 : memref<201x128xf32, #tpu.memory_space<hbm>>) target(%arg12 : memref<128x128xf32, #tpu.memory_space<vmem>>) offsets(%dma_start3A_314 : memref<128xi32, #tpu.memory_space<vmem>>) semaphore(%arg14 : memref<!tpu.dma_semaphore, #tpu.memory_space<semaphore_mem>>)
      %dma_wait3A_318 = arith.constant 7 : i32
      %dma_wait3A_319 = arith.constant 0 : i32
      %dma_wait3A_320 = tpu.memref_slice %arg8[%dma_wait3A_318, %dma_wait3A_319] : memref<8x128xi32, #tpu.memory_space<vmem>> -> memref<1x128xi32, #tpu.memory_space<vmem>>
      %dma_wait3A_321 = tpu.memref_squeeze %dma_wait3A_320 : memref<1x128xi32, #tpu.memory_space<vmem>> -> memref<128xi32, #tpu.memory_space<vmem>>
      %dma_wait3A_322 = arith.constant 0 : i32
      %dma_wait3A_323 = arith.constant 0 : i32
      %dma_wait3A_324 = tpu.memref_slice %arg2[%dma_wait3A_322, %dma_wait3A_323] : memref<10001x128xf32, #tpu.memory_space<hbm>> -> memref<10001x128xf32, #tpu.memory_space<hbm>>
      tpu.wait_indirect_dma semaphore(%arg13 : memref<!tpu.dma_semaphore, #tpu.memory_space<semaphore_mem>>) src(%dma_wait3A_324 : memref<10001x128xf32, #tpu.memory_space<hbm>>) dst(%arg11 : memref<128x128xf32, #tpu.memory_space<vmem>>)
      %dma_wait3A_325 = arith.constant 7 : i32
      %dma_wait3A_326 = arith.constant 0 : i32
      %dma_wait3A_327 = tpu.memref_slice %arg9[%dma_wait3A_325, %dma_wait3A_326] : memref<8x128xi32, #tpu.memory_space<vmem>> -> memref<1x128xi32, #tpu.memory_space<vmem>>
      %dma_wait3A_328 = tpu.memref_squeeze %dma_wait3A_327 : memref<1x128xi32, #tpu.memory_space<vmem>> -> memref<128xi32, #tpu.memory_space<vmem>>
      %dma_wait3A_329 = arith.constant 0 : i32
      %dma_wait3A_330 = arith.constant 0 : i32
      %dma_wait3A_331 = tpu.memref_slice %arg3[%dma_wait3A_329, %dma_wait3A_330] : memref<201x128xf32, #tpu.memory_space<hbm>> -> memref<201x128xf32, #tpu.memory_space<hbm>>
      tpu.wait_indirect_dma semaphore(%arg14 : memref<!tpu.dma_semaphore, #tpu.memory_space<semaphore_mem>>) src(%dma_wait3A_331 : memref<201x128xf32, #tpu.memory_space<hbm>>) dst(%arg12 : memref<128x128xf32, #tpu.memory_space<vmem>>)
      %scan3A_332 = arith.constant 0 : i32
      %scan3A_333 = arith.constant 128 : i32
      %scan3A_334 = arith.addi %scan3A_332, %scan3A_333 : i32
      %scan3A_335 = arith.constant 1 : i32
      scf.for %scan3A_338 = %scan3A_332 to %scan3A_334 step %scan3A_335  : i32 {
        %mul3A_339 = arith.constant 1 : i32
        %mul3A_340 = arith.muli %scan3A_338, %mul3A_339 : i32
        %add3A_341 = arith.constant 0 : i32
        %add3A_342 = arith.addi %add3A_341, %mul3A_340 : i32
        %get3A = arith.index_cast %add3A_342 : i32 to index
        %get3A_343 = arith.constant 0 : index
        %get3A_344 = tpu.vector_load %arg11[%get3A, %get3A_343] {strides = array<i32>} : memref<128x128xf32, #tpu.memory_space<vmem>>, vector<1x16xf32>,
        %get3A_345 = vector.shape_cast %get3A_344 : vector<1x16xf32> to vector<16xf32>
        %get3A_346 = arith.index_cast %add3A_342 : i32 to index
        %get3A_347 = arith.constant 0 : index
        %get3A_348 = tpu.vector_load %arg12[%get3A_346, %get3A_347] {strides = array<i32>} : memref<128x128xf32, #tpu.memory_space<vmem>>, vector<1x16xf32>,
        %get3A_349 = vector.shape_cast %get3A_348 : vector<1x16xf32> to vector<16xf32>
        %add3A_350 = arith.addf %get3A_345, %get3A_349 : vector<16xf32>
        %swap3A = arith.index_cast %add3A_342 : i32 to index
        %swap3A_351 = arith.constant 0 : index
        %swap3A_352 = tpu.vector_load %arg11[%swap3A, %swap3A_351] {strides = array<i32>} : memref<128x128xf32, #tpu.memory_space<vmem>>, vector<1x16xf32>,
        %swap3A_353 = vector.shape_cast %swap3A_352 : vector<1x16xf32> to vector<16xf32>
        %swap3A_354 = vector.shape_cast %add3A_350 : vector<16xf32> to vector<1x16xf32>
        tpu.vector_store %arg11[%swap3A, %swap3A_351], %swap3A_354 {strides = array<i32>} : memref<128x128xf32, #tpu.memory_space<vmem>>, vector<1x16xf32>,
        %get3A_355 = arith.index_cast %add3A_342 : i32 to index
        %get3A_356 = arith.constant 16 : index
        %get3A_357 = tpu.vector_load %arg11[%get3A_355, %get3A_356] {strides = array<i32>} : memref<128x128xf32, #tpu.memory_space<vmem>>, vector<1x16xf32>,
        %get3A_358 = vector.shape_cast %get3A_357 : vector<1x16xf32> to vector<16xf32>
        %get3A_359 = arith.index_cast %add3A_342 : i32 to index
        %get3A_360 = arith.constant 16 : index
        %get3A_361 = tpu.vector_load %arg12[%get3A_359, %get3A_360] {strides = array<i32>} : memref<128x128xf32, #tpu.memory_space<vmem>>, vector<1x16xf32>,
        %get3A_362 = vector.shape_cast %get3A_361 : vector<1x16xf32> to vector<16xf32>
        %add3A_363 = arith.addf %get3A_358, %get3A_362 : vector<16xf32>
        %swap3A_364 = arith.index_cast %add3A_342 : i32 to index
        %swap3A_365 = arith.constant 16 : index
        %swap3A_366 = tpu.vector_load %arg11[%swap3A_364, %swap3A_365] {strides = array<i32>} : memref<128x128xf32, #tpu.memory_space<vmem>>, vector<1x16xf32>,
        %swap3A_367 = vector.shape_cast %swap3A_366 : vector<1x16xf32> to vector<16xf32>
        %swap3A_368 = vector.shape_cast %add3A_363 : vector<16xf32> to vector<1x16xf32>
        tpu.vector_store %arg11[%swap3A_364, %swap3A_365], %swap3A_368 {strides = array<i32>} : memref<128x128xf32, #tpu.memory_space<vmem>>, vector<1x16xf32>,
        %get3A_369 = arith.index_cast %add3A_342 : i32 to index
        %get3A_370 = arith.constant 32 : index
        %get3A_371 = tpu.vector_load %arg11[%get3A_369, %get3A_370] {strides = array<i32>} : memref<128x128xf32, #tpu.memory_space<vmem>>, vector<1x16xf32>,
        %get3A_372 = vector.shape_cast %get3A_371 : vector<1x16xf32> to vector<16xf32>
        %get3A_373 = arith.index_cast %add3A_342 : i32 to index
        %get3A_374 = arith.constant 32 : index
        %get3A_375 = tpu.vector_load %arg12[%get3A_373, %get3A_374] {strides = array<i32>} : memref<128x128xf32, #tpu.memory_space<vmem>>, vector<1x16xf32>,
        %get3A_376 = vector.shape_cast %get3A_375 : vector<1x16xf32> to vector<16xf32>
        %add3A_377 = arith.addf %get3A_372, %get3A_376 : vector<16xf32>
        %swap3A_378 = arith.index_cast %add3A_342 : i32 to index
        %swap3A_379 = arith.constant 32 : index
        %swap3A_380 = tpu.vector_load %arg11[%swap3A_378, %swap3A_379] {strides = array<i32>} : memref<128x128xf32, #tpu.memory_space<vmem>>, vector<1x16xf32>,
        %swap3A_381 = vector.shape_cast %swap3A_380 : vector<1x16xf32> to vector<16xf32>
        %swap3A_382 = vector.shape_cast %add3A_377 : vector<16xf32> to vector<1x16xf32>
        tpu.vector_store %arg11[%swap3A_378, %swap3A_379], %swap3A_382 {strides = array<i32>} : memref<128x128xf32, #tpu.memory_space<vmem>>, vector<1x16xf32>,
        %get3A_383 = arith.index_cast %add3A_342 : i32 to index
        %get3A_384 = arith.constant 48 : index
        %get3A_385 = tpu.vector_load %arg11[%get3A_383, %get3A_384] {strides = array<i32>} : memref<128x128xf32, #tpu.memory_space<vmem>>, vector<1x16xf32>,
        %get3A_386 = vector.shape_cast %get3A_385 : vector<1x16xf32> to vector<16xf32>
        %get3A_387 = arith.index_cast %add3A_342 : i32 to index
        %get3A_388 = arith.constant 48 : index
        %get3A_389 = tpu.vector_load %arg12[%get3A_387, %get3A_388] {strides = array<i32>} : memref<128x128xf32, #tpu.memory_space<vmem>>, vector<1x16xf32>,
        %get3A_390 = vector.shape_cast %get3A_389 : vector<1x16xf32> to vector<16xf32>
        %add3A_391 = arith.addf %get3A_386, %get3A_390 : vector<16xf32>
        %swap3A_392 = arith.index_cast %add3A_342 : i32 to index
        %swap3A_393 = arith.constant 48 : index
        %swap3A_394 = tpu.vector_load %arg11[%swap3A_392, %swap3A_393] {strides = array<i32>} : memref<128x128xf32, #tpu.memory_space<vmem>>, vector<1x16xf32>,
        %swap3A_395 = vector.shape_cast %swap3A_394 : vector<1x16xf32> to vector<16xf32>
        %swap3A_396 = vector.shape_cast %add3A_391 : vector<16xf32> to vector<1x16xf32>
        tpu.vector_store %arg11[%swap3A_392, %swap3A_393], %swap3A_396 {strides = array<i32>} : memref<128x128xf32, #tpu.memory_space<vmem>>, vector<1x16xf32>,
        %get3A_397 = arith.index_cast %add3A_342 : i32 to index
        %get3A_398 = arith.constant 64 : index
        %get3A_399 = tpu.vector_load %arg11[%get3A_397, %get3A_398] {strides = array<i32>} : memref<128x128xf32, #tpu.memory_space<vmem>>, vector<1x16xf32>,
        %get3A_400 = vector.shape_cast %get3A_399 : vector<1x16xf32> to vector<16xf32>
        %get3A_401 = arith.index_cast %add3A_342 : i32 to index
        %get3A_402 = arith.constant 64 : index
        %get3A_403 = tpu.vector_load %arg12[%get3A_401, %get3A_402] {strides = array<i32>} : memref<128x128xf32, #tpu.memory_space<vmem>>, vector<1x16xf32>,
        %get3A_404 = vector.shape_cast %get3A_403 : vector<1x16xf32> to vector<16xf32>
        %add3A_405 = arith.addf %get3A_400, %get3A_404 : vector<16xf32>
        %swap3A_406 = arith.index_cast %add3A_342 : i32 to index
        %swap3A_407 = arith.constant 64 : index
        %swap3A_408 = tpu.vector_load %arg11[%swap3A_406, %swap3A_407] {strides = array<i32>} : memref<128x128xf32, #tpu.memory_space<vmem>>, vector<1x16xf32>,
        %swap3A_409 = vector.shape_cast %swap3A_408 : vector<1x16xf32> to vector<16xf32>
        %swap3A_410 = vector.shape_cast %add3A_405 : vector<16xf32> to vector<1x16xf32>
        tpu.vector_store %arg11[%swap3A_406, %swap3A_407], %swap3A_410 {strides = array<i32>} : memref<128x128xf32, #tpu.memory_space<vmem>>, vector<1x16xf32>,
        %get3A_411 = arith.index_cast %add3A_342 : i32 to index
        %get3A_412 = arith.constant 80 : index
        %get3A_413 = tpu.vector_load %arg11[%get3A_411, %get3A_412] {strides = array<i32>} : memref<128x128xf32, #tpu.memory_space<vmem>>, vector<1x16xf32>,
        %get3A_414 = vector.shape_cast %get3A_413 : vector<1x16xf32> to vector<16xf32>
        %get3A_415 = arith.index_cast %add3A_342 : i32 to index
        %get3A_416 = arith.constant 80 : index
        %get3A_417 = tpu.vector_load %arg12[%get3A_415, %get3A_416] {strides = array<i32>} : memref<128x128xf32, #tpu.memory_space<vmem>>, vector<1x16xf32>,
        %get3A_418 = vector.shape_cast %get3A_417 : vector<1x16xf32> to vector<16xf32>
        %add3A_419 = arith.addf %get3A_414, %get3A_418 : vector<16xf32>
        %swap3A_420 = arith.index_cast %add3A_342 : i32 to index
        %swap3A_421 = arith.constant 80 : index
        %swap3A_422 = tpu.vector_load %arg11[%swap3A_420, %swap3A_421] {strides = array<i32>} : memref<128x128xf32, #tpu.memory_space<vmem>>, vector<1x16xf32>,
        %swap3A_423 = vector.shape_cast %swap3A_422 : vector<1x16xf32> to vector<16xf32>
        %swap3A_424 = vector.shape_cast %add3A_419 : vector<16xf32> to vector<1x16xf32>
        tpu.vector_store %arg11[%swap3A_420, %swap3A_421], %swap3A_424 {strides = array<i32>} : memref<128x128xf32, #tpu.memory_space<vmem>>, vector<1x16xf32>,
        %get3A_425 = arith.index_cast %add3A_342 : i32 to index
        %get3A_426 = arith.constant 96 : index
        %get3A_427 = tpu.vector_load %arg11[%get3A_425, %get3A_426] {strides = array<i32>} : memref<128x128xf32, #tpu.memory_space<vmem>>, vector<1x16xf32>,
        %get3A_428 = vector.shape_cast %get3A_427 : vector<1x16xf32> to vector<16xf32>
        %get3A_429 = arith.index_cast %add3A_342 : i32 to index
        %get3A_430 = arith.constant 96 : index
        %get3A_431 = tpu.vector_load %arg12[%get3A_429, %get3A_430] {strides = array<i32>} : memref<128x128xf32, #tpu.memory_space<vmem>>, vector<1x16xf32>,
        %get3A_432 = vector.shape_cast %get3A_431 : vector<1x16xf32> to vector<16xf32>
        %add3A_433 = arith.addf %get3A_428, %get3A_432 : vector<16xf32>
        %swap3A_434 = arith.index_cast %add3A_342 : i32 to index
        %swap3A_435 = arith.constant 96 : index
        %swap3A_436 = tpu.vector_load %arg11[%swap3A_434, %swap3A_435] {strides = array<i32>} : memref<128x128xf32, #tpu.memory_space<vmem>>, vector<1x16xf32>,
        %swap3A_437 = vector.shape_cast %swap3A_436 : vector<1x16xf32> to vector<16xf32>
        %swap3A_438 = vector.shape_cast %add3A_433 : vector<16xf32> to vector<1x16xf32>
        tpu.vector_store %arg11[%swap3A_434, %swap3A_435], %swap3A_438 {strides = array<i32>} : memref<128x128xf32, #tpu.memory_space<vmem>>, vector<1x16xf32>,
        %get3A_439 = arith.index_cast %add3A_342 : i32 to index
        %get3A_440 = arith.constant 112 : index
        %get3A_441 = tpu.vector_load %arg11[%get3A_439, %get3A_440] {strides = array<i32>} : memref<128x128xf32, #tpu.memory_space<vmem>>, vector<1x16xf32>,
        %get3A_442 = vector.shape_cast %get3A_441 : vector<1x16xf32> to vector<16xf32>
        %get3A_443 = arith.index_cast %add3A_342 : i32 to index
        %get3A_444 = arith.constant 112 : index
        %get3A_445 = tpu.vector_load %arg12[%get3A_443, %get3A_444] {strides = array<i32>} : memref<128x128xf32, #tpu.memory_space<vmem>>, vector<1x16xf32>,
        %get3A_446 = vector.shape_cast %get3A_445 : vector<1x16xf32> to vector<16xf32>
        %add3A_447 = arith.addf %get3A_442, %get3A_446 : vector<16xf32>
        %swap3A_448 = arith.index_cast %add3A_342 : i32 to index
        %swap3A_449 = arith.constant 112 : index
        %swap3A_450 = tpu.vector_load %arg11[%swap3A_448, %swap3A_449] {strides = array<i32>} : memref<128x128xf32, #tpu.memory_space<vmem>>, vector<1x16xf32>,
        %swap3A_451 = vector.shape_cast %swap3A_450 : vector<1x16xf32> to vector<16xf32>
        %swap3A_452 = vector.shape_cast %add3A_447 : vector<16xf32> to vector<1x16xf32>
        tpu.vector_store %arg11[%swap3A_448, %swap3A_449], %swap3A_452 {strides = array<i32>} : memref<128x128xf32, #tpu.memory_space<vmem>>, vector<1x16xf32>,
      }
      %scan3A_336 = arith.constant 128 : i32
      %run_scoped3A_337 = arith.constant 7 : i32
      "tpu.region"() ({
        %run_scoped3A_338 = tpu.sem_alloc : memref<!tpu.dma_semaphore, #tpu.memory_space<semaphore_mem>>
        %dma_start3A_339 = arith.constant 0 : i32
        %dma_start3A_340 = tpu.memref_slice %arg10[%run_scoped3A_337, %dma_start3A_339] : memref<8x128xi32, #tpu.memory_space<vmem>> -> memref<1x128xi32, #tpu.memory_space<vmem>>
        %dma_start3A_341 = tpu.memref_squeeze %dma_start3A_340 : memref<1x128xi32, #tpu.memory_space<vmem>> -> memref<128xi32, #tpu.memory_space<vmem>>
        %dma_start3A_342 = arith.constant 0 : i32
        %dma_start3A_343 = arith.constant 0 : i32
        %dma_start3A_344 = tpu.memref_slice %arg15[%dma_start3A_342, %dma_start3A_343] : memref<10112x128xf32, #tpu.memory_space<vmem_shared>> -> memref<10112x128xf32, #tpu.memory_space<vmem_shared>>
        tpu.enqueue_indirect_dma source(%arg11 : memref<128x128xf32, #tpu.memory_space<vmem>>) target(%dma_start3A_344 : memref<10112x128xf32, #tpu.memory_space<vmem_shared>>) offsets(%dma_start3A_341 : memref<128xi32, #tpu.memory_space<vmem>>) semaphore(%run_scoped3A_338 : memref<!tpu.dma_semaphore, #tpu.memory_space<semaphore_mem>>) {add = true}
        %dma_wait3A_345 = arith.constant 0 : i32
        %dma_wait3A_346 = tpu.memref_slice %arg10[%run_scoped3A_337, %dma_wait3A_345] : memref<8x128xi32, #tpu.memory_space<vmem>> -> memref<1x128xi32, #tpu.memory_space<vmem>>
        %dma_wait3A_347 = tpu.memref_squeeze %dma_wait3A_346 : memref<1x128xi32, #tpu.memory_space<vmem>> -> memref<128xi32, #tpu.memory_space<vmem>>
        %dma_wait3A_348 = arith.constant 0 : i32
        %dma_wait3A_349 = arith.constant 0 : i32
        %dma_wait3A_350 = tpu.memref_slice %arg15[%dma_wait3A_348, %dma_wait3A_349] : memref<10112x128xf32, #tpu.memory_space<vmem_shared>> -> memref<10112x128xf32, #tpu.memory_space<vmem_shared>>
        tpu.wait_indirect_dma semaphore(%run_scoped3A_338 : memref<!tpu.dma_semaphore, #tpu.memory_space<semaphore_mem>>) src(%arg11 : memref<128x128xf32, #tpu.memory_space<vmem>>) dst(%dma_wait3A_350 : memref<10112x128xf32, #tpu.memory_space<vmem_shared>>)
        tpu.yield
      }) : () -> ()
    }
    %while3A_61 = arith.constant 1 : i32
    scf.for %while3A_63 = %while3A_59 to %while3A_55 step %while3A_61  : i32 {
      %mul3A_64 = arith.muli %while3A_63, %while3A : i32
      %add3A_65 = arith.addi %while3A_52, %mul3A_64 : i32
      %mul3A_66 = arith.constant 8 : i32
      %mul3A_67 = arith.muli %add3A_65, %mul3A_66 : i32
      %add3A_68 = arith.addi %select_n3A_25, %mul3A_67 : i32
      "tpu.region"() ({
        %run_scoped3A_338 = tpu.sem_alloc : memref<!tpu.dma_semaphore, #tpu.memory_space<semaphore_mem>>
        %dma_start3A_339 = arith.constant 0 : i32
        %dma_start3A_340 = tpu.memref_slice %arg4[%add3A_68, %dma_start3A_339] : memref<2560x128xi32, #tpu.memory_space<hbm>> -> memref<8x128xi32, #tpu.memory_space<hbm>>
        %dma_start3A_341 = arith.constant 0 : i32
        %dma_start3A_342 = tpu.memref_slice %arg4[%add3A_68, %dma_start3A_341] : memref<2560x128xi32, #tpu.memory_space<hbm>> -> memref<8x128xi32, #tpu.memory_space<hbm>>
        tpu.enqueue_dma source(%dma_start3A_342 : memref<8x128xi32, #tpu.memory_space<hbm>>) target(%arg8 : memref<8x128xi32, #tpu.memory_space<vmem>>) target_semaphore(%run_scoped3A_338 : memref<!tpu.dma_semaphore, #tpu.memory_space<semaphore_mem>>)
        %dma_wait3A_343 = arith.constant 0 : i32
        %dma_wait3A_344 = tpu.memref_slice %arg4[%add3A_68, %dma_wait3A_343] : memref<2560x128xi32, #tpu.memory_space<hbm>> -> memref<8x128xi32, #tpu.memory_space<hbm>>
        %dma_wait3A_345 = arith.constant 0 : i32
        %dma_wait3A_346 = tpu.memref_slice %arg4[%add3A_68, %dma_wait3A_345] : memref<2560x128xi32, #tpu.memory_space<hbm>> -> memref<8x128xi32, #tpu.memory_space<hbm>>
        tpu.wait_dma2 semaphore(%run_scoped3A_338 : memref<!tpu.dma_semaphore, #tpu.memory_space<semaphore_mem>>) src(%dma_wait3A_346 : memref<8x128xi32, #tpu.memory_space<hbm>>) dst(%arg8 : memref<8x128xi32, #tpu.memory_space<vmem>>)
        tpu.yield
      }) : () -> ()
      "tpu.region"() ({
        %run_scoped3A_338 = tpu.sem_alloc : memref<!tpu.dma_semaphore, #tpu.memory_space<semaphore_mem>>
        %dma_start3A_339 = arith.constant 0 : i32
        %dma_start3A_340 = tpu.memref_slice %arg5[%add3A_68, %dma_start3A_339] : memref<2560x128xi32, #tpu.memory_space<hbm>> -> memref<8x128xi32, #tpu.memory_space<hbm>>
        %dma_start3A_341 = arith.constant 0 : i32
        %dma_start3A_342 = tpu.memref_slice %arg5[%add3A_68, %dma_start3A_341] : memref<2560x128xi32, #tpu.memory_space<hbm>> -> memref<8x128xi32, #tpu.memory_space<hbm>>
        tpu.enqueue_dma source(%dma_start3A_342 : memref<8x128xi32, #tpu.memory_space<hbm>>) target(%arg9 : memref<8x128xi32, #tpu.memory_space<vmem>>) target_semaphore(%run_scoped3A_338 : memref<!tpu.dma_semaphore, #tpu.memory_space<semaphore_mem>>)
        %dma_wait3A_343 = arith.constant 0 : i32
        %dma_wait3A_344 = tpu.memref_slice %arg5[%add3A_68, %dma_wait3A_343] : memref<2560x128xi32, #tpu.memory_space<hbm>> -> memref<8x128xi32, #tpu.memory_space<hbm>>
        %dma_wait3A_345 = arith.constant 0 : i32
        %dma_wait3A_346 = tpu.memref_slice %arg5[%add3A_68, %dma_wait3A_345] : memref<2560x128xi32, #tpu.memory_space<hbm>> -> memref<8x128xi32, #tpu.memory_space<hbm>>
        tpu.wait_dma2 semaphore(%run_scoped3A_338 : memref<!tpu.dma_semaphore, #tpu.memory_space<semaphore_mem>>) src(%dma_wait3A_346 : memref<8x128xi32, #tpu.memory_space<hbm>>) dst(%arg9 : memref<8x128xi32, #tpu.memory_space<vmem>>)
        tpu.yield
      }) : () -> ()
      "tpu.region"() ({
        %run_scoped3A_338 = tpu.sem_alloc : memref<!tpu.dma_semaphore, #tpu.memory_space<semaphore_mem>>
        %dma_start3A_339 = arith.constant 0 : i32
        %dma_start3A_340 = tpu.memref_slice %arg6[%add3A_68, %dma_start3A_339] : memref<2560x128xi32, #tpu.memory_space<hbm>> -> memref<8x128xi32, #tpu.memory_space<hbm>>
        %dma_start3A_341 = arith.constant 0 : i32
        %dma_start3A_342 = tpu.memref_slice %arg6[%add3A_68, %dma_start3A_341] : memref<2560x128xi32, #tpu.memory_space<hbm>> -> memref<8x128xi32, #tpu.memory_space<hbm>>
        tpu.enqueue_dma source(%dma_start3A_342 : memref<8x128xi32, #tpu.memory_space<hbm>>) target(%arg10 : memref<8x128xi32, #tpu.memory_space<vmem>>) target_semaphore(%run_scoped3A_338 : memref<!tpu.dma_semaphore, #tpu.memory_space<semaphore_mem>>)
        %dma_wait3A_343 = arith.constant 0 : i32
        %dma_wait3A_344 = tpu.memref_slice %arg6[%add3A_68, %dma_wait3A_343] : memref<2560x128xi32, #tpu.memory_space<hbm>> -> memref<8x128xi32, #tpu.memory_space<hbm>>
        %dma_wait3A_345 = arith.constant 0 : i32
        %dma_wait3A_346 = tpu.memref_slice %arg6[%add3A_68, %dma_wait3A_345] : memref<2560x128xi32, #tpu.memory_space<hbm>> -> memref<8x128xi32, #tpu.memory_space<hbm>>
        tpu.wait_dma2 semaphore(%run_scoped3A_338 : memref<!tpu.dma_semaphore, #tpu.memory_space<semaphore_mem>>) src(%dma_wait3A_346 : memref<8x128xi32, #tpu.memory_space<hbm>>) dst(%arg10 : memref<8x128xi32, #tpu.memory_space<vmem>>)
        tpu.yield
      }) : () -> ()
      %dma_start3A = arith.constant 0 : i32
      %dma_start3A_69 = arith.constant 0 : i32
      %dma_start3A_70 = tpu.memref_slice %arg8[%dma_start3A, %dma_start3A_69] : memref<8x128xi32, #tpu.memory_space<vmem>> -> memref<1x128xi32, #tpu.memory_space<vmem>>
      %dma_start3A_71 = tpu.memref_squeeze %dma_start3A_70 : memref<1x128xi32, #tpu.memory_space<vmem>> -> memref<128xi32, #tpu.memory_space<vmem>>
      %dma_start3A_72 = arith.constant 0 : i32
      %dma_start3A_73 = arith.constant 0 : i32
      %dma_start3A_74 = tpu.memref_slice %arg2[%dma_start3A_72, %dma_start3A_73] : memref<10001x128xf32, #tpu.memory_space<hbm>> -> memref<10001x128xf32, #tpu.memory_space<hbm>>
      tpu.enqueue_indirect_dma source(%dma_start3A_74 : memref<10001x128xf32, #tpu.memory_space<hbm>>) target(%arg11 : memref<128x128xf32, #tpu.memory_space<vmem>>) offsets(%dma_start3A_71 : memref<128xi32, #tpu.memory_space<vmem>>) semaphore(%arg13 : memref<!tpu.dma_semaphore, #tpu.memory_space<semaphore_mem>>)
      %dma_start3A_75 = arith.constant 0 : i32
      %dma_start3A_76 = arith.constant 0 : i32
      %dma_start3A_77 = tpu.memref_slice %arg9[%dma_start3A_75, %dma_start3A_76] : memref<8x128xi32, #tpu.memory_space<vmem>> -> memref<1x128xi32, #tpu.memory_space<vmem>>
      %dma_start3A_78 = tpu.memref_squeeze %dma_start3A_77 : memref<1x128xi32, #tpu.memory_space<vmem>> -> memref<128xi32, #tpu.memory_space<vmem>>
      %dma_start3A_79 = arith.constant 0 : i32
      %dma_start3A_80 = arith.constant 0 : i32
      %dma_start3A_81 = tpu.memref_slice %arg3[%dma_start3A_79, %dma_start3A_80] : memref<201x128xf32, #tpu.memory_space<hbm>> -> memref<201x128xf32, #tpu.memory_space<hbm>>
      tpu.enqueue_indirect_dma source(%dma_start3A_81 : memref<201x128xf32, #tpu.memory_space<hbm>>) target(%arg12 : memref<128x128xf32, #tpu.memory_space<vmem>>) offsets(%dma_start3A_78 : memref<128xi32, #tpu.memory_space<vmem>>) semaphore(%arg14 : memref<!tpu.dma_semaphore, #tpu.memory_space<semaphore_mem>>)
      %dma_wait3A = arith.constant 0 : i32
      %dma_wait3A_82 = arith.constant 0 : i32
      %dma_wait3A_83 = tpu.memref_slice %arg8[%dma_wait3A, %dma_wait3A_82] : memref<8x128xi32, #tpu.memory_space<vmem>> -> memref<1x128xi32, #tpu.memory_space<vmem>>
      %dma_wait3A_84 = tpu.memref_squeeze %dma_wait3A_83 : memref<1x128xi32, #tpu.memory_space<vmem>> -> memref<128xi32, #tpu.memory_space<vmem>>
      %dma_wait3A_85 = arith.constant 0 : i32
      %dma_wait3A_86 = arith.constant 0 : i32
      %dma_wait3A_87 = tpu.memref_slice %arg2[%dma_wait3A_85, %dma_wait3A_86] : memref<10001x128xf32, #tpu.memory_space<hbm>> -> memref<10001x128xf32, #tpu.memory_space<hbm>>
      tpu.wait_indirect_dma semaphore(%arg13 : memref<!tpu.dma_semaphore, #tpu.memory_space<semaphore_mem>>) src(%dma_wait3A_87 : memref<10001x128xf32, #tpu.memory_space<hbm>>) dst(%arg11 : memref<128x128xf32, #tpu.memory_space<vmem>>)
      %dma_wait3A_88 = arith.constant 0 : i32
      %dma_wait3A_89 = arith.constant 0 : i32
      %dma_wait3A_90 = tpu.memref_slice %arg9[%dma_wait3A_88, %dma_wait3A_89] : memref<8x128xi32, #tpu.memory_space<vmem>> -> memref<1x128xi32, #tpu.memory_space<vmem>>
      %dma_wait3A_91 = tpu.memref_squeeze %dma_wait3A_90 : memref<1x128xi32, #tpu.memory_space<vmem>> -> memref<128xi32, #tpu.memory_space<vmem>>
      %dma_wait3A_92 = arith.constant 0 : i32
      %dma_wait3A_93 = arith.constant 0 : i32
      %dma_wait3A_94 = tpu.memref_slice %arg3[%dma_wait3A_92, %dma_wait3A_93] : memref<201x128xf32, #tpu.memory_space<hbm>> -> memref<201x128xf32, #tpu.memory_space<hbm>>
      tpu.wait_indirect_dma semaphore(%arg14 : memref<!tpu.dma_semaphore, #tpu.memory_space<semaphore_mem>>) src(%dma_wait3A_94 : memref<201x128xf32, #tpu.memory_space<hbm>>) dst(%arg12 : memref<128x128xf32, #tpu.memory_space<vmem>>)
      %scan3A_95 = arith.constant 0 : i32
      %scan3A_96 = arith.constant 128 : i32
      %scan3A_97 = arith.addi %scan3A_95, %scan3A_96 : i32
      %scan3A_98 = arith.constant 1 : i32
      scf.for %scan3A_338 = %scan3A_95 to %scan3A_97 step %scan3A_98  : i32 {
        %mul3A_339 = arith.constant 1 : i32
        %mul3A_340 = arith.muli %scan3A_338, %mul3A_339 : i32
        %add3A_341 = arith.constant 0 : i32
        %add3A_342 = arith.addi %add3A_341, %mul3A_340 : i32
        %get3A = arith.index_cast %add3A_342 : i32 to index
        %get3A_343 = arith.constant 0 : index
        %get3A_344 = tpu.vector_load %arg11[%get3A, %get3A_343] {strides = array<i32>} : memref<128x128xf32, #tpu.memory_space<vmem>>, vector<1x16xf32>,
        %get3A_345 = vector.shape_cast %get3A_344 : vector<1x16xf32> to vector<16xf32>
        %get3A_346 = arith.index_cast %add3A_342 : i32 to index
        %get3A_347 = arith.constant 0 : index
        %get3A_348 = tpu.vector_load %arg12[%get3A_346, %get3A_347] {strides = array<i32>} : memref<128x128xf32, #tpu.memory_space<vmem>>, vector<1x16xf32>,
        %get3A_349 = vector.shape_cast %get3A_348 : vector<1x16xf32> to vector<16xf32>
        %add3A_350 = arith.addf %get3A_345, %get3A_349 : vector<16xf32>
        %swap3A = arith.index_cast %add3A_342 : i32 to index
        %swap3A_351 = arith.constant 0 : index
        %swap3A_352 = tpu.vector_load %arg11[%swap3A, %swap3A_351] {strides = array<i32>} : memref<128x128xf32, #tpu.memory_space<vmem>>, vector<1x16xf32>,
        %swap3A_353 = vector.shape_cast %swap3A_352 : vector<1x16xf32> to vector<16xf32>
        %swap3A_354 = vector.shape_cast %add3A_350 : vector<16xf32> to vector<1x16xf32>
        tpu.vector_store %arg11[%swap3A, %swap3A_351], %swap3A_354 {strides = array<i32>} : memref<128x128xf32, #tpu.memory_space<vmem>>, vector<1x16xf32>,
        %get3A_355 = arith.index_cast %add3A_342 : i32 to index
        %get3A_356 = arith.constant 16 : index
        %get3A_357 = tpu.vector_load %arg11[%get3A_355, %get3A_356] {strides = array<i32>} : memref<128x128xf32, #tpu.memory_space<vmem>>, vector<1x16xf32>,
        %get3A_358 = vector.shape_cast %get3A_357 : vector<1x16xf32> to vector<16xf32>
        %get3A_359 = arith.index_cast %add3A_342 : i32 to index
        %get3A_360 = arith.constant 16 : index
        %get3A_361 = tpu.vector_load %arg12[%get3A_359, %get3A_360] {strides = array<i32>} : memref<128x128xf32, #tpu.memory_space<vmem>>, vector<1x16xf32>,
        %get3A_362 = vector.shape_cast %get3A_361 : vector<1x16xf32> to vector<16xf32>
        %add3A_363 = arith.addf %get3A_358, %get3A_362 : vector<16xf32>
        %swap3A_364 = arith.index_cast %add3A_342 : i32 to index
        %swap3A_365 = arith.constant 16 : index
        %swap3A_366 = tpu.vector_load %arg11[%swap3A_364, %swap3A_365] {strides = array<i32>} : memref<128x128xf32, #tpu.memory_space<vmem>>, vector<1x16xf32>,
        %swap3A_367 = vector.shape_cast %swap3A_366 : vector<1x16xf32> to vector<16xf32>
        %swap3A_368 = vector.shape_cast %add3A_363 : vector<16xf32> to vector<1x16xf32>
        tpu.vector_store %arg11[%swap3A_364, %swap3A_365], %swap3A_368 {strides = array<i32>} : memref<128x128xf32, #tpu.memory_space<vmem>>, vector<1x16xf32>,
        %get3A_369 = arith.index_cast %add3A_342 : i32 to index
        %get3A_370 = arith.constant 32 : index
        %get3A_371 = tpu.vector_load %arg11[%get3A_369, %get3A_370] {strides = array<i32>} : memref<128x128xf32, #tpu.memory_space<vmem>>, vector<1x16xf32>,
        %get3A_372 = vector.shape_cast %get3A_371 : vector<1x16xf32> to vector<16xf32>
        %get3A_373 = arith.index_cast %add3A_342 : i32 to index
        %get3A_374 = arith.constant 32 : index
        %get3A_375 = tpu.vector_load %arg12[%get3A_373, %get3A_374] {strides = array<i32>} : memref<128x128xf32, #tpu.memory_space<vmem>>, vector<1x16xf32>,
        %get3A_376 = vector.shape_cast %get3A_375 : vector<1x16xf32> to vector<16xf32>
        %add3A_377 = arith.addf %get3A_372, %get3A_376 : vector<16xf32>
        %swap3A_378 = arith.index_cast %add3A_342 : i32 to index
        %swap3A_379 = arith.constant 32 : index
        %swap3A_380 = tpu.vector_load %arg11[%swap3A_378, %swap3A_379] {strides = array<i32>} : memref<128x128xf32, #tpu.memory_space<vmem>>, vector<1x16xf32>,
        %swap3A_381 = vector.shape_cast %swap3A_380 : vector<1x16xf32> to vector<16xf32>
        %swap3A_382 = vector.shape_cast %add3A_377 : vector<16xf32> to vector<1x16xf32>
        tpu.vector_store %arg11[%swap3A_378, %swap3A_379], %swap3A_382 {strides = array<i32>} : memref<128x128xf32, #tpu.memory_space<vmem>>, vector<1x16xf32>,
        %get3A_383 = arith.index_cast %add3A_342 : i32 to index
        %get3A_384 = arith.constant 48 : index
        %get3A_385 = tpu.vector_load %arg11[%get3A_383, %get3A_384] {strides = array<i32>} : memref<128x128xf32, #tpu.memory_space<vmem>>, vector<1x16xf32>,
        %get3A_386 = vector.shape_cast %get3A_385 : vector<1x16xf32> to vector<16xf32>
        %get3A_387 = arith.index_cast %add3A_342 : i32 to index
        %get3A_388 = arith.constant 48 : index
        %get3A_389 = tpu.vector_load %arg12[%get3A_387, %get3A_388] {strides = array<i32>} : memref<128x128xf32, #tpu.memory_space<vmem>>, vector<1x16xf32>,
        %get3A_390 = vector.shape_cast %get3A_389 : vector<1x16xf32> to vector<16xf32>
        %add3A_391 = arith.addf %get3A_386, %get3A_390 : vector<16xf32>
        %swap3A_392 = arith.index_cast %add3A_342 : i32 to index
        %swap3A_393 = arith.constant 48 : index
        %swap3A_394 = tpu.vector_load %arg11[%swap3A_392, %swap3A_393] {strides = array<i32>} : memref<128x128xf32, #tpu.memory_space<vmem>>, vector<1x16xf32>,
        %swap3A_395 = vector.shape_cast %swap3A_394 : vector<1x16xf32> to vector<16xf32>
        %swap3A_396 = vector.shape_cast %add3A_391 : vector<16xf32> to vector<1x16xf32>
        tpu.vector_store %arg11[%swap3A_392, %swap3A_393], %swap3A_396 {strides = array<i32>} : memref<128x128xf32, #tpu.memory_space<vmem>>, vector<1x16xf32>,
        %get3A_397 = arith.index_cast %add3A_342 : i32 to index
        %get3A_398 = arith.constant 64 : index
        %get3A_399 = tpu.vector_load %arg11[%get3A_397, %get3A_398] {strides = array<i32>} : memref<128x128xf32, #tpu.memory_space<vmem>>, vector<1x16xf32>,
        %get3A_400 = vector.shape_cast %get3A_399 : vector<1x16xf32> to vector<16xf32>
        %get3A_401 = arith.index_cast %add3A_342 : i32 to index
        %get3A_402 = arith.constant 64 : index
        %get3A_403 = tpu.vector_load %arg12[%get3A_401, %get3A_402] {strides = array<i32>} : memref<128x128xf32, #tpu.memory_space<vmem>>, vector<1x16xf32>,
        %get3A_404 = vector.shape_cast %get3A_403 : vector<1x16xf32> to vector<16xf32>
        %add3A_405 = arith.addf %get3A_400, %get3A_404 : vector<16xf32>
        %swap3A_406 = arith.index_cast %add3A_342 : i32 to index
        %swap3A_407 = arith.constant 64 : index
        %swap3A_408 = tpu.vector_load %arg11[%swap3A_406, %swap3A_407] {strides = array<i32>} : memref<128x128xf32, #tpu.memory_space<vmem>>, vector<1x16xf32>,
        %swap3A_409 = vector.shape_cast %swap3A_408 : vector<1x16xf32> to vector<16xf32>
        %swap3A_410 = vector.shape_cast %add3A_405 : vector<16xf32> to vector<1x16xf32>
        tpu.vector_store %arg11[%swap3A_406, %swap3A_407], %swap3A_410 {strides = array<i32>} : memref<128x128xf32, #tpu.memory_space<vmem>>, vector<1x16xf32>,
        %get3A_411 = arith.index_cast %add3A_342 : i32 to index
        %get3A_412 = arith.constant 80 : index
        %get3A_413 = tpu.vector_load %arg11[%get3A_411, %get3A_412] {strides = array<i32>} : memref<128x128xf32, #tpu.memory_space<vmem>>, vector<1x16xf32>,
        %get3A_414 = vector.shape_cast %get3A_413 : vector<1x16xf32> to vector<16xf32>
        %get3A_415 = arith.index_cast %add3A_342 : i32 to index
        %get3A_416 = arith.constant 80 : index
        %get3A_417 = tpu.vector_load %arg12[%get3A_415, %get3A_416] {strides = array<i32>} : memref<128x128xf32, #tpu.memory_space<vmem>>, vector<1x16xf32>,
        %get3A_418 = vector.shape_cast %get3A_417 : vector<1x16xf32> to vector<16xf32>
        %add3A_419 = arith.addf %get3A_414, %get3A_418 : vector<16xf32>
        %swap3A_420 = arith.index_cast %add3A_342 : i32 to index
        %swap3A_421 = arith.constant 80 : index
        %swap3A_422 = tpu.vector_load %arg11[%swap3A_420, %swap3A_421] {strides = array<i32>} : memref<128x128xf32, #tpu.memory_space<vmem>>, vector<1x16xf32>,
        %swap3A_423 = vector.shape_cast %swap3A_422 : vector<1x16xf32> to vector<16xf32>
        %swap3A_424 = vector.shape_cast %add3A_419 : vector<16xf32> to vector<1x16xf32>
        tpu.vector_store %arg11[%swap3A_420, %swap3A_421], %swap3A_424 {strides = array<i32>} : memref<128x128xf32, #tpu.memory_space<vmem>>, vector<1x16xf32>,
        %get3A_425 = arith.index_cast %add3A_342 : i32 to index
        %get3A_426 = arith.constant 96 : index
        %get3A_427 = tpu.vector_load %arg11[%get3A_425, %get3A_426] {strides = array<i32>} : memref<128x128xf32, #tpu.memory_space<vmem>>, vector<1x16xf32>,
        %get3A_428 = vector.shape_cast %get3A_427 : vector<1x16xf32> to vector<16xf32>
        %get3A_429 = arith.index_cast %add3A_342 : i32 to index
        %get3A_430 = arith.constant 96 : index
        %get3A_431 = tpu.vector_load %arg12[%get3A_429, %get3A_430] {strides = array<i32>} : memref<128x128xf32, #tpu.memory_space<vmem>>, vector<1x16xf32>,
        %get3A_432 = vector.shape_cast %get3A_431 : vector<1x16xf32> to vector<16xf32>
        %add3A_433 = arith.addf %get3A_428, %get3A_432 : vector<16xf32>
        %swap3A_434 = arith.index_cast %add3A_342 : i32 to index
        %swap3A_435 = arith.constant 96 : index
        %swap3A_436 = tpu.vector_load %arg11[%swap3A_434, %swap3A_435] {strides = array<i32>} : memref<128x128xf32, #tpu.memory_space<vmem>>, vector<1x16xf32>,
        %swap3A_437 = vector.shape_cast %swap3A_436 : vector<1x16xf32> to vector<16xf32>
        %swap3A_438 = vector.shape_cast %add3A_433 : vector<16xf32> to vector<1x16xf32>
        tpu.vector_store %arg11[%swap3A_434, %swap3A_435], %swap3A_438 {strides = array<i32>} : memref<128x128xf32, #tpu.memory_space<vmem>>, vector<1x16xf32>,
        %get3A_439 = arith.index_cast %add3A_342 : i32 to index
        %get3A_440 = arith.constant 112 : index
        %get3A_441 = tpu.vector_load %arg11[%get3A_439, %get3A_440] {strides = array<i32>} : memref<128x128xf32, #tpu.memory_space<vmem>>, vector<1x16xf32>,
        %get3A_442 = vector.shape_cast %get3A_441 : vector<1x16xf32> to vector<16xf32>
        %get3A_443 = arith.index_cast %add3A_342 : i32 to index
        %get3A_444 = arith.constant 112 : index
        %get3A_445 = tpu.vector_load %arg12[%get3A_443, %get3A_444] {strides = array<i32>} : memref<128x128xf32, #tpu.memory_space<vmem>>, vector<1x16xf32>,
        %get3A_446 = vector.shape_cast %get3A_445 : vector<1x16xf32> to vector<16xf32>
        %add3A_447 = arith.addf %get3A_442, %get3A_446 : vector<16xf32>
        %swap3A_448 = arith.index_cast %add3A_342 : i32 to index
        %swap3A_449 = arith.constant 112 : index
        %swap3A_450 = tpu.vector_load %arg11[%swap3A_448, %swap3A_449] {strides = array<i32>} : memref<128x128xf32, #tpu.memory_space<vmem>>, vector<1x16xf32>,
        %swap3A_451 = vector.shape_cast %swap3A_450 : vector<1x16xf32> to vector<16xf32>
        %swap3A_452 = vector.shape_cast %add3A_447 : vector<16xf32> to vector<1x16xf32>
        tpu.vector_store %arg11[%swap3A_448, %swap3A_449], %swap3A_452 {strides = array<i32>} : memref<128x128xf32, #tpu.memory_space<vmem>>, vector<1x16xf32>,
      }
      %scan3A_99 = arith.constant 128 : i32
      %run_scoped3A = arith.constant 0 : i32
      "tpu.region"() ({
        %run_scoped3A_338 = tpu.sem_alloc : memref<!tpu.dma_semaphore, #tpu.memory_space<semaphore_mem>>
        %dma_start3A_339 = arith.constant 0 : i32
        %dma_start3A_340 = tpu.memref_slice %arg10[%run_scoped3A, %dma_start3A_339] : memref<8x128xi32, #tpu.memory_space<vmem>> -> memref<1x128xi32, #tpu.memory_space<vmem>>
        %dma_start3A_341 = tpu.memref_squeeze %dma_start3A_340 : memref<1x128xi32, #tpu.memory_space<vmem>> -> memref<128xi32, #tpu.memory_space<vmem>>
        %dma_start3A_342 = arith.constant 0 : i32
        %dma_start3A_343 = arith.constant 0 : i32
        %dma_start3A_344 = tpu.memref_slice %arg15[%dma_start3A_342, %dma_start3A_343] : memref<10112x128xf32, #tpu.memory_space<vmem_shared>> -> memref<10112x128xf32, #tpu.memory_space<vmem_shared>>
        tpu.enqueue_indirect_dma source(%arg11 : memref<128x128xf32, #tpu.memory_space<vmem>>) target(%dma_start3A_344 : memref<10112x128xf32, #tpu.memory_space<vmem_shared>>) offsets(%dma_start3A_341 : memref<128xi32, #tpu.memory_space<vmem>>) semaphore(%run_scoped3A_338 : memref<!tpu.dma_semaphore, #tpu.memory_space<semaphore_mem>>) {add = true}
        %dma_wait3A_345 = arith.constant 0 : i32
        %dma_wait3A_346 = tpu.memref_slice %arg10[%run_scoped3A, %dma_wait3A_345] : memref<8x128xi32, #tpu.memory_space<vmem>> -> memref<1x128xi32, #tpu.memory_space<vmem>>
        %dma_wait3A_347 = tpu.memref_squeeze %dma_wait3A_346 : memref<1x128xi32, #tpu.memory_space<vmem>> -> memref<128xi32, #tpu.memory_space<vmem>>
        %dma_wait3A_348 = arith.constant 0 : i32
        %dma_wait3A_349 = arith.constant 0 : i32
        %dma_wait3A_350 = tpu.memref_slice %arg15[%dma_wait3A_348, %dma_wait3A_349] : memref<10112x128xf32, #tpu.memory_space<vmem_shared>> -> memref<10112x128xf32, #tpu.memory_space<vmem_shared>>
        tpu.wait_indirect_dma semaphore(%run_scoped3A_338 : memref<!tpu.dma_semaphore, #tpu.memory_space<semaphore_mem>>) src(%arg11 : memref<128x128xf32, #tpu.memory_space<vmem>>) dst(%dma_wait3A_350 : memref<10112x128xf32, #tpu.memory_space<vmem_shared>>)
        tpu.yield
      }) : () -> ()
      %dma_start3A_100 = arith.constant 1 : i32
      %dma_start3A_101 = arith.constant 0 : i32
      %dma_start3A_102 = tpu.memref_slice %arg8[%dma_start3A_100, %dma_start3A_101] : memref<8x128xi32, #tpu.memory_space<vmem>> -> memref<1x128xi32, #tpu.memory_space<vmem>>
      %dma_start3A_103 = tpu.memref_squeeze %dma_start3A_102 : memref<1x128xi32, #tpu.memory_space<vmem>> -> memref<128xi32, #tpu.memory_space<vmem>>
      %dma_start3A_104 = arith.constant 0 : i32
      %dma_start3A_105 = arith.constant 0 : i32
      %dma_start3A_106 = tpu.memref_slice %arg2[%dma_start3A_104, %dma_start3A_105] : memref<10001x128xf32, #tpu.memory_space<hbm>> -> memref<10001x128xf32, #tpu.memory_space<hbm>>
      tpu.enqueue_indirect_dma source(%dma_start3A_106 : memref<10001x128xf32, #tpu.memory_space<hbm>>) target(%arg11 : memref<128x128xf32, #tpu.memory_space<vmem>>) offsets(%dma_start3A_103 : memref<128xi32, #tpu.memory_space<vmem>>) semaphore(%arg13 : memref<!tpu.dma_semaphore, #tpu.memory_space<semaphore_mem>>)
      %dma_start3A_107 = arith.constant 1 : i32
      %dma_start3A_108 = arith.constant 0 : i32
      %dma_start3A_109 = tpu.memref_slice %arg9[%dma_start3A_107, %dma_start3A_108] : memref<8x128xi32, #tpu.memory_space<vmem>> -> memref<1x128xi32, #tpu.memory_space<vmem>>
      %dma_start3A_110 = tpu.memref_squeeze %dma_start3A_109 : memref<1x128xi32, #tpu.memory_space<vmem>> -> memref<128xi32, #tpu.memory_space<vmem>>
      %dma_start3A_111 = arith.constant 0 : i32
      %dma_start3A_112 = arith.constant 0 : i32
      %dma_start3A_113 = tpu.memref_slice %arg3[%dma_start3A_111, %dma_start3A_112] : memref<201x128xf32, #tpu.memory_space<hbm>> -> memref<201x128xf32, #tpu.memory_space<hbm>>
      tpu.enqueue_indirect_dma source(%dma_start3A_113 : memref<201x128xf32, #tpu.memory_space<hbm>>) target(%arg12 : memref<128x128xf32, #tpu.memory_space<vmem>>) offsets(%dma_start3A_110 : memref<128xi32, #tpu.memory_space<vmem>>) semaphore(%arg14 : memref<!tpu.dma_semaphore, #tpu.memory_space<semaphore_mem>>)
      %dma_wait3A_114 = arith.constant 1 : i32
      %dma_wait3A_115 = arith.constant 0 : i32
      %dma_wait3A_116 = tpu.memref_slice %arg8[%dma_wait3A_114, %dma_wait3A_115] : memref<8x128xi32, #tpu.memory_space<vmem>> -> memref<1x128xi32, #tpu.memory_space<vmem>>
      %dma_wait3A_117 = tpu.memref_squeeze %dma_wait3A_116 : memref<1x128xi32, #tpu.memory_space<vmem>> -> memref<128xi32, #tpu.memory_space<vmem>>
      %dma_wait3A_118 = arith.constant 0 : i32
      %dma_wait3A_119 = arith.constant 0 : i32
      %dma_wait3A_120 = tpu.memref_slice %arg2[%dma_wait3A_118, %dma_wait3A_119] : memref<10001x128xf32, #tpu.memory_space<hbm>> -> memref<10001x128xf32, #tpu.memory_space<hbm>>
      tpu.wait_indirect_dma semaphore(%arg13 : memref<!tpu.dma_semaphore, #tpu.memory_space<semaphore_mem>>) src(%dma_wait3A_120 : memref<10001x128xf32, #tpu.memory_space<hbm>>) dst(%arg11 : memref<128x128xf32, #tpu.memory_space<vmem>>)
      %dma_wait3A_121 = arith.constant 1 : i32
      %dma_wait3A_122 = arith.constant 0 : i32
      %dma_wait3A_123 = tpu.memref_slice %arg9[%dma_wait3A_121, %dma_wait3A_122] : memref<8x128xi32, #tpu.memory_space<vmem>> -> memref<1x128xi32, #tpu.memory_space<vmem>>
      %dma_wait3A_124 = tpu.memref_squeeze %dma_wait3A_123 : memref<1x128xi32, #tpu.memory_space<vmem>> -> memref<128xi32, #tpu.memory_space<vmem>>
      %dma_wait3A_125 = arith.constant 0 : i32
      %dma_wait3A_126 = arith.constant 0 : i32
      %dma_wait3A_127 = tpu.memref_slice %arg3[%dma_wait3A_125, %dma_wait3A_126] : memref<201x128xf32, #tpu.memory_space<hbm>> -> memref<201x128xf32, #tpu.memory_space<hbm>>
      tpu.wait_indirect_dma semaphore(%arg14 : memref<!tpu.dma_semaphore, #tpu.memory_space<semaphore_mem>>) src(%dma_wait3A_127 : memref<201x128xf32, #tpu.memory_space<hbm>>) dst(%arg12 : memref<128x128xf32, #tpu.memory_space<vmem>>)
      %scan3A_128 = arith.constant 0 : i32
      %scan3A_129 = arith.constant 128 : i32
      %scan3A_130 = arith.addi %scan3A_128, %scan3A_129 : i32
      %scan3A_131 = arith.constant 1 : i32
      scf.for %scan3A_338 = %scan3A_128 to %scan3A_130 step %scan3A_131  : i32 {
        %mul3A_339 = arith.constant 1 : i32
        %mul3A_340 = arith.muli %scan3A_338, %mul3A_339 : i32
        %add3A_341 = arith.constant 0 : i32
        %add3A_342 = arith.addi %add3A_341, %mul3A_340 : i32
        %get3A = arith.index_cast %add3A_342 : i32 to index
        %get3A_343 = arith.constant 0 : index
        %get3A_344 = tpu.vector_load %arg11[%get3A, %get3A_343] {strides = array<i32>} : memref<128x128xf32, #tpu.memory_space<vmem>>, vector<1x16xf32>,
        %get3A_345 = vector.shape_cast %get3A_344 : vector<1x16xf32> to vector<16xf32>
        %get3A_346 = arith.index_cast %add3A_342 : i32 to index
        %get3A_347 = arith.constant 0 : index
        %get3A_348 = tpu.vector_load %arg12[%get3A_346, %get3A_347] {strides = array<i32>} : memref<128x128xf32, #tpu.memory_space<vmem>>, vector<1x16xf32>,
        %get3A_349 = vector.shape_cast %get3A_348 : vector<1x16xf32> to vector<16xf32>
        %add3A_350 = arith.addf %get3A_345, %get3A_349 : vector<16xf32>
        %swap3A = arith.index_cast %add3A_342 : i32 to index
        %swap3A_351 = arith.constant 0 : index
        %swap3A_352 = tpu.vector_load %arg11[%swap3A, %swap3A_351] {strides = array<i32>} : memref<128x128xf32, #tpu.memory_space<vmem>>, vector<1x16xf32>,
        %swap3A_353 = vector.shape_cast %swap3A_352 : vector<1x16xf32> to vector<16xf32>
        %swap3A_354 = vector.shape_cast %add3A_350 : vector<16xf32> to vector<1x16xf32>
        tpu.vector_store %arg11[%swap3A, %swap3A_351], %swap3A_354 {strides = array<i32>} : memref<128x128xf32, #tpu.memory_space<vmem>>, vector<1x16xf32>,
        %get3A_355 = arith.index_cast %add3A_342 : i32 to index
        %get3A_356 = arith.constant 16 : index
        %get3A_357 = tpu.vector_load %arg11[%get3A_355, %get3A_356] {strides = array<i32>} : memref<128x128xf32, #tpu.memory_space<vmem>>, vector<1x16xf32>,
        %get3A_358 = vector.shape_cast %get3A_357 : vector<1x16xf32> to vector<16xf32>
        %get3A_359 = arith.index_cast %add3A_342 : i32 to index
        %get3A_360 = arith.constant 16 : index
        %get3A_361 = tpu.vector_load %arg12[%get3A_359, %get3A_360] {strides = array<i32>} : memref<128x128xf32, #tpu.memory_space<vmem>>, vector<1x16xf32>,
        %get3A_362 = vector.shape_cast %get3A_361 : vector<1x16xf32> to vector<16xf32>
        %add3A_363 = arith.addf %get3A_358, %get3A_362 : vector<16xf32>
        %swap3A_364 = arith.index_cast %add3A_342 : i32 to index
        %swap3A_365 = arith.constant 16 : index
        %swap3A_366 = tpu.vector_load %arg11[%swap3A_364, %swap3A_365] {strides = array<i32>} : memref<128x128xf32, #tpu.memory_space<vmem>>, vector<1x16xf32>,
        %swap3A_367 = vector.shape_cast %swap3A_366 : vector<1x16xf32> to vector<16xf32>
        %swap3A_368 = vector.shape_cast %add3A_363 : vector<16xf32> to vector<1x16xf32>
        tpu.vector_store %arg11[%swap3A_364, %swap3A_365], %swap3A_368 {strides = array<i32>} : memref<128x128xf32, #tpu.memory_space<vmem>>, vector<1x16xf32>,
        %get3A_369 = arith.index_cast %add3A_342 : i32 to index
        %get3A_370 = arith.constant 32 : index
        %get3A_371 = tpu.vector_load %arg11[%get3A_369, %get3A_370] {strides = array<i32>} : memref<128x128xf32, #tpu.memory_space<vmem>>, vector<1x16xf32>,
        %get3A_372 = vector.shape_cast %get3A_371 : vector<1x16xf32> to vector<16xf32>
        %get3A_373 = arith.index_cast %add3A_342 : i32 to index
        %get3A_374 = arith.constant 32 : index
        %get3A_375 = tpu.vector_load %arg12[%get3A_373, %get3A_374] {strides = array<i32>} : memref<128x128xf32, #tpu.memory_space<vmem>>, vector<1x16xf32>,
        %get3A_376 = vector.shape_cast %get3A_375 : vector<1x16xf32> to vector<16xf32>
        %add3A_377 = arith.addf %get3A_372, %get3A_376 : vector<16xf32>
        %swap3A_378 = arith.index_cast %add3A_342 : i32 to index
        %swap3A_379 = arith.constant 32 : index
        %swap3A_380 = tpu.vector_load %arg11[%swap3A_378, %swap3A_379] {strides = array<i32>} : memref<128x128xf32, #tpu.memory_space<vmem>>, vector<1x16xf32>,
        %swap3A_381 = vector.shape_cast %swap3A_380 : vector<1x16xf32> to vector<16xf32>
        %swap3A_382 = vector.shape_cast %add3A_377 : vector<16xf32> to vector<1x16xf32>
        tpu.vector_store %arg11[%swap3A_378, %swap3A_379], %swap3A_382 {strides = array<i32>} : memref<128x128xf32, #tpu.memory_space<vmem>>, vector<1x16xf32>,
        %get3A_383 = arith.index_cast %add3A_342 : i32 to index
        %get3A_384 = arith.constant 48 : index
        %get3A_385 = tpu.vector_load %arg11[%get3A_383, %get3A_384] {strides = array<i32>} : memref<128x128xf32, #tpu.memory_space<vmem>>, vector<1x16xf32>,
        %get3A_386 = vector.shape_cast %get3A_385 : vector<1x16xf32> to vector<16xf32>
        %get3A_387 = arith.index_cast %add3A_342 : i32 to index
        %get3A_388 = arith.constant 48 : index
        %get3A_389 = tpu.vector_load %arg12[%get3A_387, %get3A_388] {strides = array<i32>} : memref<128x128xf32, #tpu.memory_space<vmem>>, vector<1x16xf32>,
        %get3A_390 = vector.shape_cast %get3A_389 : vector<1x16xf32> to vector<16xf32>
        %add3A_391 = arith.addf %get3A_386, %get3A_390 : vector<16xf32>
        %swap3A_392 = arith.index_cast %add3A_342 : i32 to index
        %swap3A_393 = arith.constant 48 : index
        %swap3A_394 = tpu.vector_load %arg11[%swap3A_392, %swap3A_393] {strides = array<i32>} : memref<128x128xf32, #tpu.memory_space<vmem>>, vector<1x16xf32>,
        %swap3A_395 = vector.shape_cast %swap3A_394 : vector<1x16xf32> to vector<16xf32>
        %swap3A_396 = vector.shape_cast %add3A_391 : vector<16xf32> to vector<1x16xf32>
        tpu.vector_store %arg11[%swap3A_392, %swap3A_393], %swap3A_396 {strides = array<i32>} : memref<128x128xf32, #tpu.memory_space<vmem>>, vector<1x16xf32>,
        %get3A_397 = arith.index_cast %add3A_342 : i32 to index
        %get3A_398 = arith.constant 64 : index
        %get3A_399 = tpu.vector_load %arg11[%get3A_397, %get3A_398] {strides = array<i32>} : memref<128x128xf32, #tpu.memory_space<vmem>>, vector<1x16xf32>,
        %get3A_400 = vector.shape_cast %get3A_399 : vector<1x16xf32> to vector<16xf32>
        %get3A_401 = arith.index_cast %add3A_342 : i32 to index
        %get3A_402 = arith.constant 64 : index
        %get3A_403 = tpu.vector_load %arg12[%get3A_401, %get3A_402] {strides = array<i32>} : memref<128x128xf32, #tpu.memory_space<vmem>>, vector<1x16xf32>,
        %get3A_404 = vector.shape_cast %get3A_403 : vector<1x16xf32> to vector<16xf32>
        %add3A_405 = arith.addf %get3A_400, %get3A_404 : vector<16xf32>
        %swap3A_406 = arith.index_cast %add3A_342 : i32 to index
        %swap3A_407 = arith.constant 64 : index
        %swap3A_408 = tpu.vector_load %arg11[%swap3A_406, %swap3A_407] {strides = array<i32>} : memref<128x128xf32, #tpu.memory_space<vmem>>, vector<1x16xf32>,
        %swap3A_409 = vector.shape_cast %swap3A_408 : vector<1x16xf32> to vector<16xf32>
        %swap3A_410 = vector.shape_cast %add3A_405 : vector<16xf32> to vector<1x16xf32>
        tpu.vector_store %arg11[%swap3A_406, %swap3A_407], %swap3A_410 {strides = array<i32>} : memref<128x128xf32, #tpu.memory_space<vmem>>, vector<1x16xf32>,
        %get3A_411 = arith.index_cast %add3A_342 : i32 to index
        %get3A_412 = arith.constant 80 : index
        %get3A_413 = tpu.vector_load %arg11[%get3A_411, %get3A_412] {strides = array<i32>} : memref<128x128xf32, #tpu.memory_space<vmem>>, vector<1x16xf32>,
        %get3A_414 = vector.shape_cast %get3A_413 : vector<1x16xf32> to vector<16xf32>
        %get3A_415 = arith.index_cast %add3A_342 : i32 to index
        %get3A_416 = arith.constant 80 : index
        %get3A_417 = tpu.vector_load %arg12[%get3A_415, %get3A_416] {strides = array<i32>} : memref<128x128xf32, #tpu.memory_space<vmem>>, vector<1x16xf32>,
        %get3A_418 = vector.shape_cast %get3A_417 : vector<1x16xf32> to vector<16xf32>
        %add3A_419 = arith.addf %get3A_414, %get3A_418 : vector<16xf32>
        %swap3A_420 = arith.index_cast %add3A_342 : i32 to index
        %swap3A_421 = arith.constant 80 : index
        %swap3A_422 = tpu.vector_load %arg11[%swap3A_420, %swap3A_421] {strides = array<i32>} : memref<128x128xf32, #tpu.memory_space<vmem>>, vector<1x16xf32>,
        %swap3A_423 = vector.shape_cast %swap3A_422 : vector<1x16xf32> to vector<16xf32>
        %swap3A_424 = vector.shape_cast %add3A_419 : vector<16xf32> to vector<1x16xf32>
        tpu.vector_store %arg11[%swap3A_420, %swap3A_421], %swap3A_424 {strides = array<i32>} : memref<128x128xf32, #tpu.memory_space<vmem>>, vector<1x16xf32>,
        %get3A_425 = arith.index_cast %add3A_342 : i32 to index
        %get3A_426 = arith.constant 96 : index
        %get3A_427 = tpu.vector_load %arg11[%get3A_425, %get3A_426] {strides = array<i32>} : memref<128x128xf32, #tpu.memory_space<vmem>>, vector<1x16xf32>,
        %get3A_428 = vector.shape_cast %get3A_427 : vector<1x16xf32> to vector<16xf32>
        %get3A_429 = arith.index_cast %add3A_342 : i32 to index
        %get3A_430 = arith.constant 96 : index
        %get3A_431 = tpu.vector_load %arg12[%get3A_429, %get3A_430] {strides = array<i32>} : memref<128x128xf32, #tpu.memory_space<vmem>>, vector<1x16xf32>,
        %get3A_432 = vector.shape_cast %get3A_431 : vector<1x16xf32> to vector<16xf32>
        %add3A_433 = arith.addf %get3A_428, %get3A_432 : vector<16xf32>
        %swap3A_434 = arith.index_cast %add3A_342 : i32 to index
        %swap3A_435 = arith.constant 96 : index
        %swap3A_436 = tpu.vector_load %arg11[%swap3A_434, %swap3A_435] {strides = array<i32>} : memref<128x128xf32, #tpu.memory_space<vmem>>, vector<1x16xf32>,
        %swap3A_437 = vector.shape_cast %swap3A_436 : vector<1x16xf32> to vector<16xf32>
        %swap3A_438 = vector.shape_cast %add3A_433 : vector<16xf32> to vector<1x16xf32>
        tpu.vector_store %arg11[%swap3A_434, %swap3A_435], %swap3A_438 {strides = array<i32>} : memref<128x128xf32, #tpu.memory_space<vmem>>, vector<1x16xf32>,
        %get3A_439 = arith.index_cast %add3A_342 : i32 to index
        %get3A_440 = arith.constant 112 : index
        %get3A_441 = tpu.vector_load %arg11[%get3A_439, %get3A_440] {strides = array<i32>} : memref<128x128xf32, #tpu.memory_space<vmem>>, vector<1x16xf32>,
        %get3A_442 = vector.shape_cast %get3A_441 : vector<1x16xf32> to vector<16xf32>
        %get3A_443 = arith.index_cast %add3A_342 : i32 to index
        %get3A_444 = arith.constant 112 : index
        %get3A_445 = tpu.vector_load %arg12[%get3A_443, %get3A_444] {strides = array<i32>} : memref<128x128xf32, #tpu.memory_space<vmem>>, vector<1x16xf32>,
        %get3A_446 = vector.shape_cast %get3A_445 : vector<1x16xf32> to vector<16xf32>
        %add3A_447 = arith.addf %get3A_442, %get3A_446 : vector<16xf32>
        %swap3A_448 = arith.index_cast %add3A_342 : i32 to index
        %swap3A_449 = arith.constant 112 : index
        %swap3A_450 = tpu.vector_load %arg11[%swap3A_448, %swap3A_449] {strides = array<i32>} : memref<128x128xf32, #tpu.memory_space<vmem>>, vector<1x16xf32>,
        %swap3A_451 = vector.shape_cast %swap3A_450 : vector<1x16xf32> to vector<16xf32>
        %swap3A_452 = vector.shape_cast %add3A_447 : vector<16xf32> to vector<1x16xf32>
        tpu.vector_store %arg11[%swap3A_448, %swap3A_449], %swap3A_452 {strides = array<i32>} : memref<128x128xf32, #tpu.memory_space<vmem>>, vector<1x16xf32>,
      }
      %scan3A_132 = arith.constant 128 : i32
      %run_scoped3A_133 = arith.constant 1 : i32
      "tpu.region"() ({
        %run_scoped3A_338 = tpu.sem_alloc : memref<!tpu.dma_semaphore, #tpu.memory_space<semaphore_mem>>
        %dma_start3A_339 = arith.constant 0 : i32
        %dma_start3A_340 = tpu.memref_slice %arg10[%run_scoped3A_133, %dma_start3A_339] : memref<8x128xi32, #tpu.memory_space<vmem>> -> memref<1x128xi32, #tpu.memory_space<vmem>>
        %dma_start3A_341 = tpu.memref_squeeze %dma_start3A_340 : memref<1x128xi32, #tpu.memory_space<vmem>> -> memref<128xi32, #tpu.memory_space<vmem>>
        %dma_start3A_342 = arith.constant 0 : i32
        %dma_start3A_343 = arith.constant 0 : i32
        %dma_start3A_344 = tpu.memref_slice %arg15[%dma_start3A_342, %dma_start3A_343] : memref<10112x128xf32, #tpu.memory_space<vmem_shared>> -> memref<10112x128xf32, #tpu.memory_space<vmem_shared>>
        tpu.enqueue_indirect_dma source(%arg11 : memref<128x128xf32, #tpu.memory_space<vmem>>) target(%dma_start3A_344 : memref<10112x128xf32, #tpu.memory_space<vmem_shared>>) offsets(%dma_start3A_341 : memref<128xi32, #tpu.memory_space<vmem>>) semaphore(%run_scoped3A_338 : memref<!tpu.dma_semaphore, #tpu.memory_space<semaphore_mem>>) {add = true}
        %dma_wait3A_345 = arith.constant 0 : i32
        %dma_wait3A_346 = tpu.memref_slice %arg10[%run_scoped3A_133, %dma_wait3A_345] : memref<8x128xi32, #tpu.memory_space<vmem>> -> memref<1x128xi32, #tpu.memory_space<vmem>>
        %dma_wait3A_347 = tpu.memref_squeeze %dma_wait3A_346 : memref<1x128xi32, #tpu.memory_space<vmem>> -> memref<128xi32, #tpu.memory_space<vmem>>
        %dma_wait3A_348 = arith.constant 0 : i32
        %dma_wait3A_349 = arith.constant 0 : i32
        %dma_wait3A_350 = tpu.memref_slice %arg15[%dma_wait3A_348, %dma_wait3A_349] : memref<10112x128xf32, #tpu.memory_space<vmem_shared>> -> memref<10112x128xf32, #tpu.memory_space<vmem_shared>>
        tpu.wait_indirect_dma semaphore(%run_scoped3A_338 : memref<!tpu.dma_semaphore, #tpu.memory_space<semaphore_mem>>) src(%arg11 : memref<128x128xf32, #tpu.memory_space<vmem>>) dst(%dma_wait3A_350 : memref<10112x128xf32, #tpu.memory_space<vmem_shared>>)
        tpu.yield
      }) : () -> ()
      %dma_start3A_134 = arith.constant 2 : i32
      %dma_start3A_135 = arith.constant 0 : i32
      %dma_start3A_136 = tpu.memref_slice %arg8[%dma_start3A_134, %dma_start3A_135] : memref<8x128xi32, #tpu.memory_space<vmem>> -> memref<1x128xi32, #tpu.memory_space<vmem>>
      %dma_start3A_137 = tpu.memref_squeeze %dma_start3A_136 : memref<1x128xi32, #tpu.memory_space<vmem>> -> memref<128xi32, #tpu.memory_space<vmem>>
      %dma_start3A_138 = arith.constant 0 : i32
      %dma_start3A_139 = arith.constant 0 : i32
      %dma_start3A_140 = tpu.memref_slice %arg2[%dma_start3A_138, %dma_start3A_139] : memref<10001x128xf32, #tpu.memory_space<hbm>> -> memref<10001x128xf32, #tpu.memory_space<hbm>>
      tpu.enqueue_indirect_dma source(%dma_start3A_140 : memref<10001x128xf32, #tpu.memory_space<hbm>>) target(%arg11 : memref<128x128xf32, #tpu.memory_space<vmem>>) offsets(%dma_start3A_137 : memref<128xi32, #tpu.memory_space<vmem>>) semaphore(%arg13 : memref<!tpu.dma_semaphore, #tpu.memory_space<semaphore_mem>>)
      %dma_start3A_141 = arith.constant 2 : i32
      %dma_start3A_142 = arith.constant 0 : i32
      %dma_start3A_143 = tpu.memref_slice %arg9[%dma_start3A_141, %dma_start3A_142] : memref<8x128xi32, #tpu.memory_space<vmem>> -> memref<1x128xi32, #tpu.memory_space<vmem>>
      %dma_start3A_144 = tpu.memref_squeeze %dma_start3A_143 : memref<1x128xi32, #tpu.memory_space<vmem>> -> memref<128xi32, #tpu.memory_space<vmem>>
      %dma_start3A_145 = arith.constant 0 : i32
      %dma_start3A_146 = arith.constant 0 : i32
      %dma_start3A_147 = tpu.memref_slice %arg3[%dma_start3A_145, %dma_start3A_146] : memref<201x128xf32, #tpu.memory_space<hbm>> -> memref<201x128xf32, #tpu.memory_space<hbm>>
      tpu.enqueue_indirect_dma source(%dma_start3A_147 : memref<201x128xf32, #tpu.memory_space<hbm>>) target(%arg12 : memref<128x128xf32, #tpu.memory_space<vmem>>) offsets(%dma_start3A_144 : memref<128xi32, #tpu.memory_space<vmem>>) semaphore(%arg14 : memref<!tpu.dma_semaphore, #tpu.memory_space<semaphore_mem>>)
      %dma_wait3A_148 = arith.constant 2 : i32
      %dma_wait3A_149 = arith.constant 0 : i32
      %dma_wait3A_150 = tpu.memref_slice %arg8[%dma_wait3A_148, %dma_wait3A_149] : memref<8x128xi32, #tpu.memory_space<vmem>> -> memref<1x128xi32, #tpu.memory_space<vmem>>
      %dma_wait3A_151 = tpu.memref_squeeze %dma_wait3A_150 : memref<1x128xi32, #tpu.memory_space<vmem>> -> memref<128xi32, #tpu.memory_space<vmem>>
      %dma_wait3A_152 = arith.constant 0 : i32
      %dma_wait3A_153 = arith.constant 0 : i32
      %dma_wait3A_154 = tpu.memref_slice %arg2[%dma_wait3A_152, %dma_wait3A_153] : memref<10001x128xf32, #tpu.memory_space<hbm>> -> memref<10001x128xf32, #tpu.memory_space<hbm>>
      tpu.wait_indirect_dma semaphore(%arg13 : memref<!tpu.dma_semaphore, #tpu.memory_space<semaphore_mem>>) src(%dma_wait3A_154 : memref<10001x128xf32, #tpu.memory_space<hbm>>) dst(%arg11 : memref<128x128xf32, #tpu.memory_space<vmem>>)
      %dma_wait3A_155 = arith.constant 2 : i32
      %dma_wait3A_156 = arith.constant 0 : i32
      %dma_wait3A_157 = tpu.memref_slice %arg9[%dma_wait3A_155, %dma_wait3A_156] : memref<8x128xi32, #tpu.memory_space<vmem>> -> memref<1x128xi32, #tpu.memory_space<vmem>>
      %dma_wait3A_158 = tpu.memref_squeeze %dma_wait3A_157 : memref<1x128xi32, #tpu.memory_space<vmem>> -> memref<128xi32, #tpu.memory_space<vmem>>
      %dma_wait3A_159 = arith.constant 0 : i32
      %dma_wait3A_160 = arith.constant 0 : i32
      %dma_wait3A_161 = tpu.memref_slice %arg3[%dma_wait3A_159, %dma_wait3A_160] : memref<201x128xf32, #tpu.memory_space<hbm>> -> memref<201x128xf32, #tpu.memory_space<hbm>>
      tpu.wait_indirect_dma semaphore(%arg14 : memref<!tpu.dma_semaphore, #tpu.memory_space<semaphore_mem>>) src(%dma_wait3A_161 : memref<201x128xf32, #tpu.memory_space<hbm>>) dst(%arg12 : memref<128x128xf32, #tpu.memory_space<vmem>>)
      %scan3A_162 = arith.constant 0 : i32
      %scan3A_163 = arith.constant 128 : i32
      %scan3A_164 = arith.addi %scan3A_162, %scan3A_163 : i32
      %scan3A_165 = arith.constant 1 : i32
      scf.for %scan3A_338 = %scan3A_162 to %scan3A_164 step %scan3A_165  : i32 {
        %mul3A_339 = arith.constant 1 : i32
        %mul3A_340 = arith.muli %scan3A_338, %mul3A_339 : i32
        %add3A_341 = arith.constant 0 : i32
        %add3A_342 = arith.addi %add3A_341, %mul3A_340 : i32
        %get3A = arith.index_cast %add3A_342 : i32 to index
        %get3A_343 = arith.constant 0 : index
        %get3A_344 = tpu.vector_load %arg11[%get3A, %get3A_343] {strides = array<i32>} : memref<128x128xf32, #tpu.memory_space<vmem>>, vector<1x16xf32>,
        %get3A_345 = vector.shape_cast %get3A_344 : vector<1x16xf32> to vector<16xf32>
        %get3A_346 = arith.index_cast %add3A_342 : i32 to index
        %get3A_347 = arith.constant 0 : index
        %get3A_348 = tpu.vector_load %arg12[%get3A_346, %get3A_347] {strides = array<i32>} : memref<128x128xf32, #tpu.memory_space<vmem>>, vector<1x16xf32>,
        %get3A_349 = vector.shape_cast %get3A_348 : vector<1x16xf32> to vector<16xf32>
        %add3A_350 = arith.addf %get3A_345, %get3A_349 : vector<16xf32>
        %swap3A = arith.index_cast %add3A_342 : i32 to index
        %swap3A_351 = arith.constant 0 : index
        %swap3A_352 = tpu.vector_load %arg11[%swap3A, %swap3A_351] {strides = array<i32>} : memref<128x128xf32, #tpu.memory_space<vmem>>, vector<1x16xf32>,
        %swap3A_353 = vector.shape_cast %swap3A_352 : vector<1x16xf32> to vector<16xf32>
        %swap3A_354 = vector.shape_cast %add3A_350 : vector<16xf32> to vector<1x16xf32>
        tpu.vector_store %arg11[%swap3A, %swap3A_351], %swap3A_354 {strides = array<i32>} : memref<128x128xf32, #tpu.memory_space<vmem>>, vector<1x16xf32>,
        %get3A_355 = arith.index_cast %add3A_342 : i32 to index
        %get3A_356 = arith.constant 16 : index
        %get3A_357 = tpu.vector_load %arg11[%get3A_355, %get3A_356] {strides = array<i32>} : memref<128x128xf32, #tpu.memory_space<vmem>>, vector<1x16xf32>,
        %get3A_358 = vector.shape_cast %get3A_357 : vector<1x16xf32> to vector<16xf32>
        %get3A_359 = arith.index_cast %add3A_342 : i32 to index
        %get3A_360 = arith.constant 16 : index
        %get3A_361 = tpu.vector_load %arg12[%get3A_359, %get3A_360] {strides = array<i32>} : memref<128x128xf32, #tpu.memory_space<vmem>>, vector<1x16xf32>,
        %get3A_362 = vector.shape_cast %get3A_361 : vector<1x16xf32> to vector<16xf32>
        %add3A_363 = arith.addf %get3A_358, %get3A_362 : vector<16xf32>
        %swap3A_364 = arith.index_cast %add3A_342 : i32 to index
        %swap3A_365 = arith.constant 16 : index
        %swap3A_366 = tpu.vector_load %arg11[%swap3A_364, %swap3A_365] {strides = array<i32>} : memref<128x128xf32, #tpu.memory_space<vmem>>, vector<1x16xf32>,
        %swap3A_367 = vector.shape_cast %swap3A_366 : vector<1x16xf32> to vector<16xf32>
        %swap3A_368 = vector.shape_cast %add3A_363 : vector<16xf32> to vector<1x16xf32>
        tpu.vector_store %arg11[%swap3A_364, %swap3A_365], %swap3A_368 {strides = array<i32>} : memref<128x128xf32, #tpu.memory_space<vmem>>, vector<1x16xf32>,
        %get3A_369 = arith.index_cast %add3A_342 : i32 to index
        %get3A_370 = arith.constant 32 : index
        %get3A_371 = tpu.vector_load %arg11[%get3A_369, %get3A_370] {strides = array<i32>} : memref<128x128xf32, #tpu.memory_space<vmem>>, vector<1x16xf32>,
        %get3A_372 = vector.shape_cast %get3A_371 : vector<1x16xf32> to vector<16xf32>
        %get3A_373 = arith.index_cast %add3A_342 : i32 to index
        %get3A_374 = arith.constant 32 : index
        %get3A_375 = tpu.vector_load %arg12[%get3A_373, %get3A_374] {strides = array<i32>} : memref<128x128xf32, #tpu.memory_space<vmem>>, vector<1x16xf32>,
        %get3A_376 = vector.shape_cast %get3A_375 : vector<1x16xf32> to vector<16xf32>
        %add3A_377 = arith.addf %get3A_372, %get3A_376 : vector<16xf32>
        %swap3A_378 = arith.index_cast %add3A_342 : i32 to index
        %swap3A_379 = arith.constant 32 : index
        %swap3A_380 = tpu.vector_load %arg11[%swap3A_378, %swap3A_379] {strides = array<i32>} : memref<128x128xf32, #tpu.memory_space<vmem>>, vector<1x16xf32>,
        %swap3A_381 = vector.shape_cast %swap3A_380 : vector<1x16xf32> to vector<16xf32>
        %swap3A_382 = vector.shape_cast %add3A_377 : vector<16xf32> to vector<1x16xf32>
        tpu.vector_store %arg11[%swap3A_378, %swap3A_379], %swap3A_382 {strides = array<i32>} : memref<128x128xf32, #tpu.memory_space<vmem>>, vector<1x16xf32>,
        %get3A_383 = arith.index_cast %add3A_342 : i32 to index
        %get3A_384 = arith.constant 48 : index
        %get3A_385 = tpu.vector_load %arg11[%get3A_383, %get3A_384] {strides = array<i32>} : memref<128x128xf32, #tpu.memory_space<vmem>>, vector<1x16xf32>,
        %get3A_386 = vector.shape_cast %get3A_385 : vector<1x16xf32> to vector<16xf32>
        %get3A_387 = arith.index_cast %add3A_342 : i32 to index
        %get3A_388 = arith.constant 48 : index
        %get3A_389 = tpu.vector_load %arg12[%get3A_387, %get3A_388] {strides = array<i32>} : memref<128x128xf32, #tpu.memory_space<vmem>>, vector<1x16xf32>,
        %get3A_390 = vector.shape_cast %get3A_389 : vector<1x16xf32> to vector<16xf32>
        %add3A_391 = arith.addf %get3A_386, %get3A_390 : vector<16xf32>
        %swap3A_392 = arith.index_cast %add3A_342 : i32 to index
        %swap3A_393 = arith.constant 48 : index
        %swap3A_394 = tpu.vector_load %arg11[%swap3A_392, %swap3A_393] {strides = array<i32>} : memref<128x128xf32, #tpu.memory_space<vmem>>, vector<1x16xf32>,
        %swap3A_395 = vector.shape_cast %swap3A_394 : vector<1x16xf32> to vector<16xf32>
        %swap3A_396 = vector.shape_cast %add3A_391 : vector<16xf32> to vector<1x16xf32>
        tpu.vector_store %arg11[%swap3A_392, %swap3A_393], %swap3A_396 {strides = array<i32>} : memref<128x128xf32, #tpu.memory_space<vmem>>, vector<1x16xf32>,
        %get3A_397 = arith.index_cast %add3A_342 : i32 to index
        %get3A_398 = arith.constant 64 : index
        %get3A_399 = tpu.vector_load %arg11[%get3A_397, %get3A_398] {strides = array<i32>} : memref<128x128xf32, #tpu.memory_space<vmem>>, vector<1x16xf32>,
        %get3A_400 = vector.shape_cast %get3A_399 : vector<1x16xf32> to vector<16xf32>
        %get3A_401 = arith.index_cast %add3A_342 : i32 to index
        %get3A_402 = arith.constant 64 : index
        %get3A_403 = tpu.vector_load %arg12[%get3A_401, %get3A_402] {strides = array<i32>} : memref<128x128xf32, #tpu.memory_space<vmem>>, vector<1x16xf32>,
        %get3A_404 = vector.shape_cast %get3A_403 : vector<1x16xf32> to vector<16xf32>
        %add3A_405 = arith.addf %get3A_400, %get3A_404 : vector<16xf32>
        %swap3A_406 = arith.index_cast %add3A_342 : i32 to index
        %swap3A_407 = arith.constant 64 : index
        %swap3A_408 = tpu.vector_load %arg11[%swap3A_406, %swap3A_407] {strides = array<i32>} : memref<128x128xf32, #tpu.memory_space<vmem>>, vector<1x16xf32>,
        %swap3A_409 = vector.shape_cast %swap3A_408 : vector<1x16xf32> to vector<16xf32>
        %swap3A_410 = vector.shape_cast %add3A_405 : vector<16xf32> to vector<1x16xf32>
        tpu.vector_store %arg11[%swap3A_406, %swap3A_407], %swap3A_410 {strides = array<i32>} : memref<128x128xf32, #tpu.memory_space<vmem>>, vector<1x16xf32>,
        %get3A_411 = arith.index_cast %add3A_342 : i32 to index
        %get3A_412 = arith.constant 80 : index
        %get3A_413 = tpu.vector_load %arg11[%get3A_411, %get3A_412] {strides = array<i32>} : memref<128x128xf32, #tpu.memory_space<vmem>>, vector<1x16xf32>,
        %get3A_414 = vector.shape_cast %get3A_413 : vector<1x16xf32> to vector<16xf32>
        %get3A_415 = arith.index_cast %add3A_342 : i32 to index
        %get3A_416 = arith.constant 80 : index
        %get3A_417 = tpu.vector_load %arg12[%get3A_415, %get3A_416] {strides = array<i32>} : memref<128x128xf32, #tpu.memory_space<vmem>>, vector<1x16xf32>,
        %get3A_418 = vector.shape_cast %get3A_417 : vector<1x16xf32> to vector<16xf32>
        %add3A_419 = arith.addf %get3A_414, %get3A_418 : vector<16xf32>
        %swap3A_420 = arith.index_cast %add3A_342 : i32 to index
        %swap3A_421 = arith.constant 80 : index
        %swap3A_422 = tpu.vector_load %arg11[%swap3A_420, %swap3A_421] {strides = array<i32>} : memref<128x128xf32, #tpu.memory_space<vmem>>, vector<1x16xf32>,
        %swap3A_423 = vector.shape_cast %swap3A_422 : vector<1x16xf32> to vector<16xf32>
        %swap3A_424 = vector.shape_cast %add3A_419 : vector<16xf32> to vector<1x16xf32>
        tpu.vector_store %arg11[%swap3A_420, %swap3A_421], %swap3A_424 {strides = array<i32>} : memref<128x128xf32, #tpu.memory_space<vmem>>, vector<1x16xf32>,
        %get3A_425 = arith.index_cast %add3A_342 : i32 to index
        %get3A_426 = arith.constant 96 : index
        %get3A_427 = tpu.vector_load %arg11[%get3A_425, %get3A_426] {strides = array<i32>} : memref<128x128xf32, #tpu.memory_space<vmem>>, vector<1x16xf32>,
        %get3A_428 = vector.shape_cast %get3A_427 : vector<1x16xf32> to vector<16xf32>
        %get3A_429 = arith.index_cast %add3A_342 : i32 to index
        %get3A_430 = arith.constant 96 : index
        %get3A_431 = tpu.vector_load %arg12[%get3A_429, %get3A_430] {strides = array<i32>} : memref<128x128xf32, #tpu.memory_space<vmem>>, vector<1x16xf32>,
        %get3A_432 = vector.shape_cast %get3A_431 : vector<1x16xf32> to vector<16xf32>
        %add3A_433 = arith.addf %get3A_428, %get3A_432 : vector<16xf32>
        %swap3A_434 = arith.index_cast %add3A_342 : i32 to index
        %swap3A_435 = arith.constant 96 : index
        %swap3A_436 = tpu.vector_load %arg11[%swap3A_434, %swap3A_435] {strides = array<i32>} : memref<128x128xf32, #tpu.memory_space<vmem>>, vector<1x16xf32>,
        %swap3A_437 = vector.shape_cast %swap3A_436 : vector<1x16xf32> to vector<16xf32>
        %swap3A_438 = vector.shape_cast %add3A_433 : vector<16xf32> to vector<1x16xf32>
        tpu.vector_store %arg11[%swap3A_434, %swap3A_435], %swap3A_438 {strides = array<i32>} : memref<128x128xf32, #tpu.memory_space<vmem>>, vector<1x16xf32>,
        %get3A_439 = arith.index_cast %add3A_342 : i32 to index
        %get3A_440 = arith.constant 112 : index
        %get3A_441 = tpu.vector_load %arg11[%get3A_439, %get3A_440] {strides = array<i32>} : memref<128x128xf32, #tpu.memory_space<vmem>>, vector<1x16xf32>,
        %get3A_442 = vector.shape_cast %get3A_441 : vector<1x16xf32> to vector<16xf32>
        %get3A_443 = arith.index_cast %add3A_342 : i32 to index
        %get3A_444 = arith.constant 112 : index
        %get3A_445 = tpu.vector_load %arg12[%get3A_443, %get3A_444] {strides = array<i32>} : memref<128x128xf32, #tpu.memory_space<vmem>>, vector<1x16xf32>,
        %get3A_446 = vector.shape_cast %get3A_445 : vector<1x16xf32> to vector<16xf32>
        %add3A_447 = arith.addf %get3A_442, %get3A_446 : vector<16xf32>
        %swap3A_448 = arith.index_cast %add3A_342 : i32 to index
        %swap3A_449 = arith.constant 112 : index
        %swap3A_450 = tpu.vector_load %arg11[%swap3A_448, %swap3A_449] {strides = array<i32>} : memref<128x128xf32, #tpu.memory_space<vmem>>, vector<1x16xf32>,
        %swap3A_451 = vector.shape_cast %swap3A_450 : vector<1x16xf32> to vector<16xf32>
        %swap3A_452 = vector.shape_cast %add3A_447 : vector<16xf32> to vector<1x16xf32>
        tpu.vector_store %arg11[%swap3A_448, %swap3A_449], %swap3A_452 {strides = array<i32>} : memref<128x128xf32, #tpu.memory_space<vmem>>, vector<1x16xf32>,
      }
      %scan3A_166 = arith.constant 128 : i32
      %run_scoped3A_167 = arith.constant 2 : i32
      "tpu.region"() ({
        %run_scoped3A_338 = tpu.sem_alloc : memref<!tpu.dma_semaphore, #tpu.memory_space<semaphore_mem>>
        %dma_start3A_339 = arith.constant 0 : i32
        %dma_start3A_340 = tpu.memref_slice %arg10[%run_scoped3A_167, %dma_start3A_339] : memref<8x128xi32, #tpu.memory_space<vmem>> -> memref<1x128xi32, #tpu.memory_space<vmem>>
        %dma_start3A_341 = tpu.memref_squeeze %dma_start3A_340 : memref<1x128xi32, #tpu.memory_space<vmem>> -> memref<128xi32, #tpu.memory_space<vmem>>
        %dma_start3A_342 = arith.constant 0 : i32
        %dma_start3A_343 = arith.constant 0 : i32
        %dma_start3A_344 = tpu.memref_slice %arg15[%dma_start3A_342, %dma_start3A_343] : memref<10112x128xf32, #tpu.memory_space<vmem_shared>> -> memref<10112x128xf32, #tpu.memory_space<vmem_shared>>
        tpu.enqueue_indirect_dma source(%arg11 : memref<128x128xf32, #tpu.memory_space<vmem>>) target(%dma_start3A_344 : memref<10112x128xf32, #tpu.memory_space<vmem_shared>>) offsets(%dma_start3A_341 : memref<128xi32, #tpu.memory_space<vmem>>) semaphore(%run_scoped3A_338 : memref<!tpu.dma_semaphore, #tpu.memory_space<semaphore_mem>>) {add = true}
        %dma_wait3A_345 = arith.constant 0 : i32
        %dma_wait3A_346 = tpu.memref_slice %arg10[%run_scoped3A_167, %dma_wait3A_345] : memref<8x128xi32, #tpu.memory_space<vmem>> -> memref<1x128xi32, #tpu.memory_space<vmem>>
        %dma_wait3A_347 = tpu.memref_squeeze %dma_wait3A_346 : memref<1x128xi32, #tpu.memory_space<vmem>> -> memref<128xi32, #tpu.memory_space<vmem>>
        %dma_wait3A_348 = arith.constant 0 : i32
        %dma_wait3A_349 = arith.constant 0 : i32
        %dma_wait3A_350 = tpu.memref_slice %arg15[%dma_wait3A_348, %dma_wait3A_349] : memref<10112x128xf32, #tpu.memory_space<vmem_shared>> -> memref<10112x128xf32, #tpu.memory_space<vmem_shared>>
        tpu.wait_indirect_dma semaphore(%run_scoped3A_338 : memref<!tpu.dma_semaphore, #tpu.memory_space<semaphore_mem>>) src(%arg11 : memref<128x128xf32, #tpu.memory_space<vmem>>) dst(%dma_wait3A_350 : memref<10112x128xf32, #tpu.memory_space<vmem_shared>>)
        tpu.yield
      }) : () -> ()
      %dma_start3A_168 = arith.constant 3 : i32
      %dma_start3A_169 = arith.constant 0 : i32
      %dma_start3A_170 = tpu.memref_slice %arg8[%dma_start3A_168, %dma_start3A_169] : memref<8x128xi32, #tpu.memory_space<vmem>> -> memref<1x128xi32, #tpu.memory_space<vmem>>
      %dma_start3A_171 = tpu.memref_squeeze %dma_start3A_170 : memref<1x128xi32, #tpu.memory_space<vmem>> -> memref<128xi32, #tpu.memory_space<vmem>>
      %dma_start3A_172 = arith.constant 0 : i32
      %dma_start3A_173 = arith.constant 0 : i32
      %dma_start3A_174 = tpu.memref_slice %arg2[%dma_start3A_172, %dma_start3A_173] : memref<10001x128xf32, #tpu.memory_space<hbm>> -> memref<10001x128xf32, #tpu.memory_space<hbm>>
      tpu.enqueue_indirect_dma source(%dma_start3A_174 : memref<10001x128xf32, #tpu.memory_space<hbm>>) target(%arg11 : memref<128x128xf32, #tpu.memory_space<vmem>>) offsets(%dma_start3A_171 : memref<128xi32, #tpu.memory_space<vmem>>) semaphore(%arg13 : memref<!tpu.dma_semaphore, #tpu.memory_space<semaphore_mem>>)
      %dma_start3A_175 = arith.constant 3 : i32
      %dma_start3A_176 = arith.constant 0 : i32
      %dma_start3A_177 = tpu.memref_slice %arg9[%dma_start3A_175, %dma_start3A_176] : memref<8x128xi32, #tpu.memory_space<vmem>> -> memref<1x128xi32, #tpu.memory_space<vmem>>
      %dma_start3A_178 = tpu.memref_squeeze %dma_start3A_177 : memref<1x128xi32, #tpu.memory_space<vmem>> -> memref<128xi32, #tpu.memory_space<vmem>>
      %dma_start3A_179 = arith.constant 0 : i32
      %dma_start3A_180 = arith.constant 0 : i32
      %dma_start3A_181 = tpu.memref_slice %arg3[%dma_start3A_179, %dma_start3A_180] : memref<201x128xf32, #tpu.memory_space<hbm>> -> memref<201x128xf32, #tpu.memory_space<hbm>>
      tpu.enqueue_indirect_dma source(%dma_start3A_181 : memref<201x128xf32, #tpu.memory_space<hbm>>) target(%arg12 : memref<128x128xf32, #tpu.memory_space<vmem>>) offsets(%dma_start3A_178 : memref<128xi32, #tpu.memory_space<vmem>>) semaphore(%arg14 : memref<!tpu.dma_semaphore, #tpu.memory_space<semaphore_mem>>)
      %dma_wait3A_182 = arith.constant 3 : i32
      %dma_wait3A_183 = arith.constant 0 : i32
      %dma_wait3A_184 = tpu.memref_slice %arg8[%dma_wait3A_182, %dma_wait3A_183] : memref<8x128xi32, #tpu.memory_space<vmem>> -> memref<1x128xi32, #tpu.memory_space<vmem>>
      %dma_wait3A_185 = tpu.memref_squeeze %dma_wait3A_184 : memref<1x128xi32, #tpu.memory_space<vmem>> -> memref<128xi32, #tpu.memory_space<vmem>>
      %dma_wait3A_186 = arith.constant 0 : i32
      %dma_wait3A_187 = arith.constant 0 : i32
      %dma_wait3A_188 = tpu.memref_slice %arg2[%dma_wait3A_186, %dma_wait3A_187] : memref<10001x128xf32, #tpu.memory_space<hbm>> -> memref<10001x128xf32, #tpu.memory_space<hbm>>
      tpu.wait_indirect_dma semaphore(%arg13 : memref<!tpu.dma_semaphore, #tpu.memory_space<semaphore_mem>>) src(%dma_wait3A_188 : memref<10001x128xf32, #tpu.memory_space<hbm>>) dst(%arg11 : memref<128x128xf32, #tpu.memory_space<vmem>>)
      %dma_wait3A_189 = arith.constant 3 : i32
      %dma_wait3A_190 = arith.constant 0 : i32
      %dma_wait3A_191 = tpu.memref_slice %arg9[%dma_wait3A_189, %dma_wait3A_190] : memref<8x128xi32, #tpu.memory_space<vmem>> -> memref<1x128xi32, #tpu.memory_space<vmem>>
      %dma_wait3A_192 = tpu.memref_squeeze %dma_wait3A_191 : memref<1x128xi32, #tpu.memory_space<vmem>> -> memref<128xi32, #tpu.memory_space<vmem>>
      %dma_wait3A_193 = arith.constant 0 : i32
      %dma_wait3A_194 = arith.constant 0 : i32
      %dma_wait3A_195 = tpu.memref_slice %arg3[%dma_wait3A_193, %dma_wait3A_194] : memref<201x128xf32, #tpu.memory_space<hbm>> -> memref<201x128xf32, #tpu.memory_space<hbm>>
      tpu.wait_indirect_dma semaphore(%arg14 : memref<!tpu.dma_semaphore, #tpu.memory_space<semaphore_mem>>) src(%dma_wait3A_195 : memref<201x128xf32, #tpu.memory_space<hbm>>) dst(%arg12 : memref<128x128xf32, #tpu.memory_space<vmem>>)
      %scan3A_196 = arith.constant 0 : i32
      %scan3A_197 = arith.constant 128 : i32
      %scan3A_198 = arith.addi %scan3A_196, %scan3A_197 : i32
      %scan3A_199 = arith.constant 1 : i32
      scf.for %scan3A_338 = %scan3A_196 to %scan3A_198 step %scan3A_199  : i32 {
        %mul3A_339 = arith.constant 1 : i32
        %mul3A_340 = arith.muli %scan3A_338, %mul3A_339 : i32
        %add3A_341 = arith.constant 0 : i32
        %add3A_342 = arith.addi %add3A_341, %mul3A_340 : i32
        %get3A = arith.index_cast %add3A_342 : i32 to index
        %get3A_343 = arith.constant 0 : index
        %get3A_344 = tpu.vector_load %arg11[%get3A, %get3A_343] {strides = array<i32>} : memref<128x128xf32, #tpu.memory_space<vmem>>, vector<1x16xf32>,
        %get3A_345 = vector.shape_cast %get3A_344 : vector<1x16xf32> to vector<16xf32>
        %get3A_346 = arith.index_cast %add3A_342 : i32 to index
        %get3A_347 = arith.constant 0 : index
        %get3A_348 = tpu.vector_load %arg12[%get3A_346, %get3A_347] {strides = array<i32>} : memref<128x128xf32, #tpu.memory_space<vmem>>, vector<1x16xf32>,
        %get3A_349 = vector.shape_cast %get3A_348 : vector<1x16xf32> to vector<16xf32>
        %add3A_350 = arith.addf %get3A_345, %get3A_349 : vector<16xf32>
        %swap3A = arith.index_cast %add3A_342 : i32 to index
        %swap3A_351 = arith.constant 0 : index
        %swap3A_352 = tpu.vector_load %arg11[%swap3A, %swap3A_351] {strides = array<i32>} : memref<128x128xf32, #tpu.memory_space<vmem>>, vector<1x16xf32>,
        %swap3A_353 = vector.shape_cast %swap3A_352 : vector<1x16xf32> to vector<16xf32>
        %swap3A_354 = vector.shape_cast %add3A_350 : vector<16xf32> to vector<1x16xf32>
        tpu.vector_store %arg11[%swap3A, %swap3A_351], %swap3A_354 {strides = array<i32>} : memref<128x128xf32, #tpu.memory_space<vmem>>, vector<1x16xf32>,
        %get3A_355 = arith.index_cast %add3A_342 : i32 to index
        %get3A_356 = arith.constant 16 : index
        %get3A_357 = tpu.vector_load %arg11[%get3A_355, %get3A_356] {strides = array<i32>} : memref<128x128xf32, #tpu.memory_space<vmem>>, vector<1x16xf32>,
        %get3A_358 = vector.shape_cast %get3A_357 : vector<1x16xf32> to vector<16xf32>
        %get3A_359 = arith.index_cast %add3A_342 : i32 to index
        %get3A_360 = arith.constant 16 : index
        %get3A_361 = tpu.vector_load %arg12[%get3A_359, %get3A_360] {strides = array<i32>} : memref<128x128xf32, #tpu.memory_space<vmem>>, vector<1x16xf32>,
        %get3A_362 = vector.shape_cast %get3A_361 : vector<1x16xf32> to vector<16xf32>
        %add3A_363 = arith.addf %get3A_358, %get3A_362 : vector<16xf32>
        %swap3A_364 = arith.index_cast %add3A_342 : i32 to index
        %swap3A_365 = arith.constant 16 : index
        %swap3A_366 = tpu.vector_load %arg11[%swap3A_364, %swap3A_365] {strides = array<i32>} : memref<128x128xf32, #tpu.memory_space<vmem>>, vector<1x16xf32>,
        %swap3A_367 = vector.shape_cast %swap3A_366 : vector<1x16xf32> to vector<16xf32>
        %swap3A_368 = vector.shape_cast %add3A_363 : vector<16xf32> to vector<1x16xf32>
        tpu.vector_store %arg11[%swap3A_364, %swap3A_365], %swap3A_368 {strides = array<i32>} : memref<128x128xf32, #tpu.memory_space<vmem>>, vector<1x16xf32>,
        %get3A_369 = arith.index_cast %add3A_342 : i32 to index
        %get3A_370 = arith.constant 32 : index
        %get3A_371 = tpu.vector_load %arg11[%get3A_369, %get3A_370] {strides = array<i32>} : memref<128x128xf32, #tpu.memory_space<vmem>>, vector<1x16xf32>,
        %get3A_372 = vector.shape_cast %get3A_371 : vector<1x16xf32> to vector<16xf32>
        %get3A_373 = arith.index_cast %add3A_342 : i32 to index
        %get3A_374 = arith.constant 32 : index
        %get3A_375 = tpu.vector_load %arg12[%get3A_373, %get3A_374] {strides = array<i32>} : memref<128x128xf32, #tpu.memory_space<vmem>>, vector<1x16xf32>,
        %get3A_376 = vector.shape_cast %get3A_375 : vector<1x16xf32> to vector<16xf32>
        %add3A_377 = arith.addf %get3A_372, %get3A_376 : vector<16xf32>
        %swap3A_378 = arith.index_cast %add3A_342 : i32 to index
        %swap3A_379 = arith.constant 32 : index
        %swap3A_380 = tpu.vector_load %arg11[%swap3A_378, %swap3A_379] {strides = array<i32>} : memref<128x128xf32, #tpu.memory_space<vmem>>, vector<1x16xf32>,
        %swap3A_381 = vector.shape_cast %swap3A_380 : vector<1x16xf32> to vector<16xf32>
        %swap3A_382 = vector.shape_cast %add3A_377 : vector<16xf32> to vector<1x16xf32>
        tpu.vector_store %arg11[%swap3A_378, %swap3A_379], %swap3A_382 {strides = array<i32>} : memref<128x128xf32, #tpu.memory_space<vmem>>, vector<1x16xf32>,
        %get3A_383 = arith.index_cast %add3A_342 : i32 to index
        %get3A_384 = arith.constant 48 : index
        %get3A_385 = tpu.vector_load %arg11[%get3A_383, %get3A_384] {strides = array<i32>} : memref<128x128xf32, #tpu.memory_space<vmem>>, vector<1x16xf32>,
        %get3A_386 = vector.shape_cast %get3A_385 : vector<1x16xf32> to vector<16xf32>
        %get3A_387 = arith.index_cast %add3A_342 : i32 to index
        %get3A_388 = arith.constant 48 : index
        %get3A_389 = tpu.vector_load %arg12[%get3A_387, %get3A_388] {strides = array<i32>} : memref<128x128xf32, #tpu.memory_space<vmem>>, vector<1x16xf32>,
        %get3A_390 = vector.shape_cast %get3A_389 : vector<1x16xf32> to vector<16xf32>
        %add3A_391 = arith.addf %get3A_386, %get3A_390 : vector<16xf32>
        %swap3A_392 = arith.index_cast %add3A_342 : i32 to index
        %swap3A_393 = arith.constant 48 : index
        %swap3A_394 = tpu.vector_load %arg11[%swap3A_392, %swap3A_393] {strides = array<i32>} : memref<128x128xf32, #tpu.memory_space<vmem>>, vector<1x16xf32>,
        %swap3A_395 = vector.shape_cast %swap3A_394 : vector<1x16xf32> to vector<16xf32>
        %swap3A_396 = vector.shape_cast %add3A_391 : vector<16xf32> to vector<1x16xf32>
        tpu.vector_store %arg11[%swap3A_392, %swap3A_393], %swap3A_396 {strides = array<i32>} : memref<128x128xf32, #tpu.memory_space<vmem>>, vector<1x16xf32>,
        %get3A_397 = arith.index_cast %add3A_342 : i32 to index
        %get3A_398 = arith.constant 64 : index
        %get3A_399 = tpu.vector_load %arg11[%get3A_397, %get3A_398] {strides = array<i32>} : memref<128x128xf32, #tpu.memory_space<vmem>>, vector<1x16xf32>,
        %get3A_400 = vector.shape_cast %get3A_399 : vector<1x16xf32> to vector<16xf32>
        %get3A_401 = arith.index_cast %add3A_342 : i32 to index
        %get3A_402 = arith.constant 64 : index
        %get3A_403 = tpu.vector_load %arg12[%get3A_401, %get3A_402] {strides = array<i32>} : memref<128x128xf32, #tpu.memory_space<vmem>>, vector<1x16xf32>,
        %get3A_404 = vector.shape_cast %get3A_403 : vector<1x16xf32> to vector<16xf32>
        %add3A_405 = arith.addf %get3A_400, %get3A_404 : vector<16xf32>
        %swap3A_406 = arith.index_cast %add3A_342 : i32 to index
        %swap3A_407 = arith.constant 64 : index
        %swap3A_408 = tpu.vector_load %arg11[%swap3A_406, %swap3A_407] {strides = array<i32>} : memref<128x128xf32, #tpu.memory_space<vmem>>, vector<1x16xf32>,
        %swap3A_409 = vector.shape_cast %swap3A_408 : vector<1x16xf32> to vector<16xf32>
        %swap3A_410 = vector.shape_cast %add3A_405 : vector<16xf32> to vector<1x16xf32>
        tpu.vector_store %arg11[%swap3A_406, %swap3A_407], %swap3A_410 {strides = array<i32>} : memref<128x128xf32, #tpu.memory_space<vmem>>, vector<1x16xf32>,
        %get3A_411 = arith.index_cast %add3A_342 : i32 to index
        %get3A_412 = arith.constant 80 : index
        %get3A_413 = tpu.vector_load %arg11[%get3A_411, %get3A_412] {strides = array<i32>} : memref<128x128xf32, #tpu.memory_space<vmem>>, vector<1x16xf32>,
        %get3A_414 = vector.shape_cast %get3A_413 : vector<1x16xf32> to vector<16xf32>
        %get3A_415 = arith.index_cast %add3A_342 : i32 to index
        %get3A_416 = arith.constant 80 : index
        %get3A_417 = tpu.vector_load %arg12[%get3A_415, %get3A_416] {strides = array<i32>} : memref<128x128xf32, #tpu.memory_space<vmem>>, vector<1x16xf32>,
        %get3A_418 = vector.shape_cast %get3A_417 : vector<1x16xf32> to vector<16xf32>
        %add3A_419 = arith.addf %get3A_414, %get3A_418 : vector<16xf32>
        %swap3A_420 = arith.index_cast %add3A_342 : i32 to index
        %swap3A_421 = arith.constant 80 : index
        %swap3A_422 = tpu.vector_load %arg11[%swap3A_420, %swap3A_421] {strides = array<i32>} : memref<128x128xf32, #tpu.memory_space<vmem>>, vector<1x16xf32>,
        %swap3A_423 = vector.shape_cast %swap3A_422 : vector<1x16xf32> to vector<16xf32>
        %swap3A_424 = vector.shape_cast %add3A_419 : vector<16xf32> to vector<1x16xf32>
        tpu.vector_store %arg11[%swap3A_420, %swap3A_421], %swap3A_424 {strides = array<i32>} : memref<128x128xf32, #tpu.memory_space<vmem>>, vector<1x16xf32>,
        %get3A_425 = arith.index_cast %add3A_342 : i32 to index
        %get3A_426 = arith.constant 96 : index
        %get3A_427 = tpu.vector_load %arg11[%get3A_425, %get3A_426] {strides = array<i32>} : memref<128x128xf32, #tpu.memory_space<vmem>>, vector<1x16xf32>,
        %get3A_428 = vector.shape_cast %get3A_427 : vector<1x16xf32> to vector<16xf32>
        %get3A_429 = arith.index_cast %add3A_342 : i32 to index
        %get3A_430 = arith.constant 96 : index
        %get3A_431 = tpu.vector_load %arg12[%get3A_429, %get3A_430] {strides = array<i32>} : memref<128x128xf32, #tpu.memory_space<vmem>>, vector<1x16xf32>,
        %get3A_432 = vector.shape_cast %get3A_431 : vector<1x16xf32> to vector<16xf32>
        %add3A_433 = arith.addf %get3A_428, %get3A_432 : vector<16xf32>
        %swap3A_434 = arith.index_cast %add3A_342 : i32 to index
        %swap3A_435 = arith.constant 96 : index
        %swap3A_436 = tpu.vector_load %arg11[%swap3A_434, %swap3A_435] {strides = array<i32>} : memref<128x128xf32, #tpu.memory_space<vmem>>, vector<1x16xf32>,
        %swap3A_437 = vector.shape_cast %swap3A_436 : vector<1x16xf32> to vector<16xf32>
        %swap3A_438 = vector.shape_cast %add3A_433 : vector<16xf32> to vector<1x16xf32>
        tpu.vector_store %arg11[%swap3A_434, %swap3A_435], %swap3A_438 {strides = array<i32>} : memref<128x128xf32, #tpu.memory_space<vmem>>, vector<1x16xf32>,
        %get3A_439 = arith.index_cast %add3A_342 : i32 to index
        %get3A_440 = arith.constant 112 : index
        %get3A_441 = tpu.vector_load %arg11[%get3A_439, %get3A_440] {strides = array<i32>} : memref<128x128xf32, #tpu.memory_space<vmem>>, vector<1x16xf32>,
        %get3A_442 = vector.shape_cast %get3A_441 : vector<1x16xf32> to vector<16xf32>
        %get3A_443 = arith.index_cast %add3A_342 : i32 to index
        %get3A_444 = arith.constant 112 : index
        %get3A_445 = tpu.vector_load %arg12[%get3A_443, %get3A_444] {strides = array<i32>} : memref<128x128xf32, #tpu.memory_space<vmem>>, vector<1x16xf32>,
        %get3A_446 = vector.shape_cast %get3A_445 : vector<1x16xf32> to vector<16xf32>
        %add3A_447 = arith.addf %get3A_442, %get3A_446 : vector<16xf32>
        %swap3A_448 = arith.index_cast %add3A_342 : i32 to index
        %swap3A_449 = arith.constant 112 : index
        %swap3A_450 = tpu.vector_load %arg11[%swap3A_448, %swap3A_449] {strides = array<i32>} : memref<128x128xf32, #tpu.memory_space<vmem>>, vector<1x16xf32>,
        %swap3A_451 = vector.shape_cast %swap3A_450 : vector<1x16xf32> to vector<16xf32>
        %swap3A_452 = vector.shape_cast %add3A_447 : vector<16xf32> to vector<1x16xf32>
        tpu.vector_store %arg11[%swap3A_448, %swap3A_449], %swap3A_452 {strides = array<i32>} : memref<128x128xf32, #tpu.memory_space<vmem>>, vector<1x16xf32>,
      }
      %scan3A_200 = arith.constant 128 : i32
      %run_scoped3A_201 = arith.constant 3 : i32
      "tpu.region"() ({
        %run_scoped3A_338 = tpu.sem_alloc : memref<!tpu.dma_semaphore, #tpu.memory_space<semaphore_mem>>
        %dma_start3A_339 = arith.constant 0 : i32
        %dma_start3A_340 = tpu.memref_slice %arg10[%run_scoped3A_201, %dma_start3A_339] : memref<8x128xi32, #tpu.memory_space<vmem>> -> memref<1x128xi32, #tpu.memory_space<vmem>>
        %dma_start3A_341 = tpu.memref_squeeze %dma_start3A_340 : memref<1x128xi32, #tpu.memory_space<vmem>> -> memref<128xi32, #tpu.memory_space<vmem>>
        %dma_start3A_342 = arith.constant 0 : i32
        %dma_start3A_343 = arith.constant 0 : i32
        %dma_start3A_344 = tpu.memref_slice %arg15[%dma_start3A_342, %dma_start3A_343] : memref<10112x128xf32, #tpu.memory_space<vmem_shared>> -> memref<10112x128xf32, #tpu.memory_space<vmem_shared>>
        tpu.enqueue_indirect_dma source(%arg11 : memref<128x128xf32, #tpu.memory_space<vmem>>) target(%dma_start3A_344 : memref<10112x128xf32, #tpu.memory_space<vmem_shared>>) offsets(%dma_start3A_341 : memref<128xi32, #tpu.memory_space<vmem>>) semaphore(%run_scoped3A_338 : memref<!tpu.dma_semaphore, #tpu.memory_space<semaphore_mem>>) {add = true}
        %dma_wait3A_345 = arith.constant 0 : i32
        %dma_wait3A_346 = tpu.memref_slice %arg10[%run_scoped3A_201, %dma_wait3A_345] : memref<8x128xi32, #tpu.memory_space<vmem>> -> memref<1x128xi32, #tpu.memory_space<vmem>>
        %dma_wait3A_347 = tpu.memref_squeeze %dma_wait3A_346 : memref<1x128xi32, #tpu.memory_space<vmem>> -> memref<128xi32, #tpu.memory_space<vmem>>
        %dma_wait3A_348 = arith.constant 0 : i32
        %dma_wait3A_349 = arith.constant 0 : i32
        %dma_wait3A_350 = tpu.memref_slice %arg15[%dma_wait3A_348, %dma_wait3A_349] : memref<10112x128xf32, #tpu.memory_space<vmem_shared>> -> memref<10112x128xf32, #tpu.memory_space<vmem_shared>>
        tpu.wait_indirect_dma semaphore(%run_scoped3A_338 : memref<!tpu.dma_semaphore, #tpu.memory_space<semaphore_mem>>) src(%arg11 : memref<128x128xf32, #tpu.memory_space<vmem>>) dst(%dma_wait3A_350 : memref<10112x128xf32, #tpu.memory_space<vmem_shared>>)
        tpu.yield
      }) : () -> ()
      %dma_start3A_202 = arith.constant 4 : i32
      %dma_start3A_203 = arith.constant 0 : i32
      %dma_start3A_204 = tpu.memref_slice %arg8[%dma_start3A_202, %dma_start3A_203] : memref<8x128xi32, #tpu.memory_space<vmem>> -> memref<1x128xi32, #tpu.memory_space<vmem>>
      %dma_start3A_205 = tpu.memref_squeeze %dma_start3A_204 : memref<1x128xi32, #tpu.memory_space<vmem>> -> memref<128xi32, #tpu.memory_space<vmem>>
      %dma_start3A_206 = arith.constant 0 : i32
      %dma_start3A_207 = arith.constant 0 : i32
      %dma_start3A_208 = tpu.memref_slice %arg2[%dma_start3A_206, %dma_start3A_207] : memref<10001x128xf32, #tpu.memory_space<hbm>> -> memref<10001x128xf32, #tpu.memory_space<hbm>>
      tpu.enqueue_indirect_dma source(%dma_start3A_208 : memref<10001x128xf32, #tpu.memory_space<hbm>>) target(%arg11 : memref<128x128xf32, #tpu.memory_space<vmem>>) offsets(%dma_start3A_205 : memref<128xi32, #tpu.memory_space<vmem>>) semaphore(%arg13 : memref<!tpu.dma_semaphore, #tpu.memory_space<semaphore_mem>>)
      %dma_start3A_209 = arith.constant 4 : i32
      %dma_start3A_210 = arith.constant 0 : i32
      %dma_start3A_211 = tpu.memref_slice %arg9[%dma_start3A_209, %dma_start3A_210] : memref<8x128xi32, #tpu.memory_space<vmem>> -> memref<1x128xi32, #tpu.memory_space<vmem>>
      %dma_start3A_212 = tpu.memref_squeeze %dma_start3A_211 : memref<1x128xi32, #tpu.memory_space<vmem>> -> memref<128xi32, #tpu.memory_space<vmem>>
      %dma_start3A_213 = arith.constant 0 : i32
      %dma_start3A_214 = arith.constant 0 : i32
      %dma_start3A_215 = tpu.memref_slice %arg3[%dma_start3A_213, %dma_start3A_214] : memref<201x128xf32, #tpu.memory_space<hbm>> -> memref<201x128xf32, #tpu.memory_space<hbm>>
      tpu.enqueue_indirect_dma source(%dma_start3A_215 : memref<201x128xf32, #tpu.memory_space<hbm>>) target(%arg12 : memref<128x128xf32, #tpu.memory_space<vmem>>) offsets(%dma_start3A_212 : memref<128xi32, #tpu.memory_space<vmem>>) semaphore(%arg14 : memref<!tpu.dma_semaphore, #tpu.memory_space<semaphore_mem>>)
      %dma_wait3A_216 = arith.constant 4 : i32
      %dma_wait3A_217 = arith.constant 0 : i32
      %dma_wait3A_218 = tpu.memref_slice %arg8[%dma_wait3A_216, %dma_wait3A_217] : memref<8x128xi32, #tpu.memory_space<vmem>> -> memref<1x128xi32, #tpu.memory_space<vmem>>
      %dma_wait3A_219 = tpu.memref_squeeze %dma_wait3A_218 : memref<1x128xi32, #tpu.memory_space<vmem>> -> memref<128xi32, #tpu.memory_space<vmem>>
      %dma_wait3A_220 = arith.constant 0 : i32
      %dma_wait3A_221 = arith.constant 0 : i32
      %dma_wait3A_222 = tpu.memref_slice %arg2[%dma_wait3A_220, %dma_wait3A_221] : memref<10001x128xf32, #tpu.memory_space<hbm>> -> memref<10001x128xf32, #tpu.memory_space<hbm>>
      tpu.wait_indirect_dma semaphore(%arg13 : memref<!tpu.dma_semaphore, #tpu.memory_space<semaphore_mem>>) src(%dma_wait3A_222 : memref<10001x128xf32, #tpu.memory_space<hbm>>) dst(%arg11 : memref<128x128xf32, #tpu.memory_space<vmem>>)
      %dma_wait3A_223 = arith.constant 4 : i32
      %dma_wait3A_224 = arith.constant 0 : i32
      %dma_wait3A_225 = tpu.memref_slice %arg9[%dma_wait3A_223, %dma_wait3A_224] : memref<8x128xi32, #tpu.memory_space<vmem>> -> memref<1x128xi32, #tpu.memory_space<vmem>>
      %dma_wait3A_226 = tpu.memref_squeeze %dma_wait3A_225 : memref<1x128xi32, #tpu.memory_space<vmem>> -> memref<128xi32, #tpu.memory_space<vmem>>
      %dma_wait3A_227 = arith.constant 0 : i32
      %dma_wait3A_228 = arith.constant 0 : i32
      %dma_wait3A_229 = tpu.memref_slice %arg3[%dma_wait3A_227, %dma_wait3A_228] : memref<201x128xf32, #tpu.memory_space<hbm>> -> memref<201x128xf32, #tpu.memory_space<hbm>>
      tpu.wait_indirect_dma semaphore(%arg14 : memref<!tpu.dma_semaphore, #tpu.memory_space<semaphore_mem>>) src(%dma_wait3A_229 : memref<201x128xf32, #tpu.memory_space<hbm>>) dst(%arg12 : memref<128x128xf32, #tpu.memory_space<vmem>>)
      %scan3A_230 = arith.constant 0 : i32
      %scan3A_231 = arith.constant 128 : i32
      %scan3A_232 = arith.addi %scan3A_230, %scan3A_231 : i32
      %scan3A_233 = arith.constant 1 : i32
      scf.for %scan3A_338 = %scan3A_230 to %scan3A_232 step %scan3A_233  : i32 {
        %mul3A_339 = arith.constant 1 : i32
        %mul3A_340 = arith.muli %scan3A_338, %mul3A_339 : i32
        %add3A_341 = arith.constant 0 : i32
        %add3A_342 = arith.addi %add3A_341, %mul3A_340 : i32
        %get3A = arith.index_cast %add3A_342 : i32 to index
        %get3A_343 = arith.constant 0 : index
        %get3A_344 = tpu.vector_load %arg11[%get3A, %get3A_343] {strides = array<i32>} : memref<128x128xf32, #tpu.memory_space<vmem>>, vector<1x16xf32>,
        %get3A_345 = vector.shape_cast %get3A_344 : vector<1x16xf32> to vector<16xf32>
        %get3A_346 = arith.index_cast %add3A_342 : i32 to index
        %get3A_347 = arith.constant 0 : index
        %get3A_348 = tpu.vector_load %arg12[%get3A_346, %get3A_347] {strides = array<i32>} : memref<128x128xf32, #tpu.memory_space<vmem>>, vector<1x16xf32>,
        %get3A_349 = vector.shape_cast %get3A_348 : vector<1x16xf32> to vector<16xf32>
        %add3A_350 = arith.addf %get3A_345, %get3A_349 : vector<16xf32>
        %swap3A = arith.index_cast %add3A_342 : i32 to index
        %swap3A_351 = arith.constant 0 : index
        %swap3A_352 = tpu.vector_load %arg11[%swap3A, %swap3A_351] {strides = array<i32>} : memref<128x128xf32, #tpu.memory_space<vmem>>, vector<1x16xf32>,
        %swap3A_353 = vector.shape_cast %swap3A_352 : vector<1x16xf32> to vector<16xf32>
        %swap3A_354 = vector.shape_cast %add3A_350 : vector<16xf32> to vector<1x16xf32>
        tpu.vector_store %arg11[%swap3A, %swap3A_351], %swap3A_354 {strides = array<i32>} : memref<128x128xf32, #tpu.memory_space<vmem>>, vector<1x16xf32>,
        %get3A_355 = arith.index_cast %add3A_342 : i32 to index
        %get3A_356 = arith.constant 16 : index
        %get3A_357 = tpu.vector_load %arg11[%get3A_355, %get3A_356] {strides = array<i32>} : memref<128x128xf32, #tpu.memory_space<vmem>>, vector<1x16xf32>,
        %get3A_358 = vector.shape_cast %get3A_357 : vector<1x16xf32> to vector<16xf32>
        %get3A_359 = arith.index_cast %add3A_342 : i32 to index
        %get3A_360 = arith.constant 16 : index
        %get3A_361 = tpu.vector_load %arg12[%get3A_359, %get3A_360] {strides = array<i32>} : memref<128x128xf32, #tpu.memory_space<vmem>>, vector<1x16xf32>,
        %get3A_362 = vector.shape_cast %get3A_361 : vector<1x16xf32> to vector<16xf32>
        %add3A_363 = arith.addf %get3A_358, %get3A_362 : vector<16xf32>
        %swap3A_364 = arith.index_cast %add3A_342 : i32 to index
        %swap3A_365 = arith.constant 16 : index
        %swap3A_366 = tpu.vector_load %arg11[%swap3A_364, %swap3A_365] {strides = array<i32>} : memref<128x128xf32, #tpu.memory_space<vmem>>, vector<1x16xf32>,
        %swap3A_367 = vector.shape_cast %swap3A_366 : vector<1x16xf32> to vector<16xf32>
        %swap3A_368 = vector.shape_cast %add3A_363 : vector<16xf32> to vector<1x16xf32>
        tpu.vector_store %arg11[%swap3A_364, %swap3A_365], %swap3A_368 {strides = array<i32>} : memref<128x128xf32, #tpu.memory_space<vmem>>, vector<1x16xf32>,
        %get3A_369 = arith.index_cast %add3A_342 : i32 to index
        %get3A_370 = arith.constant 32 : index
        %get3A_371 = tpu.vector_load %arg11[%get3A_369, %get3A_370] {strides = array<i32>} : memref<128x128xf32, #tpu.memory_space<vmem>>, vector<1x16xf32>,
        %get3A_372 = vector.shape_cast %get3A_371 : vector<1x16xf32> to vector<16xf32>
        %get3A_373 = arith.index_cast %add3A_342 : i32 to index
        %get3A_374 = arith.constant 32 : index
        %get3A_375 = tpu.vector_load %arg12[%get3A_373, %get3A_374] {strides = array<i32>} : memref<128x128xf32, #tpu.memory_space<vmem>>, vector<1x16xf32>,
        %get3A_376 = vector.shape_cast %get3A_375 : vector<1x16xf32> to vector<16xf32>
        %add3A_377 = arith.addf %get3A_372, %get3A_376 : vector<16xf32>
        %swap3A_378 = arith.index_cast %add3A_342 : i32 to index
        %swap3A_379 = arith.constant 32 : index
        %swap3A_380 = tpu.vector_load %arg11[%swap3A_378, %swap3A_379] {strides = array<i32>} : memref<128x128xf32, #tpu.memory_space<vmem>>, vector<1x16xf32>,
        %swap3A_381 = vector.shape_cast %swap3A_380 : vector<1x16xf32> to vector<16xf32>
        %swap3A_382 = vector.shape_cast %add3A_377 : vector<16xf32> to vector<1x16xf32>
        tpu.vector_store %arg11[%swap3A_378, %swap3A_379], %swap3A_382 {strides = array<i32>} : memref<128x128xf32, #tpu.memory_space<vmem>>, vector<1x16xf32>,
        %get3A_383 = arith.index_cast %add3A_342 : i32 to index
        %get3A_384 = arith.constant 48 : index
        %get3A_385 = tpu.vector_load %arg11[%get3A_383, %get3A_384] {strides = array<i32>} : memref<128x128xf32, #tpu.memory_space<vmem>>, vector<1x16xf32>,
        %get3A_386 = vector.shape_cast %get3A_385 : vector<1x16xf32> to vector<16xf32>
        %get3A_387 = arith.index_cast %add3A_342 : i32 to index
        %get3A_388 = arith.constant 48 : index
        %get3A_389 = tpu.vector_load %arg12[%get3A_387, %get3A_388] {strides = array<i32>} : memref<128x128xf32, #tpu.memory_space<vmem>>, vector<1x16xf32>,
        %get3A_390 = vector.shape_cast %get3A_389 : vector<1x16xf32> to vector<16xf32>
        %add3A_391 = arith.addf %get3A_386, %get3A_390 : vector<16xf32>
        %swap3A_392 = arith.index_cast %add3A_342 : i32 to index
        %swap3A_393 = arith.constant 48 : index
        %swap3A_394 = tpu.vector_load %arg11[%swap3A_392, %swap3A_393] {strides = array<i32>} : memref<128x128xf32, #tpu.memory_space<vmem>>, vector<1x16xf32>,
        %swap3A_395 = vector.shape_cast %swap3A_394 : vector<1x16xf32> to vector<16xf32>
        %swap3A_396 = vector.shape_cast %add3A_391 : vector<16xf32> to vector<1x16xf32>
        tpu.vector_store %arg11[%swap3A_392, %swap3A_393], %swap3A_396 {strides = array<i32>} : memref<128x128xf32, #tpu.memory_space<vmem>>, vector<1x16xf32>,
        %get3A_397 = arith.index_cast %add3A_342 : i32 to index
        %get3A_398 = arith.constant 64 : index
        %get3A_399 = tpu.vector_load %arg11[%get3A_397, %get3A_398] {strides = array<i32>} : memref<128x128xf32, #tpu.memory_space<vmem>>, vector<1x16xf32>,
        %get3A_400 = vector.shape_cast %get3A_399 : vector<1x16xf32> to vector<16xf32>
        %get3A_401 = arith.index_cast %add3A_342 : i32 to index
        %get3A_402 = arith.constant 64 : index
        %get3A_403 = tpu.vector_load %arg12[%get3A_401, %get3A_402] {strides = array<i32>} : memref<128x128xf32, #tpu.memory_space<vmem>>, vector<1x16xf32>,
        %get3A_404 = vector.shape_cast %get3A_403 : vector<1x16xf32> to vector<16xf32>
        %add3A_405 = arith.addf %get3A_400, %get3A_404 : vector<16xf32>
        %swap3A_406 = arith.index_cast %add3A_342 : i32 to index
        %swap3A_407 = arith.constant 64 : index
        %swap3A_408 = tpu.vector_load %arg11[%swap3A_406, %swap3A_407] {strides = array<i32>} : memref<128x128xf32, #tpu.memory_space<vmem>>, vector<1x16xf32>,
        %swap3A_409 = vector.shape_cast %swap3A_408 : vector<1x16xf32> to vector<16xf32>
        %swap3A_410 = vector.shape_cast %add3A_405 : vector<16xf32> to vector<1x16xf32>
        tpu.vector_store %arg11[%swap3A_406, %swap3A_407], %swap3A_410 {strides = array<i32>} : memref<128x128xf32, #tpu.memory_space<vmem>>, vector<1x16xf32>,
        %get3A_411 = arith.index_cast %add3A_342 : i32 to index
        %get3A_412 = arith.constant 80 : index
        %get3A_413 = tpu.vector_load %arg11[%get3A_411, %get3A_412] {strides = array<i32>} : memref<128x128xf32, #tpu.memory_space<vmem>>, vector<1x16xf32>,
        %get3A_414 = vector.shape_cast %get3A_413 : vector<1x16xf32> to vector<16xf32>
        %get3A_415 = arith.index_cast %add3A_342 : i32 to index
        %get3A_416 = arith.constant 80 : index
        %get3A_417 = tpu.vector_load %arg12[%get3A_415, %get3A_416] {strides = array<i32>} : memref<128x128xf32, #tpu.memory_space<vmem>>, vector<1x16xf32>,
        %get3A_418 = vector.shape_cast %get3A_417 : vector<1x16xf32> to vector<16xf32>
        %add3A_419 = arith.addf %get3A_414, %get3A_418 : vector<16xf32>
        %swap3A_420 = arith.index_cast %add3A_342 : i32 to index
        %swap3A_421 = arith.constant 80 : index
        %swap3A_422 = tpu.vector_load %arg11[%swap3A_420, %swap3A_421] {strides = array<i32>} : memref<128x128xf32, #tpu.memory_space<vmem>>, vector<1x16xf32>,
        %swap3A_423 = vector.shape_cast %swap3A_422 : vector<1x16xf32> to vector<16xf32>
        %swap3A_424 = vector.shape_cast %add3A_419 : vector<16xf32> to vector<1x16xf32>
        tpu.vector_store %arg11[%swap3A_420, %swap3A_421], %swap3A_424 {strides = array<i32>} : memref<128x128xf32, #tpu.memory_space<vmem>>, vector<1x16xf32>,
        %get3A_425 = arith.index_cast %add3A_342 : i32 to index
        %get3A_426 = arith.constant 96 : index
        %get3A_427 = tpu.vector_load %arg11[%get3A_425, %get3A_426] {strides = array<i32>} : memref<128x128xf32, #tpu.memory_space<vmem>>, vector<1x16xf32>,
        %get3A_428 = vector.shape_cast %get3A_427 : vector<1x16xf32> to vector<16xf32>
        %get3A_429 = arith.index_cast %add3A_342 : i32 to index
        %get3A_430 = arith.constant 96 : index
        %get3A_431 = tpu.vector_load %arg12[%get3A_429, %get3A_430] {strides = array<i32>} : memref<128x128xf32, #tpu.memory_space<vmem>>, vector<1x16xf32>,
        %get3A_432 = vector.shape_cast %get3A_431 : vector<1x16xf32> to vector<16xf32>
        %add3A_433 = arith.addf %get3A_428, %get3A_432 : vector<16xf32>
        %swap3A_434 = arith.index_cast %add3A_342 : i32 to index
        %swap3A_435 = arith.constant 96 : index
        %swap3A_436 = tpu.vector_load %arg11[%swap3A_434, %swap3A_435] {strides = array<i32>} : memref<128x128xf32, #tpu.memory_space<vmem>>, vector<1x16xf32>,
        %swap3A_437 = vector.shape_cast %swap3A_436 : vector<1x16xf32> to vector<16xf32>
        %swap3A_438 = vector.shape_cast %add3A_433 : vector<16xf32> to vector<1x16xf32>
        tpu.vector_store %arg11[%swap3A_434, %swap3A_435], %swap3A_438 {strides = array<i32>} : memref<128x128xf32, #tpu.memory_space<vmem>>, vector<1x16xf32>,
        %get3A_439 = arith.index_cast %add3A_342 : i32 to index
        %get3A_440 = arith.constant 112 : index
        %get3A_441 = tpu.vector_load %arg11[%get3A_439, %get3A_440] {strides = array<i32>} : memref<128x128xf32, #tpu.memory_space<vmem>>, vector<1x16xf32>,
        %get3A_442 = vector.shape_cast %get3A_441 : vector<1x16xf32> to vector<16xf32>
        %get3A_443 = arith.index_cast %add3A_342 : i32 to index
        %get3A_444 = arith.constant 112 : index
        %get3A_445 = tpu.vector_load %arg12[%get3A_443, %get3A_444] {strides = array<i32>} : memref<128x128xf32, #tpu.memory_space<vmem>>, vector<1x16xf32>,
        %get3A_446 = vector.shape_cast %get3A_445 : vector<1x16xf32> to vector<16xf32>
        %add3A_447 = arith.addf %get3A_442, %get3A_446 : vector<16xf32>
        %swap3A_448 = arith.index_cast %add3A_342 : i32 to index
        %swap3A_449 = arith.constant 112 : index
        %swap3A_450 = tpu.vector_load %arg11[%swap3A_448, %swap3A_449] {strides = array<i32>} : memref<128x128xf32, #tpu.memory_space<vmem>>, vector<1x16xf32>,
        %swap3A_451 = vector.shape_cast %swap3A_450 : vector<1x16xf32> to vector<16xf32>
        %swap3A_452 = vector.shape_cast %add3A_447 : vector<16xf32> to vector<1x16xf32>
        tpu.vector_store %arg11[%swap3A_448, %swap3A_449], %swap3A_452 {strides = array<i32>} : memref<128x128xf32, #tpu.memory_space<vmem>>, vector<1x16xf32>,
      }
      %scan3A_234 = arith.constant 128 : i32
      %run_scoped3A_235 = arith.constant 4 : i32
      "tpu.region"() ({
        %run_scoped3A_338 = tpu.sem_alloc : memref<!tpu.dma_semaphore, #tpu.memory_space<semaphore_mem>>
        %dma_start3A_339 = arith.constant 0 : i32
        %dma_start3A_340 = tpu.memref_slice %arg10[%run_scoped3A_235, %dma_start3A_339] : memref<8x128xi32, #tpu.memory_space<vmem>> -> memref<1x128xi32, #tpu.memory_space<vmem>>
        %dma_start3A_341 = tpu.memref_squeeze %dma_start3A_340 : memref<1x128xi32, #tpu.memory_space<vmem>> -> memref<128xi32, #tpu.memory_space<vmem>>
        %dma_start3A_342 = arith.constant 0 : i32
        %dma_start3A_343 = arith.constant 0 : i32
        %dma_start3A_344 = tpu.memref_slice %arg15[%dma_start3A_342, %dma_start3A_343] : memref<10112x128xf32, #tpu.memory_space<vmem_shared>> -> memref<10112x128xf32, #tpu.memory_space<vmem_shared>>
        tpu.enqueue_indirect_dma source(%arg11 : memref<128x128xf32, #tpu.memory_space<vmem>>) target(%dma_start3A_344 : memref<10112x128xf32, #tpu.memory_space<vmem_shared>>) offsets(%dma_start3A_341 : memref<128xi32, #tpu.memory_space<vmem>>) semaphore(%run_scoped3A_338 : memref<!tpu.dma_semaphore, #tpu.memory_space<semaphore_mem>>) {add = true}
        %dma_wait3A_345 = arith.constant 0 : i32
        %dma_wait3A_346 = tpu.memref_slice %arg10[%run_scoped3A_235, %dma_wait3A_345] : memref<8x128xi32, #tpu.memory_space<vmem>> -> memref<1x128xi32, #tpu.memory_space<vmem>>
        %dma_wait3A_347 = tpu.memref_squeeze %dma_wait3A_346 : memref<1x128xi32, #tpu.memory_space<vmem>> -> memref<128xi32, #tpu.memory_space<vmem>>
        %dma_wait3A_348 = arith.constant 0 : i32
        %dma_wait3A_349 = arith.constant 0 : i32
        %dma_wait3A_350 = tpu.memref_slice %arg15[%dma_wait3A_348, %dma_wait3A_349] : memref<10112x128xf32, #tpu.memory_space<vmem_shared>> -> memref<10112x128xf32, #tpu.memory_space<vmem_shared>>
        tpu.wait_indirect_dma semaphore(%run_scoped3A_338 : memref<!tpu.dma_semaphore, #tpu.memory_space<semaphore_mem>>) src(%arg11 : memref<128x128xf32, #tpu.memory_space<vmem>>) dst(%dma_wait3A_350 : memref<10112x128xf32, #tpu.memory_space<vmem_shared>>)
        tpu.yield
      }) : () -> ()
      %dma_start3A_236 = arith.constant 5 : i32
      %dma_start3A_237 = arith.constant 0 : i32
      %dma_start3A_238 = tpu.memref_slice %arg8[%dma_start3A_236, %dma_start3A_237] : memref<8x128xi32, #tpu.memory_space<vmem>> -> memref<1x128xi32, #tpu.memory_space<vmem>>
      %dma_start3A_239 = tpu.memref_squeeze %dma_start3A_238 : memref<1x128xi32, #tpu.memory_space<vmem>> -> memref<128xi32, #tpu.memory_space<vmem>>
      %dma_start3A_240 = arith.constant 0 : i32
      %dma_start3A_241 = arith.constant 0 : i32
      %dma_start3A_242 = tpu.memref_slice %arg2[%dma_start3A_240, %dma_start3A_241] : memref<10001x128xf32, #tpu.memory_space<hbm>> -> memref<10001x128xf32, #tpu.memory_space<hbm>>
      tpu.enqueue_indirect_dma source(%dma_start3A_242 : memref<10001x128xf32, #tpu.memory_space<hbm>>) target(%arg11 : memref<128x128xf32, #tpu.memory_space<vmem>>) offsets(%dma_start3A_239 : memref<128xi32, #tpu.memory_space<vmem>>) semaphore(%arg13 : memref<!tpu.dma_semaphore, #tpu.memory_space<semaphore_mem>>)
      %dma_start3A_243 = arith.constant 5 : i32
      %dma_start3A_244 = arith.constant 0 : i32
      %dma_start3A_245 = tpu.memref_slice %arg9[%dma_start3A_243, %dma_start3A_244] : memref<8x128xi32, #tpu.memory_space<vmem>> -> memref<1x128xi32, #tpu.memory_space<vmem>>
      %dma_start3A_246 = tpu.memref_squeeze %dma_start3A_245 : memref<1x128xi32, #tpu.memory_space<vmem>> -> memref<128xi32, #tpu.memory_space<vmem>>
      %dma_start3A_247 = arith.constant 0 : i32
      %dma_start3A_248 = arith.constant 0 : i32
      %dma_start3A_249 = tpu.memref_slice %arg3[%dma_start3A_247, %dma_start3A_248] : memref<201x128xf32, #tpu.memory_space<hbm>> -> memref<201x128xf32, #tpu.memory_space<hbm>>
      tpu.enqueue_indirect_dma source(%dma_start3A_249 : memref<201x128xf32, #tpu.memory_space<hbm>>) target(%arg12 : memref<128x128xf32, #tpu.memory_space<vmem>>) offsets(%dma_start3A_246 : memref<128xi32, #tpu.memory_space<vmem>>) semaphore(%arg14 : memref<!tpu.dma_semaphore, #tpu.memory_space<semaphore_mem>>)
      %dma_wait3A_250 = arith.constant 5 : i32
      %dma_wait3A_251 = arith.constant 0 : i32
      %dma_wait3A_252 = tpu.memref_slice %arg8[%dma_wait3A_250, %dma_wait3A_251] : memref<8x128xi32, #tpu.memory_space<vmem>> -> memref<1x128xi32, #tpu.memory_space<vmem>>
      %dma_wait3A_253 = tpu.memref_squeeze %dma_wait3A_252 : memref<1x128xi32, #tpu.memory_space<vmem>> -> memref<128xi32, #tpu.memory_space<vmem>>
      %dma_wait3A_254 = arith.constant 0 : i32
      %dma_wait3A_255 = arith.constant 0 : i32
      %dma_wait3A_256 = tpu.memref_slice %arg2[%dma_wait3A_254, %dma_wait3A_255] : memref<10001x128xf32, #tpu.memory_space<hbm>> -> memref<10001x128xf32, #tpu.memory_space<hbm>>
      tpu.wait_indirect_dma semaphore(%arg13 : memref<!tpu.dma_semaphore, #tpu.memory_space<semaphore_mem>>) src(%dma_wait3A_256 : memref<10001x128xf32, #tpu.memory_space<hbm>>) dst(%arg11 : memref<128x128xf32, #tpu.memory_space<vmem>>)
      %dma_wait3A_257 = arith.constant 5 : i32
      %dma_wait3A_258 = arith.constant 0 : i32
      %dma_wait3A_259 = tpu.memref_slice %arg9[%dma_wait3A_257, %dma_wait3A_258] : memref<8x128xi32, #tpu.memory_space<vmem>> -> memref<1x128xi32, #tpu.memory_space<vmem>>
      %dma_wait3A_260 = tpu.memref_squeeze %dma_wait3A_259 : memref<1x128xi32, #tpu.memory_space<vmem>> -> memref<128xi32, #tpu.memory_space<vmem>>
      %dma_wait3A_261 = arith.constant 0 : i32
      %dma_wait3A_262 = arith.constant 0 : i32
      %dma_wait3A_263 = tpu.memref_slice %arg3[%dma_wait3A_261, %dma_wait3A_262] : memref<201x128xf32, #tpu.memory_space<hbm>> -> memref<201x128xf32, #tpu.memory_space<hbm>>
      tpu.wait_indirect_dma semaphore(%arg14 : memref<!tpu.dma_semaphore, #tpu.memory_space<semaphore_mem>>) src(%dma_wait3A_263 : memref<201x128xf32, #tpu.memory_space<hbm>>) dst(%arg12 : memref<128x128xf32, #tpu.memory_space<vmem>>)
      %scan3A_264 = arith.constant 0 : i32
      %scan3A_265 = arith.constant 128 : i32
      %scan3A_266 = arith.addi %scan3A_264, %scan3A_265 : i32
      %scan3A_267 = arith.constant 1 : i32
      scf.for %scan3A_338 = %scan3A_264 to %scan3A_266 step %scan3A_267  : i32 {
        %mul3A_339 = arith.constant 1 : i32
        %mul3A_340 = arith.muli %scan3A_338, %mul3A_339 : i32
        %add3A_341 = arith.constant 0 : i32
        %add3A_342 = arith.addi %add3A_341, %mul3A_340 : i32
        %get3A = arith.index_cast %add3A_342 : i32 to index
        %get3A_343 = arith.constant 0 : index
        %get3A_344 = tpu.vector_load %arg11[%get3A, %get3A_343] {strides = array<i32>} : memref<128x128xf32, #tpu.memory_space<vmem>>, vector<1x16xf32>,
        %get3A_345 = vector.shape_cast %get3A_344 : vector<1x16xf32> to vector<16xf32>
        %get3A_346 = arith.index_cast %add3A_342 : i32 to index
        %get3A_347 = arith.constant 0 : index
        %get3A_348 = tpu.vector_load %arg12[%get3A_346, %get3A_347] {strides = array<i32>} : memref<128x128xf32, #tpu.memory_space<vmem>>, vector<1x16xf32>,
        %get3A_349 = vector.shape_cast %get3A_348 : vector<1x16xf32> to vector<16xf32>
        %add3A_350 = arith.addf %get3A_345, %get3A_349 : vector<16xf32>
        %swap3A = arith.index_cast %add3A_342 : i32 to index
        %swap3A_351 = arith.constant 0 : index
        %swap3A_352 = tpu.vector_load %arg11[%swap3A, %swap3A_351] {strides = array<i32>} : memref<128x128xf32, #tpu.memory_space<vmem>>, vector<1x16xf32>,
        %swap3A_353 = vector.shape_cast %swap3A_352 : vector<1x16xf32> to vector<16xf32>
        %swap3A_354 = vector.shape_cast %add3A_350 : vector<16xf32> to vector<1x16xf32>
        tpu.vector_store %arg11[%swap3A, %swap3A_351], %swap3A_354 {strides = array<i32>} : memref<128x128xf32, #tpu.memory_space<vmem>>, vector<1x16xf32>,
        %get3A_355 = arith.index_cast %add3A_342 : i32 to index
        %get3A_356 = arith.constant 16 : index
        %get3A_357 = tpu.vector_load %arg11[%get3A_355, %get3A_356] {strides = array<i32>} : memref<128x128xf32, #tpu.memory_space<vmem>>, vector<1x16xf32>,
        %get3A_358 = vector.shape_cast %get3A_357 : vector<1x16xf32> to vector<16xf32>
        %get3A_359 = arith.index_cast %add3A_342 : i32 to index
        %get3A_360 = arith.constant 16 : index
        %get3A_361 = tpu.vector_load %arg12[%get3A_359, %get3A_360] {strides = array<i32>} : memref<128x128xf32, #tpu.memory_space<vmem>>, vector<1x16xf32>,
        %get3A_362 = vector.shape_cast %get3A_361 : vector<1x16xf32> to vector<16xf32>
        %add3A_363 = arith.addf %get3A_358, %get3A_362 : vector<16xf32>
        %swap3A_364 = arith.index_cast %add3A_342 : i32 to index
        %swap3A_365 = arith.constant 16 : index
        %swap3A_366 = tpu.vector_load %arg11[%swap3A_364, %swap3A_365] {strides = array<i32>} : memref<128x128xf32, #tpu.memory_space<vmem>>, vector<1x16xf32>,
        %swap3A_367 = vector.shape_cast %swap3A_366 : vector<1x16xf32> to vector<16xf32>
        %swap3A_368 = vector.shape_cast %add3A_363 : vector<16xf32> to vector<1x16xf32>
        tpu.vector_store %arg11[%swap3A_364, %swap3A_365], %swap3A_368 {strides = array<i32>} : memref<128x128xf32, #tpu.memory_space<vmem>>, vector<1x16xf32>,
        %get3A_369 = arith.index_cast %add3A_342 : i32 to index
        %get3A_370 = arith.constant 32 : index
        %get3A_371 = tpu.vector_load %arg11[%get3A_369, %get3A_370] {strides = array<i32>} : memref<128x128xf32, #tpu.memory_space<vmem>>, vector<1x16xf32>,
        %get3A_372 = vector.shape_cast %get3A_371 : vector<1x16xf32> to vector<16xf32>
        %get3A_373 = arith.index_cast %add3A_342 : i32 to index
        %get3A_374 = arith.constant 32 : index
        %get3A_375 = tpu.vector_load %arg12[%get3A_373, %get3A_374] {strides = array<i32>} : memref<128x128xf32, #tpu.memory_space<vmem>>, vector<1x16xf32>,
        %get3A_376 = vector.shape_cast %get3A_375 : vector<1x16xf32> to vector<16xf32>
        %add3A_377 = arith.addf %get3A_372, %get3A_376 : vector<16xf32>
        %swap3A_378 = arith.index_cast %add3A_342 : i32 to index
        %swap3A_379 = arith.constant 32 : index
        %swap3A_380 = tpu.vector_load %arg11[%swap3A_378, %swap3A_379] {strides = array<i32>} : memref<128x128xf32, #tpu.memory_space<vmem>>, vector<1x16xf32>,
        %swap3A_381 = vector.shape_cast %swap3A_380 : vector<1x16xf32> to vector<16xf32>
        %swap3A_382 = vector.shape_cast %add3A_377 : vector<16xf32> to vector<1x16xf32>
        tpu.vector_store %arg11[%swap3A_378, %swap3A_379], %swap3A_382 {strides = array<i32>} : memref<128x128xf32, #tpu.memory_space<vmem>>, vector<1x16xf32>,
        %get3A_383 = arith.index_cast %add3A_342 : i32 to index
        %get3A_384 = arith.constant 48 : index
        %get3A_385 = tpu.vector_load %arg11[%get3A_383, %get3A_384] {strides = array<i32>} : memref<128x128xf32, #tpu.memory_space<vmem>>, vector<1x16xf32>,
        %get3A_386 = vector.shape_cast %get3A_385 : vector<1x16xf32> to vector<16xf32>
        %get3A_387 = arith.index_cast %add3A_342 : i32 to index
        %get3A_388 = arith.constant 48 : index
        %get3A_389 = tpu.vector_load %arg12[%get3A_387, %get3A_388] {strides = array<i32>} : memref<128x128xf32, #tpu.memory_space<vmem>>, vector<1x16xf32>,
        %get3A_390 = vector.shape_cast %get3A_389 : vector<1x16xf32> to vector<16xf32>
        %add3A_391 = arith.addf %get3A_386, %get3A_390 : vector<16xf32>
        %swap3A_392 = arith.index_cast %add3A_342 : i32 to index
        %swap3A_393 = arith.constant 48 : index
        %swap3A_394 = tpu.vector_load %arg11[%swap3A_392, %swap3A_393] {strides = array<i32>} : memref<128x128xf32, #tpu.memory_space<vmem>>, vector<1x16xf32>,
        %swap3A_395 = vector.shape_cast %swap3A_394 : vector<1x16xf32> to vector<16xf32>
        %swap3A_396 = vector.shape_cast %add3A_391 : vector<16xf32> to vector<1x16xf32>
        tpu.vector_store %arg11[%swap3A_392, %swap3A_393], %swap3A_396 {strides = array<i32>} : memref<128x128xf32, #tpu.memory_space<vmem>>, vector<1x16xf32>,
        %get3A_397 = arith.index_cast %add3A_342 : i32 to index
        %get3A_398 = arith.constant 64 : index
        %get3A_399 = tpu.vector_load %arg11[%get3A_397, %get3A_398] {strides = array<i32>} : memref<128x128xf32, #tpu.memory_space<vmem>>, vector<1x16xf32>,
        %get3A_400 = vector.shape_cast %get3A_399 : vector<1x16xf32> to vector<16xf32>
        %get3A_401 = arith.index_cast %add3A_342 : i32 to index
        %get3A_402 = arith.constant 64 : index
        %get3A_403 = tpu.vector_load %arg12[%get3A_401, %get3A_402] {strides = array<i32>} : memref<128x128xf32, #tpu.memory_space<vmem>>, vector<1x16xf32>,
        %get3A_404 = vector.shape_cast %get3A_403 : vector<1x16xf32> to vector<16xf32>
        %add3A_405 = arith.addf %get3A_400, %get3A_404 : vector<16xf32>
        %swap3A_406 = arith.index_cast %add3A_342 : i32 to index
        %swap3A_407 = arith.constant 64 : index
        %swap3A_408 = tpu.vector_load %arg11[%swap3A_406, %swap3A_407] {strides = array<i32>} : memref<128x128xf32, #tpu.memory_space<vmem>>, vector<1x16xf32>,
        %swap3A_409 = vector.shape_cast %swap3A_408 : vector<1x16xf32> to vector<16xf32>
        %swap3A_410 = vector.shape_cast %add3A_405 : vector<16xf32> to vector<1x16xf32>
        tpu.vector_store %arg11[%swap3A_406, %swap3A_407], %swap3A_410 {strides = array<i32>} : memref<128x128xf32, #tpu.memory_space<vmem>>, vector<1x16xf32>,
        %get3A_411 = arith.index_cast %add3A_342 : i32 to index
        %get3A_412 = arith.constant 80 : index
        %get3A_413 = tpu.vector_load %arg11[%get3A_411, %get3A_412] {strides = array<i32>} : memref<128x128xf32, #tpu.memory_space<vmem>>, vector<1x16xf32>,
        %get3A_414 = vector.shape_cast %get3A_413 : vector<1x16xf32> to vector<16xf32>
        %get3A_415 = arith.index_cast %add3A_342 : i32 to index
        %get3A_416 = arith.constant 80 : index
        %get3A_417 = tpu.vector_load %arg12[%get3A_415, %get3A_416] {strides = array<i32>} : memref<128x128xf32, #tpu.memory_space<vmem>>, vector<1x16xf32>,
        %get3A_418 = vector.shape_cast %get3A_417 : vector<1x16xf32> to vector<16xf32>
        %add3A_419 = arith.addf %get3A_414, %get3A_418 : vector<16xf32>
        %swap3A_420 = arith.index_cast %add3A_342 : i32 to index
        %swap3A_421 = arith.constant 80 : index
        %swap3A_422 = tpu.vector_load %arg11[%swap3A_420, %swap3A_421] {strides = array<i32>} : memref<128x128xf32, #tpu.memory_space<vmem>>, vector<1x16xf32>,
        %swap3A_423 = vector.shape_cast %swap3A_422 : vector<1x16xf32> to vector<16xf32>
        %swap3A_424 = vector.shape_cast %add3A_419 : vector<16xf32> to vector<1x16xf32>
        tpu.vector_store %arg11[%swap3A_420, %swap3A_421], %swap3A_424 {strides = array<i32>} : memref<128x128xf32, #tpu.memory_space<vmem>>, vector<1x16xf32>,
        %get3A_425 = arith.index_cast %add3A_342 : i32 to index
        %get3A_426 = arith.constant 96 : index
        %get3A_427 = tpu.vector_load %arg11[%get3A_425, %get3A_426] {strides = array<i32>} : memref<128x128xf32, #tpu.memory_space<vmem>>, vector<1x16xf32>,
        %get3A_428 = vector.shape_cast %get3A_427 : vector<1x16xf32> to vector<16xf32>
        %get3A_429 = arith.index_cast %add3A_342 : i32 to index
        %get3A_430 = arith.constant 96 : index
        %get3A_431 = tpu.vector_load %arg12[%get3A_429, %get3A_430] {strides = array<i32>} : memref<128x128xf32, #tpu.memory_space<vmem>>, vector<1x16xf32>,
        %get3A_432 = vector.shape_cast %get3A_431 : vector<1x16xf32> to vector<16xf32>
        %add3A_433 = arith.addf %get3A_428, %get3A_432 : vector<16xf32>
        %swap3A_434 = arith.index_cast %add3A_342 : i32 to index
        %swap3A_435 = arith.constant 96 : index
        %swap3A_436 = tpu.vector_load %arg11[%swap3A_434, %swap3A_435] {strides = array<i32>} : memref<128x128xf32, #tpu.memory_space<vmem>>, vector<1x16xf32>,
        %swap3A_437 = vector.shape_cast %swap3A_436 : vector<1x16xf32> to vector<16xf32>
        %swap3A_438 = vector.shape_cast %add3A_433 : vector<16xf32> to vector<1x16xf32>
        tpu.vector_store %arg11[%swap3A_434, %swap3A_435], %swap3A_438 {strides = array<i32>} : memref<128x128xf32, #tpu.memory_space<vmem>>, vector<1x16xf32>,
        %get3A_439 = arith.index_cast %add3A_342 : i32 to index
        %get3A_440 = arith.constant 112 : index
        %get3A_441 = tpu.vector_load %arg11[%get3A_439, %get3A_440] {strides = array<i32>} : memref<128x128xf32, #tpu.memory_space<vmem>>, vector<1x16xf32>,
        %get3A_442 = vector.shape_cast %get3A_441 : vector<1x16xf32> to vector<16xf32>
        %get3A_443 = arith.index_cast %add3A_342 : i32 to index
        %get3A_444 = arith.constant 112 : index
        %get3A_445 = tpu.vector_load %arg12[%get3A_443, %get3A_444] {strides = array<i32>} : memref<128x128xf32, #tpu.memory_space<vmem>>, vector<1x16xf32>,
        %get3A_446 = vector.shape_cast %get3A_445 : vector<1x16xf32> to vector<16xf32>
        %add3A_447 = arith.addf %get3A_442, %get3A_446 : vector<16xf32>
        %swap3A_448 = arith.index_cast %add3A_342 : i32 to index
        %swap3A_449 = arith.constant 112 : index
        %swap3A_450 = tpu.vector_load %arg11[%swap3A_448, %swap3A_449] {strides = array<i32>} : memref<128x128xf32, #tpu.memory_space<vmem>>, vector<1x16xf32>,
        %swap3A_451 = vector.shape_cast %swap3A_450 : vector<1x16xf32> to vector<16xf32>
        %swap3A_452 = vector.shape_cast %add3A_447 : vector<16xf32> to vector<1x16xf32>
        tpu.vector_store %arg11[%swap3A_448, %swap3A_449], %swap3A_452 {strides = array<i32>} : memref<128x128xf32, #tpu.memory_space<vmem>>, vector<1x16xf32>,
      }
      %scan3A_268 = arith.constant 128 : i32
      %run_scoped3A_269 = arith.constant 5 : i32
      "tpu.region"() ({
        %run_scoped3A_338 = tpu.sem_alloc : memref<!tpu.dma_semaphore, #tpu.memory_space<semaphore_mem>>
        %dma_start3A_339 = arith.constant 0 : i32
        %dma_start3A_340 = tpu.memref_slice %arg10[%run_scoped3A_269, %dma_start3A_339] : memref<8x128xi32, #tpu.memory_space<vmem>> -> memref<1x128xi32, #tpu.memory_space<vmem>>
        %dma_start3A_341 = tpu.memref_squeeze %dma_start3A_340 : memref<1x128xi32, #tpu.memory_space<vmem>> -> memref<128xi32, #tpu.memory_space<vmem>>
        %dma_start3A_342 = arith.constant 0 : i32
        %dma_start3A_343 = arith.constant 0 : i32
        %dma_start3A_344 = tpu.memref_slice %arg15[%dma_start3A_342, %dma_start3A_343] : memref<10112x128xf32, #tpu.memory_space<vmem_shared>> -> memref<10112x128xf32, #tpu.memory_space<vmem_shared>>
        tpu.enqueue_indirect_dma source(%arg11 : memref<128x128xf32, #tpu.memory_space<vmem>>) target(%dma_start3A_344 : memref<10112x128xf32, #tpu.memory_space<vmem_shared>>) offsets(%dma_start3A_341 : memref<128xi32, #tpu.memory_space<vmem>>) semaphore(%run_scoped3A_338 : memref<!tpu.dma_semaphore, #tpu.memory_space<semaphore_mem>>) {add = true}
        %dma_wait3A_345 = arith.constant 0 : i32
        %dma_wait3A_346 = tpu.memref_slice %arg10[%run_scoped3A_269, %dma_wait3A_345] : memref<8x128xi32, #tpu.memory_space<vmem>> -> memref<1x128xi32, #tpu.memory_space<vmem>>
        %dma_wait3A_347 = tpu.memref_squeeze %dma_wait3A_346 : memref<1x128xi32, #tpu.memory_space<vmem>> -> memref<128xi32, #tpu.memory_space<vmem>>
        %dma_wait3A_348 = arith.constant 0 : i32
        %dma_wait3A_349 = arith.constant 0 : i32
        %dma_wait3A_350 = tpu.memref_slice %arg15[%dma_wait3A_348, %dma_wait3A_349] : memref<10112x128xf32, #tpu.memory_space<vmem_shared>> -> memref<10112x128xf32, #tpu.memory_space<vmem_shared>>
        tpu.wait_indirect_dma semaphore(%run_scoped3A_338 : memref<!tpu.dma_semaphore, #tpu.memory_space<semaphore_mem>>) src(%arg11 : memref<128x128xf32, #tpu.memory_space<vmem>>) dst(%dma_wait3A_350 : memref<10112x128xf32, #tpu.memory_space<vmem_shared>>)
        tpu.yield
      }) : () -> ()
      %dma_start3A_270 = arith.constant 6 : i32
      %dma_start3A_271 = arith.constant 0 : i32
      %dma_start3A_272 = tpu.memref_slice %arg8[%dma_start3A_270, %dma_start3A_271] : memref<8x128xi32, #tpu.memory_space<vmem>> -> memref<1x128xi32, #tpu.memory_space<vmem>>
      %dma_start3A_273 = tpu.memref_squeeze %dma_start3A_272 : memref<1x128xi32, #tpu.memory_space<vmem>> -> memref<128xi32, #tpu.memory_space<vmem>>
      %dma_start3A_274 = arith.constant 0 : i32
      %dma_start3A_275 = arith.constant 0 : i32
      %dma_start3A_276 = tpu.memref_slice %arg2[%dma_start3A_274, %dma_start3A_275] : memref<10001x128xf32, #tpu.memory_space<hbm>> -> memref<10001x128xf32, #tpu.memory_space<hbm>>
      tpu.enqueue_indirect_dma source(%dma_start3A_276 : memref<10001x128xf32, #tpu.memory_space<hbm>>) target(%arg11 : memref<128x128xf32, #tpu.memory_space<vmem>>) offsets(%dma_start3A_273 : memref<128xi32, #tpu.memory_space<vmem>>) semaphore(%arg13 : memref<!tpu.dma_semaphore, #tpu.memory_space<semaphore_mem>>)
      %dma_start3A_277 = arith.constant 6 : i32
      %dma_start3A_278 = arith.constant 0 : i32
      %dma_start3A_279 = tpu.memref_slice %arg9[%dma_start3A_277, %dma_start3A_278] : memref<8x128xi32, #tpu.memory_space<vmem>> -> memref<1x128xi32, #tpu.memory_space<vmem>>
      %dma_start3A_280 = tpu.memref_squeeze %dma_start3A_279 : memref<1x128xi32, #tpu.memory_space<vmem>> -> memref<128xi32, #tpu.memory_space<vmem>>
      %dma_start3A_281 = arith.constant 0 : i32
      %dma_start3A_282 = arith.constant 0 : i32
      %dma_start3A_283 = tpu.memref_slice %arg3[%dma_start3A_281, %dma_start3A_282] : memref<201x128xf32, #tpu.memory_space<hbm>> -> memref<201x128xf32, #tpu.memory_space<hbm>>
      tpu.enqueue_indirect_dma source(%dma_start3A_283 : memref<201x128xf32, #tpu.memory_space<hbm>>) target(%arg12 : memref<128x128xf32, #tpu.memory_space<vmem>>) offsets(%dma_start3A_280 : memref<128xi32, #tpu.memory_space<vmem>>) semaphore(%arg14 : memref<!tpu.dma_semaphore, #tpu.memory_space<semaphore_mem>>)
      %dma_wait3A_284 = arith.constant 6 : i32
      %dma_wait3A_285 = arith.constant 0 : i32
      %dma_wait3A_286 = tpu.memref_slice %arg8[%dma_wait3A_284, %dma_wait3A_285] : memref<8x128xi32, #tpu.memory_space<vmem>> -> memref<1x128xi32, #tpu.memory_space<vmem>>
      %dma_wait3A_287 = tpu.memref_squeeze %dma_wait3A_286 : memref<1x128xi32, #tpu.memory_space<vmem>> -> memref<128xi32, #tpu.memory_space<vmem>>
      %dma_wait3A_288 = arith.constant 0 : i32
      %dma_wait3A_289 = arith.constant 0 : i32
      %dma_wait3A_290 = tpu.memref_slice %arg2[%dma_wait3A_288, %dma_wait3A_289] : memref<10001x128xf32, #tpu.memory_space<hbm>> -> memref<10001x128xf32, #tpu.memory_space<hbm>>
      tpu.wait_indirect_dma semaphore(%arg13 : memref<!tpu.dma_semaphore, #tpu.memory_space<semaphore_mem>>) src(%dma_wait3A_290 : memref<10001x128xf32, #tpu.memory_space<hbm>>) dst(%arg11 : memref<128x128xf32, #tpu.memory_space<vmem>>)
      %dma_wait3A_291 = arith.constant 6 : i32
      %dma_wait3A_292 = arith.constant 0 : i32
      %dma_wait3A_293 = tpu.memref_slice %arg9[%dma_wait3A_291, %dma_wait3A_292] : memref<8x128xi32, #tpu.memory_space<vmem>> -> memref<1x128xi32, #tpu.memory_space<vmem>>
      %dma_wait3A_294 = tpu.memref_squeeze %dma_wait3A_293 : memref<1x128xi32, #tpu.memory_space<vmem>> -> memref<128xi32, #tpu.memory_space<vmem>>
      %dma_wait3A_295 = arith.constant 0 : i32
      %dma_wait3A_296 = arith.constant 0 : i32
      %dma_wait3A_297 = tpu.memref_slice %arg3[%dma_wait3A_295, %dma_wait3A_296] : memref<201x128xf32, #tpu.memory_space<hbm>> -> memref<201x128xf32, #tpu.memory_space<hbm>>
      tpu.wait_indirect_dma semaphore(%arg14 : memref<!tpu.dma_semaphore, #tpu.memory_space<semaphore_mem>>) src(%dma_wait3A_297 : memref<201x128xf32, #tpu.memory_space<hbm>>) dst(%arg12 : memref<128x128xf32, #tpu.memory_space<vmem>>)
      %scan3A_298 = arith.constant 0 : i32
      %scan3A_299 = arith.constant 128 : i32
      %scan3A_300 = arith.addi %scan3A_298, %scan3A_299 : i32
      %scan3A_301 = arith.constant 1 : i32
      scf.for %scan3A_338 = %scan3A_298 to %scan3A_300 step %scan3A_301  : i32 {
        %mul3A_339 = arith.constant 1 : i32
        %mul3A_340 = arith.muli %scan3A_338, %mul3A_339 : i32
        %add3A_341 = arith.constant 0 : i32
        %add3A_342 = arith.addi %add3A_341, %mul3A_340 : i32
        %get3A = arith.index_cast %add3A_342 : i32 to index
        %get3A_343 = arith.constant 0 : index
        %get3A_344 = tpu.vector_load %arg11[%get3A, %get3A_343] {strides = array<i32>} : memref<128x128xf32, #tpu.memory_space<vmem>>, vector<1x16xf32>,
        %get3A_345 = vector.shape_cast %get3A_344 : vector<1x16xf32> to vector<16xf32>
        %get3A_346 = arith.index_cast %add3A_342 : i32 to index
        %get3A_347 = arith.constant 0 : index
        %get3A_348 = tpu.vector_load %arg12[%get3A_346, %get3A_347] {strides = array<i32>} : memref<128x128xf32, #tpu.memory_space<vmem>>, vector<1x16xf32>,
        %get3A_349 = vector.shape_cast %get3A_348 : vector<1x16xf32> to vector<16xf32>
        %add3A_350 = arith.addf %get3A_345, %get3A_349 : vector<16xf32>
        %swap3A = arith.index_cast %add3A_342 : i32 to index
        %swap3A_351 = arith.constant 0 : index
        %swap3A_352 = tpu.vector_load %arg11[%swap3A, %swap3A_351] {strides = array<i32>} : memref<128x128xf32, #tpu.memory_space<vmem>>, vector<1x16xf32>,
        %swap3A_353 = vector.shape_cast %swap3A_352 : vector<1x16xf32> to vector<16xf32>
        %swap3A_354 = vector.shape_cast %add3A_350 : vector<16xf32> to vector<1x16xf32>
        tpu.vector_store %arg11[%swap3A, %swap3A_351], %swap3A_354 {strides = array<i32>} : memref<128x128xf32, #tpu.memory_space<vmem>>, vector<1x16xf32>,
        %get3A_355 = arith.index_cast %add3A_342 : i32 to index
        %get3A_356 = arith.constant 16 : index
        %get3A_357 = tpu.vector_load %arg11[%get3A_355, %get3A_356] {strides = array<i32>} : memref<128x128xf32, #tpu.memory_space<vmem>>, vector<1x16xf32>,
        %get3A_358 = vector.shape_cast %get3A_357 : vector<1x16xf32> to vector<16xf32>
        %get3A_359 = arith.index_cast %add3A_342 : i32 to index
        %get3A_360 = arith.constant 16 : index
        %get3A_361 = tpu.vector_load %arg12[%get3A_359, %get3A_360] {strides = array<i32>} : memref<128x128xf32, #tpu.memory_space<vmem>>, vector<1x16xf32>,
        %get3A_362 = vector.shape_cast %get3A_361 : vector<1x16xf32> to vector<16xf32>
        %add3A_363 = arith.addf %get3A_358, %get3A_362 : vector<16xf32>
        %swap3A_364 = arith.index_cast %add3A_342 : i32 to index
        %swap3A_365 = arith.constant 16 : index
        %swap3A_366 = tpu.vector_load %arg11[%swap3A_364, %swap3A_365] {strides = array<i32>} : memref<128x128xf32, #tpu.memory_space<vmem>>, vector<1x16xf32>,
        %swap3A_367 = vector.shape_cast %swap3A_366 : vector<1x16xf32> to vector<16xf32>
        %swap3A_368 = vector.shape_cast %add3A_363 : vector<16xf32> to vector<1x16xf32>
        tpu.vector_store %arg11[%swap3A_364, %swap3A_365], %swap3A_368 {strides = array<i32>} : memref<128x128xf32, #tpu.memory_space<vmem>>, vector<1x16xf32>,
        %get3A_369 = arith.index_cast %add3A_342 : i32 to index
        %get3A_370 = arith.constant 32 : index
        %get3A_371 = tpu.vector_load %arg11[%get3A_369, %get3A_370] {strides = array<i32>} : memref<128x128xf32, #tpu.memory_space<vmem>>, vector<1x16xf32>,
        %get3A_372 = vector.shape_cast %get3A_371 : vector<1x16xf32> to vector<16xf32>
        %get3A_373 = arith.index_cast %add3A_342 : i32 to index
        %get3A_374 = arith.constant 32 : index
        %get3A_375 = tpu.vector_load %arg12[%get3A_373, %get3A_374] {strides = array<i32>} : memref<128x128xf32, #tpu.memory_space<vmem>>, vector<1x16xf32>,
        %get3A_376 = vector.shape_cast %get3A_375 : vector<1x16xf32> to vector<16xf32>
        %add3A_377 = arith.addf %get3A_372, %get3A_376 : vector<16xf32>
        %swap3A_378 = arith.index_cast %add3A_342 : i32 to index
        %swap3A_379 = arith.constant 32 : index
        %swap3A_380 = tpu.vector_load %arg11[%swap3A_378, %swap3A_379] {strides = array<i32>} : memref<128x128xf32, #tpu.memory_space<vmem>>, vector<1x16xf32>,
        %swap3A_381 = vector.shape_cast %swap3A_380 : vector<1x16xf32> to vector<16xf32>
        %swap3A_382 = vector.shape_cast %add3A_377 : vector<16xf32> to vector<1x16xf32>
        tpu.vector_store %arg11[%swap3A_378, %swap3A_379], %swap3A_382 {strides = array<i32>} : memref<128x128xf32, #tpu.memory_space<vmem>>, vector<1x16xf32>,
        %get3A_383 = arith.index_cast %add3A_342 : i32 to index
        %get3A_384 = arith.constant 48 : index
        %get3A_385 = tpu.vector_load %arg11[%get3A_383, %get3A_384] {strides = array<i32>} : memref<128x128xf32, #tpu.memory_space<vmem>>, vector<1x16xf32>,
        %get3A_386 = vector.shape_cast %get3A_385 : vector<1x16xf32> to vector<16xf32>
        %get3A_387 = arith.index_cast %add3A_342 : i32 to index
        %get3A_388 = arith.constant 48 : index
        %get3A_389 = tpu.vector_load %arg12[%get3A_387, %get3A_388] {strides = array<i32>} : memref<128x128xf32, #tpu.memory_space<vmem>>, vector<1x16xf32>,
        %get3A_390 = vector.shape_cast %get3A_389 : vector<1x16xf32> to vector<16xf32>
        %add3A_391 = arith.addf %get3A_386, %get3A_390 : vector<16xf32>
        %swap3A_392 = arith.index_cast %add3A_342 : i32 to index
        %swap3A_393 = arith.constant 48 : index
        %swap3A_394 = tpu.vector_load %arg11[%swap3A_392, %swap3A_393] {strides = array<i32>} : memref<128x128xf32, #tpu.memory_space<vmem>>, vector<1x16xf32>,
        %swap3A_395 = vector.shape_cast %swap3A_394 : vector<1x16xf32> to vector<16xf32>
        %swap3A_396 = vector.shape_cast %add3A_391 : vector<16xf32> to vector<1x16xf32>
        tpu.vector_store %arg11[%swap3A_392, %swap3A_393], %swap3A_396 {strides = array<i32>} : memref<128x128xf32, #tpu.memory_space<vmem>>, vector<1x16xf32>,
        %get3A_397 = arith.index_cast %add3A_342 : i32 to index
        %get3A_398 = arith.constant 64 : index
        %get3A_399 = tpu.vector_load %arg11[%get3A_397, %get3A_398] {strides = array<i32>} : memref<128x128xf32, #tpu.memory_space<vmem>>, vector<1x16xf32>,
        %get3A_400 = vector.shape_cast %get3A_399 : vector<1x16xf32> to vector<16xf32>
        %get3A_401 = arith.index_cast %add3A_342 : i32 to index
        %get3A_402 = arith.constant 64 : index
        %get3A_403 = tpu.vector_load %arg12[%get3A_401, %get3A_402] {strides = array<i32>} : memref<128x128xf32, #tpu.memory_space<vmem>>, vector<1x16xf32>,
        %get3A_404 = vector.shape_cast %get3A_403 : vector<1x16xf32> to vector<16xf32>
        %add3A_405 = arith.addf %get3A_400, %get3A_404 : vector<16xf32>
        %swap3A_406 = arith.index_cast %add3A_342 : i32 to index
        %swap3A_407 = arith.constant 64 : index
        %swap3A_408 = tpu.vector_load %arg11[%swap3A_406, %swap3A_407] {strides = array<i32>} : memref<128x128xf32, #tpu.memory_space<vmem>>, vector<1x16xf32>,
        %swap3A_409 = vector.shape_cast %swap3A_408 : vector<1x16xf32> to vector<16xf32>
        %swap3A_410 = vector.shape_cast %add3A_405 : vector<16xf32> to vector<1x16xf32>
        tpu.vector_store %arg11[%swap3A_406, %swap3A_407], %swap3A_410 {strides = array<i32>} : memref<128x128xf32, #tpu.memory_space<vmem>>, vector<1x16xf32>,
        %get3A_411 = arith.index_cast %add3A_342 : i32 to index
        %get3A_412 = arith.constant 80 : index
        %get3A_413 = tpu.vector_load %arg11[%get3A_411, %get3A_412] {strides = array<i32>} : memref<128x128xf32, #tpu.memory_space<vmem>>, vector<1x16xf32>,
        %get3A_414 = vector.shape_cast %get3A_413 : vector<1x16xf32> to vector<16xf32>
        %get3A_415 = arith.index_cast %add3A_342 : i32 to index
        %get3A_416 = arith.constant 80 : index
        %get3A_417 = tpu.vector_load %arg12[%get3A_415, %get3A_416] {strides = array<i32>} : memref<128x128xf32, #tpu.memory_space<vmem>>, vector<1x16xf32>,
        %get3A_418 = vector.shape_cast %get3A_417 : vector<1x16xf32> to vector<16xf32>
        %add3A_419 = arith.addf %get3A_414, %get3A_418 : vector<16xf32>
        %swap3A_420 = arith.index_cast %add3A_342 : i32 to index
        %swap3A_421 = arith.constant 80 : index
        %swap3A_422 = tpu.vector_load %arg11[%swap3A_420, %swap3A_421] {strides = array<i32>} : memref<128x128xf32, #tpu.memory_space<vmem>>, vector<1x16xf32>,
        %swap3A_423 = vector.shape_cast %swap3A_422 : vector<1x16xf32> to vector<16xf32>
        %swap3A_424 = vector.shape_cast %add3A_419 : vector<16xf32> to vector<1x16xf32>
        tpu.vector_store %arg11[%swap3A_420, %swap3A_421], %swap3A_424 {strides = array<i32>} : memref<128x128xf32, #tpu.memory_space<vmem>>, vector<1x16xf32>,
        %get3A_425 = arith.index_cast %add3A_342 : i32 to index
        %get3A_426 = arith.constant 96 : index
        %get3A_427 = tpu.vector_load %arg11[%get3A_425, %get3A_426] {strides = array<i32>} : memref<128x128xf32, #tpu.memory_space<vmem>>, vector<1x16xf32>,
        %get3A_428 = vector.shape_cast %get3A_427 : vector<1x16xf32> to vector<16xf32>
        %get3A_429 = arith.index_cast %add3A_342 : i32 to index
        %get3A_430 = arith.constant 96 : index
        %get3A_431 = tpu.vector_load %arg12[%get3A_429, %get3A_430] {strides = array<i32>} : memref<128x128xf32, #tpu.memory_space<vmem>>, vector<1x16xf32>,
        %get3A_432 = vector.shape_cast %get3A_431 : vector<1x16xf32> to vector<16xf32>
        %add3A_433 = arith.addf %get3A_428, %get3A_432 : vector<16xf32>
        %swap3A_434 = arith.index_cast %add3A_342 : i32 to index
        %swap3A_435 = arith.constant 96 : index
        %swap3A_436 = tpu.vector_load %arg11[%swap3A_434, %swap3A_435] {strides = array<i32>} : memref<128x128xf32, #tpu.memory_space<vmem>>, vector<1x16xf32>,
        %swap3A_437 = vector.shape_cast %swap3A_436 : vector<1x16xf32> to vector<16xf32>
        %swap3A_438 = vector.shape_cast %add3A_433 : vector<16xf32> to vector<1x16xf32>
        tpu.vector_store %arg11[%swap3A_434, %swap3A_435], %swap3A_438 {strides = array<i32>} : memref<128x128xf32, #tpu.memory_space<vmem>>, vector<1x16xf32>,
        %get3A_439 = arith.index_cast %add3A_342 : i32 to index
        %get3A_440 = arith.constant 112 : index
        %get3A_441 = tpu.vector_load %arg11[%get3A_439, %get3A_440] {strides = array<i32>} : memref<128x128xf32, #tpu.memory_space<vmem>>, vector<1x16xf32>,
        %get3A_442 = vector.shape_cast %get3A_441 : vector<1x16xf32> to vector<16xf32>
        %get3A_443 = arith.index_cast %add3A_342 : i32 to index
        %get3A_444 = arith.constant 112 : index
        %get3A_445 = tpu.vector_load %arg12[%get3A_443, %get3A_444] {strides = array<i32>} : memref<128x128xf32, #tpu.memory_space<vmem>>, vector<1x16xf32>,
        %get3A_446 = vector.shape_cast %get3A_445 : vector<1x16xf32> to vector<16xf32>
        %add3A_447 = arith.addf %get3A_442, %get3A_446 : vector<16xf32>
        %swap3A_448 = arith.index_cast %add3A_342 : i32 to index
        %swap3A_449 = arith.constant 112 : index
        %swap3A_450 = tpu.vector_load %arg11[%swap3A_448, %swap3A_449] {strides = array<i32>} : memref<128x128xf32, #tpu.memory_space<vmem>>, vector<1x16xf32>,
        %swap3A_451 = vector.shape_cast %swap3A_450 : vector<1x16xf32> to vector<16xf32>
        %swap3A_452 = vector.shape_cast %add3A_447 : vector<16xf32> to vector<1x16xf32>
        tpu.vector_store %arg11[%swap3A_448, %swap3A_449], %swap3A_452 {strides = array<i32>} : memref<128x128xf32, #tpu.memory_space<vmem>>, vector<1x16xf32>,
      }
      %scan3A_302 = arith.constant 128 : i32
      %run_scoped3A_303 = arith.constant 6 : i32
      "tpu.region"() ({
        %run_scoped3A_338 = tpu.sem_alloc : memref<!tpu.dma_semaphore, #tpu.memory_space<semaphore_mem>>
        %dma_start3A_339 = arith.constant 0 : i32
        %dma_start3A_340 = tpu.memref_slice %arg10[%run_scoped3A_303, %dma_start3A_339] : memref<8x128xi32, #tpu.memory_space<vmem>> -> memref<1x128xi32, #tpu.memory_space<vmem>>
        %dma_start3A_341 = tpu.memref_squeeze %dma_start3A_340 : memref<1x128xi32, #tpu.memory_space<vmem>> -> memref<128xi32, #tpu.memory_space<vmem>>
        %dma_start3A_342 = arith.constant 0 : i32
        %dma_start3A_343 = arith.constant 0 : i32
        %dma_start3A_344 = tpu.memref_slice %arg15[%dma_start3A_342, %dma_start3A_343] : memref<10112x128xf32, #tpu.memory_space<vmem_shared>> -> memref<10112x128xf32, #tpu.memory_space<vmem_shared>>
        tpu.enqueue_indirect_dma source(%arg11 : memref<128x128xf32, #tpu.memory_space<vmem>>) target(%dma_start3A_344 : memref<10112x128xf32, #tpu.memory_space<vmem_shared>>) offsets(%dma_start3A_341 : memref<128xi32, #tpu.memory_space<vmem>>) semaphore(%run_scoped3A_338 : memref<!tpu.dma_semaphore, #tpu.memory_space<semaphore_mem>>) {add = true}
        %dma_wait3A_345 = arith.constant 0 : i32
        %dma_wait3A_346 = tpu.memref_slice %arg10[%run_scoped3A_303, %dma_wait3A_345] : memref<8x128xi32, #tpu.memory_space<vmem>> -> memref<1x128xi32, #tpu.memory_space<vmem>>
        %dma_wait3A_347 = tpu.memref_squeeze %dma_wait3A_346 : memref<1x128xi32, #tpu.memory_space<vmem>> -> memref<128xi32, #tpu.memory_space<vmem>>
        %dma_wait3A_348 = arith.constant 0 : i32
        %dma_wait3A_349 = arith.constant 0 : i32
        %dma_wait3A_350 = tpu.memref_slice %arg15[%dma_wait3A_348, %dma_wait3A_349] : memref<10112x128xf32, #tpu.memory_space<vmem_shared>> -> memref<10112x128xf32, #tpu.memory_space<vmem_shared>>
        tpu.wait_indirect_dma semaphore(%run_scoped3A_338 : memref<!tpu.dma_semaphore, #tpu.memory_space<semaphore_mem>>) src(%arg11 : memref<128x128xf32, #tpu.memory_space<vmem>>) dst(%dma_wait3A_350 : memref<10112x128xf32, #tpu.memory_space<vmem_shared>>)
        tpu.yield
      }) : () -> ()
      %dma_start3A_304 = arith.constant 7 : i32
      %dma_start3A_305 = arith.constant 0 : i32
      %dma_start3A_306 = tpu.memref_slice %arg8[%dma_start3A_304, %dma_start3A_305] : memref<8x128xi32, #tpu.memory_space<vmem>> -> memref<1x128xi32, #tpu.memory_space<vmem>>
      %dma_start3A_307 = tpu.memref_squeeze %dma_start3A_306 : memref<1x128xi32, #tpu.memory_space<vmem>> -> memref<128xi32, #tpu.memory_space<vmem>>
      %dma_start3A_308 = arith.constant 0 : i32
      %dma_start3A_309 = arith.constant 0 : i32
      %dma_start3A_310 = tpu.memref_slice %arg2[%dma_start3A_308, %dma_start3A_309] : memref<10001x128xf32, #tpu.memory_space<hbm>> -> memref<10001x128xf32, #tpu.memory_space<hbm>>
      tpu.enqueue_indirect_dma source(%dma_start3A_310 : memref<10001x128xf32, #tpu.memory_space<hbm>>) target(%arg11 : memref<128x128xf32, #tpu.memory_space<vmem>>) offsets(%dma_start3A_307 : memref<128xi32, #tpu.memory_space<vmem>>) semaphore(%arg13 : memref<!tpu.dma_semaphore, #tpu.memory_space<semaphore_mem>>)
      %dma_start3A_311 = arith.constant 7 : i32
      %dma_start3A_312 = arith.constant 0 : i32
      %dma_start3A_313 = tpu.memref_slice %arg9[%dma_start3A_311, %dma_start3A_312] : memref<8x128xi32, #tpu.memory_space<vmem>> -> memref<1x128xi32, #tpu.memory_space<vmem>>
      %dma_start3A_314 = tpu.memref_squeeze %dma_start3A_313 : memref<1x128xi32, #tpu.memory_space<vmem>> -> memref<128xi32, #tpu.memory_space<vmem>>
      %dma_start3A_315 = arith.constant 0 : i32
      %dma_start3A_316 = arith.constant 0 : i32
      %dma_start3A_317 = tpu.memref_slice %arg3[%dma_start3A_315, %dma_start3A_316] : memref<201x128xf32, #tpu.memory_space<hbm>> -> memref<201x128xf32, #tpu.memory_space<hbm>>
      tpu.enqueue_indirect_dma source(%dma_start3A_317 : memref<201x128xf32, #tpu.memory_space<hbm>>) target(%arg12 : memref<128x128xf32, #tpu.memory_space<vmem>>) offsets(%dma_start3A_314 : memref<128xi32, #tpu.memory_space<vmem>>) semaphore(%arg14 : memref<!tpu.dma_semaphore, #tpu.memory_space<semaphore_mem>>)
      %dma_wait3A_318 = arith.constant 7 : i32
      %dma_wait3A_319 = arith.constant 0 : i32
      %dma_wait3A_320 = tpu.memref_slice %arg8[%dma_wait3A_318, %dma_wait3A_319] : memref<8x128xi32, #tpu.memory_space<vmem>> -> memref<1x128xi32, #tpu.memory_space<vmem>>
      %dma_wait3A_321 = tpu.memref_squeeze %dma_wait3A_320 : memref<1x128xi32, #tpu.memory_space<vmem>> -> memref<128xi32, #tpu.memory_space<vmem>>
      %dma_wait3A_322 = arith.constant 0 : i32
      %dma_wait3A_323 = arith.constant 0 : i32
      %dma_wait3A_324 = tpu.memref_slice %arg2[%dma_wait3A_322, %dma_wait3A_323] : memref<10001x128xf32, #tpu.memory_space<hbm>> -> memref<10001x128xf32, #tpu.memory_space<hbm>>
      tpu.wait_indirect_dma semaphore(%arg13 : memref<!tpu.dma_semaphore, #tpu.memory_space<semaphore_mem>>) src(%dma_wait3A_324 : memref<10001x128xf32, #tpu.memory_space<hbm>>) dst(%arg11 : memref<128x128xf32, #tpu.memory_space<vmem>>)
      %dma_wait3A_325 = arith.constant 7 : i32
      %dma_wait3A_326 = arith.constant 0 : i32
      %dma_wait3A_327 = tpu.memref_slice %arg9[%dma_wait3A_325, %dma_wait3A_326] : memref<8x128xi32, #tpu.memory_space<vmem>> -> memref<1x128xi32, #tpu.memory_space<vmem>>
      %dma_wait3A_328 = tpu.memref_squeeze %dma_wait3A_327 : memref<1x128xi32, #tpu.memory_space<vmem>> -> memref<128xi32, #tpu.memory_space<vmem>>
      %dma_wait3A_329 = arith.constant 0 : i32
      %dma_wait3A_330 = arith.constant 0 : i32
      %dma_wait3A_331 = tpu.memref_slice %arg3[%dma_wait3A_329, %dma_wait3A_330] : memref<201x128xf32, #tpu.memory_space<hbm>> -> memref<201x128xf32, #tpu.memory_space<hbm>>
      tpu.wait_indirect_dma semaphore(%arg14 : memref<!tpu.dma_semaphore, #tpu.memory_space<semaphore_mem>>) src(%dma_wait3A_331 : memref<201x128xf32, #tpu.memory_space<hbm>>) dst(%arg12 : memref<128x128xf32, #tpu.memory_space<vmem>>)
      %scan3A_332 = arith.constant 0 : i32
      %scan3A_333 = arith.constant 128 : i32
      %scan3A_334 = arith.addi %scan3A_332, %scan3A_333 : i32
      %scan3A_335 = arith.constant 1 : i32
      scf.for %scan3A_338 = %scan3A_332 to %scan3A_334 step %scan3A_335  : i32 {
        %mul3A_339 = arith.constant 1 : i32
        %mul3A_340 = arith.muli %scan3A_338, %mul3A_339 : i32
        %add3A_341 = arith.constant 0 : i32
        %add3A_342 = arith.addi %add3A_341, %mul3A_340 : i32
        %get3A = arith.index_cast %add3A_342 : i32 to index
        %get3A_343 = arith.constant 0 : index
        %get3A_344 = tpu.vector_load %arg11[%get3A, %get3A_343] {strides = array<i32>} : memref<128x128xf32, #tpu.memory_space<vmem>>, vector<1x16xf32>,
        %get3A_345 = vector.shape_cast %get3A_344 : vector<1x16xf32> to vector<16xf32>
        %get3A_346 = arith.index_cast %add3A_342 : i32 to index
        %get3A_347 = arith.constant 0 : index
        %get3A_348 = tpu.vector_load %arg12[%get3A_346, %get3A_347] {strides = array<i32>} : memref<128x128xf32, #tpu.memory_space<vmem>>, vector<1x16xf32>,
        %get3A_349 = vector.shape_cast %get3A_348 : vector<1x16xf32> to vector<16xf32>
        %add3A_350 = arith.addf %get3A_345, %get3A_349 : vector<16xf32>
        %swap3A = arith.index_cast %add3A_342 : i32 to index
        %swap3A_351 = arith.constant 0 : index
        %swap3A_352 = tpu.vector_load %arg11[%swap3A, %swap3A_351] {strides = array<i32>} : memref<128x128xf32, #tpu.memory_space<vmem>>, vector<1x16xf32>,
        %swap3A_353 = vector.shape_cast %swap3A_352 : vector<1x16xf32> to vector<16xf32>
        %swap3A_354 = vector.shape_cast %add3A_350 : vector<16xf32> to vector<1x16xf32>
        tpu.vector_store %arg11[%swap3A, %swap3A_351], %swap3A_354 {strides = array<i32>} : memref<128x128xf32, #tpu.memory_space<vmem>>, vector<1x16xf32>,
        %get3A_355 = arith.index_cast %add3A_342 : i32 to index
        %get3A_356 = arith.constant 16 : index
        %get3A_357 = tpu.vector_load %arg11[%get3A_355, %get3A_356] {strides = array<i32>} : memref<128x128xf32, #tpu.memory_space<vmem>>, vector<1x16xf32>,
        %get3A_358 = vector.shape_cast %get3A_357 : vector<1x16xf32> to vector<16xf32>
        %get3A_359 = arith.index_cast %add3A_342 : i32 to index
        %get3A_360 = arith.constant 16 : index
        %get3A_361 = tpu.vector_load %arg12[%get3A_359, %get3A_360] {strides = array<i32>} : memref<128x128xf32, #tpu.memory_space<vmem>>, vector<1x16xf32>,
        %get3A_362 = vector.shape_cast %get3A_361 : vector<1x16xf32> to vector<16xf32>
        %add3A_363 = arith.addf %get3A_358, %get3A_362 : vector<16xf32>
        %swap3A_364 = arith.index_cast %add3A_342 : i32 to index
        %swap3A_365 = arith.constant 16 : index
        %swap3A_366 = tpu.vector_load %arg11[%swap3A_364, %swap3A_365] {strides = array<i32>} : memref<128x128xf32, #tpu.memory_space<vmem>>, vector<1x16xf32>,
        %swap3A_367 = vector.shape_cast %swap3A_366 : vector<1x16xf32> to vector<16xf32>
        %swap3A_368 = vector.shape_cast %add3A_363 : vector<16xf32> to vector<1x16xf32>
        tpu.vector_store %arg11[%swap3A_364, %swap3A_365], %swap3A_368 {strides = array<i32>} : memref<128x128xf32, #tpu.memory_space<vmem>>, vector<1x16xf32>,
        %get3A_369 = arith.index_cast %add3A_342 : i32 to index
        %get3A_370 = arith.constant 32 : index
        %get3A_371 = tpu.vector_load %arg11[%get3A_369, %get3A_370] {strides = array<i32>} : memref<128x128xf32, #tpu.memory_space<vmem>>, vector<1x16xf32>,
        %get3A_372 = vector.shape_cast %get3A_371 : vector<1x16xf32> to vector<16xf32>
        %get3A_373 = arith.index_cast %add3A_342 : i32 to index
        %get3A_374 = arith.constant 32 : index
        %get3A_375 = tpu.vector_load %arg12[%get3A_373, %get3A_374] {strides = array<i32>} : memref<128x128xf32, #tpu.memory_space<vmem>>, vector<1x16xf32>,
        %get3A_376 = vector.shape_cast %get3A_375 : vector<1x16xf32> to vector<16xf32>
        %add3A_377 = arith.addf %get3A_372, %get3A_376 : vector<16xf32>
        %swap3A_378 = arith.index_cast %add3A_342 : i32 to index
        %swap3A_379 = arith.constant 32 : index
        %swap3A_380 = tpu.vector_load %arg11[%swap3A_378, %swap3A_379] {strides = array<i32>} : memref<128x128xf32, #tpu.memory_space<vmem>>, vector<1x16xf32>,
        %swap3A_381 = vector.shape_cast %swap3A_380 : vector<1x16xf32> to vector<16xf32>
        %swap3A_382 = vector.shape_cast %add3A_377 : vector<16xf32> to vector<1x16xf32>
        tpu.vector_store %arg11[%swap3A_378, %swap3A_379], %swap3A_382 {strides = array<i32>} : memref<128x128xf32, #tpu.memory_space<vmem>>, vector<1x16xf32>,
        %get3A_383 = arith.index_cast %add3A_342 : i32 to index
        %get3A_384 = arith.constant 48 : index
        %get3A_385 = tpu.vector_load %arg11[%get3A_383, %get3A_384] {strides = array<i32>} : memref<128x128xf32, #tpu.memory_space<vmem>>, vector<1x16xf32>,
        %get3A_386 = vector.shape_cast %get3A_385 : vector<1x16xf32> to vector<16xf32>
        %get3A_387 = arith.index_cast %add3A_342 : i32 to index
        %get3A_388 = arith.constant 48 : index
        %get3A_389 = tpu.vector_load %arg12[%get3A_387, %get3A_388] {strides = array<i32>} : memref<128x128xf32, #tpu.memory_space<vmem>>, vector<1x16xf32>,
        %get3A_390 = vector.shape_cast %get3A_389 : vector<1x16xf32> to vector<16xf32>
        %add3A_391 = arith.addf %get3A_386, %get3A_390 : vector<16xf32>
        %swap3A_392 = arith.index_cast %add3A_342 : i32 to index
        %swap3A_393 = arith.constant 48 : index
        %swap3A_394 = tpu.vector_load %arg11[%swap3A_392, %swap3A_393] {strides = array<i32>} : memref<128x128xf32, #tpu.memory_space<vmem>>, vector<1x16xf32>,
        %swap3A_395 = vector.shape_cast %swap3A_394 : vector<1x16xf32> to vector<16xf32>
        %swap3A_396 = vector.shape_cast %add3A_391 : vector<16xf32> to vector<1x16xf32>
        tpu.vector_store %arg11[%swap3A_392, %swap3A_393], %swap3A_396 {strides = array<i32>} : memref<128x128xf32, #tpu.memory_space<vmem>>, vector<1x16xf32>,
        %get3A_397 = arith.index_cast %add3A_342 : i32 to index
        %get3A_398 = arith.constant 64 : index
        %get3A_399 = tpu.vector_load %arg11[%get3A_397, %get3A_398] {strides = array<i32>} : memref<128x128xf32, #tpu.memory_space<vmem>>, vector<1x16xf32>,
        %get3A_400 = vector.shape_cast %get3A_399 : vector<1x16xf32> to vector<16xf32>
        %get3A_401 = arith.index_cast %add3A_342 : i32 to index
        %get3A_402 = arith.constant 64 : index
        %get3A_403 = tpu.vector_load %arg12[%get3A_401, %get3A_402] {strides = array<i32>} : memref<128x128xf32, #tpu.memory_space<vmem>>, vector<1x16xf32>,
        %get3A_404 = vector.shape_cast %get3A_403 : vector<1x16xf32> to vector<16xf32>
        %add3A_405 = arith.addf %get3A_400, %get3A_404 : vector<16xf32>
        %swap3A_406 = arith.index_cast %add3A_342 : i32 to index
        %swap3A_407 = arith.constant 64 : index
        %swap3A_408 = tpu.vector_load %arg11[%swap3A_406, %swap3A_407] {strides = array<i32>} : memref<128x128xf32, #tpu.memory_space<vmem>>, vector<1x16xf32>,
        %swap3A_409 = vector.shape_cast %swap3A_408 : vector<1x16xf32> to vector<16xf32>
        %swap3A_410 = vector.shape_cast %add3A_405 : vector<16xf32> to vector<1x16xf32>
        tpu.vector_store %arg11[%swap3A_406, %swap3A_407], %swap3A_410 {strides = array<i32>} : memref<128x128xf32, #tpu.memory_space<vmem>>, vector<1x16xf32>,
        %get3A_411 = arith.index_cast %add3A_342 : i32 to index
        %get3A_412 = arith.constant 80 : index
        %get3A_413 = tpu.vector_load %arg11[%get3A_411, %get3A_412] {strides = array<i32>} : memref<128x128xf32, #tpu.memory_space<vmem>>, vector<1x16xf32>,
        %get3A_414 = vector.shape_cast %get3A_413 : vector<1x16xf32> to vector<16xf32>
        %get3A_415 = arith.index_cast %add3A_342 : i32 to index
        %get3A_416 = arith.constant 80 : index
        %get3A_417 = tpu.vector_load %arg12[%get3A_415, %get3A_416] {strides = array<i32>} : memref<128x128xf32, #tpu.memory_space<vmem>>, vector<1x16xf32>,
        %get3A_418 = vector.shape_cast %get3A_417 : vector<1x16xf32> to vector<16xf32>
        %add3A_419 = arith.addf %get3A_414, %get3A_418 : vector<16xf32>
        %swap3A_420 = arith.index_cast %add3A_342 : i32 to index
        %swap3A_421 = arith.constant 80 : index
        %swap3A_422 = tpu.vector_load %arg11[%swap3A_420, %swap3A_421] {strides = array<i32>} : memref<128x128xf32, #tpu.memory_space<vmem>>, vector<1x16xf32>,
        %swap3A_423 = vector.shape_cast %swap3A_422 : vector<1x16xf32> to vector<16xf32>
        %swap3A_424 = vector.shape_cast %add3A_419 : vector<16xf32> to vector<1x16xf32>
        tpu.vector_store %arg11[%swap3A_420, %swap3A_421], %swap3A_424 {strides = array<i32>} : memref<128x128xf32, #tpu.memory_space<vmem>>, vector<1x16xf32>,
        %get3A_425 = arith.index_cast %add3A_342 : i32 to index
        %get3A_426 = arith.constant 96 : index
        %get3A_427 = tpu.vector_load %arg11[%get3A_425, %get3A_426] {strides = array<i32>} : memref<128x128xf32, #tpu.memory_space<vmem>>, vector<1x16xf32>,
        %get3A_428 = vector.shape_cast %get3A_427 : vector<1x16xf32> to vector<16xf32>
        %get3A_429 = arith.index_cast %add3A_342 : i32 to index
        %get3A_430 = arith.constant 96 : index
        %get3A_431 = tpu.vector_load %arg12[%get3A_429, %get3A_430] {strides = array<i32>} : memref<128x128xf32, #tpu.memory_space<vmem>>, vector<1x16xf32>,
        %get3A_432 = vector.shape_cast %get3A_431 : vector<1x16xf32> to vector<16xf32>
        %add3A_433 = arith.addf %get3A_428, %get3A_432 : vector<16xf32>
        %swap3A_434 = arith.index_cast %add3A_342 : i32 to index
        %swap3A_435 = arith.constant 96 : index
        %swap3A_436 = tpu.vector_load %arg11[%swap3A_434, %swap3A_435] {strides = array<i32>} : memref<128x128xf32, #tpu.memory_space<vmem>>, vector<1x16xf32>,
        %swap3A_437 = vector.shape_cast %swap3A_436 : vector<1x16xf32> to vector<16xf32>
        %swap3A_438 = vector.shape_cast %add3A_433 : vector<16xf32> to vector<1x16xf32>
        tpu.vector_store %arg11[%swap3A_434, %swap3A_435], %swap3A_438 {strides = array<i32>} : memref<128x128xf32, #tpu.memory_space<vmem>>, vector<1x16xf32>,
        %get3A_439 = arith.index_cast %add3A_342 : i32 to index
        %get3A_440 = arith.constant 112 : index
        %get3A_441 = tpu.vector_load %arg11[%get3A_439, %get3A_440] {strides = array<i32>} : memref<128x128xf32, #tpu.memory_space<vmem>>, vector<1x16xf32>,
        %get3A_442 = vector.shape_cast %get3A_441 : vector<1x16xf32> to vector<16xf32>
        %get3A_443 = arith.index_cast %add3A_342 : i32 to index
        %get3A_444 = arith.constant 112 : index
        %get3A_445 = tpu.vector_load %arg12[%get3A_443, %get3A_444] {strides = array<i32>} : memref<128x128xf32, #tpu.memory_space<vmem>>, vector<1x16xf32>,
        %get3A_446 = vector.shape_cast %get3A_445 : vector<1x16xf32> to vector<16xf32>
        %add3A_447 = arith.addf %get3A_442, %get3A_446 : vector<16xf32>
        %swap3A_448 = arith.index_cast %add3A_342 : i32 to index
        %swap3A_449 = arith.constant 112 : index
        %swap3A_450 = tpu.vector_load %arg11[%swap3A_448, %swap3A_449] {strides = array<i32>} : memref<128x128xf32, #tpu.memory_space<vmem>>, vector<1x16xf32>,
        %swap3A_451 = vector.shape_cast %swap3A_450 : vector<1x16xf32> to vector<16xf32>
        %swap3A_452 = vector.shape_cast %add3A_447 : vector<16xf32> to vector<1x16xf32>
        tpu.vector_store %arg11[%swap3A_448, %swap3A_449], %swap3A_452 {strides = array<i32>} : memref<128x128xf32, #tpu.memory_space<vmem>>, vector<1x16xf32>,
      }
      %scan3A_336 = arith.constant 128 : i32
      %run_scoped3A_337 = arith.constant 7 : i32
      "tpu.region"() ({
        %run_scoped3A_338 = tpu.sem_alloc : memref<!tpu.dma_semaphore, #tpu.memory_space<semaphore_mem>>
        %dma_start3A_339 = arith.constant 0 : i32
        %dma_start3A_340 = tpu.memref_slice %arg10[%run_scoped3A_337, %dma_start3A_339] : memref<8x128xi32, #tpu.memory_space<vmem>> -> memref<1x128xi32, #tpu.memory_space<vmem>>
        %dma_start3A_341 = tpu.memref_squeeze %dma_start3A_340 : memref<1x128xi32, #tpu.memory_space<vmem>> -> memref<128xi32, #tpu.memory_space<vmem>>
        %dma_start3A_342 = arith.constant 0 : i32
        %dma_start3A_343 = arith.constant 0 : i32
        %dma_start3A_344 = tpu.memref_slice %arg15[%dma_start3A_342, %dma_start3A_343] : memref<10112x128xf32, #tpu.memory_space<vmem_shared>> -> memref<10112x128xf32, #tpu.memory_space<vmem_shared>>
        tpu.enqueue_indirect_dma source(%arg11 : memref<128x128xf32, #tpu.memory_space<vmem>>) target(%dma_start3A_344 : memref<10112x128xf32, #tpu.memory_space<vmem_shared>>) offsets(%dma_start3A_341 : memref<128xi32, #tpu.memory_space<vmem>>) semaphore(%run_scoped3A_338 : memref<!tpu.dma_semaphore, #tpu.memory_space<semaphore_mem>>) {add = true}
        %dma_wait3A_345 = arith.constant 0 : i32
        %dma_wait3A_346 = tpu.memref_slice %arg10[%run_scoped3A_337, %dma_wait3A_345] : memref<8x128xi32, #tpu.memory_space<vmem>> -> memref<1x128xi32, #tpu.memory_space<vmem>>
        %dma_wait3A_347 = tpu.memref_squeeze %dma_wait3A_346 : memref<1x128xi32, #tpu.memory_space<vmem>> -> memref<128xi32, #tpu.memory_space<vmem>>
        %dma_wait3A_348 = arith.constant 0 : i32
        %dma_wait3A_349 = arith.constant 0 : i32
        %dma_wait3A_350 = tpu.memref_slice %arg15[%dma_wait3A_348, %dma_wait3A_349] : memref<10112x128xf32, #tpu.memory_space<vmem_shared>> -> memref<10112x128xf32, #tpu.memory_space<vmem_shared>>
        tpu.wait_indirect_dma semaphore(%run_scoped3A_338 : memref<!tpu.dma_semaphore, #tpu.memory_space<semaphore_mem>>) src(%arg11 : memref<128x128xf32, #tpu.memory_space<vmem>>) dst(%dma_wait3A_350 : memref<10112x128xf32, #tpu.memory_space<vmem_shared>>)
        tpu.yield
      }) : () -> ()
    }
    %barrier3A_62 = arith.constant 0 : index
    tpu.barrier barrier_id(%barrier3A_62)
    "tpu.region"() ({
      %run_scoped3A = tpu.sem_alloc : memref<!tpu.dma_semaphore, #tpu.memory_space<semaphore_mem>>
      %dma_start3A = arith.constant 0 : i32
      %dma_start3A_63 = arith.constant 0 : i32
      %dma_start3A_64 = tpu.memref_slice %arg7[%arg0, %dma_start3A, %dma_start3A_63] : memref<2x10112x128xf32, #tpu.memory_space<hbm>> -> memref<1x10112x128xf32, #tpu.memory_space<hbm>>
      %dma_start3A_65 = tpu.memref_squeeze %dma_start3A_64 : memref<1x10112x128xf32, #tpu.memory_space<hbm>> -> memref<10112x128xf32, #tpu.memory_space<hbm>>
      %dma_start3A_66 = arith.constant 0 : i32
      %dma_start3A_67 = tpu.memref_slice %dma_start3A_65[%mul3A_5, %dma_start3A_66] : memref<10112x128xf32, #tpu.memory_space<hbm>> -> memref<632x128xf32, #tpu.memory_space<hbm>>
      %dma_start3A_68 = arith.constant 0 : i32
      %dma_start3A_69 = tpu.memref_slice %arg15[%mul3A_5, %dma_start3A_68] : memref<10112x128xf32, #tpu.memory_space<vmem_shared>> -> memref<632x128xf32, #tpu.memory_space<vmem_shared>>
      tpu.enqueue_dma source(%dma_start3A_69 : memref<632x128xf32, #tpu.memory_space<vmem_shared>>) target(%dma_start3A_67 : memref<632x128xf32, #tpu.memory_space<hbm>>) target_semaphore(%run_scoped3A : memref<!tpu.dma_semaphore, #tpu.memory_space<semaphore_mem>>)
      %dma_wait3A = arith.constant 0 : i32
      %dma_wait3A_70 = arith.constant 0 : i32
      %dma_wait3A_71 = tpu.memref_slice %arg7[%arg0, %dma_wait3A, %dma_wait3A_70] : memref<2x10112x128xf32, #tpu.memory_space<hbm>> -> memref<1x10112x128xf32, #tpu.memory_space<hbm>>
      %dma_wait3A_72 = tpu.memref_squeeze %dma_wait3A_71 : memref<1x10112x128xf32, #tpu.memory_space<hbm>> -> memref<10112x128xf32, #tpu.memory_space<hbm>>
      %dma_wait3A_73 = arith.constant 0 : i32
      %dma_wait3A_74 = tpu.memref_slice %dma_wait3A_72[%mul3A_5, %dma_wait3A_73] : memref<10112x128xf32, #tpu.memory_space<hbm>> -> memref<632x128xf32, #tpu.memory_space<hbm>>
      %dma_wait3A_75 = arith.constant 0 : i32
      %dma_wait3A_76 = tpu.memref_slice %arg15[%mul3A_5, %dma_wait3A_75] : memref<10112x128xf32, #tpu.memory_space<vmem_shared>> -> memref<632x128xf32, #tpu.memory_space<vmem_shared>>
      tpu.wait_dma2 semaphore(%run_scoped3A : memref<!tpu.dma_semaphore, #tpu.memory_space<semaphore_mem>>) src(%dma_wait3A_76 : memref<632x128xf32, #tpu.memory_space<vmem_shared>>) dst(%dma_wait3A_74 : memref<632x128xf32, #tpu.memory_space<hbm>>)
      tpu.yield
    }) : () -> ()
    return
  }
}

module attributes {stable_mosaic.version = 14 : i64} {
  func.func @_tc_body(%arg0: i32, %arg1: memref<2x2000x128xf32, #tpu.memory_space<vmem>>, %arg2: memref<2000x32xf32, #tpu.memory_space<vmem>>, %arg3: memref<2000x128xf32, #tpu.memory_space<vmem>>, %arg4: memref<2000x1xf32, #tpu.memory_space<vmem>>, %arg5: memref<128x128xf32, #tpu.memory_space<vmem>>, %arg6: memref<128x128xf32, #tpu.memory_space<vmem>>, %arg7: memref<128x128xf32, #tpu.memory_space<vmem>>, %arg8: memref<2000x128xf32, #tpu.memory_space<vmem>>) attributes {dimension_semantics = [#tpu.dimension_semantics<arbitrary>], iteration_bounds = array<i64: 5>, scalar_prefetch = 0 : i64, scratch_operands = 0 : i64, tpu.core_type = #tpu.core_type<tc>, window_params = [{transform_indices = @transform_0, window_bounds = array<i64: 2, 2000, 128>}, {transform_indices = @transform_1, window_bounds = array<i64: 2000, 32>}, {transform_indices = @transform_2, window_bounds = array<i64: 2000, 128>}, {transform_indices = @transform_3, window_bounds = array<i64: 2000, 1>}, {pipeline_mode = #tpu.pipeline_mode<synchronous>, transform_indices = @transform_4, window_bounds = array<i64: 128, 128>}, {pipeline_mode = #tpu.pipeline_mode<synchronous>, transform_indices = @transform_5, window_bounds = array<i64: 128, 128>}, {pipeline_mode = #tpu.pipeline_mode<synchronous>, transform_indices = @transform_6, window_bounds = array<i64: 128, 128>}, {transform_indices = @transform_7, window_bounds = array<i64: 2000, 128>}]} {
    %get3A = arith.constant 0 : index
    %get3A_0 = arith.constant 0 : index
    %get3A_1 = arith.constant 0 : index
    %get3A_2 = vector.load %arg1[%get3A, %get3A_0, %get3A_1] : memref<2x2000x128xf32, #tpu.memory_space<vmem>>, vector<1x2000x128xf32>
    %get3A_3 = vector.shape_cast %get3A_2 : vector<1x2000x128xf32> to vector<2000x128xf32>
    %get3A_4 = arith.constant 1 : index
    %get3A_5 = arith.constant 0 : index
    %get3A_6 = arith.constant 0 : index
    %get3A_7 = vector.load %arg1[%get3A_4, %get3A_5, %get3A_6] : memref<2x2000x128xf32, #tpu.memory_space<vmem>>, vector<1x2000x128xf32>
    %get3A_8 = vector.shape_cast %get3A_7 : vector<1x2000x128xf32> to vector<2000x128xf32>
    %add3A = arith.addf %get3A_3, %get3A_8 : vector<2000x128xf32>
    %get3A_9 = arith.constant 0 : index
    %get3A_10 = arith.constant 0 : index
    %get3A_11 = vector.load %arg5[%get3A_9, %get3A_10] : memref<128x128xf32, #tpu.memory_space<vmem>>, vector<128x128xf32>
    %dot_general3A = arith.constant dense<0.000000e+00> : vector<2000x128xf32>
    %dot_general3A_12 = tpu.matmul %add3A, %get3A_11, %dot_general3A {dimension_numbers = #tpu.dot_dimension_numbers<[1], [0], [0], [1], [0, 0, 1, 1], [], []>, transpose_lhs_hint = false} : vector<2000x128xf32>, vector<128x128xf32>, vector<2000x128xf32> -> vector<2000x128xf32>
    %get3A_13 = arith.constant 0 : index
    %get3A_14 = arith.constant 0 : index
    %get3A_15 = vector.load %arg3[%get3A_13, %get3A_14] : memref<2000x128xf32, #tpu.memory_space<vmem>>, vector<2000x128xf32>
    %get3A_16 = arith.constant 0 : index
    %get3A_17 = arith.constant 0 : index
    %get3A_18 = vector.load %arg6[%get3A_16, %get3A_17] : memref<128x128xf32, #tpu.memory_space<vmem>>, vector<128x128xf32>
    %dot_general3A_19 = arith.constant dense<0.000000e+00> : vector<2000x128xf32>
    %dot_general3A_20 = tpu.matmul %get3A_15, %get3A_18, %dot_general3A_19 {dimension_numbers = #tpu.dot_dimension_numbers<[1], [0], [0], [1], [0, 0, 1, 1], [], []>, transpose_lhs_hint = false} : vector<2000x128xf32>, vector<128x128xf32>, vector<2000x128xf32> -> vector<2000x128xf32>
    %get3A_21 = arith.constant 0 : index
    %get3A_22 = arith.constant 0 : index
    %get3A_23 = vector.load %arg7[%get3A_21, %get3A_22] : memref<128x128xf32, #tpu.memory_space<vmem>>, vector<128x128xf32>
    %dot_general3A_24 = arith.constant dense<0.000000e+00> : vector<2000x128xf32>
    %dot_general3A_25 = tpu.matmul %get3A_15, %get3A_23, %dot_general3A_24 {dimension_numbers = #tpu.dot_dimension_numbers<[1], [0], [0], [1], [0, 0, 1, 1], [], []>, transpose_lhs_hint = false} : vector<2000x128xf32>, vector<128x128xf32>, vector<2000x128xf32> -> vector<2000x128xf32>
    %get3A_26 = arith.constant 0 : index
    %get3A_27 = arith.constant 0 : index
    %get3A_28 = vector.load %arg2[%get3A_26, %get3A_27] : memref<2000x32xf32, #tpu.memory_space<vmem>>, vector<2000x32xf32>
    %reduce_sum3A = arith.constant dense<0.000000e+00> : vector<2000xf32>
    %reduce_sum3A_29 = vector.multi_reduction <add>, %get3A_28, %reduce_sum3A [1] : vector<2000x32xf32> to vector<2000xf32>
    %broadcast_in_dim3A = vector.shape_cast %reduce_sum3A_29 : vector<2000xf32> to vector<2000x1xf32>
    %get3A_30 = arith.constant 0 : index
    %get3A_31 = arith.constant 0 : index
    %get3A_32 = vector.load %arg4[%get3A_30, %get3A_31] : memref<2000x1xf32, #tpu.memory_space<vmem>>, vector<2000x1xf32>
    %mul3A = vector.broadcast %get3A_32 : vector<2000x1xf32> to vector<2000x128xf32>
    %mul3A_33 = arith.mulf %dot_general3A_12, %mul3A : vector<2000x128xf32>
    %gt3A = arith.constant 0.000000e+00 : f32
    %gt3A_34 = vector.broadcast %gt3A : f32 to vector<2000x1xf32>
    %gt3A_35 = arith.cmpf ogt, %broadcast_in_dim3A, %gt3A_34 : vector<2000x1xf32>
    %broadcast_in_dim3A_36 = vector.shape_cast %gt3A_35 : vector<2000x1xi1> to vector<2000x1xi1>
    %broadcast_in_dim3A_37 = vector.broadcast %broadcast_in_dim3A_36 : vector<2000x1xi1> to vector<2000x128xi1>
    %select_n3A = arith.select %broadcast_in_dim3A_37, %dot_general3A_20, %dot_general3A_25 : vector<2000x128xi1>, vector<2000x128xf32>
    %add3A_38 = arith.addf %mul3A_33, %select_n3A : vector<2000x128xf32>
    %swap3A = arith.constant 0 : index
    %swap3A_39 = arith.constant 0 : index
    %swap3A_40 = vector.load %arg8[%swap3A, %swap3A_39] : memref<2000x128xf32, #tpu.memory_space<vmem>>, vector<2000x128xf32>
    tpu.vector_store %arg8[%swap3A, %swap3A_39], %add3A_38 {strides = array<i32>} : memref<2000x128xf32, #tpu.memory_space<vmem>>, vector<2000x128xf32>,
    return
  }
  func.func @transform_0(%arg0: i32) -> (i32, i32, i32) {
    %c0_i32 = arith.constant 0 : i32
    %c0_i32_0 = arith.constant 0 : i32
    %c0_i32_1 = arith.constant 0 : i32
    return %c0_i32, %arg0, %c0_i32_0 : i32, i32, i32
  }
  func.func @transform_1(%arg0: i32) -> (i32, i32) {
    %c0_i32 = arith.constant 0 : i32
    %c0_i32_0 = arith.constant 0 : i32
    return %arg0, %c0_i32 : i32, i32
  }
  func.func @transform_2(%arg0: i32) -> (i32, i32) {
    %c0_i32 = arith.constant 0 : i32
    %c0_i32_0 = arith.constant 0 : i32
    return %arg0, %c0_i32 : i32, i32
  }
  func.func @transform_3(%arg0: i32) -> (i32, i32) {
    %c0_i32 = arith.constant 0 : i32
    %c0_i32_0 = arith.constant 0 : i32
    return %arg0, %c0_i32 : i32, i32
  }
  func.func @transform_4(%arg0: i32) -> (i32, i32) {
    %c0_i32 = arith.constant 0 : i32
    %c0_i32_0 = arith.constant 0 : i32
    %c0_i32_1 = arith.constant 0 : i32
    return %c0_i32, %c0_i32_0 : i32, i32
  }
  func.func @transform_5(%arg0: i32) -> (i32, i32) {
    %c0_i32 = arith.constant 0 : i32
    %c0_i32_0 = arith.constant 0 : i32
    %c0_i32_1 = arith.constant 0 : i32
    return %c0_i32, %c0_i32_0 : i32, i32
  }
  func.func @transform_6(%arg0: i32) -> (i32, i32) {
    %c0_i32 = arith.constant 0 : i32
    %c0_i32_0 = arith.constant 0 : i32
    %c0_i32_1 = arith.constant 0 : i32
    return %c0_i32, %c0_i32_0 : i32, i32
  }
  func.func @transform_7(%arg0: i32) -> (i32, i32) {
    %c0_i32 = arith.constant 0 : i32
    %c0_i32_0 = arith.constant 0 : i32
    return %arg0, %c0_i32 : i32, i32
  }
}

</mosaic_0001>

<sc_bundles>
// kernel: kernel.5.cloned.1.call-start
scs
__scs_entry_jumppad:
0x0: {  	(pc) =	sbr.rel $0x88, $3  }
0x1: {  	(tag) =	ssettag $0x0;
	lr =	simm.s32 $0x1  }
0x2: {  	[smem:$0x3F98] =	sst lr;
	_ =	strace $0xD0000000  }
0x3: {  	_ = 	snop  }
0x4: {  	_ = 	snop  }
0x5: {  	_ = 	snop  }
0x6: {  	_ = 	snop  }
0x7: {  	_ = 	snop  }
__scs_overlays_trampoline_lowered:
0x8: {  	[smem:$0x3FA7] =	sst s0  }
0x9: {  	[smem:$0x3FA8] =	sst s1  }
0xa: {  	[smem:$0x3FA9] =	sst s2  }
0xb: {  	[smem:$0x3FAA] =	sst s3  }
0xc: {  	[smem:$0x3FAB] =	sst s4  }
0xd: {  	[smem:$0x3FAC] =	sst s5  }
0xe: {  	[smem:$0x3FAD] =	sst s6  }
0xf: {  	[smem:$0x3FAE] =	sst s7  }
0x10: {  	[smem:$0x3FAF] =	sst s8  }
0x11: {  	[smem:$0x3FB0] =	sst s9;
	s0 =	simm.s32 @!p0 $0x0  }
0x12: {  	s1 =	sld [smem:$0x3F96];
	s0 =	simm.s32 @p0 $0x1  }
0x13: {  	[smem:$0x3FB1] =	sst s0;
	s0 =	simm.s32 @!p1 $0x0  }
0x14: {  	s2 =	sld [smem:$0x3F95];
	s0 =	simm.s32 @p1 $0x1  }
0x15: {  	[smem:$0x3FB2] =	sst s0;
	s0 =	simm.s32 @!p2 $0x0  }
0x16: {  	s3 =	sld [smem:$0x3FDB];
	s0 =	simm.s32 @p2 $0x1  }
0x17: {  	s4 =	simm.s32 $0x1BF5;
	[smem:$0x3FB4] =	sst s0  }
0x18: {  	s0 =	sld [smem:$0x3F97];
	_ =	swait.ge [sflag:s4], $0x0  }
0x19: {  	s7 =	sld [smem:$0x3F98]  }
0x1a: {  	s8 =	sadd.s32 $0xFFFFE003, lr  }
0x1b: {  	s9 =	sadd.s32 $0xFFFFFEF7, lr;
	s5 =	simm.s32 $0xFFFFFFFF;
	p2 =	slt.u32 s8, $0xFFFFF086  }
0x1c: {  	p1 =	slt.u32 s9, $0xF7A;
	s5 =	simm.s32 @!p2 $0x0  }
0x1d: {  	s5 =	simm.s32 @p1 $0x1;
	p0 =	seq.s32 s7, s2  }
0x1e: {  	s7 =	smul.u32 @!p0 $0xF7A, s2;
	p2 =	seq.s32 @!p0 s5, $0x0  }
0x1f: {  	s9 =	smul.u32 $0xF7A, s1;
	s8 =	simm.s32 @!p0 $0x1BF5;
	p2 =	por !p2, p0  }
0x20: {  	[sflag:s8] =	ssyncset.s32 @!p0 $0xFFFFF086;
	s6 =	sadd.s32 @!p0 s3, s7;
	s7 =	simm.s32 @!p0 $0x108  }
0x21: {  	s3 =	sadd.s32 s3, s9;
	s6 =	sadd.s32 @!p0 $0x88, s6;
	s7 =	simm.s32 @p2 $0x1082  }
0x22: {  	[simem:s7], [sflag:s8] =	dma.local @!p0 [hbm:s6], $0xF7A  }
0x23: {  	s9 =	sor.u32 $0xD0000000, s2;
	s6 =	simm.s32 $0x108;
	_ =	swait.ge @!p0 [sflag:s8], $0x0  }
0x24: {  	s3 =	sadd.s32 $0x88, s3;
	s6 =	simm.s32 @!p1 $0x1082;
	[sflag:s4] =	ssyncset.s32 $0xFFFFF086  }
0x25: {  	[simem:s6], [sflag:s4] =	dma.local [hbm:s3], $0xF7A  }
0x26: {  	[smem:$0x3F98] =	sst s1;
	(tag) =	ssettag s2;
	_ =	strace s9  }
0x27: {  	s1 =	sld [smem:$0x3FA8]  }
0x28: {  	s2 =	sld [smem:$0x3FA9]  }
0x29: {  	s4 =	sld [smem:$0x3FAB]  }
0x2a: {  	p0 =	seq.s32 s5, $0x0;
	s5 =	sld [smem:$0x3FAC]  }
0x2b: {  	s6 =	sld [smem:$0x3FAD]  }
0x2c: {  	s7 =	sld [smem:$0x3FAE]  }
0x2d: {  	s3 =	simm.s32 $0x108;
	s8 =	sld [smem:$0x3FAF]  }
0x2e: {  	s3 =	simm.s32 @!p0 $0x1082;
	s9 =	sld [smem:$0x3FB0]  }
0x2f: {  	lr =	sadd.s32 s0, s3;
	s0 =	sld [smem:$0x3FA7]  }
0x30: {  	s3 =	sld [smem:$0x3FAA]  }
0x31: {  	[smem:$0x3FB3] =	sst s10  }
0x32: {  	s10 =	sld [smem:$0x3FB1];
	_ =	sdelay $0x3  }
0x33: {  	p0 =	seq.s32 s10, $0x1;
	s10 =	sld [smem:$0x3FB3];
	_ =	sdelay $0x3  }
0x34: {  	[smem:$0x3FB3] =	sst s10  }
0x35: {  	s10 =	sld [smem:$0x3FB2];
	_ =	sdelay $0x3  }
0x36: {  	p1 =	seq.s32 s10, $0x1;
	s10 =	sld [smem:$0x3FB3];
	_ =	sdelay $0x3  }
0x37: {  	[smem:$0x3FB3] =	sst s10  }
0x38: {  	s10 =	sld [smem:$0x3FB4]  }
0x39: {  	_ = 	snop;
	(pc) =	sbr.ind lr, $3  }
0x3a: {  	_ = 	snop  }
0x3b: {  	_ = 	snop  }
0x3c: {  	p2 =	seq.s32 s10, $0x1;
	s10 =	sld [smem:$0x3FB3]  }
0x3d: {  	_ =	shalt  }
0x3e: {  	_ =	shalt  }
0x3f: {  	_ =	shalt  }
0x40: {  	_ =	shalt  }
0x41: {  	_ =	shalt  }
0x42: {  	_ =	shalt  }
0x43: {  	_ =	shalt  }
0x44: {  	_ =	shalt  }
0x45: {  	_ =	shalt  }
0x46: {  	_ =	shalt  }
0x47: {  	_ =	shalt  }
0x48: {  	_ =	shalt  }
0x49: {  	_ =	shalt  }
0x4a: {  	_ =	shalt  }
0x4b: {  	_ =	shalt  }
0x4c: {  	_ =	shalt  }
0x4d: {  	_ =	shalt  }
0x4e: {  	_ =	shalt  }
0x4f: {  	_ =	shalt  }
0x50: {  	_ =	shalt  }
0x51: {  	_ =	shalt  }
0x52: {  	_ =	shalt  }
0x53: {  	_ =	shalt  }
0x54: {  	_ =	shalt  }
0x55: {  	_ =	shalt  }
0x56: {  	_ =	shalt  }
0x57: {  	_ =	shalt  }
0x58: {  	_ =	shalt  }
0x59: {  	_ =	shalt  }
0x5a: {  	_ =	shalt  }
0x5b: {  	_ =	shalt  }
0x5c: {  	_ =	shalt  }
0x5d: {  	_ =	shalt  }
0x5e: {  	_ =	shalt  }
0x5f: {  	_ =	shalt  }
0x60: {  	_ =	shalt  }
0x61: {  	_ =	shalt  }
0x62: {  	_ =	shalt  }
0x63: {  	_ =	shalt  }
0x64: {  	_ =	shalt  }
0x65: {  	_ =	shalt  }
0x66: {  	_ =	shalt  }
0x67: {  	_ =	shalt  }
0x68: {  	_ =	shalt  }
0x69: {  	_ =	shalt  }
0x6a: {  	_ =	shalt  }
0x6b: {  	_ =	shalt  }
0x6c: {  	_ =	shalt  }
0x6d: {  	_ =	shalt  }
0x6e: {  	_ =	shalt  }
0x6f: {  	_ =	shalt  }
0x70: {  	_ =	shalt  }
0x71: {  	_ =	shalt  }
0x72: {  	_ =	shalt  }
0x73: {  	_ =	shalt  }
0x74: {  	_ =	shalt  }
0x75: {  	_ =	shalt  }
0x76: {  	_ =	shalt  }
0x77: {  	_ =	shalt  }
0x78: {  	_ =	shalt  }
0x79: {  	_ =	shalt  }
0x7a: {  	_ =	shalt  }
0x7b: {  	_ =	shalt  }
0x7c: {  	_ =	shalt  }
0x7d: {  	_ =	shalt  }
0x7e: {  	_ =	shalt  }
0x7f: {  	_ =	shalt  }
0x80: {  	_ =	shalt  }
0x81: {  	_ =	shalt  }
0x82: {  	_ =	shalt  }
0x83: {  	_ =	shalt  }
0x84: {  	_ =	shalt  }
0x85: {  	_ =	shalt  }
0x86: {  	_ =	shalt  }
0x87: {  	_ =	shalt  }
.Lfunc_end0:
.L_simem_size_0:
called_computation_lowered:
.L_overlay_start_0:
0x88: {  	s2 =	sld [smem:$0x3FD9]  }
0x89: {  	s3 =	sld [smem:$0x3FFE];
	_ =	sdelay $0x1  }
0x8a: {  	s1 =	srdreg.scid  }
0x8b: {  	s0 =	sand.u32 $0x1, s1  }
0x8c: {  	s17 =	sshll.u32 s0, $0xA;
	s2 =	sadd.s32 s3, s2  }
0x8d: {  	s2 =	sadd.s32 s2, s17  }
0x8e: {  	[smem:$0x3FBF] =	sst s2  }
0x8f: {  	_ = 	snop  }
0x90: {  	s18 =	sld [smem:$0x3FD0];
	(tm) =	ssettm $0x1  }
0x91: {  	s19 =	sld [smem:$0x3FFB];
	_ =	sdelay $0x3  }
0x92: {  	_ =	strace s19  }
0x93: {  	s2 =	sld [smem:$0x3FFC];
	_ =	sdelay $0x3  }
0x94: {  	_ =	strace s2  }
0x95: {  	s2 =	sld [smem:$0x3FFD];
	_ =	sdelay $0x3  }
0x96: {  	_ =	strace s2  }
0x97: {  	_ =	strace $0x8FFFFFFF  }
0x98: {  	s20 =	sld [smem:$0x3FDB];
	_ =	sdelay $0x1  }
0x99: {  	s4 =	simm.s32 $_scs_section_size  }
0x9a: {  	s5 =	simm.s32 $_size__tile_overlayer_lowered;
	s6 =	simm.s32 $_tile_overlayer_lowered  }
0x9b: {  	s7 =	simm.s32 $0x1BFF;
	s21 =	sshll.u32 s6, $0x1;
	s4 =	sadd.s32 s4, s20  }
0x9c: {  	s22 =	simm.s32 $0x0;
	s5 =	sshll.u32 s5, $0x1;
	s6 =	sadd.s32 s21, s4  }
0x9d: {  	[timem:s22], [sflag:s7] =	dma.local [hbm:s6], s5  }
0x9e: {  	_ =	swait.ge [sflag:s7], s5  }
0x9f: {  	s5 =	ssub.s32 $0x0, s5;
	[sflag:s7] =	ssyncset.done $0x0  }
0xa0: {  	[sflag:s7] =	ssyncadd.s32 s5;
	_ =	sdelay $0x1  }
0xa1: {  	s23 =	simm.s32 $0x1B8B  }
0xa2: {  	_ =	swait.ge [sflag:s23], $0x1  }
0xa3: {  	[sflag:s23] =	ssyncset.done $0x0  }
0xa4: {  	[sflag:s23] =	ssyncadd.s32 $0xFFFFFFFF  }
0xa5: {  	s5 =	sld [smem:$0x0]  }
0xa6: {  	s6 =	sand.u32 $0xFFFFFFFE, s1  }
0xa7: {  	p0 =	sne.s32 s1, s6  }
0xa8: {  	s6 =	sshll.u32 @p0 s6, $0xE  }
0xa9: {  	s6 =	sadd.s32 @p0 $0x11B8D, s6;
	s7 =	sshll.u32 @p0 s5, $0x11  }
0xaa: {  	s6 =	sor.u32 @p0 s7, s6  }
0xab: {  	[sflag:s6] =	ssyncadd.remote.s32 @p0 $0x1;
	_ =	sdelay $0x1  }
0xac: {  	s6 =	simm.s32 @p0 $0x1B8D  }
0xad: {  	_ =	swait.eq @p0 [sflag:s6], $0x1  }
0xae: {  	[sflag:s6] =	ssyncadd.s32 @p0 $0xFFFFFFFF  }
0xaf: {  	s7 =	sshll.u32 @!p0 s1, $0xE  }
0xb0: {  	s7 =	sor.u32 @!p0 $0x4000, s7;
	s6 =	simm.s32 @!p0 $0x1B8D  }
0xb1: {  	s5 =	sshll.u32 @!p0 s5, $0x11;
	s7 =	sadd.s32 @!p0 $0x11B8D, s7;
	_ =	swait.eq @!p0 [sflag:s6], $0x1  }
0xb2: {  	s5 =	sor.u32 @!p0 s5, s7;
	[sflag:s6] =	ssyncadd.s32 @!p0 $0xFFFFFFFF  }
0xb3: {  	s25 =	simm.s32 $0x1B8E;
	s24 =	sld [smem:$0x3FFE];
	[sflag:s5] =	ssyncadd.remote.s32 @!p0 $0x1  }
0xb4: {  	s26 =	simm.s32 $execute0_lowered;
	[smem:$0x3FD2] =	sst s25  }
0xb5: {  	s6 =	sshll.u32 s26, $0x1;
	_ =	strace $0x80000049;
	[dreg:$0x1] =	wrdreg $0xFFFFFFFF  }
0xb6: {  	s28 =	simm.s32 $_size_execute0_lowered;
	s4 =	sadd.s32 s4, s6;
	[dreg:$0x0] =	wrdreg $0x0  }
0xb7: {  	s6 =	sshll.u32 s28, $0x1;
	[dreg:$0x2] =	wrdreg s4  }
0xb8: {  	[dreg:$0x3] =	wrdreg s6  }
0xb9: {  	[dreg:$0x4] =	wrdreg $0xC0  }
0xba: {  	_ =	task [dreg:s22], $0x5FFFF  }
0xbb: {  	[dreg:$0x1] =	wrdreg $0xFFFFFFFF  }
0xbc: {  	[dreg:$0x0] =	wrdreg $0x60  }
0xbd: {  	[dreg:$0x2] =	wrdreg s24  }
0xbe: {  	[dreg:$0x3] =	wrdreg s18  }
0xbf: {  	[dreg:$0x4] =	wrdreg $0x8C000  }
0xc0: {  	[dreg:$0x5] =	wrdreg $0x9  }
0xc1: {  	_ =	task.clear_ibuf [dreg:s22], $0x6FFFF;
	_ =	strace $0x90000049  }
0xc2: {  	s29 =	simm.s32 $0x9;
	_ =	strace $0x8000004B  }
0xc3: {  	_ =	swait.ge [sflag:s29], $0x1  }
0xc4: {  	[sflag:s29] =	ssyncadd.s32 $0xFFFFFFFF  }
0xc5: {  	_ =	strace $0x9000004B  }
0xc6: {  	_ =	sfence  }
0xc7: {  	s30 =	sld [smem:$0x0];
	_ =	sdelay $0x2  }
0xc8: {  	s31 =	sshll.u32 s1, $0xD;
	s1 =	sshrl.u32 s1, $0x2  }
0xc9: {  	s4 =	sand.u32 $0x4000, s31;
	s1 =	sadd.s32 s1, s30  }
0xca: {  	s0 =	sor.u32 s4, s0;
	s1 =	sshll.u32 s1, $0x11  }
0xcb: {  	s0 =	sor.u32 s1, s0  }
0xcc: {  	s0 =	sadd.s32 $0x8F2B, s0  }
0xcd: {  	[sflag:s0] =	ssyncadd.remote.s32 $0x1  }
0xce: {  	_ =	sfence.sel $0xFFFF  }
0xcf: {  	[dreg:$0x0] =	wrdreg $0xFFFFFFFF;
	(pc) =	sbr.abs _section_cstart, $3  }
0xd0: {  	[dreg:$0x1] =	wrdreg $0xFFFFFFFF  }
0xd1: {  	_ =	task.clear_ibuf [dreg:s22], $0x2FFFF;
	_ =	strace $0x9FFFFFFF  }
0xd2: {  	(tm) =	ssettm $0x7FFFFFFF  }
0xd3: {  	_ =	shalt  }
tec
execute0_lowered:
.L_overlay_start_1:
0x0: {  	(tag) =	ssettag $0x1  }
0x1: {  	s0 =	rddreg [dreg:$0x0]  }
0x2: {  	s2 =	rddreg [dreg:$0x2]  }
0x3: {  	s11 =	simm.s32 $0x0;
	s1 =	srdreg.scid;
	s10 =	stileid.u32  }
0x4: {  	s13 =	simm.s32 $0xF;
	s17 =	simm.s32 $0xC00;
	s18 =	simm.s32 $0x3  }
0x5: {  	s12 =	simm.s32 $0x600;
	s14 =	simm.s32 $0xA00;
	s16 =	simm.s32 $0x280  }
0x6: {  	s28 =	simm.s32 $0x380;
	s29 =	simm.s32 $0x780;
	s30 =	simm.s32 $0xB80  }
0x7: {  	[smem:$0x7FF] =	sst s11;
	s5 =	sadd.s32 $0x29C00, s0;
	s3 =	smul.u32 $0x4F000, s10  }
0x8: {  	s1 =	sand.u32 $0x1, s1;
	s6 =	sadd.s32 $0x50E00, s0;
	s22 =	smul.u32 $0x28, s10  }
0x9: {  	s7 =	sadd.s32 $0x15E00, s0;
	s8 =	sadd.s32 $0xBE00, s0;
	s26 =	smul.u32 $0x2780, s10  }
0xa: {  	_ =	strace $0x8000004A;
	s4 =	smul.u32 $0x27800, s1;
	s9 =	ssub.s32 $0x2, s1  }
0xb: {  	p0 =	seq.s32 s1, $0x0;
	s3 =	sshrl.u32 s3, $0x2;
	s19 =	sshrl.u32 s9, $0x1  }
0xc: {  	s1 =	sadd.s32 $0x780, s22;
	s13 =	simm.s32 @!p0 $0x5;
	s22 =	simm.s32 $0x4C00  }
0xd: {  	s0 =	sadd.s32 s4, s0;
	s31 =	sadd.s32 s3, s2;
	s20 =	ssub.s32 s9, s19  }
0xe: {  	s9 =	smul.u32 $0x78, s10;
	s21 =	sadd.s32 $0x4000, s31;
	[dreg:$0x5] =	wrdreg s31  }
0xf: {  	s19 =	simm.s32 $0x400;
	s23 =	sadd.s32 $0x8000, s31;
	[dreg:$0x6] =	wrdreg s21  }
0x10: {  	s4 =	simm.s32 $0x300;
	s24 =	sadd.s32 $0xC000, s31;
	[dreg:$0x7] =	wrdreg s23  }
0x11: {  	s25 =	sadd.s32 $0x10000, s31;
	s0 =	sadd.s32 $0x51C00, s0;
	[dreg:$0x8] =	wrdreg s24  }
0x12: {  	s3 =	smax.u32 s20, $0x1;
	s20 =	simm.s32 $0x800;
	[dreg:$0x9] =	wrdreg s25  }
0x13: {  	s1 =	smov.u32 @p0 s9;
	[dreg:$0xa] =	wrdreg s3;
	s21 =	simm.s32 $0x80  }
0x14: {  	s23 =	simm.s32 $0x1;
	s0 =	sadd.s32 s26, s0;
	s25 =	simm.s32 $0x2  }
0x15: {  	s24 =	simm.s32 $0x680;
	s9 =	simm.s32 $0xA80;
	s26 =	simm.s32 $0xB00  }
0x16: {  	v0 =	vimm.f32 $0.0e+00;
	s15 =	sshrl.u32 s1, $0x3;
	[dreg:$0xb] =	wrdreg s0;
	s1 =	simm.s32 $0x700  }
.LBB2_1:
0x17: {  	[dreg:$0x4] =	wrdreg s11;
	s0 =	simm.s32 $0x0;
	s3 =	simm.s32 $0x200  }
.LBB2_2:
0x18: {  	p0 =	sne.s32 s3, $0xFE00;
	[tilespmem:s0+$0xC70] =	vst v0  }
0x19: {  	[tilespmem:s0+$0xC00] =	vst v0  }
0x1a: {  	[tilespmem:s0+$0xC10] =	vst v0  }
.Ltmp0:
0x1b: {  	[tilespmem:s0+$0xC20] =	vst v0;
	(pc) =	sbr.rel @p0 .LBB2_2-.Ltmp0, $4  }
0x1c: {  	[tilespmem:s0+$0xC30] =	vst v0  }
0x1d: {  	[tilespmem:s0+$0xC40] =	vst v0  }
0x1e: {  	[tilespmem:s0+$0xC50] =	vst v0  }
0x1f: {  	[tilespmem:s0+$0xC60] =	vst v0;
	s0 =	sshra.s32 s3, $0x2;
	s3 =	sadd.s32 $0x200, s3  }
0x20: {  	[tilespmem:s0+$0xC70] =	vst v0  }
0x21: {  	[tilespmem:s0+$0xC00] =	vst v0  }
0x22: {  	[tilespmem:s0+$0xC10] =	vst v0  }
0x23: {  	[tilespmem:s0+$0xC20] =	vst v0  }
0x24: {  	[tilespmem:s0+$0xC30] =	vst v0  }
0x25: {  	[tilespmem:s0+$0xC40] =	vst v0  }
0x26: {  	[tilespmem:s0+$0xC50] =	vst v0  }
0x27: {  	[tilespmem:s0+$0xC60] =	vst v0  }
0x28: {  	[spmem:s31] =	stream.linear.scatter [tilespmem:s17], [sflag:$0x3], $0x4000, $0x38;
	[tilespmem:$0x1C800] =	vst v63  }
0x29: {  	_ =	swait.ge [sflag:s18], $0x4000  }
0x2a: {  	[sflag:s18] =	ssyncset.done $0x0  }
0x2b: {  	s11 =	rddreg [dreg:$0x6];
	[sflag:s18] =	ssyncadd.s32 $0xFFFFC000  }
0x2c: {  	[spmem:s11] =	stream.linear.scatter [tilespmem:s17], [sflag:$0x3], $0x4000, $0x38;
	[tilespmem:$0x1C800] =	vst v63  }
0x2d: {  	_ =	swait.ge [sflag:s18], $0x4000  }
0x2e: {  	[sflag:s18] =	ssyncset.done $0x0  }
0x2f: {  	s3 =	rddreg [dreg:$0x7];
	[sflag:s18] =	ssyncadd.s32 $0xFFFFC000  }
0x30: {  	[spmem:s3] =	stream.linear.scatter [tilespmem:s17], [sflag:$0x3], $0x4000, $0x38;
	[tilespmem:$0x1C800] =	vst v63  }
0x31: {  	_ =	swait.ge [sflag:s18], $0x4000  }
0x32: {  	[sflag:s18] =	ssyncset.done $0x0  }
0x33: {  	s10 =	rddreg [dreg:$0x8];
	[sflag:s18] =	ssyncadd.s32 $0xFFFFC000  }
0x34: {  	[spmem:s10] =	stream.linear.scatter [tilespmem:s17], [sflag:$0x3], $0x4000, $0x38;
	[tilespmem:$0x1C800] =	vst v63  }
0x35: {  	_ =	swait.ge [sflag:s18], $0x4000  }
0x36: {  	[sflag:s18] =	ssyncset.done $0x0  }
0x37: {  	s11 =	rddreg [dreg:$0x9];
	[sflag:s18] =	ssyncadd.s32 $0xFFFFC000  }
0x38: {  	[spmem:s11] =	stream.linear.scatter [tilespmem:s17], [sflag:$0x3], $0x3C00, $0x38;
	[tilespmem:$0x1C800] =	vst v63  }
0x39: {  	_ =	swait.ge [sflag:s18], $0x3C00  }
0x3a: {  	[sflag:s18] =	ssyncset.done $0x0  }
0x3b: {  	[sflag:s18] =	ssyncadd.s32 $0xFFFFC400  }
0x3c: {  	s0 =	simm.s32 $0x0;
	s31 =	simm.s32 $0x0;
	[bflag:$0x0] =	sbarrier.arrive $0xFFFF  }
.LBB2_4:
0x3d: {  	s3 =	sadd.s32 s15, s0  }
0x3e: {  	s10 =	rddreg [dreg:$0x1];
	s3 =	sshll.u32 s3, $0x7  }
0x3f: {  	s10 =	sadd.s32 s10, s3  }
0x40: {  	[tilespmem:s31], [sflag:$0x3] =	stream.linear.gather [hbm4b:s10+s31], $0x400, $0x38;
	[tilespmem:$0x1C800] =	vst v63  }
0x41: {  	_ =	swait.ge [sflag:s18], $0x400  }
0x42: {  	[sflag:s18] =	ssyncset.done $0x0  }
0x43: {  	s11 =	sadd.s32 s7, s3;
	[sflag:s18] =	ssyncadd.s32 $0xFFFFFC00  }
0x44: {  	[tilespmem:s19], [sflag:$0x3] =	stream.linear.gather [hbm4b:s11+s31], $0x400, $0x38;
	[tilespmem:$0x1C800] =	vst v63  }
0x45: {  	_ =	swait.ge [sflag:s18], $0x400  }
0x46: {  	[sflag:s18] =	ssyncset.done $0x0  }
0x47: {  	s3 =	sadd.s32 s8, s3;
	[sflag:s18] =	ssyncadd.s32 $0xFFFFFC00  }
0x48: {  	[tilespmem:s20], [sflag:$0x3] =	stream.linear.gather [hbm4b:s3+s31], $0x400, $0x38;
	[tilespmem:$0x1C800] =	vst v63  }
0x49: {  	_ =	swait.ge [sflag:s18], $0x400  }
0x4a: {  	[sflag:s18] =	ssyncset.done $0x0  }
0x4b: {  	[sflag:s18] =	ssyncadd.s32 $0xFFFFFC00  }
0x4c: {  	[tilespmem:s17], [sflag:$0x1] =	stream.indirect.gather [hbm4b:s5+s21], $0x80, s31, s21, $0xb8;
	[tilespmem:$0x1C800] =	vst v63  }
0x4d: {  	_ = 	snop  }
0x4e: {  	[tilespmem:s22], [sflag:$0x2] =	stream.indirect.gather [hbm4b:s6+s21], $0x80, s19, s21, $0xb8;
	[tilespmem:$0x1C800] =	vst v63  }
0x4f: {  	_ =	swait.ge [sflag:s23], $0x4000  }
0x50: {  	[sflag:s23] =	ssyncset.done $0x0  }
0x51: {  	[sflag:s23] =	ssyncadd.s32 $0xFFFFC000  }
0x52: {  	_ =	swait.ge [sflag:s25], $0x4000  }
0x53: {  	[sflag:s25] =	ssyncset.done $0x0  }
0x54: {  	s3 =	simm.s32 $0x0;
	[sflag:s25] =	ssyncadd.s32 $0xFFFFC000  }
0x55: {  	v8 =	vld [tilespmem:s3+$0x4C00]  }
0x56: {  	v12 =	vld [tilespmem:s3+$0x4C10]  }
0x57: {  	v6 =	vld [tilespmem:s3+$0x4C20]  }
0x58: {  	v5 =	vld [tilespmem:s3+$0x4C30]  }
0x59: {  	v4 =	vld [tilespmem:s3+$0x4C40]  }
0x5a: {  	v3 =	vld [tilespmem:s3+$0x4C50]  }
0x5b: {  	v2 =	vld [tilespmem:s3+$0x4C60]  }
0x5c: {  	v1 =	vld [tilespmem:s3+$0x4C70]  }
0x5d: {  	v13 =	vld [tilespmem:s3+$0xC00]  }
0x5e: {  	v14 =	vld [tilespmem:s3+$0xC10]  }
0x5f: {  	v11 =	vld [tilespmem:s3+$0xC20]  }
0x60: {  	v10 =	vld [tilespmem:s3+$0xC30]  }
0x61: {  	v9 =	vld [tilespmem:s3+$0xC40]  }
0x62: {  	v7 =	vld [tilespmem:s3+$0xC50];
	v13 =	vadd.f32 v8, v13  }
0x63: {  	s10 =	simm.s32 $0x200;
	v12 =	vadd.f32 v12, v14;
	v8 =	vld [tilespmem:s3+$0xC60]  }
.LBB2_5:
0x64: {  	s11 =	sshra.s32 s10, $0x2;
	p0 =	sne.s32 s10, $0xFE00;
	[tilespmem:s3+$0xC00] =	vst v13;
	v6 =	vadd.f32 v6, v11;
	v11 =	vld [tilespmem:s3+$0xC70]  }
0x65: {  	v13 =	vld [tilespmem:s11+$0x4C00];
	[tilespmem:s3+$0xC10] =	vst v12;
	v5 =	vadd.f32 v5, v10  }
0x66: {  	v12 =	vld [tilespmem:s11+$0x4C10];
	[tilespmem:s3+$0xC20] =	vst v6;
	v4 =	vadd.f32 v4, v9  }
0x67: {  	v6 =	vld [tilespmem:s11+$0x4C20];
	[tilespmem:s3+$0xC30] =	vst v5;
	v3 =	vadd.f32 v3, v7  }
0x68: {  	v5 =	vld [tilespmem:s11+$0x4C30];
	[tilespmem:s3+$0xC40] =	vst v4;
	v2 =	vadd.f32 v2, v8  }
0x69: {  	v4 =	vld [tilespmem:s11+$0x4C40];
	[tilespmem:s3+$0xC50] =	vst v3;
	v1 =	vadd.f32 v1, v11  }
0x6a: {  	v3 =	vld [tilespmem:s11+$0x4C50];
	[tilespmem:s3+$0xC60] =	vst v2  }
0x6b: {  	v2 =	vld [tilespmem:s11+$0x4C60];
	[tilespmem:s3+$0xC70] =	vst v1;
	s3 =	smov.u32 s11  }
0x6c: {  	v1 =	vld [tilespmem:s3+$0x4C70]  }
0x6d: {  	v7 =	vld [tilespmem:s3+$0xC00]  }
0x6e: {  	v8 =	vld [tilespmem:s3+$0xC10]  }
.Ltmp1:
0x6f: {  	v11 =	vld [tilespmem:s3+$0xC20];
	(pc) =	sbr.rel @p0 .LBB2_5-.Ltmp1, $4  }
0x70: {  	v10 =	vld [tilespmem:s3+$0xC30]  }
0x71: {  	v9 =	vld [tilespmem:s3+$0xC40]  }
0x72: {  	v13 =	vadd.f32 v13, v7;
	v7 =	vld [tilespmem:s3+$0xC50]  }
0x73: {  	s10 =	sadd.s32 $0x200, s10;
	v12 =	vadd.f32 v12, v8;
	v8 =	vld [tilespmem:s3+$0xC60]  }
0x74: {  	[tilespmem:s3+$0xC00] =	vst v13;
	v6 =	vadd.f32 v6, v11;
	v11 =	vld [tilespmem:s3+$0xC70]  }
0x75: {  	[tilespmem:s3+$0xC10] =	vst v12;
	v5 =	vadd.f32 v5, v10  }
0x76: {  	[tilespmem:s3+$0xC20] =	vst v6;
	v4 =	vadd.f32 v4, v9  }
0x77: {  	[tilespmem:s3+$0xC30] =	vst v5;
	v3 =	vadd.f32 v3, v7  }
0x78: {  	[tilespmem:s3+$0xC40] =	vst v4;
	v2 =	vadd.f32 v2, v8  }
0x79: {  	[tilespmem:s3+$0xC50] =	vst v3;
	v1 =	vadd.f32 v1, v11  }
0x7a: {  	[tilespmem:s3+$0xC60] =	vst v2  }
0x7b: {  	[tilespmem:s3+$0xC70] =	vst v1  }
0x7c: {  	[spmem:s2] =	stream.indirect.scatter.add.f32 [tilespmem:s17], [sflag:$0x3], $0x80, s20, s21, $0xb8;
	[tilespmem:$0x1C800] =	vst v63  }
0x7d: {  	_ =	swait.ge [sflag:s18], $0x4000  }
0x7e: {  	[sflag:s18] =	ssyncset.done $0x0  }
0x7f: {  	[sflag:s18] =	ssyncadd.s32 $0xFFFFC000  }
0x80: {  	[tilespmem:s17], [sflag:$0x1] =	stream.indirect.gather [hbm4b:s5+s21], $0x80, s21, s21, $0xb8;
	[tilespmem:$0x1C800] =	vst v63  }
0x81: {  	s11 =	simm.s32 $0x480  }
0x82: {  	[tilespmem:s22], [sflag:$0x2] =	stream.indirect.gather [hbm4b:s6+s21], $0x80, s11, s21, $0xb8;
	[tilespmem:$0x1C800] =	vst v63  }
0x83: {  	_ =	swait.ge [sflag:s23], $0x4000  }
0x84: {  	[sflag:s23] =	ssyncset.done $0x0  }
0x85: {  	[sflag:s23] =	ssyncadd.s32 $0xFFFFC000  }
0x86: {  	_ =	swait.ge [sflag:s25], $0x4000  }
0x87: {  	[sflag:s25] =	ssyncset.done $0x0  }
0x88: {  	s3 =	simm.s32 $0x0;
	[sflag:s25] =	ssyncadd.s32 $0xFFFFC000  }
0x89: {  	v8 =	vld [tilespmem:s3+$0x4C00]  }
0x8a: {  	v12 =	vld [tilespmem:s3+$0x4C10]  }
0x8b: {  	v6 =	vld [tilespmem:s3+$0x4C20]  }
0x8c: {  	v5 =	vld [tilespmem:s3+$0x4C30]  }
0x8d: {  	v4 =	vld [tilespmem:s3+$0x4C40]  }
0x8e: {  	v3 =	vld [tilespmem:s3+$0x4C50]  }
0x8f: {  	v2 =	vld [tilespmem:s3+$0x4C60]  }
0x90: {  	v1 =	vld [tilespmem:s3+$0x4C70]  }
0x91: {  	v13 =	vld [tilespmem:s3+$0xC00]  }
0x92: {  	v14 =	vld [tilespmem:s3+$0xC10]  }
0x93: {  	v11 =	vld [tilespmem:s3+$0xC20]  }
0x94: {  	v10 =	vld [tilespmem:s3+$0xC30]  }
0x95: {  	v9 =	vld [tilespmem:s3+$0xC40]  }
0x96: {  	v7 =	vld [tilespmem:s3+$0xC50];
	v13 =	vadd.f32 v8, v13  }
0x97: {  	s10 =	simm.s32 $0x200;
	v12 =	vadd.f32 v12, v14;
	v8 =	vld [tilespmem:s3+$0xC60]  }
.LBB2_7:
0x98: {  	s11 =	sshra.s32 s10, $0x2;
	p0 =	sne.s32 s10, $0xFE00;
	[tilespmem:s3+$0xC00] =	vst v13;
	v6 =	vadd.f32 v6, v11;
	v11 =	vld [tilespmem:s3+$0xC70]  }
0x99: {  	v13 =	vld [tilespmem:s11+$0x4C00];
	[tilespmem:s3+$0xC10] =	vst v12;
	v5 =	vadd.f32 v5, v10  }
0x9a: {  	v12 =	vld [tilespmem:s11+$0x4C10];
	[tilespmem:s3+$0xC20] =	vst v6;
	v4 =	vadd.f32 v4, v9  }
0x9b: {  	v6 =	vld [tilespmem:s11+$0x4C20];
	[tilespmem:s3+$0xC30] =	vst v5;
	v3 =	vadd.f32 v3, v7  }
0x9c: {  	v5 =	vld [tilespmem:s11+$0x4C30];
	[tilespmem:s3+$0xC40] =	vst v4;
	v2 =	vadd.f32 v2, v8  }
0x9d: {  	v4 =	vld [tilespmem:s11+$0x4C40];
	[tilespmem:s3+$0xC50] =	vst v3;
	v1 =	vadd.f32 v1, v11  }
0x9e: {  	v3 =	vld [tilespmem:s11+$0x4C50];
	[tilespmem:s3+$0xC60] =	vst v2  }
0x9f: {  	v2 =	vld [tilespmem:s11+$0x4C60];
	[tilespmem:s3+$0xC70] =	vst v1;
	s3 =	smov.u32 s11  }
0xa0: {  	v1 =	vld [tilespmem:s3+$0x4C70]  }
0xa1: {  	v7 =	vld [tilespmem:s3+$0xC00]  }
0xa2: {  	v8 =	vld [tilespmem:s3+$0xC10]  }
.Ltmp2:
0xa3: {  	v11 =	vld [tilespmem:s3+$0xC20];
	(pc) =	sbr.rel @p0 .LBB2_7-.Ltmp2, $4  }
0xa4: {  	v10 =	vld [tilespmem:s3+$0xC30]  }
0xa5: {  	v9 =	vld [tilespmem:s3+$0xC40]  }
0xa6: {  	v13 =	vadd.f32 v13, v7;
	v7 =	vld [tilespmem:s3+$0xC50]  }
0xa7: {  	s10 =	sadd.s32 $0x200, s10;
	v12 =	vadd.f32 v12, v8;
	v8 =	vld [tilespmem:s3+$0xC60]  }
0xa8: {  	[tilespmem:s3+$0xC00] =	vst v13;
	v6 =	vadd.f32 v6, v11;
	v11 =	vld [tilespmem:s3+$0xC70]  }
0xa9: {  	[tilespmem:s3+$0xC10] =	vst v12;
	v5 =	vadd.f32 v5, v10  }
0xaa: {  	[tilespmem:s3+$0xC20] =	vst v6;
	v4 =	vadd.f32 v4, v9  }
0xab: {  	[tilespmem:s3+$0xC30] =	vst v5;
	v3 =	vadd.f32 v3, v7  }
0xac: {  	[tilespmem:s3+$0xC40] =	vst v4;
	v2 =	vadd.f32 v2, v8  }
0xad: {  	[tilespmem:s3+$0xC50] =	vst v3;
	v1 =	vadd.f32 v1, v11  }
0xae: {  	[tilespmem:s3+$0xC60] =	vst v2  }
0xaf: {  	s11 =	simm.s32 $0x880;
	[tilespmem:s3+$0xC70] =	vst v1  }
0xb0: {  	[spmem:s2] =	stream.indirect.scatter.add.f32 [tilespmem:s17], [sflag:$0x3], $0x80, s11, s21, $0xb8;
	[tilespmem:$0x1C800] =	vst v63  }
0xb1: {  	_ =	swait.ge [sflag:s18], $0x4000  }
0xb2: {  	[sflag:s18] =	ssyncset.done $0x0  }
0xb3: {  	s10 =	simm.s32 $0x100;
	[sflag:s18] =	ssyncadd.s32 $0xFFFFC000  }
0xb4: {  	[tilespmem:s17], [sflag:$0x1] =	stream.indirect.gather [hbm4b:s5+s21], $0x80, s10, s21, $0xb8;
	[tilespmem:$0x1C800] =	vst v63  }
0xb5: {  	s11 =	simm.s32 $0x500  }
0xb6: {  	[tilespmem:s22], [sflag:$0x2] =	stream.indirect.gather [hbm4b:s6+s21], $0x80, s11, s21, $0xb8;
	[tilespmem:$0x1C800] =	vst v63  }
0xb7: {  	_ =	swait.ge [sflag:s23], $0x4000  }
0xb8: {  	[sflag:s23] =	ssyncset.done $0x0  }
0xb9: {  	[sflag:s23] =	ssyncadd.s32 $0xFFFFC000  }
0xba: {  	_ =	swait.ge [sflag:s25], $0x4000  }
0xbb: {  	[sflag:s25] =	ssyncset.done $0x0  }
0xbc: {  	s3 =	simm.s32 $0x0;
	[sflag:s25] =	ssyncadd.s32 $0xFFFFC000  }
0xbd: {  	v8 =	vld [tilespmem:s3+$0x4C00]  }
0xbe: {  	v12 =	vld [tilespmem:s3+$0x4C10]  }
0xbf: {  	v6 =	vld [tilespmem:s3+$0x4C20]  }
0xc0: {  	v5 =	vld [tilespmem:s3+$0x4C30]  }
0xc1: {  	v4 =	vld [tilespmem:s3+$0x4C40]  }
0xc2: {  	v3 =	vld [tilespmem:s3+$0x4C50]  }
0xc3: {  	v2 =	vld [tilespmem:s3+$0x4C60]  }
0xc4: {  	v1 =	vld [tilespmem:s3+$0x4C70]  }
0xc5: {  	v13 =	vld [tilespmem:s3+$0xC00]  }
0xc6: {  	v14 =	vld [tilespmem:s3+$0xC10]  }
0xc7: {  	v11 =	vld [tilespmem:s3+$0xC20]  }
0xc8: {  	v10 =	vld [tilespmem:s3+$0xC30]  }
0xc9: {  	v9 =	vld [tilespmem:s3+$0xC40]  }
0xca: {  	v7 =	vld [tilespmem:s3+$0xC50];
	v13 =	vadd.f32 v8, v13  }
0xcb: {  	s10 =	simm.s32 $0x200;
	v12 =	vadd.f32 v12, v14;
	v8 =	vld [tilespmem:s3+$0xC60]  }
.LBB2_9:
0xcc: {  	s11 =	sshra.s32 s10, $0x2;
	p0 =	sne.s32 s10, $0xFE00;
	[tilespmem:s3+$0xC00] =	vst v13;
	v6 =	vadd.f32 v6, v11;
	v11 =	vld [tilespmem:s3+$0xC70]  }
0xcd: {  	v13 =	vld [tilespmem:s11+$0x4C00];
	[tilespmem:s3+$0xC10] =	vst v12;
	v5 =	vadd.f32 v5, v10  }
0xce: {  	v12 =	vld [tilespmem:s11+$0x4C10];
	[tilespmem:s3+$0xC20] =	vst v6;
	v4 =	vadd.f32 v4, v9  }
0xcf: {  	v6 =	vld [tilespmem:s11+$0x4C20];
	[tilespmem:s3+$0xC30] =	vst v5;
	v3 =	vadd.f32 v3, v7  }
0xd0: {  	v5 =	vld [tilespmem:s11+$0x4C30];
	[tilespmem:s3+$0xC40] =	vst v4;
	v2 =	vadd.f32 v2, v8  }
0xd1: {  	v4 =	vld [tilespmem:s11+$0x4C40];
	[tilespmem:s3+$0xC50] =	vst v3;
	v1 =	vadd.f32 v1, v11  }
0xd2: {  	v3 =	vld [tilespmem:s11+$0x4C50];
	[tilespmem:s3+$0xC60] =	vst v2  }
0xd3: {  	v2 =	vld [tilespmem:s11+$0x4C60];
	[tilespmem:s3+$0xC70] =	vst v1;
	s3 =	smov.u32 s11  }
0xd4: {  	v1 =	vld [tilespmem:s3+$0x4C70]  }
0xd5: {  	v7 =	vld [tilespmem:s3+$0xC00]  }
0xd6: {  	v8 =	vld [tilespmem:s3+$0xC10]  }
.Ltmp3:
0xd7: {  	v11 =	vld [tilespmem:s3+$0xC20];
	(pc) =	sbr.rel @p0 .LBB2_9-.Ltmp3, $4  }
0xd8: {  	v10 =	vld [tilespmem:s3+$0xC30]  }
0xd9: {  	v9 =	vld [tilespmem:s3+$0xC40]  }
0xda: {  	v13 =	vadd.f32 v13, v7;
	v7 =	vld [tilespmem:s3+$0xC50]  }
0xdb: {  	s10 =	sadd.s32 $0x200, s10;
	v12 =	vadd.f32 v12, v8;
	v8 =	vld [tilespmem:s3+$0xC60]  }
0xdc: {  	[tilespmem:s3+$0xC00] =	vst v13;
	v6 =	vadd.f32 v6, v11;
	v11 =	vld [tilespmem:s3+$0xC70]  }
0xdd: {  	[tilespmem:s3+$0xC10] =	vst v12;
	v5 =	vadd.f32 v5, v10  }
0xde: {  	[tilespmem:s3+$0xC20] =	vst v6;
	v4 =	vadd.f32 v4, v9  }
0xdf: {  	[tilespmem:s3+$0xC30] =	vst v5;
	v3 =	vadd.f32 v3, v7  }
0xe0: {  	[tilespmem:s3+$0xC40] =	vst v4;
	v2 =	vadd.f32 v2, v8  }
0xe1: {  	[tilespmem:s3+$0xC50] =	vst v3;
	v1 =	vadd.f32 v1, v11  }
0xe2: {  	[tilespmem:s3+$0xC60] =	vst v2  }
0xe3: {  	s11 =	simm.s32 $0x900;
	[tilespmem:s3+$0xC70] =	vst v1  }
0xe4: {  	[spmem:s2] =	stream.indirect.scatter.add.f32 [tilespmem:s17], [sflag:$0x3], $0x80, s11, s21, $0xb8;
	[tilespmem:$0x1C800] =	vst v63  }
0xe5: {  	_ =	swait.ge [sflag:s18], $0x4000  }
0xe6: {  	[sflag:s18] =	ssyncset.done $0x0  }
0xe7: {  	s10 =	simm.s32 $0x180;
	[sflag:s18] =	ssyncadd.s32 $0xFFFFC000  }
0xe8: {  	[tilespmem:s17], [sflag:$0x1] =	stream.indirect.gather [hbm4b:s5+s21], $0x80, s10, s21, $0xb8;
	[tilespmem:$0x1C800] =	vst v63  }
0xe9: {  	s11 =	simm.s32 $0x580  }
0xea: {  	[tilespmem:s22], [sflag:$0x2] =	stream.indirect.gather [hbm4b:s6+s21], $0x80, s11, s21, $0xb8;
	[tilespmem:$0x1C800] =	vst v63  }
0xeb: {  	_ =	swait.ge [sflag:s23], $0x4000  }
0xec: {  	[sflag:s23] =	ssyncset.done $0x0  }
0xed: {  	[sflag:s23] =	ssyncadd.s32 $0xFFFFC000  }
0xee: {  	_ =	swait.ge [sflag:s25], $0x4000  }
0xef: {  	[sflag:s25] =	ssyncset.done $0x0  }
0xf0: {  	s3 =	simm.s32 $0x0;
	[sflag:s25] =	ssyncadd.s32 $0xFFFFC000  }
0xf1: {  	v8 =	vld [tilespmem:s3+$0x4C00]  }
0xf2: {  	v12 =	vld [tilespmem:s3+$0x4C10]  }
0xf3: {  	v6 =	vld [tilespmem:s3+$0x4C20]  }
0xf4: {  	v5 =	vld [tilespmem:s3+$0x4C30]  }
0xf5: {  	v4 =	vld [tilespmem:s3+$0x4C40]  }
0xf6: {  	v3 =	vld [tilespmem:s3+$0x4C50]  }
0xf7: {  	v2 =	vld [tilespmem:s3+$0x4C60]  }
0xf8: {  	v1 =	vld [tilespmem:s3+$0x4C70]  }
0xf9: {  	v13 =	vld [tilespmem:s3+$0xC00]  }
0xfa: {  	v14 =	vld [tilespmem:s3+$0xC10]  }
0xfb: {  	v11 =	vld [tilespmem:s3+$0xC20]  }
0xfc: {  	v10 =	vld [tilespmem:s3+$0xC30]  }
0xfd: {  	v9 =	vld [tilespmem:s3+$0xC40]  }
0xfe: {  	v7 =	vld [tilespmem:s3+$0xC50];
	v13 =	vadd.f32 v8, v13  }
0xff: {  	s10 =	simm.s32 $0x200;
	v12 =	vadd.f32 v12, v14;
	v8 =	vld [tilespmem:s3+$0xC60]  }
.LBB2_11:
0x100: {  	s11 =	sshra.s32 s10, $0x2;
	p0 =	sne.s32 s10, $0xFE00;
	[tilespmem:s3+$0xC00] =	vst v13;
	v6 =	vadd.f32 v6, v11;
	v11 =	vld [tilespmem:s3+$0xC70]  }
0x101: {  	v13 =	vld [tilespmem:s11+$0x4C00];
	[tilespmem:s3+$0xC10] =	vst v12;
	v5 =	vadd.f32 v5, v10  }
0x102: {  	v12 =	vld [tilespmem:s11+$0x4C10];
	[tilespmem:s3+$0xC20] =	vst v6;
	v4 =	vadd.f32 v4, v9  }
0x103: {  	v6 =	vld [tilespmem:s11+$0x4C20];
	[tilespmem:s3+$0xC30] =	vst v5;
	v3 =	vadd.f32 v3, v7  }
0x104: {  	v5 =	vld [tilespmem:s11+$0x4C30];
	[tilespmem:s3+$0xC40] =	vst v4;
	v2 =	vadd.f32 v2, v8  }
0x105: {  	v4 =	vld [tilespmem:s11+$0x4C40];
	[tilespmem:s3+$0xC50] =	vst v3;
	v1 =	vadd.f32 v1, v11  }
0x106: {  	v3 =	vld [tilespmem:s11+$0x4C50];
	[tilespmem:s3+$0xC60] =	vst v2  }
0x107: {  	v2 =	vld [tilespmem:s11+$0x4C60];
	[tilespmem:s3+$0xC70] =	vst v1;
	s3 =	smov.u32 s11  }
0x108: {  	v1 =	vld [tilespmem:s3+$0x4C70]  }
0x109: {  	v7 =	vld [tilespmem:s3+$0xC00]  }
0x10a: {  	v8 =	vld [tilespmem:s3+$0xC10]  }
.Ltmp4:
0x10b: {  	v11 =	vld [tilespmem:s3+$0xC20];
	(pc) =	sbr.rel @p0 .LBB2_11-.Ltmp4, $4  }
0x10c: {  	v10 =	vld [tilespmem:s3+$0xC30]  }
0x10d: {  	v9 =	vld [tilespmem:s3+$0xC40]  }
0x10e: {  	v13 =	vadd.f32 v13, v7;
	v7 =	vld [tilespmem:s3+$0xC50]  }
0x10f: {  	s10 =	sadd.s32 $0x200, s10;
	v12 =	vadd.f32 v12, v8;
	v8 =	vld [tilespmem:s3+$0xC60]  }
0x110: {  	[tilespmem:s3+$0xC00] =	vst v13;
	v6 =	vadd.f32 v6, v11;
	v11 =	vld [tilespmem:s3+$0xC70]  }
0x111: {  	[tilespmem:s3+$0xC10] =	vst v12;
	v5 =	vadd.f32 v5, v10  }
0x112: {  	[tilespmem:s3+$0xC20] =	vst v6;
	v4 =	vadd.f32 v4, v9  }
0x113: {  	[tilespmem:s3+$0xC30] =	vst v5;
	v3 =	vadd.f32 v3, v7  }
0x114: {  	[tilespmem:s3+$0xC40] =	vst v4;
	v2 =	vadd.f32 v2, v8  }
0x115: {  	[tilespmem:s3+$0xC50] =	vst v3;
	v1 =	vadd.f32 v1, v11  }
0x116: {  	[tilespmem:s3+$0xC60] =	vst v2  }
0x117: {  	s10 =	simm.s32 $0x980;
	[tilespmem:s3+$0xC70] =	vst v1  }
0x118: {  	[spmem:s2] =	stream.indirect.scatter.add.f32 [tilespmem:s17], [sflag:$0x3], $0x80, s10, s21, $0xb8;
	[tilespmem:$0x1C800] =	vst v63  }
0x119: {  	_ =	swait.ge [sflag:s18], $0x4000  }
0x11a: {  	[sflag:s18] =	ssyncset.done $0x0  }
0x11b: {  	s11 =	simm.s32 $0x200;
	[sflag:s18] =	ssyncadd.s32 $0xFFFFC000  }
0x11c: {  	[tilespmem:s17], [sflag:$0x1] =	stream.indirect.gather [hbm4b:s5+s21], $0x80, s11, s21, $0xb8;
	[tilespmem:$0x1C800] =	vst v63  }
0x11d: {  	_ = 	snop  }
0x11e: {  	[tilespmem:s22], [sflag:$0x2] =	stream.indirect.gather [hbm4b:s6+s21], $0x80, s12, s21, $0xb8;
	[tilespmem:$0x1C800] =	vst v63  }
0x11f: {  	_ =	swait.ge [sflag:s23], $0x4000  }
0x120: {  	[sflag:s23] =	ssyncset.done $0x0  }
0x121: {  	[sflag:s23] =	ssyncadd.s32 $0xFFFFC000  }
0x122: {  	_ =	swait.ge [sflag:s25], $0x4000  }
0x123: {  	[sflag:s25] =	ssyncset.done $0x0  }
0x124: {  	s3 =	simm.s32 $0x0;
	[sflag:s25] =	ssyncadd.s32 $0xFFFFC000  }
0x125: {  	v8 =	vld [tilespmem:s3+$0x4C00]  }
0x126: {  	v12 =	vld [tilespmem:s3+$0x4C10]  }
0x127: {  	v6 =	vld [tilespmem:s3+$0x4C20]  }
0x128: {  	v5 =	vld [tilespmem:s3+$0x4C30]  }
0x129: {  	v4 =	vld [tilespmem:s3+$0x4C40]  }
0x12a: {  	v3 =	vld [tilespmem:s3+$0x4C50]  }
0x12b: {  	v2 =	vld [tilespmem:s3+$0x4C60]  }
0x12c: {  	v1 =	vld [tilespmem:s3+$0x4C70]  }
0x12d: {  	v13 =	vld [tilespmem:s3+$0xC00]  }
0x12e: {  	v14 =	vld [tilespmem:s3+$0xC10]  }
0x12f: {  	v11 =	vld [tilespmem:s3+$0xC20]  }
0x130: {  	v10 =	vld [tilespmem:s3+$0xC30]  }
0x131: {  	v9 =	vld [tilespmem:s3+$0xC40]  }
0x132: {  	v7 =	vld [tilespmem:s3+$0xC50];
	v13 =	vadd.f32 v8, v13  }
0x133: {  	s10 =	simm.s32 $0x200;
	v12 =	vadd.f32 v12, v14;
	v8 =	vld [tilespmem:s3+$0xC60]  }
.LBB2_13:
0x134: {  	s11 =	sshra.s32 s10, $0x2;
	p0 =	sne.s32 s10, $0xFE00;
	[tilespmem:s3+$0xC00] =	vst v13;
	v6 =	vadd.f32 v6, v11;
	v11 =	vld [tilespmem:s3+$0xC70]  }
0x135: {  	v13 =	vld [tilespmem:s11+$0x4C00];
	[tilespmem:s3+$0xC10] =	vst v12;
	v5 =	vadd.f32 v5, v10  }
0x136: {  	v12 =	vld [tilespmem:s11+$0x4C10];
	[tilespmem:s3+$0xC20] =	vst v6;
	v4 =	vadd.f32 v4, v9  }
0x137: {  	v6 =	vld [tilespmem:s11+$0x4C20];
	[tilespmem:s3+$0xC30] =	vst v5;
	v3 =	vadd.f32 v3, v7  }
0x138: {  	v5 =	vld [tilespmem:s11+$0x4C30];
	[tilespmem:s3+$0xC40] =	vst v4;
	v2 =	vadd.f32 v2, v8  }
0x139: {  	v4 =	vld [tilespmem:s11+$0x4C40];
	[tilespmem:s3+$0xC50] =	vst v3;
	v1 =	vadd.f32 v1, v11  }
0x13a: {  	v3 =	vld [tilespmem:s11+$0x4C50];
	[tilespmem:s3+$0xC60] =	vst v2  }
0x13b: {  	v2 =	vld [tilespmem:s11+$0x4C60];
	[tilespmem:s3+$0xC70] =	vst v1;
	s3 =	smov.u32 s11  }
0x13c: {  	v1 =	vld [tilespmem:s3+$0x4C70]  }
0x13d: {  	v7 =	vld [tilespmem:s3+$0xC00]  }
0x13e: {  	v8 =	vld [tilespmem:s3+$0xC10]  }
.Ltmp5:
0x13f: {  	v11 =	vld [tilespmem:s3+$0xC20];
	(pc) =	sbr.rel @p0 .LBB2_13-.Ltmp5, $4  }
0x140: {  	v10 =	vld [tilespmem:s3+$0xC30]  }
0x141: {  	v9 =	vld [tilespmem:s3+$0xC40]  }
0x142: {  	v13 =	vadd.f32 v13, v7;
	v7 =	vld [tilespmem:s3+$0xC50]  }
0x143: {  	s10 =	sadd.s32 $0x200, s10;
	v12 =	vadd.f32 v12, v8;
	v8 =	vld [tilespmem:s3+$0xC60]  }
0x144: {  	[tilespmem:s3+$0xC00] =	vst v13;
	v6 =	vadd.f32 v6, v11;
	v11 =	vld [tilespmem:s3+$0xC70]  }
0x145: {  	[tilespmem:s3+$0xC10] =	vst v12;
	v5 =	vadd.f32 v5, v10  }
0x146: {  	[tilespmem:s3+$0xC20] =	vst v6;
	v4 =	vadd.f32 v4, v9  }
0x147: {  	[tilespmem:s3+$0xC30] =	vst v5;
	v3 =	vadd.f32 v3, v7  }
0x148: {  	[tilespmem:s3+$0xC40] =	vst v4;
	v2 =	vadd.f32 v2, v8  }
0x149: {  	[tilespmem:s3+$0xC50] =	vst v3;
	v1 =	vadd.f32 v1, v11  }
0x14a: {  	[tilespmem:s3+$0xC60] =	vst v2  }
0x14b: {  	[tilespmem:s3+$0xC70] =	vst v1  }
0x14c: {  	[spmem:s2] =	stream.indirect.scatter.add.f32 [tilespmem:s17], [sflag:$0x3], $0x80, s14, s21, $0xb8;
	[tilespmem:$0x1C800] =	vst v63  }
0x14d: {  	_ =	swait.ge [sflag:s18], $0x4000  }
0x14e: {  	[sflag:s18] =	ssyncset.done $0x0  }
0x14f: {  	[sflag:s18] =	ssyncadd.s32 $0xFFFFC000  }
0x150: {  	[tilespmem:s17], [sflag:$0x1] =	stream.indirect.gather [hbm4b:s5+s21], $0x80, s16, s21, $0xb8;
	[tilespmem:$0x1C800] =	vst v63  }
0x151: {  	_ = 	snop  }
0x152: {  	[tilespmem:s22], [sflag:$0x2] =	stream.indirect.gather [hbm4b:s6+s21], $0x80, s24, s21, $0xb8;
	[tilespmem:$0x1C800] =	vst v63  }
0x153: {  	_ =	swait.ge [sflag:s23], $0x4000  }
0x154: {  	[sflag:s23] =	ssyncset.done $0x0  }
0x155: {  	[sflag:s23] =	ssyncadd.s32 $0xFFFFC000  }
0x156: {  	_ =	swait.ge [sflag:s25], $0x4000  }
0x157: {  	[sflag:s25] =	ssyncset.done $0x0  }
0x158: {  	s3 =	simm.s32 $0x0;
	[sflag:s25] =	ssyncadd.s32 $0xFFFFC000  }
0x159: {  	v8 =	vld [tilespmem:s3+$0x4C00]  }
0x15a: {  	v12 =	vld [tilespmem:s3+$0x4C10]  }
0x15b: {  	v6 =	vld [tilespmem:s3+$0x4C20]  }
0x15c: {  	v5 =	vld [tilespmem:s3+$0x4C30]  }
0x15d: {  	v4 =	vld [tilespmem:s3+$0x4C40]  }
0x15e: {  	v3 =	vld [tilespmem:s3+$0x4C50]  }
0x15f: {  	v2 =	vld [tilespmem:s3+$0x4C60]  }
0x160: {  	v1 =	vld [tilespmem:s3+$0x4C70]  }
0x161: {  	v13 =	vld [tilespmem:s3+$0xC00]  }
0x162: {  	v14 =	vld [tilespmem:s3+$0xC10]  }
0x163: {  	v11 =	vld [tilespmem:s3+$0xC20]  }
0x164: {  	v10 =	vld [tilespmem:s3+$0xC30]  }
0x165: {  	v9 =	vld [tilespmem:s3+$0xC40]  }
0x166: {  	v7 =	vld [tilespmem:s3+$0xC50];
	v13 =	vadd.f32 v8, v13  }
0x167: {  	s10 =	simm.s32 $0x200;
	v12 =	vadd.f32 v12, v14;
	v8 =	vld [tilespmem:s3+$0xC60]  }
.LBB2_15:
0x168: {  	s11 =	sshra.s32 s10, $0x2;
	p0 =	sne.s32 s10, $0xFE00;
	[tilespmem:s3+$0xC00] =	vst v13;
	v6 =	vadd.f32 v6, v11;
	v11 =	vld [tilespmem:s3+$0xC70]  }
0x169: {  	v13 =	vld [tilespmem:s11+$0x4C00];
	[tilespmem:s3+$0xC10] =	vst v12;
	v5 =	vadd.f32 v5, v10  }
0x16a: {  	v12 =	vld [tilespmem:s11+$0x4C10];
	[tilespmem:s3+$0xC20] =	vst v6;
	v4 =	vadd.f32 v4, v9  }
0x16b: {  	v6 =	vld [tilespmem:s11+$0x4C20];
	[tilespmem:s3+$0xC30] =	vst v5;
	v3 =	vadd.f32 v3, v7  }
0x16c: {  	v5 =	vld [tilespmem:s11+$0x4C30];
	[tilespmem:s3+$0xC40] =	vst v4;
	v2 =	vadd.f32 v2, v8  }
0x16d: {  	v4 =	vld [tilespmem:s11+$0x4C40];
	[tilespmem:s3+$0xC50] =	vst v3;
	v1 =	vadd.f32 v1, v11  }
0x16e: {  	v3 =	vld [tilespmem:s11+$0x4C50];
	[tilespmem:s3+$0xC60] =	vst v2  }
0x16f: {  	v2 =	vld [tilespmem:s11+$0x4C60];
	[tilespmem:s3+$0xC70] =	vst v1;
	s3 =	smov.u32 s11  }
0x170: {  	v1 =	vld [tilespmem:s3+$0x4C70]  }
0x171: {  	v7 =	vld [tilespmem:s3+$0xC00]  }
0x172: {  	v8 =	vld [tilespmem:s3+$0xC10]  }
.Ltmp6:
0x173: {  	v11 =	vld [tilespmem:s3+$0xC20];
	(pc) =	sbr.rel @p0 .LBB2_15-.Ltmp6, $4  }
0x174: {  	v10 =	vld [tilespmem:s3+$0xC30]  }
0x175: {  	v9 =	vld [tilespmem:s3+$0xC40]  }
0x176: {  	v13 =	vadd.f32 v13, v7;
	v7 =	vld [tilespmem:s3+$0xC50]  }
0x177: {  	s10 =	sadd.s32 $0x200, s10;
	v12 =	vadd.f32 v12, v8;
	v8 =	vld [tilespmem:s3+$0xC60]  }
0x178: {  	[tilespmem:s3+$0xC00] =	vst v13;
	v6 =	vadd.f32 v6, v11;
	v11 =	vld [tilespmem:s3+$0xC70]  }
0x179: {  	[tilespmem:s3+$0xC10] =	vst v12;
	v5 =	vadd.f32 v5, v10  }
0x17a: {  	[tilespmem:s3+$0xC20] =	vst v6;
	v4 =	vadd.f32 v4, v9  }
0x17b: {  	[tilespmem:s3+$0xC30] =	vst v5;
	v3 =	vadd.f32 v3, v7  }
0x17c: {  	[tilespmem:s3+$0xC40] =	vst v4;
	v2 =	vadd.f32 v2, v8  }
0x17d: {  	[tilespmem:s3+$0xC50] =	vst v3;
	v1 =	vadd.f32 v1, v11  }
0x17e: {  	[tilespmem:s3+$0xC60] =	vst v2  }
0x17f: {  	[tilespmem:s3+$0xC70] =	vst v1  }
0x180: {  	[spmem:s2] =	stream.indirect.scatter.add.f32 [tilespmem:s17], [sflag:$0x3], $0x80, s9, s21, $0xb8;
	[tilespmem:$0x1C800] =	vst v63  }
0x181: {  	_ =	swait.ge [sflag:s18], $0x4000  }
0x182: {  	[sflag:s18] =	ssyncset.done $0x0  }
0x183: {  	[sflag:s18] =	ssyncadd.s32 $0xFFFFC000  }
0x184: {  	[tilespmem:s17], [sflag:$0x1] =	stream.indirect.gather [hbm4b:s5+s21], $0x80, s4, s21, $0xb8;
	[tilespmem:$0x1C800] =	vst v63  }
0x185: {  	_ = 	snop  }
0x186: {  	[tilespmem:s22], [sflag:$0x2] =	stream.indirect.gather [hbm4b:s6+s21], $0x80, s1, s21, $0xb8;
	[tilespmem:$0x1C800] =	vst v63  }
0x187: {  	_ =	swait.ge [sflag:s23], $0x4000  }
0x188: {  	[sflag:s23] =	ssyncset.done $0x0  }
0x189: {  	[sflag:s23] =	ssyncadd.s32 $0xFFFFC000  }
0x18a: {  	_ =	swait.ge [sflag:s25], $0x4000  }
0x18b: {  	[sflag:s25] =	ssyncset.done $0x0  }
0x18c: {  	s3 =	simm.s32 $0x0;
	[sflag:s25] =	ssyncadd.s32 $0xFFFFC000  }
0x18d: {  	v8 =	vld [tilespmem:s3+$0x4C00]  }
0x18e: {  	v12 =	vld [tilespmem:s3+$0x4C10]  }
0x18f: {  	v6 =	vld [tilespmem:s3+$0x4C20]  }
0x190: {  	v5 =	vld [tilespmem:s3+$0x4C30]  }
0x191: {  	v4 =	vld [tilespmem:s3+$0x4C40]  }
0x192: {  	v3 =	vld [tilespmem:s3+$0x4C50]  }
0x193: {  	v2 =	vld [tilespmem:s3+$0x4C60]  }
0x194: {  	v1 =	vld [tilespmem:s3+$0x4C70]  }
0x195: {  	v13 =	vld [tilespmem:s3+$0xC00]  }
0x196: {  	v14 =	vld [tilespmem:s3+$0xC10]  }
0x197: {  	v11 =	vld [tilespmem:s3+$0xC20]  }
0x198: {  	v10 =	vld [tilespmem:s3+$0xC30]  }
0x199: {  	v9 =	vld [tilespmem:s3+$0xC40]  }
0x19a: {  	v7 =	vld [tilespmem:s3+$0xC50];
	v13 =	vadd.f32 v8, v13  }
0x19b: {  	s10 =	simm.s32 $0x200;
	v12 =	vadd.f32 v12, v14;
	v8 =	vld [tilespmem:s3+$0xC60]  }
.LBB2_17:
0x19c: {  	s11 =	sshra.s32 s10, $0x2;
	p0 =	sne.s32 s10, $0xFE00;
	[tilespmem:s3+$0xC00] =	vst v13;
	v6 =	vadd.f32 v6, v11;
	v11 =	vld [tilespmem:s3+$0xC70]  }
0x19d: {  	v13 =	vld [tilespmem:s11+$0x4C00];
	[tilespmem:s3+$0xC10] =	vst v12;
	v5 =	vadd.f32 v5, v10  }
0x19e: {  	v12 =	vld [tilespmem:s11+$0x4C10];
	[tilespmem:s3+$0xC20] =	vst v6;
	v4 =	vadd.f32 v4, v9  }
0x19f: {  	v6 =	vld [tilespmem:s11+$0x4C20];
	[tilespmem:s3+$0xC30] =	vst v5;
	v3 =	vadd.f32 v3, v7  }
0x1a0: {  	v5 =	vld [tilespmem:s11+$0x4C30];
	[tilespmem:s3+$0xC40] =	vst v4;
	v2 =	vadd.f32 v2, v8  }
0x1a1: {  	v4 =	vld [tilespmem:s11+$0x4C40];
	[tilespmem:s3+$0xC50] =	vst v3;
	v1 =	vadd.f32 v1, v11  }
0x1a2: {  	v3 =	vld [tilespmem:s11+$0x4C50];
	[tilespmem:s3+$0xC60] =	vst v2  }
0x1a3: {  	v2 =	vld [tilespmem:s11+$0x4C60];
	[tilespmem:s3+$0xC70] =	vst v1;
	s3 =	smov.u32 s11  }
0x1a4: {  	v1 =	vld [tilespmem:s3+$0x4C70]  }
0x1a5: {  	v7 =	vld [tilespmem:s3+$0xC00]  }
0x1a6: {  	v8 =	vld [tilespmem:s3+$0xC10]  }
.Ltmp7:
0x1a7: {  	v11 =	vld [tilespmem:s3+$0xC20];
	(pc) =	sbr.rel @p0 .LBB2_17-.Ltmp7, $4  }
0x1a8: {  	v10 =	vld [tilespmem:s3+$0xC30]  }
0x1a9: {  	v9 =	vld [tilespmem:s3+$0xC40]  }
0x1aa: {  	v13 =	vadd.f32 v13, v7;
	v7 =	vld [tilespmem:s3+$0xC50]  }
0x1ab: {  	s10 =	sadd.s32 $0x200, s10;
	v12 =	vadd.f32 v12, v8;
	v8 =	vld [tilespmem:s3+$0xC60]  }
0x1ac: {  	[tilespmem:s3+$0xC00] =	vst v13;
	v6 =	vadd.f32 v6, v11;
	v11 =	vld [tilespmem:s3+$0xC70]  }
0x1ad: {  	[tilespmem:s3+$0xC10] =	vst v12;
	v5 =	vadd.f32 v5, v10  }
0x1ae: {  	[tilespmem:s3+$0xC20] =	vst v6;
	v4 =	vadd.f32 v4, v9  }
0x1af: {  	[tilespmem:s3+$0xC30] =	vst v5;
	v3 =	vadd.f32 v3, v7  }
0x1b0: {  	[tilespmem:s3+$0xC40] =	vst v4;
	v2 =	vadd.f32 v2, v8  }
0x1b1: {  	[tilespmem:s3+$0xC50] =	vst v3;
	v1 =	vadd.f32 v1, v11  }
0x1b2: {  	[tilespmem:s3+$0xC60] =	vst v2  }
0x1b3: {  	[tilespmem:s3+$0xC70] =	vst v1  }
0x1b4: {  	[spmem:s2] =	stream.indirect.scatter.add.f32 [tilespmem:s17], [sflag:$0x3], $0x80, s26, s21, $0xb8;
	[tilespmem:$0x1C800] =	vst v63  }
0x1b5: {  	_ =	swait.ge [sflag:s18], $0x4000  }
0x1b6: {  	[sflag:s18] =	ssyncset.done $0x0  }
0x1b7: {  	[sflag:s18] =	ssyncadd.s32 $0xFFFFC000  }
0x1b8: {  	[tilespmem:s17], [sflag:$0x1] =	stream.indirect.gather [hbm4b:s5+s21], $0x80, s28, s21, $0xb8;
	[tilespmem:$0x1C800] =	vst v63  }
0x1b9: {  	_ = 	snop  }
0x1ba: {  	[tilespmem:s22], [sflag:$0x2] =	stream.indirect.gather [hbm4b:s6+s21], $0x80, s29, s21, $0xb8;
	[tilespmem:$0x1C800] =	vst v63  }
0x1bb: {  	_ =	swait.ge [sflag:s23], $0x4000  }
0x1bc: {  	[sflag:s23] =	ssyncset.done $0x0  }
0x1bd: {  	[sflag:s23] =	ssyncadd.s32 $0xFFFFC000  }
0x1be: {  	_ =	swait.ge [sflag:s25], $0x4000  }
0x1bf: {  	[sflag:s25] =	ssyncset.done $0x0  }
0x1c0: {  	s3 =	simm.s32 $0x0;
	[sflag:s25] =	ssyncadd.s32 $0xFFFFC000  }
0x1c1: {  	v8 =	vld [tilespmem:s3+$0x4C00]  }
0x1c2: {  	v12 =	vld [tilespmem:s3+$0x4C10]  }
0x1c3: {  	v6 =	vld [tilespmem:s3+$0x4C20]  }
0x1c4: {  	v5 =	vld [tilespmem:s3+$0x4C30]  }
0x1c5: {  	v4 =	vld [tilespmem:s3+$0x4C40]  }
0x1c6: {  	v3 =	vld [tilespmem:s3+$0x4C50]  }
0x1c7: {  	v2 =	vld [tilespmem:s3+$0x4C60]  }
0x1c8: {  	v1 =	vld [tilespmem:s3+$0x4C70]  }
0x1c9: {  	v13 =	vld [tilespmem:s3+$0xC00]  }
0x1ca: {  	v14 =	vld [tilespmem:s3+$0xC10]  }
0x1cb: {  	v11 =	vld [tilespmem:s3+$0xC20]  }
0x1cc: {  	v10 =	vld [tilespmem:s3+$0xC30]  }
0x1cd: {  	v9 =	vld [tilespmem:s3+$0xC40]  }
0x1ce: {  	v7 =	vld [tilespmem:s3+$0xC50];
	v13 =	vadd.f32 v8, v13  }
0x1cf: {  	s10 =	simm.s32 $0x200;
	v12 =	vadd.f32 v12, v14;
	v8 =	vld [tilespmem:s3+$0xC60]  }
.LBB2_19:
0x1d0: {  	s11 =	sshra.s32 s10, $0x2;
	p0 =	sne.s32 s10, $0xFE00;
	[tilespmem:s3+$0xC00] =	vst v13;
	v6 =	vadd.f32 v6, v11;
	v11 =	vld [tilespmem:s3+$0xC70]  }
0x1d1: {  	v13 =	vld [tilespmem:s11+$0x4C00];
	[tilespmem:s3+$0xC10] =	vst v12;
	v5 =	vadd.f32 v5, v10  }
0x1d2: {  	v12 =	vld [tilespmem:s11+$0x4C10];
	[tilespmem:s3+$0xC20] =	vst v6;
	v4 =	vadd.f32 v4, v9  }
0x1d3: {  	v6 =	vld [tilespmem:s11+$0x4C20];
	[tilespmem:s3+$0xC30] =	vst v5;
	v3 =	vadd.f32 v3, v7  }
0x1d4: {  	v5 =	vld [tilespmem:s11+$0x4C30];
	[tilespmem:s3+$0xC40] =	vst v4;
	v2 =	vadd.f32 v2, v8  }
0x1d5: {  	v4 =	vld [tilespmem:s11+$0x4C40];
	[tilespmem:s3+$0xC50] =	vst v3;
	v1 =	vadd.f32 v1, v11  }
0x1d6: {  	v3 =	vld [tilespmem:s11+$0x4C50];
	[tilespmem:s3+$0xC60] =	vst v2  }
0x1d7: {  	v2 =	vld [tilespmem:s11+$0x4C60];
	[tilespmem:s3+$0xC70] =	vst v1;
	s3 =	smov.u32 s11  }
0x1d8: {  	v1 =	vld [tilespmem:s3+$0x4C70]  }
0x1d9: {  	v7 =	vld [tilespmem:s3+$0xC00]  }
0x1da: {  	v8 =	vld [tilespmem:s3+$0xC10]  }
.Ltmp8:
0x1db: {  	v11 =	vld [tilespmem:s3+$0xC20];
	(pc) =	sbr.rel @p0 .LBB2_19-.Ltmp8, $4  }
0x1dc: {  	v10 =	vld [tilespmem:s3+$0xC30]  }
0x1dd: {  	v9 =	vld [tilespmem:s3+$0xC40]  }
0x1de: {  	v13 =	vadd.f32 v13, v7;
	v7 =	vld [tilespmem:s3+$0xC50]  }
0x1df: {  	s10 =	sadd.s32 $0x200, s10;
	v12 =	vadd.f32 v12, v8;
	v8 =	vld [tilespmem:s3+$0xC60]  }
0x1e0: {  	[tilespmem:s3+$0xC00] =	vst v13;
	v6 =	vadd.f32 v6, v11;
	v63 =	vld [tilespmem:s3+$0xC70]  }
0x1e1: {  	[tilespmem:s3+$0xC10] =	vst v12;
	v5 =	vadd.f32 v5, v10  }
0x1e2: {  	[tilespmem:s3+$0xC20] =	vst v6;
	v4 =	vadd.f32 v4, v9  }
0x1e3: {  	[tilespmem:s3+$0xC30] =	vst v5;
	v3 =	vadd.f32 v3, v7  }
0x1e4: {  	[tilespmem:s3+$0xC40] =	vst v4;
	v2 =	vadd.f32 v2, v8  }
0x1e5: {  	s0 =	sadd.s32 $0x1, s0;
	[tilespmem:s3+$0xC50] =	vst v3;
	v1 =	vadd.f32 v1, v63  }
0x1e6: {  	p0 =	sne.s32 s0, s13;
	[tilespmem:s3+$0xC60] =	vst v2  }
.Ltmp9:
0x1e7: {  	[tilespmem:s3+$0xC70] =	vst v1;
	(pc) =	sbr.rel @p0 .LBB2_4-.Ltmp9, $4  }
0x1e8: {  	[spmem:s2] =	stream.indirect.scatter.add.f32 [tilespmem:s17], [sflag:$0x3], $0x80, s30, s21, $0xb8;
	[tilespmem:$0x1C800] =	vst v63  }
0x1e9: {  	_ =	swait.ge [sflag:s18], $0x4000  }
0x1ea: {  	[sflag:s18] =	ssyncset.done $0x0  }
0x1eb: {  	[sflag:s18] =	ssyncadd.s32 $0xFFFFC000  }
0x1ec: {  	s0 =	stileid.u32;
	[bflag:$0x0] =	sbarrier.arrive $0xFFFF  }
0x1ed: {  	s0 =	sshll.u32 s0, $0x6;
	s31 =	rddreg [dreg:$0x5]  }
0x1ee: {  	s10 =	rddreg [dreg:$0xb];
	s0 =	sor.u32 $0x1C03, s0;
	s3 =	sshrl.u32 s31, $0x3  }
0x1ef: {  	[hbm:s10], [sflag:s0] =	dma.local [spmem:s3], $0x2780  }
0x1f0: {  	_ =	swait.ge [sflag:s18], $0x2780  }
0x1f1: {  	s11 =	rddreg [dreg:$0x4]  }
0x1f2: {  	s10 =	rddreg [dreg:$0xa];
	s11 =	sadd.s32 $0x1, s11  }
0x1f3: {  	p0 =	sne.s32 s11, s10  }
.Ltmp10:
0x1f4: {  	_ = 	snop;
	(pc) =	sbr.rel @p0 .LBB2_1-.Ltmp10, $3  }
0x1f5: {  	_ =	sdelay $0x1  }
0x1f6: {  	[sflag:s18] =	ssyncset.done $0x0  }
0x1f7: {  	[sflag:s18] =	ssyncadd.s32 $0xFFFFD880  }
0x1f8: {  	_ =	sfence.sel $0x180000  }
0x1f9: {  	[bflag:$0x0] =	sbarrier.arrive $0xFFFF  }
0x1fa: {  	_ =	strace $0x9000004A  }
0x1fb: {  	s0 =	stileid.u32;
	[bflag:$0x2] =	sbarrier.arrive $0xFFFF  }
0x1fc: {  	p0 =	sne.s32 s0, $0x0;
	s0 =	rddreg [dreg:$0x3]  }
0x1fd: {  	s0 =	sadd.s32 @!p0 $0x100000, s0  }
0x1fe: {  	[sflag:s0] =	ssyncadd.tile.s32 @!p0 $0x1;
	_ =	shalt  }
.Lfunc_end2:
_tile_overlayer_lowered:
.L_overlay_start_2:
0x1ff: {  	(tag) =	ssettag $0x2  }
0x200: {  	s0 =	rddreg [dreg:$0x0];
	s2 =	stileid.u32  }
0x201: {  	s1 =	rddreg [dreg:$0x1];
	p0 =	sne.s32 s2, $0x0  }
0x202: {  	s3 =	rddreg [dreg:$0x2];
	[bflag:$0x3] =	sbarrier.arrive $0xFFFF;
	s2 =	simm.s32 @!p0 $0x1C03  }
0x203: {  	[timem:s3], [sflag:s2] =	dma.local @!p0 [hbm:s0], s1  }
0x204: {  	s0 =	simm.s32 @!p0 $0x3  }
0x205: {  	_ =	swait.ge @!p0 [sflag:s0], s1  }
0x206: {  	s1 =	ssub.s32 @!p0 $0x0, s1;
	[sflag:s0] =	ssyncset.done @!p0 $0x0  }
0x207: {  	[sflag:s0] =	ssyncadd.s32 @!p0 s1  }
0x208: {  	[bflag:$0x3] =	sbarrier.arrive $0xFFFF  }
0x209: {  	_ =	shalt  }

// kernel: kernel.8.cloned.1.call-start
scs
__scs_entry_jumppad:
0x0: {  	(pc) =	sbr.rel $0x88, $3  }
0x1: {  	(tag) =	ssettag $0x0;
	lr =	simm.s32 $0x1  }
0x2: {  	[smem:$0x3F98] =	sst lr;
	_ =	strace $0xD0000000  }
0x3: {  	_ = 	snop  }
0x4: {  	_ = 	snop  }
0x5: {  	_ = 	snop  }
0x6: {  	_ = 	snop  }
0x7: {  	_ = 	snop  }
__scs_overlays_trampoline_lowered:
0x8: {  	[smem:$0x3FA7] =	sst s0  }
0x9: {  	[smem:$0x3FA8] =	sst s1  }
0xa: {  	[smem:$0x3FA9] =	sst s2  }
0xb: {  	[smem:$0x3FAA] =	sst s3  }
0xc: {  	[smem:$0x3FAB] =	sst s4  }
0xd: {  	[smem:$0x3FAC] =	sst s5  }
0xe: {  	[smem:$0x3FAD] =	sst s6  }
0xf: {  	[smem:$0x3FAE] =	sst s7  }
0x10: {  	[smem:$0x3FAF] =	sst s8  }
0x11: {  	[smem:$0x3FB0] =	sst s9;
	s0 =	simm.s32 @!p0 $0x0  }
0x12: {  	s1 =	sld [smem:$0x3F96];
	s0 =	simm.s32 @p0 $0x1  }
0x13: {  	[smem:$0x3FB1] =	sst s0;
	s0 =	simm.s32 @!p1 $0x0  }
0x14: {  	s2 =	sld [smem:$0x3F95];
	s0 =	simm.s32 @p1 $0x1  }
0x15: {  	[smem:$0x3FB2] =	sst s0;
	s0 =	simm.s32 @!p2 $0x0  }
0x16: {  	s3 =	sld [smem:$0x3FDB];
	s0 =	simm.s32 @p2 $0x1  }
0x17: {  	s4 =	simm.s32 $0x1BF5;
	[smem:$0x3FB4] =	sst s0  }
0x18: {  	s0 =	sld [smem:$0x3F97];
	_ =	swait.ge [sflag:s4], $0x0  }
0x19: {  	s7 =	sld [smem:$0x3F98]  }
0x1a: {  	s8 =	sadd.s32 $0xFFFFE003, lr  }
0x1b: {  	s9 =	sadd.s32 $0xFFFFFEF7, lr;
	s5 =	simm.s32 $0xFFFFFFFF;
	p2 =	slt.u32 s8, $0xFFFFF086  }
0x1c: {  	p1 =	slt.u32 s9, $0xF7A;
	s5 =	simm.s32 @!p2 $0x0  }
0x1d: {  	s5 =	simm.s32 @p1 $0x1;
	p0 =	seq.s32 s7, s2  }
0x1e: {  	s7 =	smul.u32 @!p0 $0xF7A, s2;
	p2 =	seq.s32 @!p0 s5, $0x0  }
0x1f: {  	s9 =	smul.u32 $0xF7A, s1;
	s8 =	simm.s32 @!p0 $0x1BF5;
	p2 =	por !p2, p0  }
0x20: {  	[sflag:s8] =	ssyncset.s32 @!p0 $0xFFFFF086;
	s6 =	sadd.s32 @!p0 s3, s7;
	s7 =	simm.s32 @!p0 $0x108  }
0x21: {  	s3 =	sadd.s32 s3, s9;
	s6 =	sadd.s32 @!p0 $0x88, s6;
	s7 =	simm.s32 @p2 $0x1082  }
0x22: {  	[simem:s7], [sflag:s8] =	dma.local @!p0 [hbm:s6], $0xF7A  }
0x23: {  	s9 =	sor.u32 $0xD0000000, s2;
	s6 =	simm.s32 $0x108;
	_ =	swait.ge @!p0 [sflag:s8], $0x0  }
0x24: {  	s3 =	sadd.s32 $0x88, s3;
	s6 =	simm.s32 @!p1 $0x1082;
	[sflag:s4] =	ssyncset.s32 $0xFFFFF086  }
0x25: {  	[simem:s6], [sflag:s4] =	dma.local [hbm:s3], $0xF7A  }
0x26: {  	[smem:$0x3F98] =	sst s1;
	(tag) =	ssettag s2;
	_ =	strace s9  }
0x27: {  	s1 =	sld [smem:$0x3FA8]  }
0x28: {  	s2 =	sld [smem:$0x3FA9]  }
0x29: {  	s4 =	sld [smem:$0x3FAB]  }
0x2a: {  	p0 =	seq.s32 s5, $0x0;
	s5 =	sld [smem:$0x3FAC]  }
0x2b: {  	s6 =	sld [smem:$0x3FAD]  }
0x2c: {  	s7 =	sld [smem:$0x3FAE]  }
0x2d: {  	s3 =	simm.s32 $0x108;
	s8 =	sld [smem:$0x3FAF]  }
0x2e: {  	s3 =	simm.s32 @!p0 $0x1082;
	s9 =	sld [smem:$0x3FB0]  }
0x2f: {  	lr =	sadd.s32 s0, s3;
	s0 =	sld [smem:$0x3FA7]  }
0x30: {  	s3 =	sld [smem:$0x3FAA]  }
0x31: {  	[smem:$0x3FB3] =	sst s10  }
0x32: {  	s10 =	sld [smem:$0x3FB1];
	_ =	sdelay $0x3  }
0x33: {  	p0 =	seq.s32 s10, $0x1;
	s10 =	sld [smem:$0x3FB3];
	_ =	sdelay $0x3  }
0x34: {  	[smem:$0x3FB3] =	sst s10  }
0x35: {  	s10 =	sld [smem:$0x3FB2];
	_ =	sdelay $0x3  }
0x36: {  	p1 =	seq.s32 s10, $0x1;
	s10 =	sld [smem:$0x3FB3];
	_ =	sdelay $0x3  }
0x37: {  	[smem:$0x3FB3] =	sst s10  }
0x38: {  	s10 =	sld [smem:$0x3FB4]  }
0x39: {  	_ = 	snop;
	(pc) =	sbr.ind lr, $3  }
0x3a: {  	_ = 	snop  }
0x3b: {  	_ = 	snop  }
0x3c: {  	p2 =	seq.s32 s10, $0x1;
	s10 =	sld [smem:$0x3FB3]  }
0x3d: {  	_ =	shalt  }
0x3e: {  	_ =	shalt  }
0x3f: {  	_ =	shalt  }
0x40: {  	_ =	shalt  }
0x41: {  	_ =	shalt  }
0x42: {  	_ =	shalt  }
0x43: {  	_ =	shalt  }
0x44: {  	_ =	shalt  }
0x45: {  	_ =	shalt  }
0x46: {  	_ =	shalt  }
0x47: {  	_ =	shalt  }
0x48: {  	_ =	shalt  }
0x49: {  	_ =	shalt  }
0x4a: {  	_ =	shalt  }
0x4b: {  	_ =	shalt  }
0x4c: {  	_ =	shalt  }
0x4d: {  	_ =	shalt  }
0x4e: {  	_ =	shalt  }
0x4f: {  	_ =	shalt  }
0x50: {  	_ =	shalt  }
0x51: {  	_ =	shalt  }
0x52: {  	_ =	shalt  }
0x53: {  	_ =	shalt  }
0x54: {  	_ =	shalt  }
0x55: {  	_ =	shalt  }
0x56: {  	_ =	shalt  }
0x57: {  	_ =	shalt  }
0x58: {  	_ =	shalt  }
0x59: {  	_ =	shalt  }
0x5a: {  	_ =	shalt  }
0x5b: {  	_ =	shalt  }
0x5c: {  	_ =	shalt  }
0x5d: {  	_ =	shalt  }
0x5e: {  	_ =	shalt  }
0x5f: {  	_ =	shalt  }
0x60: {  	_ =	shalt  }
0x61: {  	_ =	shalt  }
0x62: {  	_ =	shalt  }
0x63: {  	_ =	shalt  }
0x64: {  	_ =	shalt  }
0x65: {  	_ =	shalt  }
0x66: {  	_ =	shalt  }
0x67: {  	_ =	shalt  }
0x68: {  	_ =	shalt  }
0x69: {  	_ =	shalt  }
0x6a: {  	_ =	shalt  }
0x6b: {  	_ =	shalt  }
0x6c: {  	_ =	shalt  }
0x6d: {  	_ =	shalt  }
0x6e: {  	_ =	shalt  }
0x6f: {  	_ =	shalt  }
0x70: {  	_ =	shalt  }
0x71: {  	_ =	shalt  }
0x72: {  	_ =	shalt  }
0x73: {  	_ =	shalt  }
0x74: {  	_ =	shalt  }
0x75: {  	_ =	shalt  }
0x76: {  	_ =	shalt  }
0x77: {  	_ =	shalt  }
0x78: {  	_ =	shalt  }
0x79: {  	_ =	shalt  }
0x7a: {  	_ =	shalt  }
0x7b: {  	_ =	shalt  }
0x7c: {  	_ =	shalt  }
0x7d: {  	_ =	shalt  }
0x7e: {  	_ =	shalt  }
0x7f: {  	_ =	shalt  }
0x80: {  	_ =	shalt  }
0x81: {  	_ =	shalt  }
0x82: {  	_ =	shalt  }
0x83: {  	_ =	shalt  }
0x84: {  	_ =	shalt  }
0x85: {  	_ =	shalt  }
0x86: {  	_ =	shalt  }
0x87: {  	_ =	shalt  }
.Lfunc_end0:
.L_simem_size_0:
called_computation.1_lowered:
.L_overlay_start_0:
0x88: {  	s2 =	sld [smem:$0x3FD9]  }
0x89: {  	s3 =	sld [smem:$0x3FFE];
	_ =	sdelay $0x1  }
0x8a: {  	s1 =	srdreg.scid  }
0x8b: {  	s0 =	sand.u32 $0x1, s1  }
0x8c: {  	s16 =	sshll.u32 s0, $0xA;
	s2 =	sadd.s32 s3, s2  }
0x8d: {  	s2 =	sadd.s32 s2, s16  }
0x8e: {  	[smem:$0x3FBF] =	sst s2  }
0x8f: {  	_ = 	snop  }
0x90: {  	(tm) =	ssettm $0x1  }
0x91: {  	s17 =	sld [smem:$0x3FFB];
	_ =	sdelay $0x3  }
0x92: {  	_ =	strace s17  }
0x93: {  	s2 =	sld [smem:$0x3FFC];
	_ =	sdelay $0x3  }
0x94: {  	_ =	strace s2  }
0x95: {  	s2 =	sld [smem:$0x3FFD];
	_ =	sdelay $0x3  }
0x96: {  	_ =	strace s2  }
0x97: {  	_ =	strace $0x8FFFFFFF  }
0x98: {  	s18 =	sld [smem:$0x3FDB];
	_ =	sdelay $0x1  }
0x99: {  	s19 =	simm.s32 $_scs_section_size  }
0x9a: {  	s4 =	simm.s32 $_size__tile_overlayer_lowered;
	s5 =	simm.s32 $_tile_overlayer_lowered  }
0x9b: {  	s22 =	simm.s32 $0x1BFF;
	s21 =	sshll.u32 s5, $0x1;
	s2 =	sadd.s32 s19, s18  }
0x9c: {  	s6 =	simm.s32 $0x0;
	s20 =	sshll.u32 s4, $0x1;
	s4 =	sadd.s32 s21, s2  }
0x9d: {  	[timem:s6], [sflag:s22] =	dma.local [hbm:s4], s20  }
0x9e: {  	_ =	swait.ge [sflag:s22], s20  }
0x9f: {  	s3 =	ssub.s32 $0x0, s20;
	[sflag:s22] =	ssyncset.done $0x0  }
0xa0: {  	[sflag:s22] =	ssyncadd.s32 s3;
	_ =	sdelay $0x1  }
0xa1: {  	s23 =	simm.s32 $0x1B8B  }
0xa2: {  	_ =	swait.ge [sflag:s23], $0x1  }
0xa3: {  	[sflag:s23] =	ssyncset.done $0x0  }
0xa4: {  	s25 =	simm.s32 $0x1B8E;
	s24 =	sld [smem:$0x3FFE];
	[sflag:s23] =	ssyncadd.s32 $0xFFFFFFFF  }
0xa5: {  	s26 =	simm.s32 $execute0_lowered;
	[smem:$0x3FD2] =	sst s25  }
0xa6: {  	s4 =	sshll.u32 s26, $0x1;
	_ =	strace $0x80000046;
	[dreg:$0x1] =	wrdreg $0xFFFFFFFF  }
0xa7: {  	s28 =	simm.s32 $_size_execute0_lowered;
	s2 =	sadd.s32 s2, s4;
	[dreg:$0x0] =	wrdreg $0x0  }
0xa8: {  	s4 =	sshll.u32 s28, $0x1;
	[dreg:$0x2] =	wrdreg s2  }
0xa9: {  	[dreg:$0x3] =	wrdreg s4  }
0xaa: {  	[dreg:$0x4] =	wrdreg $0xC0  }
0xab: {  	_ =	task [dreg:s6], $0x5FFFF  }
0xac: {  	[dreg:$0x1] =	wrdreg $0xFFFFFFFF  }
0xad: {  	[dreg:$0x0] =	wrdreg $0x60  }
0xae: {  	[dreg:$0x2] =	wrdreg s24  }
0xaf: {  	[dreg:$0x3] =	wrdreg $0xA  }
0xb0: {  	_ =	task.clear_ibuf [dreg:s6], $0x4FFFF;
	_ =	strace $0x90000046  }
0xb1: {  	s29 =	simm.s32 $0xA;
	_ =	strace $0x80000048  }
0xb2: {  	_ =	swait.ge [sflag:s29], $0x1  }
0xb3: {  	[sflag:s29] =	ssyncadd.s32 $0xFFFFFFFF  }
0xb4: {  	_ =	strace $0x90000048  }
0xb5: {  	_ =	sfence  }
0xb6: {  	s30 =	sld [smem:$0x0];
	_ =	sdelay $0x2  }
0xb7: {  	s31 =	sshll.u32 s1, $0xD;
	s1 =	sshrl.u32 s1, $0x2  }
0xb8: {  	s3 =	sand.u32 $0x4000, s31;
	s1 =	sadd.s32 s1, s30  }
0xb9: {  	s0 =	sor.u32 s3, s0;
	s1 =	sshll.u32 s1, $0x11  }
0xba: {  	s0 =	sor.u32 s1, s0  }
0xbb: {  	s0 =	sadd.s32 $0x8F2B, s0  }
0xbc: {  	[sflag:s0] =	ssyncadd.remote.s32 $0x1  }
0xbd: {  	_ =	sfence.sel $0xFFFF  }
0xbe: {  	[dreg:$0x0] =	wrdreg $0xFFFFFFFF;
	(pc) =	sbr.abs _section_cstart, $3  }
0xbf: {  	[dreg:$0x1] =	wrdreg $0xFFFFFFFF  }
0xc0: {  	_ =	task.clear_ibuf [dreg:s6], $0x2FFFF;
	_ =	strace $0x9FFFFFFF  }
0xc1: {  	(tm) =	ssettm $0x7FFFFFFF  }
tec
execute0_lowered:
.L_overlay_start_1:
0x0: {  	(tag) =	ssettag $0x1  }
0x1: {  	s3 =	rddreg [dreg:$0x0]  }
0x2: {  	s2 =	srdreg.scid;
	s0 =	rddreg [dreg:$0x1]  }
0x3: {  	s1 =	stileid.u32;
	s10 =	simm.s32 $0x0;
	s4 =	sand.u32 $0x1, s2  }
0x4: {  	s5 =	sshrl.u32 s1, $0x2;
	s6 =	sshll.u32 s1, $0x8;
	s7 =	sshll.u32 s4, $0x7  }
0x5: {  	s2 =	simm.s32 $0x0;
	s5 =	smul.u32 $0x13C00, s5;
	s6 =	sor.u32 s7, s6  }
0x6: {  	s31 =	smul.u32 $0xA00, s1;
	[smem:$0x7FF] =	sst s2;
	s6 =	sand.u32 $0x380, s6  }
0x7: {  	s30 =	ssub.s32 $0x2, s4;
	s9 =	smul.u32 $0x500, s4;
	s5 =	sor.u32 s5, s6  }
0x8: {  	_ =	strace $0x80000047;
	s8 =	sshrl.u32 s30, $0x1;
	s5 =	sshrl.u32 s5, $0x3  }
0x9: {  	s7 =	simm.s32 $0x1;
	s6 =	ssub.s32 s30, s8;
	s5 =	sadd.s32 s5, s3  }
0xa: {  	s8 =	simm.s32 $0x80;
	s3 =	sadd.s32 $0x1E00, s3;
	s4 =	sadd.s32 $0x1FE00, s5  }
0xb: {  	v0 =	vimm.f32 $0.0e+00;
	v1 =	vimm.f32 $1.000000000e+00;
	s5 =	smax.u32 s6, $0x1;
	s6 =	sadd.s32 s9, s31;
	s9 =	simm.s32 $0x400  }
.LBB2_1:
0xc: {  	s11 =	simm.s32 $0x0  }
.LBB2_2:
0xd: {  	p0 =	sne.s32 s11, $0x9DC0  }
.Ltmp0:
0xe: {  	_ = 	snop;
	(pc) =	sbr.rel @p0 .LBB2_2-.Ltmp0, $3  }
0xf: {  	_ =	sdelay $0x1  }
0x10: {  	s12 =	sshra.s32 s11, $0x2  }
0x11: {  	s11 =	sadd.s32 $0x40, s11;
	[tilespmem:s12+$0x80] =	vst v0  }
0x12: {  	s11 =	simm.s32 $0x0  }
.LBB2_4:
0x13: {  	s12 =	sadd.s32 s11, s6;
	s13 =	sand.u32 $0x70, s11  }
0x14: {  	s12 =	sand.u32 $0xFFFFF80, s12;
	s13 =	sadd.s32 s3, s13  }
0x15: {  	s12 =	sadd.s32 s12, s13  }
0x16: {  	[tilespmem:s2], [sflag:$0x1] =	stream.linear.gather [hbm4b:s12+s2], $0x80, $0x38;
	[tilespmem:$0x2800] =	vst v63  }
0x17: {  	_ =	swait.ge [sflag:s7], $0x80  }
0x18: {  	[sflag:s7] =	ssyncset.done $0x0  }
0x19: {  	[sflag:s7] =	ssyncadd.s32 $0xFFFFFF80  }
0x1a: {  	v2 =	vld [tilespmem:$0x0];
	_ =	sdelay $0x7  }
0x1b: {  	[tilespmem:v2+s8+$0x0] =	vst.idx.add.f32.msk $0xffff, v1  }
0x1c: {  	v2 =	vld [tilespmem:$0x10];
	_ =	sdelay $0x7  }
0x1d: {  	[tilespmem:v2+s8+$0x0] =	vst.idx.add.f32.msk $0xffff, v1  }
0x1e: {  	v2 =	vld [tilespmem:$0x20];
	_ =	sdelay $0x7  }
0x1f: {  	[tilespmem:v2+s8+$0x0] =	vst.idx.add.f32.msk $0xffff, v1  }
0x20: {  	v2 =	vld [tilespmem:$0x30];
	_ =	sdelay $0x7  }
0x21: {  	[tilespmem:v2+s8+$0x0] =	vst.idx.add.f32.msk $0xffff, v1  }
0x22: {  	v2 =	vld [tilespmem:$0x40];
	_ =	sdelay $0x7  }
0x23: {  	[tilespmem:v2+s8+$0x0] =	vst.idx.add.f32.msk $0xffff, v1  }
0x24: {  	v2 =	vld [tilespmem:$0x50];
	_ =	sdelay $0x7  }
0x25: {  	[tilespmem:v2+s8+$0x0] =	vst.idx.add.f32.msk $0xffff, v1  }
0x26: {  	v2 =	vld [tilespmem:$0x60];
	_ =	sdelay $0x7  }
0x27: {  	[tilespmem:v2+s8+$0x0] =	vst.idx.add.f32.msk $0xffff, v1  }
0x28: {  	v2 =	vld [tilespmem:$0x70];
	_ =	sdelay $0x2  }
0x29: {  	p0 =	sne.s32 s11, $0x4F0  }
.Ltmp1:
0x2a: {  	_ = 	snop;
	(pc) =	sbr.rel @p0 .LBB2_4-.Ltmp1, $2  }
0x2b: {  	_ =	sdelay $0x2  }
0x2c: {  	s11 =	sadd.s32 $0x10, s11;
	[tilespmem:v2+s8+$0x0] =	vst.idx.add.f32.msk $0xffff, v1  }
0x2d: {  	s10 =	sadd.s32 $0x1, s10  }
0x2e: {  	p0 =	sne.s32 s10, s5  }
.Ltmp2:
0x2f: {  	_ = 	snop;
	(pc) =	sbr.rel @p0 .LBB2_1-.Ltmp2, $4  }
0x30: {  	[hbm4b:s4+s8] =	stream.strided.scatter [tilespmem:s8], [sflag:$0x1], $0x2780, s9, s8, $0x38;
	[tilespmem:$0x2800] =	vst v63  }
0x31: {  	_ =	swait.ge [sflag:s7], $0x2780  }
0x32: {  	[sflag:s7] =	ssyncset.done $0x0  }
0x33: {  	[sflag:s7] =	ssyncadd.s32 $0xFFFFD880  }
0x34: {  	_ =	sfence.sel $0x180000  }
0x35: {  	[bflag:$0x0] =	sbarrier.arrive $0xFFFF  }
0x36: {  	p0 =	sne.s32 s1, $0x0;
	_ =	strace $0x90000047  }
0x37: {  	s0 =	sadd.s32 @!p0 $0x100000, s0;
	[bflag:$0x2] =	sbarrier.arrive $0xFFFF  }
0x38: {  	[sflag:s0] =	ssyncadd.tile.s32 @!p0 $0x1;
	_ =	shalt  }
.Lfunc_end2:
_tile_overlayer_lowered:
.L_overlay_start_2:
0x39: {  	(tag) =	ssettag $0x2  }
0x3a: {  	s0 =	rddreg [dreg:$0x0];
	s2 =	stileid.u32  }
0x3b: {  	s1 =	rddreg [dreg:$0x1];
	p0 =	sne.s32 s2, $0x0  }
0x3c: {  	s3 =	rddreg [dreg:$0x2];
	[bflag:$0x3] =	sbarrier.arrive $0xFFFF;
	s2 =	simm.s32 @!p0 $0x1C01  }
0x3d: {  	[timem:s3], [sflag:s2] =	dma.local @!p0 [hbm:s0], s1  }
0x3e: {  	s0 =	simm.s32 @!p0 $0x1  }
0x3f: {  	_ =	swait.ge @!p0 [sflag:s0], s1  }
0x40: {  	s1 =	ssub.s32 @!p0 $0x0, s1;
	[sflag:s0] =	ssyncset.done @!p0 $0x0  }
0x41: {  	[sflag:s0] =	ssyncadd.s32 @!p0 s1  }
0x42: {  	[bflag:$0x3] =	sbarrier.arrive $0xFFFF  }
0x43: {  	_ =	shalt  }

</sc_bundles>
